<compile_context>
chip_gen: v7x
topology: tpu7x:2x2x1
jax: 0.10.2.dev20260603
libtpu: 0.0.44.dev20260713+nightly
codegen_flags: <defaults>
</compile_context>

<pallas_src>
import functools

import jax
import jax.numpy as jnp
from jax import lax
from jax.experimental import pallas as pl
from jax.experimental.pallas import tpu as pltpu
from jax.experimental.pallas import tpu_sc as plsc

NUM_PARTITIONS = 1000000
EMBED_DIM = 64
BATCH = 16384
LANES = 128
RING = 12

_INFO = plsc.get_sparse_core_info()
NC, NS, L = _INFO.num_cores, _INFO.num_subcores, _INFO.num_lanes
NW = NC * NS
B_PER_W = BATCH // NW
GRP = B_PER_W // L
QUAD = 4
D_REGS = EMBED_DIM // L
IDXCH = 128


def _gather_body(sids_hbm, table_hbm, bias_hbm, rows_hbm,
                 idx_v, slabs_v, out_v, bias_v, sem0, sem1, sem2, osem):
    c = lax.axis_index("c")
    s = lax.axis_index("s")
    wid = s * NC + c
    base = wid * B_PER_W

    pltpu.sync_copy(sids_hbm.at[pl.ds(base, B_PER_W)], idx_v)
    pltpu.sync_copy(bias_hbm, bias_v)

    bias_regs = [bias_v[pl.ds(k * L, L)] for k in range(D_REGS)]
    lane_iota = lax.iota(jnp.int32, L)
    cvecs = [lane_iota + (k * L) for k in range(D_REGS)]
    sems = (sem0, sem1, sem2)

    def quad_meta(jcols, q, jprev, pos):
        j = [jcols[q * QUAD + i] for i in range(QUAD)]
        fire = [j[0] != jprev]
        for i in range(1, QUAD):
            fire.append(j[i] != j[i - 1])
        slots = []
        cum = pos
        for i in range(QUAD):
            cum = cum + fire[i].astype(jnp.int32)
            slots.append(lax.rem(cum - 1, jnp.int32(RING)))
        return (j, fire, slots), j[QUAD - 1], cum

    def fire_quad(meta, sem):
        j, fire, slots = meta
        for i in range(QUAD):
            @pl.when(fire[i])
            def _(i=i):
                col = pl.multiple_of(j[i], LANES)
                pltpu.async_copy(
                    table_hbm.at[:, pl.ds(col, LANES)],
                    slabs_v.at[slots[i]], sem)

    def drain_quad(meta, sem):
        _, fire, _ = meta
        for i in range(QUAD):
            @pl.when(fire[i])
            def _():
                pltpu.make_async_copy(
                    table_hbm.at[:, pl.ds(0, LANES)],
                    slabs_v.at[0], sem).wait()

    def extract_quad(meta, lvec, q, ob):
        _, _, slots = meta
        for i in range(QUAD):
            slot_splat = jnp.full((L,), slots[i], jnp.int32)
            lane_splat = jnp.full((L,), lvec[q * QUAD + i], jnp.int32)
            for k in range(D_REGS):
                row = plsc.load_gather(
                    slabs_v, [slot_splat, cvecs[k], lane_splat])
                out_v[ob, pl.ds((q * QUAD + i) * EMBED_DIM + k * L, L)] = (
                    row + bias_regs[k])

    def one_group(g, ob, carry):
        jprev, pos = carry
        ivec = idx_v[pl.ds(g * L, L)]
        jvec = lax.bitwise_and(ivec, ~(LANES - 1))
        lvec = lax.bitwise_and(ivec, LANES - 1)
        jcols = [jvec[i] for i in range(L)]

        m0, jprev, pos = quad_meta(jcols, 0, jprev, pos)
        m1, jprev, pos = quad_meta(jcols, 1, jprev, pos)
        m2, jprev, pos = quad_meta(jcols, 2, jprev, pos)
        m3, jprev, pos = quad_meta(jcols, 3, jprev, pos)

        fire_quad(m0, sems[0])
        fire_quad(m1, sems[1])
        fire_quad(m2, sems[2])

        @pl.when(g >= 2)
        def _():
            pltpu.make_async_copy(
                out_v.at[ob], rows_hbm.at[pl.ds(0, L * EMBED_DIM)],
                osem).wait()

        drain_quad(m0, sems[0])
        extract_quad(m0, lvec, 0, ob)
        fire_quad(m3, sems[0])
        drain_quad(m1, sems[1])
        extract_quad(m1, lvec, 1, ob)
        drain_quad(m2, sems[2])
        extract_quad(m2, lvec, 2, ob)
        drain_quad(m3, sems[0])
        extract_quad(m3, lvec, 3, ob)

        pltpu.async_copy(
            out_v.at[ob],
            rows_hbm.at[pl.ds((base + g * L) * EMBED_DIM, L * EMBED_DIM)],
            osem)
        return (jprev, pos)

    def do_pair(p, carry):
        carry = one_group(p * 2, 0, carry)
        carry = one_group(p * 2 + 1, 1, carry)
        return carry

    lax.fori_loop(0, GRP // 2, do_pair,
                  (jnp.int32(-NUM_PARTITIONS), jnp.int32(0)))
    pltpu.make_async_copy(out_v.at[0],
                          rows_hbm.at[pl.ds(0, L * EMBED_DIM)], osem).wait()
    pltpu.make_async_copy(out_v.at[1],
                          rows_hbm.at[pl.ds(0, L * EMBED_DIM)], osem).wait()


def _scatter_body(perm_hbm, rows_hbm, out_hbm, pidx_v, rows_v, sem):
    c = lax.axis_index("c")
    s = lax.axis_index("s")
    wid = s * NC + c
    base = wid * B_PER_W

    pltpu.sync_copy(perm_hbm.at[pl.ds(base, B_PER_W)], pidx_v)
    pltpu.sync_copy(rows_hbm.at[pl.ds(base, B_PER_W)], rows_v)

    copies = []
    for q in range(B_PER_W // IDXCH):
        copies.append(pltpu.async_copy(
            rows_v.at[pl.ds(q * IDXCH, IDXCH)],
            out_hbm.at[pidx_v.at[pl.ds(q * IDXCH, IDXCH)]],
            sem))
    for cp in copies:
        cp.wait()


@jax.jit
def _run(ids, table_t, bias):
    sids, perm = lax.sort_key_val(
        ids, lax.iota(jnp.int32, BATCH), dimension=0)

    mesh = plsc.VectorSubcoreMesh(core_axis_name="c", subcore_axis_name="s")
    gather = functools.partial(
        pl.kernel,
        mesh=mesh,
        out_type=jax.ShapeDtypeStruct((BATCH * EMBED_DIM,), jnp.float32),
        scratch_types=[
            pltpu.VMEM((B_PER_W,), jnp.int32),
            pltpu.VMEM((RING, EMBED_DIM, LANES), jnp.float32),
            pltpu.VMEM((2, L * EMBED_DIM), jnp.float32),
            pltpu.VMEM((EMBED_DIM,), jnp.float32),
            pltpu.SemaphoreType.DMA,
            pltpu.SemaphoreType.DMA,
            pltpu.SemaphoreType.DMA,
            pltpu.SemaphoreType.DMA,
        ],
        compiler_params=pltpu.CompilerParams(needs_layout_passes=False),
    )(_gather_body)
    rows_sorted = gather(sids, table_t, bias).reshape(BATCH, EMBED_DIM)

    scatter = functools.partial(
        pl.kernel,
        mesh=mesh,
        out_type=jax.ShapeDtypeStruct((BATCH, EMBED_DIM), jnp.float32),
        scratch_types=[
            pltpu.VMEM((B_PER_W,), jnp.int32),
            pltpu.VMEM((B_PER_W, EMBED_DIM), jnp.float32),
            pltpu.SemaphoreType.DMA,
        ],
        compiler_params=pltpu.CompilerParams(use_tc_tiling_on_sc=False),
    )(_scatter_body)
    return scatter(perm, rows_sorted)


def kernel(partition_ids, table, bias):
    return _run(partition_ids.astype(jnp.int32), table.T, bias)

# --- scband reference (transcript-rebuilt; emitter-appended) ---
"""Pipeline reference for scband-level-embedding-55602646614346 (READ-ONLY COPY).

The authoritative reference and input builder live on the scoring server;
editing this copy changes nothing except your own understanding.
"""

import jax, jax.numpy as jnp
import numpy as np

NUM_PARTITIONS = 1000000
EMBED_DIM = 64
BATCH = 16384
INIT_SCALE = 0.02

def setup_inputs(seed: int = 0) -> dict:
    key = jax.random.key(seed)
    k1, k2 = jax.random.split(key, 2)
    partition_ids = jax.random.randint(k1, (BATCH,), 0, NUM_PARTITIONS, dtype=jnp.int64 if jax.config.jax_enable_x64 else jnp.int32)
    table = jax.random.normal(k2, (NUM_PARTITIONS, EMBED_DIM), dtype=jnp.float32) * INIT_SCALE
    bias = jnp.zeros((EMBED_DIM,), dtype=jnp.float32)
    return {"partition_ids": partition_ids, "table": table, "bias": bias}

def reference(partition_ids, table, bias):
    # emb = self.embedding(partition_ids)
    emb = jnp.take(table, partition_ids, axis=0)
    # emb = emb + self.bias
    emb = emb + bias
    return emb

if __name__ == "__main__":
    import jax
    _d = setup_inputs()
    print(jax.jit(kernel)(*tuple(_d.values())))

</pallas_src>

<mosaic_0001>
#map = affine_map<(d0, d1) -> (0)>
#map1 = affine_map<(d0, d1) -> (0, 0)>
module attributes {stable_mosaic.version = 14 : i64} {
  func.func @_gather_body(%arg0: i32, %arg1: i32, %arg2: memref<16384xi32, #tpu.memory_space<hbm>>, %arg3: memref<64x1000000xf32, #tpu.memory_space<hbm>>, %arg4: memref<64xf32, #tpu.memory_space<hbm>>, %arg5: memref<1048576xf32, #tpu.memory_space<hbm>>, %arg6: memref<512xi32, #tpu.memory_space<vmem>>, %arg7: memref<12x64x128xf32, #tpu.memory_space<vmem>>, %arg8: memref<2x1024xf32, #tpu.memory_space<vmem>>, %arg9: memref<64xf32, #tpu.memory_space<vmem>>, %arg10: memref<!tpu.dma_semaphore, #tpu.memory_space<semaphore_mem>>, %arg11: memref<!tpu.dma_semaphore, #tpu.memory_space<semaphore_mem>>, %arg12: memref<!tpu.dma_semaphore, #tpu.memory_space<semaphore_mem>>, %arg13: memref<!tpu.dma_semaphore, #tpu.memory_space<semaphore_mem>>) attributes {dimension_semantics = [#tpu.dimension_semantics<core_parallel>, #tpu.dimension_semantics<subcore_parallel>], iteration_bounds = array<i64: 2, 16>, scalar_prefetch = 0 : i64, scratch_operands = 8 : i64, tpu.core_type = #tpu.core_type<sc_vector_subcore>, window_params = [{transform_indices = #map}, {transform_indices = #map1}, {transform_indices = #map}, {transform_indices = #map}]} {
    %mul3A = arith.constant 2 : i32
    %mul3A_0 = arith.muli %arg1, %mul3A : i32
    %add3A = arith.addi %mul3A_0, %arg0 : i32
    %mul3A_1 = arith.constant 512 : i32
    %mul3A_2 = arith.muli %add3A, %mul3A_1 : i32
    "tpu.region"() ({
      %run_scoped3A = tpu.sem_alloc : memref<!tpu.dma_semaphore, #tpu.memory_space<semaphore_mem>>
      %dma_start3A = tpu.memref_slice %arg2[%mul3A_2] : memref<16384xi32, #tpu.memory_space<hbm>> -> memref<512xi32, #tpu.memory_space<hbm>>
      %dma_start3A_50 = tpu.memref_slice %arg2[%mul3A_2] : memref<16384xi32, #tpu.memory_space<hbm>> -> memref<512xi32, #tpu.memory_space<hbm>>
      tpu.enqueue_dma source(%dma_start3A_50 : memref<512xi32, #tpu.memory_space<hbm>>) target(%arg6 : memref<512xi32, #tpu.memory_space<vmem>>) target_semaphore(%run_scoped3A : memref<!tpu.dma_semaphore, #tpu.memory_space<semaphore_mem>>)
      %dma_wait3A_51 = tpu.memref_slice %arg2[%mul3A_2] : memref<16384xi32, #tpu.memory_space<hbm>> -> memref<512xi32, #tpu.memory_space<hbm>>
      %dma_wait3A_52 = tpu.memref_slice %arg2[%mul3A_2] : memref<16384xi32, #tpu.memory_space<hbm>> -> memref<512xi32, #tpu.memory_space<hbm>>
      tpu.wait_dma2 semaphore(%run_scoped3A : memref<!tpu.dma_semaphore, #tpu.memory_space<semaphore_mem>>) src(%dma_wait3A_52 : memref<512xi32, #tpu.memory_space<hbm>>) dst(%arg6 : memref<512xi32, #tpu.memory_space<vmem>>)
      tpu.yield
    }) : () -> ()
    "tpu.region"() ({
      %run_scoped3A = tpu.sem_alloc : memref<!tpu.dma_semaphore, #tpu.memory_space<semaphore_mem>>
      tpu.enqueue_dma source(%arg4 : memref<64xf32, #tpu.memory_space<hbm>>) target(%arg9 : memref<64xf32, #tpu.memory_space<vmem>>) target_semaphore(%run_scoped3A : memref<!tpu.dma_semaphore, #tpu.memory_space<semaphore_mem>>)
      tpu.wait_dma2 semaphore(%run_scoped3A : memref<!tpu.dma_semaphore, #tpu.memory_space<semaphore_mem>>) src(%arg4 : memref<64xf32, #tpu.memory_space<hbm>>) dst(%arg9 : memref<64xf32, #tpu.memory_space<vmem>>)
      tpu.yield
    }) : () -> ()
    %get3A = arith.constant 0 : index
    %get3A_3 = tpu.vector_load %arg9[%get3A] {strides = array<i32>} : memref<64xf32, #tpu.memory_space<vmem>>, vector<16xf32>,
    %get3A_4 = arith.constant 16 : index
    %get3A_5 = tpu.vector_load %arg9[%get3A_4] {strides = array<i32>} : memref<64xf32, #tpu.memory_space<vmem>>, vector<16xf32>,
    %get3A_6 = arith.constant 32 : index
    %get3A_7 = tpu.vector_load %arg9[%get3A_6] {strides = array<i32>} : memref<64xf32, #tpu.memory_space<vmem>>, vector<16xf32>,
    %get3A_8 = arith.constant 48 : index
    %get3A_9 = tpu.vector_load %arg9[%get3A_8] {strides = array<i32>} : memref<64xf32, #tpu.memory_space<vmem>>, vector<16xf32>,
    %iota3A = tpu.iota {dimensions = array<i32: 0>} : vector<16xi32>
    %add3A_10 = arith.constant 0 : i32
    %add3A_11 = vector.broadcast %add3A_10 : i32 to vector<16xi32>
    %add3A_12 = arith.addi %iota3A, %add3A_11 : vector<16xi32>
    %add3A_13 = arith.constant 16 : i32
    %add3A_14 = vector.broadcast %add3A_13 : i32 to vector<16xi32>
    %add3A_15 = arith.addi %iota3A, %add3A_14 : vector<16xi32>
    %add3A_16 = arith.constant 32 : i32
    %add3A_17 = vector.broadcast %add3A_16 : i32 to vector<16xi32>
    %add3A_18 = arith.addi %iota3A, %add3A_17 : vector<16xi32>
    %add3A_19 = arith.constant 48 : i32
    %add3A_20 = vector.broadcast %add3A_19 : i32 to vector<16xi32>
    %add3A_21 = arith.addi %iota3A, %add3A_20 : vector<16xi32>
    %scan3A = arith.constant -1000000 : i32
    %scan3A_22 = arith.constant 0 : i32
    %scan3A_23 = arith.constant 0 : i32
    %scan3A_24 = arith.constant 16 : i32
    %scan3A_25 = arith.addi %scan3A_23, %scan3A_24 : i32
    %scan3A_26 = arith.constant 1 : i32
    %scan3A_27:2 = scf.for %scan3A_50 = %scan3A_23 to %scan3A_25 step %scan3A_26 iter_args(%scan3A_51 = %scan3A, %scan3A_52 = %scan3A_22) -> (i32, i32)  : i32 {
      %mul3A_53 = arith.constant 2 : i32
      %mul3A_54 = arith.muli %scan3A_50, %mul3A_53 : i32
      %mul3A_55 = arith.constant 16 : i32
      %mul3A_56 = arith.muli %mul3A_54, %mul3A_55 : i32
      %get3A_57 = arith.index_cast %mul3A_56 : i32 to index
      %get3A_58 = tpu.vector_load %arg6[%get3A_57] {strides = array<i32>} : memref<512xi32, #tpu.memory_space<vmem>>, vector<16xi32>,
      %and3A = arith.constant -128 : i32
      %and3A_59 = vector.broadcast %and3A : i32 to vector<16xi32>
      %and3A_60 = arith.andi %get3A_58, %and3A_59 : vector<16xi32>
      %and3A_61 = arith.constant 127 : i32
      %and3A_62 = vector.broadcast %and3A_61 : i32 to vector<16xi32>
      %and3A_63 = arith.andi %get3A_58, %and3A_62 : vector<16xi32>
      %slice3A = vector.extract_strided_slice %and3A_60 {offsets = [0], sizes = [1], strides = [1]} : vector<16xi32> to vector<1xi32>
      %squeeze3A = vector.extract %slice3A[0] : i32 from vector<1xi32>
      %slice3A_64 = vector.extract_strided_slice %and3A_60 {offsets = [1], sizes = [1], strides = [1]} : vector<16xi32> to vector<1xi32>
      %squeeze3A_65 = vector.extract %slice3A_64[0] : i32 from vector<1xi32>
      %slice3A_66 = vector.extract_strided_slice %and3A_60 {offsets = [2], sizes = [1], strides = [1]} : vector<16xi32> to vector<1xi32>
      %squeeze3A_67 = vector.extract %slice3A_66[0] : i32 from vector<1xi32>
      %slice3A_68 = vector.extract_strided_slice %and3A_60 {offsets = [3], sizes = [1], strides = [1]} : vector<16xi32> to vector<1xi32>
      %squeeze3A_69 = vector.extract %slice3A_68[0] : i32 from vector<1xi32>
      %slice3A_70 = vector.extract_strided_slice %and3A_60 {offsets = [4], sizes = [1], strides = [1]} : vector<16xi32> to vector<1xi32>
      %squeeze3A_71 = vector.extract %slice3A_70[0] : i32 from vector<1xi32>
      %slice3A_72 = vector.extract_strided_slice %and3A_60 {offsets = [5], sizes = [1], strides = [1]} : vector<16xi32> to vector<1xi32>
      %squeeze3A_73 = vector.extract %slice3A_72[0] : i32 from vector<1xi32>
      %slice3A_74 = vector.extract_strided_slice %and3A_60 {offsets = [6], sizes = [1], strides = [1]} : vector<16xi32> to vector<1xi32>
      %squeeze3A_75 = vector.extract %slice3A_74[0] : i32 from vector<1xi32>
      %slice3A_76 = vector.extract_strided_slice %and3A_60 {offsets = [7], sizes = [1], strides = [1]} : vector<16xi32> to vector<1xi32>
      %squeeze3A_77 = vector.extract %slice3A_76[0] : i32 from vector<1xi32>
      %slice3A_78 = vector.extract_strided_slice %and3A_60 {offsets = [8], sizes = [1], strides = [1]} : vector<16xi32> to vector<1xi32>
      %squeeze3A_79 = vector.extract %slice3A_78[0] : i32 from vector<1xi32>
      %slice3A_80 = vector.extract_strided_slice %and3A_60 {offsets = [9], sizes = [1], strides = [1]} : vector<16xi32> to vector<1xi32>
      %squeeze3A_81 = vector.extract %slice3A_80[0] : i32 from vector<1xi32>
      %slice3A_82 = vector.extract_strided_slice %and3A_60 {offsets = [10], sizes = [1], strides = [1]} : vector<16xi32> to vector<1xi32>
      %squeeze3A_83 = vector.extract %slice3A_82[0] : i32 from vector<1xi32>
      %slice3A_84 = vector.extract_strided_slice %and3A_60 {offsets = [11], sizes = [1], strides = [1]} : vector<16xi32> to vector<1xi32>
      %squeeze3A_85 = vector.extract %slice3A_84[0] : i32 from vector<1xi32>
      %slice3A_86 = vector.extract_strided_slice %and3A_60 {offsets = [12], sizes = [1], strides = [1]} : vector<16xi32> to vector<1xi32>
      %squeeze3A_87 = vector.extract %slice3A_86[0] : i32 from vector<1xi32>
      %slice3A_88 = vector.extract_strided_slice %and3A_60 {offsets = [13], sizes = [1], strides = [1]} : vector<16xi32> to vector<1xi32>
      %squeeze3A_89 = vector.extract %slice3A_88[0] : i32 from vector<1xi32>
      %slice3A_90 = vector.extract_strided_slice %and3A_60 {offsets = [14], sizes = [1], strides = [1]} : vector<16xi32> to vector<1xi32>
      %squeeze3A_91 = vector.extract %slice3A_90[0] : i32 from vector<1xi32>
      %slice3A_92 = vector.extract_strided_slice %and3A_60 {offsets = [15], sizes = [1], strides = [1]} : vector<16xi32> to vector<1xi32>
      %squeeze3A_93 = vector.extract %slice3A_92[0] : i32 from vector<1xi32>
      %ne3A = arith.cmpi ne, %squeeze3A, %scan3A_51 : i32
      %ne3A_94 = arith.cmpi ne, %squeeze3A_65, %squeeze3A : i32
      %ne3A_95 = arith.cmpi ne, %squeeze3A_67, %squeeze3A_65 : i32
      %ne3A_96 = arith.cmpi ne, %squeeze3A_69, %squeeze3A_67 : i32
      %convert_element_type3A = arith.extui %ne3A : i1 to i32
      %add3A_97 = arith.addi %scan3A_52, %convert_element_type3A : i32
      %sub3A = arith.constant 1 : i32
      %sub3A_98 = arith.subi %add3A_97, %sub3A : i32
      %rem3A = arith.constant 12 : i32
      %rem3A_99 = arith.remsi %sub3A_98, %rem3A : i32
      %convert_element_type3A_100 = arith.extui %ne3A_94 : i1 to i32
      %add3A_101 = arith.addi %add3A_97, %convert_element_type3A_100 : i32
      %sub3A_102 = arith.constant 1 : i32
      %sub3A_103 = arith.subi %add3A_101, %sub3A_102 : i32
      %rem3A_104 = arith.constant 12 : i32
      %rem3A_105 = arith.remsi %sub3A_103, %rem3A_104 : i32
      %convert_element_type3A_106 = arith.extui %ne3A_95 : i1 to i32
      %add3A_107 = arith.addi %add3A_101, %convert_element_type3A_106 : i32
      %sub3A_108 = arith.constant 1 : i32
      %sub3A_109 = arith.subi %add3A_107, %sub3A_108 : i32
      %rem3A_110 = arith.constant 12 : i32
      %rem3A_111 = arith.remsi %sub3A_109, %rem3A_110 : i32
      %convert_element_type3A_112 = arith.extui %ne3A_96 : i1 to i32
      %add3A_113 = arith.addi %add3A_107, %convert_element_type3A_112 : i32
      %sub3A_114 = arith.constant 1 : i32
      %sub3A_115 = arith.subi %add3A_113, %sub3A_114 : i32
      %rem3A_116 = arith.constant 12 : i32
      %rem3A_117 = arith.remsi %sub3A_115, %rem3A_116 : i32
      %ne3A_118 = arith.cmpi ne, %squeeze3A_71, %squeeze3A_69 : i32
      %ne3A_119 = arith.cmpi ne, %squeeze3A_73, %squeeze3A_71 : i32
      %ne3A_120 = arith.cmpi ne, %squeeze3A_75, %squeeze3A_73 : i32
      %ne3A_121 = arith.cmpi ne, %squeeze3A_77, %squeeze3A_75 : i32
      %convert_element_type3A_122 = arith.extui %ne3A_118 : i1 to i32
      %add3A_123 = arith.addi %add3A_113, %convert_element_type3A_122 : i32
      %sub3A_124 = arith.constant 1 : i32
      %sub3A_125 = arith.subi %add3A_123, %sub3A_124 : i32
      %rem3A_126 = arith.constant 12 : i32
      %rem3A_127 = arith.remsi %sub3A_125, %rem3A_126 : i32
      %convert_element_type3A_128 = arith.extui %ne3A_119 : i1 to i32
      %add3A_129 = arith.addi %add3A_123, %convert_element_type3A_128 : i32
      %sub3A_130 = arith.constant 1 : i32
      %sub3A_131 = arith.subi %add3A_129, %sub3A_130 : i32
      %rem3A_132 = arith.constant 12 : i32
      %rem3A_133 = arith.remsi %sub3A_131, %rem3A_132 : i32
      %convert_element_type3A_134 = arith.extui %ne3A_120 : i1 to i32
      %add3A_135 = arith.addi %add3A_129, %convert_element_type3A_134 : i32
      %sub3A_136 = arith.constant 1 : i32
      %sub3A_137 = arith.subi %add3A_135, %sub3A_136 : i32
      %rem3A_138 = arith.constant 12 : i32
      %rem3A_139 = arith.remsi %sub3A_137, %rem3A_138 : i32
      %convert_element_type3A_140 = arith.extui %ne3A_121 : i1 to i32
      %add3A_141 = arith.addi %add3A_135, %convert_element_type3A_140 : i32
      %sub3A_142 = arith.constant 1 : i32
      %sub3A_143 = arith.subi %add3A_141, %sub3A_142 : i32
      %rem3A_144 = arith.constant 12 : i32
      %rem3A_145 = arith.remsi %sub3A_143, %rem3A_144 : i32
      %ne3A_146 = arith.cmpi ne, %squeeze3A_79, %squeeze3A_77 : i32
      %ne3A_147 = arith.cmpi ne, %squeeze3A_81, %squeeze3A_79 : i32
      %ne3A_148 = arith.cmpi ne, %squeeze3A_83, %squeeze3A_81 : i32
      %ne3A_149 = arith.cmpi ne, %squeeze3A_85, %squeeze3A_83 : i32
      %convert_element_type3A_150 = arith.extui %ne3A_146 : i1 to i32
      %add3A_151 = arith.addi %add3A_141, %convert_element_type3A_150 : i32
      %sub3A_152 = arith.constant 1 : i32
      %sub3A_153 = arith.subi %add3A_151, %sub3A_152 : i32
      %rem3A_154 = arith.constant 12 : i32
      %rem3A_155 = arith.remsi %sub3A_153, %rem3A_154 : i32
      %convert_element_type3A_156 = arith.extui %ne3A_147 : i1 to i32
      %add3A_157 = arith.addi %add3A_151, %convert_element_type3A_156 : i32
      %sub3A_158 = arith.constant 1 : i32
      %sub3A_159 = arith.subi %add3A_157, %sub3A_158 : i32
      %rem3A_160 = arith.constant 12 : i32
      %rem3A_161 = arith.remsi %sub3A_159, %rem3A_160 : i32
      %convert_element_type3A_162 = arith.extui %ne3A_148 : i1 to i32
      %add3A_163 = arith.addi %add3A_157, %convert_element_type3A_162 : i32
      %sub3A_164 = arith.constant 1 : i32
      %sub3A_165 = arith.subi %add3A_163, %sub3A_164 : i32
      %rem3A_166 = arith.constant 12 : i32
      %rem3A_167 = arith.remsi %sub3A_165, %rem3A_166 : i32
      %convert_element_type3A_168 = arith.extui %ne3A_149 : i1 to i32
      %add3A_169 = arith.addi %add3A_163, %convert_element_type3A_168 : i32
      %sub3A_170 = arith.constant 1 : i32
      %sub3A_171 = arith.subi %add3A_169, %sub3A_170 : i32
      %rem3A_172 = arith.constant 12 : i32
      %rem3A_173 = arith.remsi %sub3A_171, %rem3A_172 : i32
      %ne3A_174 = arith.cmpi ne, %squeeze3A_87, %squeeze3A_85 : i32
      %ne3A_175 = arith.cmpi ne, %squeeze3A_89, %squeeze3A_87 : i32
      %ne3A_176 = arith.cmpi ne, %squeeze3A_91, %squeeze3A_89 : i32
      %ne3A_177 = arith.cmpi ne, %squeeze3A_93, %squeeze3A_91 : i32
      %convert_element_type3A_178 = arith.extui %ne3A_174 : i1 to i32
      %add3A_179 = arith.addi %add3A_169, %convert_element_type3A_178 : i32
      %sub3A_180 = arith.constant 1 : i32
      %sub3A_181 = arith.subi %add3A_179, %sub3A_180 : i32
      %rem3A_182 = arith.constant 12 : i32
      %rem3A_183 = arith.remsi %sub3A_181, %rem3A_182 : i32
      %convert_element_type3A_184 = arith.extui %ne3A_175 : i1 to i32
      %add3A_185 = arith.addi %add3A_179, %convert_element_type3A_184 : i32
      %sub3A_186 = arith.constant 1 : i32
      %sub3A_187 = arith.subi %add3A_185, %sub3A_186 : i32
      %rem3A_188 = arith.constant 12 : i32
      %rem3A_189 = arith.remsi %sub3A_187, %rem3A_188 : i32
      %convert_element_type3A_190 = arith.extui %ne3A_176 : i1 to i32
      %add3A_191 = arith.addi %add3A_185, %convert_element_type3A_190 : i32
      %sub3A_192 = arith.constant 1 : i32
      %sub3A_193 = arith.subi %add3A_191, %sub3A_192 : i32
      %rem3A_194 = arith.constant 12 : i32
      %rem3A_195 = arith.remsi %sub3A_193, %rem3A_194 : i32
      %convert_element_type3A_196 = arith.extui %ne3A_177 : i1 to i32
      %add3A_197 = arith.addi %add3A_191, %convert_element_type3A_196 : i32
      %sub3A_198 = arith.constant 1 : i32
      %sub3A_199 = arith.subi %add3A_197, %sub3A_198 : i32
      %rem3A_200 = arith.constant 12 : i32
      %rem3A_201 = arith.remsi %sub3A_199, %rem3A_200 : i32
      %convert_element_type3A_202 = arith.extui %ne3A : i1 to i32
      %cond3A = arith.constant 0 : i32
      %cond3A_203 = arith.cmpi ne, %convert_element_type3A_202, %cond3A : i32
      scf.if %cond3A_203 {
        %multiple_of3A = tpu.assume_multiple %squeeze3A, 128 : i32
        %dma_start3A_1480 = arith.constant 0 : i32
        %dma_start3A_1481 = arith.constant 0 : i32
        %dma_start3A_1482 = tpu.memref_slice %arg7[%rem3A_99, %dma_start3A_1480, %dma_start3A_1481] : memref<12x64x128xf32, #tpu.memory_space<vmem>> -> memref<1x64x128xf32, #tpu.memory_space<vmem>>
        %dma_start3A_1483 = tpu.memref_squeeze %dma_start3A_1482 : memref<1x64x128xf32, #tpu.memory_space<vmem>> -> memref<64x128xf32, #tpu.memory_space<vmem>>
        %dma_start3A_1484 = arith.constant 0 : i32
        %dma_start3A_1485 = tpu.memref_slice %arg3[%dma_start3A_1484, %multiple_of3A] : memref<64x1000000xf32, #tpu.memory_space<hbm>> -> memref<64x128xf32, #tpu.memory_space<hbm>>
        %dma_start3A_1486 = arith.constant 0 : i32
        %dma_start3A_1487 = arith.constant 0 : i32
        %dma_start3A_1488 = tpu.memref_slice %arg7[%rem3A_99, %dma_start3A_1486, %dma_start3A_1487] : memref<12x64x128xf32, #tpu.memory_space<vmem>> -> memref<1x64x128xf32, #tpu.memory_space<vmem>>
        %dma_start3A_1489 = tpu.memref_squeeze %dma_start3A_1488 : memref<1x64x128xf32, #tpu.memory_space<vmem>> -> memref<64x128xf32, #tpu.memory_space<vmem>>
        %dma_start3A_1490 = arith.constant 0 : i32
        %dma_start3A_1491 = tpu.memref_slice %arg3[%dma_start3A_1490, %multiple_of3A] : memref<64x1000000xf32, #tpu.memory_space<hbm>> -> memref<64x128xf32, #tpu.memory_space<hbm>>
        tpu.enqueue_dma source(%dma_start3A_1491 : memref<64x128xf32, #tpu.memory_space<hbm>>) target(%dma_start3A_1489 : memref<64x128xf32, #tpu.memory_space<vmem>>) target_semaphore(%arg10 : memref<!tpu.dma_semaphore, #tpu.memory_space<semaphore_mem>>)
      } else {
      }
      %convert_element_type3A_204 = arith.extui %ne3A_94 : i1 to i32
      %cond3A_205 = arith.constant 0 : i32
      %cond3A_206 = arith.cmpi ne, %convert_element_type3A_204, %cond3A_205 : i32
      scf.if %cond3A_206 {
        %multiple_of3A = tpu.assume_multiple %squeeze3A_65, 128 : i32
        %dma_start3A_1480 = arith.constant 0 : i32
        %dma_start3A_1481 = arith.constant 0 : i32
        %dma_start3A_1482 = tpu.memref_slice %arg7[%rem3A_105, %dma_start3A_1480, %dma_start3A_1481] : memref<12x64x128xf32, #tpu.memory_space<vmem>> -> memref<1x64x128xf32, #tpu.memory_space<vmem>>
        %dma_start3A_1483 = tpu.memref_squeeze %dma_start3A_1482 : memref<1x64x128xf32, #tpu.memory_space<vmem>> -> memref<64x128xf32, #tpu.memory_space<vmem>>
        %dma_start3A_1484 = arith.constant 0 : i32
        %dma_start3A_1485 = tpu.memref_slice %arg3[%dma_start3A_1484, %multiple_of3A] : memref<64x1000000xf32, #tpu.memory_space<hbm>> -> memref<64x128xf32, #tpu.memory_space<hbm>>
        %dma_start3A_1486 = arith.constant 0 : i32
        %dma_start3A_1487 = arith.constant 0 : i32
        %dma_start3A_1488 = tpu.memref_slice %arg7[%rem3A_105, %dma_start3A_1486, %dma_start3A_1487] : memref<12x64x128xf32, #tpu.memory_space<vmem>> -> memref<1x64x128xf32, #tpu.memory_space<vmem>>
        %dma_start3A_1489 = tpu.memref_squeeze %dma_start3A_1488 : memref<1x64x128xf32, #tpu.memory_space<vmem>> -> memref<64x128xf32, #tpu.memory_space<vmem>>
        %dma_start3A_1490 = arith.constant 0 : i32
        %dma_start3A_1491 = tpu.memref_slice %arg3[%dma_start3A_1490, %multiple_of3A] : memref<64x1000000xf32, #tpu.memory_space<hbm>> -> memref<64x128xf32, #tpu.memory_space<hbm>>
        tpu.enqueue_dma source(%dma_start3A_1491 : memref<64x128xf32, #tpu.memory_space<hbm>>) target(%dma_start3A_1489 : memref<64x128xf32, #tpu.memory_space<vmem>>) target_semaphore(%arg10 : memref<!tpu.dma_semaphore, #tpu.memory_space<semaphore_mem>>)
      } else {
      }
      %convert_element_type3A_207 = arith.extui %ne3A_95 : i1 to i32
      %cond3A_208 = arith.constant 0 : i32
      %cond3A_209 = arith.cmpi ne, %convert_element_type3A_207, %cond3A_208 : i32
      scf.if %cond3A_209 {
        %multiple_of3A = tpu.assume_multiple %squeeze3A_67, 128 : i32
        %dma_start3A_1480 = arith.constant 0 : i32
        %dma_start3A_1481 = arith.constant 0 : i32
        %dma_start3A_1482 = tpu.memref_slice %arg7[%rem3A_111, %dma_start3A_1480, %dma_start3A_1481] : memref<12x64x128xf32, #tpu.memory_space<vmem>> -> memref<1x64x128xf32, #tpu.memory_space<vmem>>
        %dma_start3A_1483 = tpu.memref_squeeze %dma_start3A_1482 : memref<1x64x128xf32, #tpu.memory_space<vmem>> -> memref<64x128xf32, #tpu.memory_space<vmem>>
        %dma_start3A_1484 = arith.constant 0 : i32
        %dma_start3A_1485 = tpu.memref_slice %arg3[%dma_start3A_1484, %multiple_of3A] : memref<64x1000000xf32, #tpu.memory_space<hbm>> -> memref<64x128xf32, #tpu.memory_space<hbm>>
        %dma_start3A_1486 = arith.constant 0 : i32
        %dma_start3A_1487 = arith.constant 0 : i32
        %dma_start3A_1488 = tpu.memref_slice %arg7[%rem3A_111, %dma_start3A_1486, %dma_start3A_1487] : memref<12x64x128xf32, #tpu.memory_space<vmem>> -> memref<1x64x128xf32, #tpu.memory_space<vmem>>
        %dma_start3A_1489 = tpu.memref_squeeze %dma_start3A_1488 : memref<1x64x128xf32, #tpu.memory_space<vmem>> -> memref<64x128xf32, #tpu.memory_space<vmem>>
        %dma_start3A_1490 = arith.constant 0 : i32
        %dma_start3A_1491 = tpu.memref_slice %arg3[%dma_start3A_1490, %multiple_of3A] : memref<64x1000000xf32, #tpu.memory_space<hbm>> -> memref<64x128xf32, #tpu.memory_space<hbm>>
        tpu.enqueue_dma source(%dma_start3A_1491 : memref<64x128xf32, #tpu.memory_space<hbm>>) target(%dma_start3A_1489 : memref<64x128xf32, #tpu.memory_space<vmem>>) target_semaphore(%arg10 : memref<!tpu.dma_semaphore, #tpu.memory_space<semaphore_mem>>)
      } else {
      }
      %convert_element_type3A_210 = arith.extui %ne3A_96 : i1 to i32
      %cond3A_211 = arith.constant 0 : i32
      %cond3A_212 = arith.cmpi ne, %convert_element_type3A_210, %cond3A_211 : i32
      scf.if %cond3A_212 {
        %multiple_of3A = tpu.assume_multiple %squeeze3A_69, 128 : i32
        %dma_start3A_1480 = arith.constant 0 : i32
        %dma_start3A_1481 = arith.constant 0 : i32
        %dma_start3A_1482 = tpu.memref_slice %arg7[%rem3A_117, %dma_start3A_1480, %dma_start3A_1481] : memref<12x64x128xf32, #tpu.memory_space<vmem>> -> memref<1x64x128xf32, #tpu.memory_space<vmem>>
        %dma_start3A_1483 = tpu.memref_squeeze %dma_start3A_1482 : memref<1x64x128xf32, #tpu.memory_space<vmem>> -> memref<64x128xf32, #tpu.memory_space<vmem>>
        %dma_start3A_1484 = arith.constant 0 : i32
        %dma_start3A_1485 = tpu.memref_slice %arg3[%dma_start3A_1484, %multiple_of3A] : memref<64x1000000xf32, #tpu.memory_space<hbm>> -> memref<64x128xf32, #tpu.memory_space<hbm>>
        %dma_start3A_1486 = arith.constant 0 : i32
        %dma_start3A_1487 = arith.constant 0 : i32
        %dma_start3A_1488 = tpu.memref_slice %arg7[%rem3A_117, %dma_start3A_1486, %dma_start3A_1487] : memref<12x64x128xf32, #tpu.memory_space<vmem>> -> memref<1x64x128xf32, #tpu.memory_space<vmem>>
        %dma_start3A_1489 = tpu.memref_squeeze %dma_start3A_1488 : memref<1x64x128xf32, #tpu.memory_space<vmem>> -> memref<64x128xf32, #tpu.memory_space<vmem>>
        %dma_start3A_1490 = arith.constant 0 : i32
        %dma_start3A_1491 = tpu.memref_slice %arg3[%dma_start3A_1490, %multiple_of3A] : memref<64x1000000xf32, #tpu.memory_space<hbm>> -> memref<64x128xf32, #tpu.memory_space<hbm>>
        tpu.enqueue_dma source(%dma_start3A_1491 : memref<64x128xf32, #tpu.memory_space<hbm>>) target(%dma_start3A_1489 : memref<64x128xf32, #tpu.memory_space<vmem>>) target_semaphore(%arg10 : memref<!tpu.dma_semaphore, #tpu.memory_space<semaphore_mem>>)
      } else {
      }
      %convert_element_type3A_213 = arith.extui %ne3A_118 : i1 to i32
      %cond3A_214 = arith.constant 0 : i32
      %cond3A_215 = arith.cmpi ne, %convert_element_type3A_213, %cond3A_214 : i32
      scf.if %cond3A_215 {
        %multiple_of3A = tpu.assume_multiple %squeeze3A_71, 128 : i32
        %dma_start3A_1480 = arith.constant 0 : i32
        %dma_start3A_1481 = arith.constant 0 : i32
        %dma_start3A_1482 = tpu.memref_slice %arg7[%rem3A_127, %dma_start3A_1480, %dma_start3A_1481] : memref<12x64x128xf32, #tpu.memory_space<vmem>> -> memref<1x64x128xf32, #tpu.memory_space<vmem>>
        %dma_start3A_1483 = tpu.memref_squeeze %dma_start3A_1482 : memref<1x64x128xf32, #tpu.memory_space<vmem>> -> memref<64x128xf32, #tpu.memory_space<vmem>>
        %dma_start3A_1484 = arith.constant 0 : i32
        %dma_start3A_1485 = tpu.memref_slice %arg3[%dma_start3A_1484, %multiple_of3A] : memref<64x1000000xf32, #tpu.memory_space<hbm>> -> memref<64x128xf32, #tpu.memory_space<hbm>>
        %dma_start3A_1486 = arith.constant 0 : i32
        %dma_start3A_1487 = arith.constant 0 : i32
        %dma_start3A_1488 = tpu.memref_slice %arg7[%rem3A_127, %dma_start3A_1486, %dma_start3A_1487] : memref<12x64x128xf32, #tpu.memory_space<vmem>> -> memref<1x64x128xf32, #tpu.memory_space<vmem>>
        %dma_start3A_1489 = tpu.memref_squeeze %dma_start3A_1488 : memref<1x64x128xf32, #tpu.memory_space<vmem>> -> memref<64x128xf32, #tpu.memory_space<vmem>>
        %dma_start3A_1490 = arith.constant 0 : i32
        %dma_start3A_1491 = tpu.memref_slice %arg3[%dma_start3A_1490, %multiple_of3A] : memref<64x1000000xf32, #tpu.memory_space<hbm>> -> memref<64x128xf32, #tpu.memory_space<hbm>>
        tpu.enqueue_dma source(%dma_start3A_1491 : memref<64x128xf32, #tpu.memory_space<hbm>>) target(%dma_start3A_1489 : memref<64x128xf32, #tpu.memory_space<vmem>>) target_semaphore(%arg11 : memref<!tpu.dma_semaphore, #tpu.memory_space<semaphore_mem>>)
      } else {
      }
      %convert_element_type3A_216 = arith.extui %ne3A_119 : i1 to i32
      %cond3A_217 = arith.constant 0 : i32
      %cond3A_218 = arith.cmpi ne, %convert_element_type3A_216, %cond3A_217 : i32
      scf.if %cond3A_218 {
        %multiple_of3A = tpu.assume_multiple %squeeze3A_73, 128 : i32
        %dma_start3A_1480 = arith.constant 0 : i32
        %dma_start3A_1481 = arith.constant 0 : i32
        %dma_start3A_1482 = tpu.memref_slice %arg7[%rem3A_133, %dma_start3A_1480, %dma_start3A_1481] : memref<12x64x128xf32, #tpu.memory_space<vmem>> -> memref<1x64x128xf32, #tpu.memory_space<vmem>>
        %dma_start3A_1483 = tpu.memref_squeeze %dma_start3A_1482 : memref<1x64x128xf32, #tpu.memory_space<vmem>> -> memref<64x128xf32, #tpu.memory_space<vmem>>
        %dma_start3A_1484 = arith.constant 0 : i32
        %dma_start3A_1485 = tpu.memref_slice %arg3[%dma_start3A_1484, %multiple_of3A] : memref<64x1000000xf32, #tpu.memory_space<hbm>> -> memref<64x128xf32, #tpu.memory_space<hbm>>
        %dma_start3A_1486 = arith.constant 0 : i32
        %dma_start3A_1487 = arith.constant 0 : i32
        %dma_start3A_1488 = tpu.memref_slice %arg7[%rem3A_133, %dma_start3A_1486, %dma_start3A_1487] : memref<12x64x128xf32, #tpu.memory_space<vmem>> -> memref<1x64x128xf32, #tpu.memory_space<vmem>>
        %dma_start3A_1489 = tpu.memref_squeeze %dma_start3A_1488 : memref<1x64x128xf32, #tpu.memory_space<vmem>> -> memref<64x128xf32, #tpu.memory_space<vmem>>
        %dma_start3A_1490 = arith.constant 0 : i32
        %dma_start3A_1491 = tpu.memref_slice %arg3[%dma_start3A_1490, %multiple_of3A] : memref<64x1000000xf32, #tpu.memory_space<hbm>> -> memref<64x128xf32, #tpu.memory_space<hbm>>
        tpu.enqueue_dma source(%dma_start3A_1491 : memref<64x128xf32, #tpu.memory_space<hbm>>) target(%dma_start3A_1489 : memref<64x128xf32, #tpu.memory_space<vmem>>) target_semaphore(%arg11 : memref<!tpu.dma_semaphore, #tpu.memory_space<semaphore_mem>>)
      } else {
      }
      %convert_element_type3A_219 = arith.extui %ne3A_120 : i1 to i32
      %cond3A_220 = arith.constant 0 : i32
      %cond3A_221 = arith.cmpi ne, %convert_element_type3A_219, %cond3A_220 : i32
      scf.if %cond3A_221 {
        %multiple_of3A = tpu.assume_multiple %squeeze3A_75, 128 : i32
        %dma_start3A_1480 = arith.constant 0 : i32
        %dma_start3A_1481 = arith.constant 0 : i32
        %dma_start3A_1482 = tpu.memref_slice %arg7[%rem3A_139, %dma_start3A_1480, %dma_start3A_1481] : memref<12x64x128xf32, #tpu.memory_space<vmem>> -> memref<1x64x128xf32, #tpu.memory_space<vmem>>
        %dma_start3A_1483 = tpu.memref_squeeze %dma_start3A_1482 : memref<1x64x128xf32, #tpu.memory_space<vmem>> -> memref<64x128xf32, #tpu.memory_space<vmem>>
        %dma_start3A_1484 = arith.constant 0 : i32
        %dma_start3A_1485 = tpu.memref_slice %arg3[%dma_start3A_1484, %multiple_of3A] : memref<64x1000000xf32, #tpu.memory_space<hbm>> -> memref<64x128xf32, #tpu.memory_space<hbm>>
        %dma_start3A_1486 = arith.constant 0 : i32
        %dma_start3A_1487 = arith.constant 0 : i32
        %dma_start3A_1488 = tpu.memref_slice %arg7[%rem3A_139, %dma_start3A_1486, %dma_start3A_1487] : memref<12x64x128xf32, #tpu.memory_space<vmem>> -> memref<1x64x128xf32, #tpu.memory_space<vmem>>
        %dma_start3A_1489 = tpu.memref_squeeze %dma_start3A_1488 : memref<1x64x128xf32, #tpu.memory_space<vmem>> -> memref<64x128xf32, #tpu.memory_space<vmem>>
        %dma_start3A_1490 = arith.constant 0 : i32
        %dma_start3A_1491 = tpu.memref_slice %arg3[%dma_start3A_1490, %multiple_of3A] : memref<64x1000000xf32, #tpu.memory_space<hbm>> -> memref<64x128xf32, #tpu.memory_space<hbm>>
        tpu.enqueue_dma source(%dma_start3A_1491 : memref<64x128xf32, #tpu.memory_space<hbm>>) target(%dma_start3A_1489 : memref<64x128xf32, #tpu.memory_space<vmem>>) target_semaphore(%arg11 : memref<!tpu.dma_semaphore, #tpu.memory_space<semaphore_mem>>)
      } else {
      }
      %convert_element_type3A_222 = arith.extui %ne3A_121 : i1 to i32
      %cond3A_223 = arith.constant 0 : i32
      %cond3A_224 = arith.cmpi ne, %convert_element_type3A_222, %cond3A_223 : i32
      scf.if %cond3A_224 {
        %multiple_of3A = tpu.assume_multiple %squeeze3A_77, 128 : i32
        %dma_start3A_1480 = arith.constant 0 : i32
        %dma_start3A_1481 = arith.constant 0 : i32
        %dma_start3A_1482 = tpu.memref_slice %arg7[%rem3A_145, %dma_start3A_1480, %dma_start3A_1481] : memref<12x64x128xf32, #tpu.memory_space<vmem>> -> memref<1x64x128xf32, #tpu.memory_space<vmem>>
        %dma_start3A_1483 = tpu.memref_squeeze %dma_start3A_1482 : memref<1x64x128xf32, #tpu.memory_space<vmem>> -> memref<64x128xf32, #tpu.memory_space<vmem>>
        %dma_start3A_1484 = arith.constant 0 : i32
        %dma_start3A_1485 = tpu.memref_slice %arg3[%dma_start3A_1484, %multiple_of3A] : memref<64x1000000xf32, #tpu.memory_space<hbm>> -> memref<64x128xf32, #tpu.memory_space<hbm>>
        %dma_start3A_1486 = arith.constant 0 : i32
        %dma_start3A_1487 = arith.constant 0 : i32
        %dma_start3A_1488 = tpu.memref_slice %arg7[%rem3A_145, %dma_start3A_1486, %dma_start3A_1487] : memref<12x64x128xf32, #tpu.memory_space<vmem>> -> memref<1x64x128xf32, #tpu.memory_space<vmem>>
        %dma_start3A_1489 = tpu.memref_squeeze %dma_start3A_1488 : memref<1x64x128xf32, #tpu.memory_space<vmem>> -> memref<64x128xf32, #tpu.memory_space<vmem>>
        %dma_start3A_1490 = arith.constant 0 : i32
        %dma_start3A_1491 = tpu.memref_slice %arg3[%dma_start3A_1490, %multiple_of3A] : memref<64x1000000xf32, #tpu.memory_space<hbm>> -> memref<64x128xf32, #tpu.memory_space<hbm>>
        tpu.enqueue_dma source(%dma_start3A_1491 : memref<64x128xf32, #tpu.memory_space<hbm>>) target(%dma_start3A_1489 : memref<64x128xf32, #tpu.memory_space<vmem>>) target_semaphore(%arg11 : memref<!tpu.dma_semaphore, #tpu.memory_space<semaphore_mem>>)
      } else {
      }
      %convert_element_type3A_225 = arith.extui %ne3A_146 : i1 to i32
      %cond3A_226 = arith.constant 0 : i32
      %cond3A_227 = arith.cmpi ne, %convert_element_type3A_225, %cond3A_226 : i32
      scf.if %cond3A_227 {
        %multiple_of3A = tpu.assume_multiple %squeeze3A_79, 128 : i32
        %dma_start3A_1480 = arith.constant 0 : i32
        %dma_start3A_1481 = arith.constant 0 : i32
        %dma_start3A_1482 = tpu.memref_slice %arg7[%rem3A_155, %dma_start3A_1480, %dma_start3A_1481] : memref<12x64x128xf32, #tpu.memory_space<vmem>> -> memref<1x64x128xf32, #tpu.memory_space<vmem>>
        %dma_start3A_1483 = tpu.memref_squeeze %dma_start3A_1482 : memref<1x64x128xf32, #tpu.memory_space<vmem>> -> memref<64x128xf32, #tpu.memory_space<vmem>>
        %dma_start3A_1484 = arith.constant 0 : i32
        %dma_start3A_1485 = tpu.memref_slice %arg3[%dma_start3A_1484, %multiple_of3A] : memref<64x1000000xf32, #tpu.memory_space<hbm>> -> memref<64x128xf32, #tpu.memory_space<hbm>>
        %dma_start3A_1486 = arith.constant 0 : i32
        %dma_start3A_1487 = arith.constant 0 : i32
        %dma_start3A_1488 = tpu.memref_slice %arg7[%rem3A_155, %dma_start3A_1486, %dma_start3A_1487] : memref<12x64x128xf32, #tpu.memory_space<vmem>> -> memref<1x64x128xf32, #tpu.memory_space<vmem>>
        %dma_start3A_1489 = tpu.memref_squeeze %dma_start3A_1488 : memref<1x64x128xf32, #tpu.memory_space<vmem>> -> memref<64x128xf32, #tpu.memory_space<vmem>>
        %dma_start3A_1490 = arith.constant 0 : i32
        %dma_start3A_1491 = tpu.memref_slice %arg3[%dma_start3A_1490, %multiple_of3A] : memref<64x1000000xf32, #tpu.memory_space<hbm>> -> memref<64x128xf32, #tpu.memory_space<hbm>>
        tpu.enqueue_dma source(%dma_start3A_1491 : memref<64x128xf32, #tpu.memory_space<hbm>>) target(%dma_start3A_1489 : memref<64x128xf32, #tpu.memory_space<vmem>>) target_semaphore(%arg12 : memref<!tpu.dma_semaphore, #tpu.memory_space<semaphore_mem>>)
      } else {
      }
      %convert_element_type3A_228 = arith.extui %ne3A_147 : i1 to i32
      %cond3A_229 = arith.constant 0 : i32
      %cond3A_230 = arith.cmpi ne, %convert_element_type3A_228, %cond3A_229 : i32
      scf.if %cond3A_230 {
        %multiple_of3A = tpu.assume_multiple %squeeze3A_81, 128 : i32
        %dma_start3A_1480 = arith.constant 0 : i32
        %dma_start3A_1481 = arith.constant 0 : i32
        %dma_start3A_1482 = tpu.memref_slice %arg7[%rem3A_161, %dma_start3A_1480, %dma_start3A_1481] : memref<12x64x128xf32, #tpu.memory_space<vmem>> -> memref<1x64x128xf32, #tpu.memory_space<vmem>>
        %dma_start3A_1483 = tpu.memref_squeeze %dma_start3A_1482 : memref<1x64x128xf32, #tpu.memory_space<vmem>> -> memref<64x128xf32, #tpu.memory_space<vmem>>
        %dma_start3A_1484 = arith.constant 0 : i32
        %dma_start3A_1485 = tpu.memref_slice %arg3[%dma_start3A_1484, %multiple_of3A] : memref<64x1000000xf32, #tpu.memory_space<hbm>> -> memref<64x128xf32, #tpu.memory_space<hbm>>
        %dma_start3A_1486 = arith.constant 0 : i32
        %dma_start3A_1487 = arith.constant 0 : i32
        %dma_start3A_1488 = tpu.memref_slice %arg7[%rem3A_161, %dma_start3A_1486, %dma_start3A_1487] : memref<12x64x128xf32, #tpu.memory_space<vmem>> -> memref<1x64x128xf32, #tpu.memory_space<vmem>>
        %dma_start3A_1489 = tpu.memref_squeeze %dma_start3A_1488 : memref<1x64x128xf32, #tpu.memory_space<vmem>> -> memref<64x128xf32, #tpu.memory_space<vmem>>
        %dma_start3A_1490 = arith.constant 0 : i32
        %dma_start3A_1491 = tpu.memref_slice %arg3[%dma_start3A_1490, %multiple_of3A] : memref<64x1000000xf32, #tpu.memory_space<hbm>> -> memref<64x128xf32, #tpu.memory_space<hbm>>
        tpu.enqueue_dma source(%dma_start3A_1491 : memref<64x128xf32, #tpu.memory_space<hbm>>) target(%dma_start3A_1489 : memref<64x128xf32, #tpu.memory_space<vmem>>) target_semaphore(%arg12 : memref<!tpu.dma_semaphore, #tpu.memory_space<semaphore_mem>>)
      } else {
      }
      %convert_element_type3A_231 = arith.extui %ne3A_148 : i1 to i32
      %cond3A_232 = arith.constant 0 : i32
      %cond3A_233 = arith.cmpi ne, %convert_element_type3A_231, %cond3A_232 : i32
      scf.if %cond3A_233 {
        %multiple_of3A = tpu.assume_multiple %squeeze3A_83, 128 : i32
        %dma_start3A_1480 = arith.constant 0 : i32
        %dma_start3A_1481 = arith.constant 0 : i32
        %dma_start3A_1482 = tpu.memref_slice %arg7[%rem3A_167, %dma_start3A_1480, %dma_start3A_1481] : memref<12x64x128xf32, #tpu.memory_space<vmem>> -> memref<1x64x128xf32, #tpu.memory_space<vmem>>
        %dma_start3A_1483 = tpu.memref_squeeze %dma_start3A_1482 : memref<1x64x128xf32, #tpu.memory_space<vmem>> -> memref<64x128xf32, #tpu.memory_space<vmem>>
        %dma_start3A_1484 = arith.constant 0 : i32
        %dma_start3A_1485 = tpu.memref_slice %arg3[%dma_start3A_1484, %multiple_of3A] : memref<64x1000000xf32, #tpu.memory_space<hbm>> -> memref<64x128xf32, #tpu.memory_space<hbm>>
        %dma_start3A_1486 = arith.constant 0 : i32
        %dma_start3A_1487 = arith.constant 0 : i32
        %dma_start3A_1488 = tpu.memref_slice %arg7[%rem3A_167, %dma_start3A_1486, %dma_start3A_1487] : memref<12x64x128xf32, #tpu.memory_space<vmem>> -> memref<1x64x128xf32, #tpu.memory_space<vmem>>
        %dma_start3A_1489 = tpu.memref_squeeze %dma_start3A_1488 : memref<1x64x128xf32, #tpu.memory_space<vmem>> -> memref<64x128xf32, #tpu.memory_space<vmem>>
        %dma_start3A_1490 = arith.constant 0 : i32
        %dma_start3A_1491 = tpu.memref_slice %arg3[%dma_start3A_1490, %multiple_of3A] : memref<64x1000000xf32, #tpu.memory_space<hbm>> -> memref<64x128xf32, #tpu.memory_space<hbm>>
        tpu.enqueue_dma source(%dma_start3A_1491 : memref<64x128xf32, #tpu.memory_space<hbm>>) target(%dma_start3A_1489 : memref<64x128xf32, #tpu.memory_space<vmem>>) target_semaphore(%arg12 : memref<!tpu.dma_semaphore, #tpu.memory_space<semaphore_mem>>)
      } else {
      }
      %convert_element_type3A_234 = arith.extui %ne3A_149 : i1 to i32
      %cond3A_235 = arith.constant 0 : i32
      %cond3A_236 = arith.cmpi ne, %convert_element_type3A_234, %cond3A_235 : i32
      scf.if %cond3A_236 {
        %multiple_of3A = tpu.assume_multiple %squeeze3A_85, 128 : i32
        %dma_start3A_1480 = arith.constant 0 : i32
        %dma_start3A_1481 = arith.constant 0 : i32
        %dma_start3A_1482 = tpu.memref_slice %arg7[%rem3A_173, %dma_start3A_1480, %dma_start3A_1481] : memref<12x64x128xf32, #tpu.memory_space<vmem>> -> memref<1x64x128xf32, #tpu.memory_space<vmem>>
        %dma_start3A_1483 = tpu.memref_squeeze %dma_start3A_1482 : memref<1x64x128xf32, #tpu.memory_space<vmem>> -> memref<64x128xf32, #tpu.memory_space<vmem>>
        %dma_start3A_1484 = arith.constant 0 : i32
        %dma_start3A_1485 = tpu.memref_slice %arg3[%dma_start3A_1484, %multiple_of3A] : memref<64x1000000xf32, #tpu.memory_space<hbm>> -> memref<64x128xf32, #tpu.memory_space<hbm>>
        %dma_start3A_1486 = arith.constant 0 : i32
        %dma_start3A_1487 = arith.constant 0 : i32
        %dma_start3A_1488 = tpu.memref_slice %arg7[%rem3A_173, %dma_start3A_1486, %dma_start3A_1487] : memref<12x64x128xf32, #tpu.memory_space<vmem>> -> memref<1x64x128xf32, #tpu.memory_space<vmem>>
        %dma_start3A_1489 = tpu.memref_squeeze %dma_start3A_1488 : memref<1x64x128xf32, #tpu.memory_space<vmem>> -> memref<64x128xf32, #tpu.memory_space<vmem>>
        %dma_start3A_1490 = arith.constant 0 : i32
        %dma_start3A_1491 = tpu.memref_slice %arg3[%dma_start3A_1490, %multiple_of3A] : memref<64x1000000xf32, #tpu.memory_space<hbm>> -> memref<64x128xf32, #tpu.memory_space<hbm>>
        tpu.enqueue_dma source(%dma_start3A_1491 : memref<64x128xf32, #tpu.memory_space<hbm>>) target(%dma_start3A_1489 : memref<64x128xf32, #tpu.memory_space<vmem>>) target_semaphore(%arg12 : memref<!tpu.dma_semaphore, #tpu.memory_space<semaphore_mem>>)
      } else {
      }
      %ge3A = arith.constant 2 : i32
      %ge3A_237 = arith.cmpi sge, %mul3A_54, %ge3A : i32
      %convert_element_type3A_238 = arith.extui %ge3A_237 : i1 to i32
      %cond3A_239 = arith.constant 0 : i32
      %cond3A_240 = arith.cmpi ne, %convert_element_type3A_238, %cond3A_239 : i32
      scf.if %cond3A_240 {
        %dma_wait3A_1480 = arith.constant 0 : i32
        %dma_wait3A_1481 = arith.constant 0 : i32
        %dma_wait3A_1482 = tpu.memref_slice %arg8[%dma_wait3A_1480, %dma_wait3A_1481] : memref<2x1024xf32, #tpu.memory_space<vmem>> -> memref<1x1024xf32, #tpu.memory_space<vmem>>
        %dma_wait3A_1483 = tpu.memref_squeeze %dma_wait3A_1482 : memref<1x1024xf32, #tpu.memory_space<vmem>> -> memref<1024xf32, #tpu.memory_space<vmem>>
        %dma_wait3A_1484 = arith.constant 0 : i32
        %dma_wait3A_1485 = tpu.memref_slice %arg5[%dma_wait3A_1484] : memref<1048576xf32, #tpu.memory_space<hbm>> -> memref<1024xf32, #tpu.memory_space<hbm>>
        %dma_wait3A_1486 = arith.constant 0 : i32
        %dma_wait3A_1487 = tpu.memref_slice %arg5[%dma_wait3A_1486] : memref<1048576xf32, #tpu.memory_space<hbm>> -> memref<1024xf32, #tpu.memory_space<hbm>>
        %dma_wait3A_1488 = arith.constant 0 : i32
        %dma_wait3A_1489 = tpu.memref_slice %arg8[%dma_wait3A_1480, %dma_wait3A_1488] : memref<2x1024xf32, #tpu.memory_space<vmem>> -> memref<1x1024xf32, #tpu.memory_space<vmem>>
        %dma_wait3A_1490 = tpu.memref_squeeze %dma_wait3A_1489 : memref<1x1024xf32, #tpu.memory_space<vmem>> -> memref<1024xf32, #tpu.memory_space<vmem>>
        tpu.wait_dma2 semaphore(%arg13 : memref<!tpu.dma_semaphore, #tpu.memory_space<semaphore_mem>>) src(%dma_wait3A_1490 : memref<1024xf32, #tpu.memory_space<vmem>>) dst(%dma_wait3A_1487 : memref<1024xf32, #tpu.memory_space<hbm>>)
      } else {
      }
      %convert_element_type3A_241 = arith.extui %ne3A : i1 to i32
      %cond3A_242 = arith.constant 0 : i32
      %cond3A_243 = arith.cmpi ne, %convert_element_type3A_241, %cond3A_242 : i32
      scf.if %cond3A_243 {
        %dma_wait3A_1480 = arith.constant 0 : i32
        %dma_wait3A_1481 = arith.constant 0 : i32
        %dma_wait3A_1482 = arith.constant 0 : i32
        %dma_wait3A_1483 = tpu.memref_slice %arg7[%dma_wait3A_1480, %dma_wait3A_1481, %dma_wait3A_1482] : memref<12x64x128xf32, #tpu.memory_space<vmem>> -> memref<1x64x128xf32, #tpu.memory_space<vmem>>
        %dma_wait3A_1484 = tpu.memref_squeeze %dma_wait3A_1483 : memref<1x64x128xf32, #tpu.memory_space<vmem>> -> memref<64x128xf32, #tpu.memory_space<vmem>>
        %dma_wait3A_1485 = arith.constant 0 : i32
        %dma_wait3A_1486 = arith.constant 0 : i32
        %dma_wait3A_1487 = tpu.memref_slice %arg3[%dma_wait3A_1485, %dma_wait3A_1486] : memref<64x1000000xf32, #tpu.memory_space<hbm>> -> memref<64x128xf32, #tpu.memory_space<hbm>>
        %dma_wait3A_1488 = arith.constant 0 : i32
        %dma_wait3A_1489 = arith.constant 0 : i32
        %dma_wait3A_1490 = tpu.memref_slice %arg7[%dma_wait3A_1480, %dma_wait3A_1488, %dma_wait3A_1489] : memref<12x64x128xf32, #tpu.memory_space<vmem>> -> memref<1x64x128xf32, #tpu.memory_space<vmem>>
        %dma_wait3A_1491 = tpu.memref_squeeze %dma_wait3A_1490 : memref<1x64x128xf32, #tpu.memory_space<vmem>> -> memref<64x128xf32, #tpu.memory_space<vmem>>
        %dma_wait3A_1492 = arith.constant 0 : i32
        %dma_wait3A_1493 = arith.constant 0 : i32
        %dma_wait3A_1494 = tpu.memref_slice %arg3[%dma_wait3A_1492, %dma_wait3A_1493] : memref<64x1000000xf32, #tpu.memory_space<hbm>> -> memref<64x128xf32, #tpu.memory_space<hbm>>
        tpu.wait_dma2 semaphore(%arg10 : memref<!tpu.dma_semaphore, #tpu.memory_space<semaphore_mem>>) src(%dma_wait3A_1494 : memref<64x128xf32, #tpu.memory_space<hbm>>) dst(%dma_wait3A_1491 : memref<64x128xf32, #tpu.memory_space<vmem>>)
      } else {
      }
      %convert_element_type3A_244 = arith.extui %ne3A_94 : i1 to i32
      %cond3A_245 = arith.constant 0 : i32
      %cond3A_246 = arith.cmpi ne, %convert_element_type3A_244, %cond3A_245 : i32
      scf.if %cond3A_246 {
        %dma_wait3A_1480 = arith.constant 0 : i32
        %dma_wait3A_1481 = arith.constant 0 : i32
        %dma_wait3A_1482 = arith.constant 0 : i32
        %dma_wait3A_1483 = tpu.memref_slice %arg7[%dma_wait3A_1480, %dma_wait3A_1481, %dma_wait3A_1482] : memref<12x64x128xf32, #tpu.memory_space<vmem>> -> memref<1x64x128xf32, #tpu.memory_space<vmem>>
        %dma_wait3A_1484 = tpu.memref_squeeze %dma_wait3A_1483 : memref<1x64x128xf32, #tpu.memory_space<vmem>> -> memref<64x128xf32, #tpu.memory_space<vmem>>
        %dma_wait3A_1485 = arith.constant 0 : i32
        %dma_wait3A_1486 = arith.constant 0 : i32
        %dma_wait3A_1487 = tpu.memref_slice %arg3[%dma_wait3A_1485, %dma_wait3A_1486] : memref<64x1000000xf32, #tpu.memory_space<hbm>> -> memref<64x128xf32, #tpu.memory_space<hbm>>
        %dma_wait3A_1488 = arith.constant 0 : i32
        %dma_wait3A_1489 = arith.constant 0 : i32
        %dma_wait3A_1490 = tpu.memref_slice %arg7[%dma_wait3A_1480, %dma_wait3A_1488, %dma_wait3A_1489] : memref<12x64x128xf32, #tpu.memory_space<vmem>> -> memref<1x64x128xf32, #tpu.memory_space<vmem>>
        %dma_wait3A_1491 = tpu.memref_squeeze %dma_wait3A_1490 : memref<1x64x128xf32, #tpu.memory_space<vmem>> -> memref<64x128xf32, #tpu.memory_space<vmem>>
        %dma_wait3A_1492 = arith.constant 0 : i32
        %dma_wait3A_1493 = arith.constant 0 : i32
        %dma_wait3A_1494 = tpu.memref_slice %arg3[%dma_wait3A_1492, %dma_wait3A_1493] : memref<64x1000000xf32, #tpu.memory_space<hbm>> -> memref<64x128xf32, #tpu.memory_space<hbm>>
        tpu.wait_dma2 semaphore(%arg10 : memref<!tpu.dma_semaphore, #tpu.memory_space<semaphore_mem>>) src(%dma_wait3A_1494 : memref<64x128xf32, #tpu.memory_space<hbm>>) dst(%dma_wait3A_1491 : memref<64x128xf32, #tpu.memory_space<vmem>>)
      } else {
      }
      %convert_element_type3A_247 = arith.extui %ne3A_95 : i1 to i32
      %cond3A_248 = arith.constant 0 : i32
      %cond3A_249 = arith.cmpi ne, %convert_element_type3A_247, %cond3A_248 : i32
      scf.if %cond3A_249 {
        %dma_wait3A_1480 = arith.constant 0 : i32
        %dma_wait3A_1481 = arith.constant 0 : i32
        %dma_wait3A_1482 = arith.constant 0 : i32
        %dma_wait3A_1483 = tpu.memref_slice %arg7[%dma_wait3A_1480, %dma_wait3A_1481, %dma_wait3A_1482] : memref<12x64x128xf32, #tpu.memory_space<vmem>> -> memref<1x64x128xf32, #tpu.memory_space<vmem>>
        %dma_wait3A_1484 = tpu.memref_squeeze %dma_wait3A_1483 : memref<1x64x128xf32, #tpu.memory_space<vmem>> -> memref<64x128xf32, #tpu.memory_space<vmem>>
        %dma_wait3A_1485 = arith.constant 0 : i32
        %dma_wait3A_1486 = arith.constant 0 : i32
        %dma_wait3A_1487 = tpu.memref_slice %arg3[%dma_wait3A_1485, %dma_wait3A_1486] : memref<64x1000000xf32, #tpu.memory_space<hbm>> -> memref<64x128xf32, #tpu.memory_space<hbm>>
        %dma_wait3A_1488 = arith.constant 0 : i32
        %dma_wait3A_1489 = arith.constant 0 : i32
        %dma_wait3A_1490 = tpu.memref_slice %arg7[%dma_wait3A_1480, %dma_wait3A_1488, %dma_wait3A_1489] : memref<12x64x128xf32, #tpu.memory_space<vmem>> -> memref<1x64x128xf32, #tpu.memory_space<vmem>>
        %dma_wait3A_1491 = tpu.memref_squeeze %dma_wait3A_1490 : memref<1x64x128xf32, #tpu.memory_space<vmem>> -> memref<64x128xf32, #tpu.memory_space<vmem>>
        %dma_wait3A_1492 = arith.constant 0 : i32
        %dma_wait3A_1493 = arith.constant 0 : i32
        %dma_wait3A_1494 = tpu.memref_slice %arg3[%dma_wait3A_1492, %dma_wait3A_1493] : memref<64x1000000xf32, #tpu.memory_space<hbm>> -> memref<64x128xf32, #tpu.memory_space<hbm>>
        tpu.wait_dma2 semaphore(%arg10 : memref<!tpu.dma_semaphore, #tpu.memory_space<semaphore_mem>>) src(%dma_wait3A_1494 : memref<64x128xf32, #tpu.memory_space<hbm>>) dst(%dma_wait3A_1491 : memref<64x128xf32, #tpu.memory_space<vmem>>)
      } else {
      }
      %convert_element_type3A_250 = arith.extui %ne3A_96 : i1 to i32
      %cond3A_251 = arith.constant 0 : i32
      %cond3A_252 = arith.cmpi ne, %convert_element_type3A_250, %cond3A_251 : i32
      scf.if %cond3A_252 {
        %dma_wait3A_1480 = arith.constant 0 : i32
        %dma_wait3A_1481 = arith.constant 0 : i32
        %dma_wait3A_1482 = arith.constant 0 : i32
        %dma_wait3A_1483 = tpu.memref_slice %arg7[%dma_wait3A_1480, %dma_wait3A_1481, %dma_wait3A_1482] : memref<12x64x128xf32, #tpu.memory_space<vmem>> -> memref<1x64x128xf32, #tpu.memory_space<vmem>>
        %dma_wait3A_1484 = tpu.memref_squeeze %dma_wait3A_1483 : memref<1x64x128xf32, #tpu.memory_space<vmem>> -> memref<64x128xf32, #tpu.memory_space<vmem>>
        %dma_wait3A_1485 = arith.constant 0 : i32
        %dma_wait3A_1486 = arith.constant 0 : i32
        %dma_wait3A_1487 = tpu.memref_slice %arg3[%dma_wait3A_1485, %dma_wait3A_1486] : memref<64x1000000xf32, #tpu.memory_space<hbm>> -> memref<64x128xf32, #tpu.memory_space<hbm>>
        %dma_wait3A_1488 = arith.constant 0 : i32
        %dma_wait3A_1489 = arith.constant 0 : i32
        %dma_wait3A_1490 = tpu.memref_slice %arg7[%dma_wait3A_1480, %dma_wait3A_1488, %dma_wait3A_1489] : memref<12x64x128xf32, #tpu.memory_space<vmem>> -> memref<1x64x128xf32, #tpu.memory_space<vmem>>
        %dma_wait3A_1491 = tpu.memref_squeeze %dma_wait3A_1490 : memref<1x64x128xf32, #tpu.memory_space<vmem>> -> memref<64x128xf32, #tpu.memory_space<vmem>>
        %dma_wait3A_1492 = arith.constant 0 : i32
        %dma_wait3A_1493 = arith.constant 0 : i32
        %dma_wait3A_1494 = tpu.memref_slice %arg3[%dma_wait3A_1492, %dma_wait3A_1493] : memref<64x1000000xf32, #tpu.memory_space<hbm>> -> memref<64x128xf32, #tpu.memory_space<hbm>>
        tpu.wait_dma2 semaphore(%arg10 : memref<!tpu.dma_semaphore, #tpu.memory_space<semaphore_mem>>) src(%dma_wait3A_1494 : memref<64x128xf32, #tpu.memory_space<hbm>>) dst(%dma_wait3A_1491 : memref<64x128xf32, #tpu.memory_space<vmem>>)
      } else {
      }
      %broadcast_in_dim3A = vector.broadcast %rem3A_99 : i32 to vector<16xi32>
      %slice3A_253 = vector.extract_strided_slice %and3A_63 {offsets = [0], sizes = [1], strides = [1]} : vector<16xi32> to vector<1xi32>
      %squeeze3A_254 = vector.extract %slice3A_253[0] : i32 from vector<1xi32>
      %broadcast_in_dim3A_255 = vector.broadcast %squeeze3A_254 : i32 to vector<16xi32>
      %gather3A = tpu.vector_load_idx %arg7[%broadcast_in_dim3A, %add3A_12, %broadcast_in_dim3A_255] : memref<12x64x128xf32, #tpu.memory_space<vmem>>[vector<16xi32>, vector<16xi32>, vector<16xi32>], vector<16xf32>,
      %add3A_256 = arith.addf %gather3A, %get3A_3 : vector<16xf32>
      %swap3A = arith.constant 0 : i32
      %swap3A_257 = arith.index_cast %swap3A : i32 to index
      %swap3A_258 = arith.constant 0 : index
      %swap3A_259 = tpu.vector_load %arg8[%swap3A_257, %swap3A_258] {strides = array<i32>} : memref<2x1024xf32, #tpu.memory_space<vmem>>, vector<16xf32>,
      tpu.vector_store %arg8[%swap3A_257, %swap3A_258], %add3A_256 {strides = array<i32>} : memref<2x1024xf32, #tpu.memory_space<vmem>>, vector<16xf32>,
      %gather3A_260 = tpu.vector_load_idx %arg7[%broadcast_in_dim3A, %add3A_15, %broadcast_in_dim3A_255] : memref<12x64x128xf32, #tpu.memory_space<vmem>>[vector<16xi32>, vector<16xi32>, vector<16xi32>], vector<16xf32>,
      %add3A_261 = arith.addf %gather3A_260, %get3A_5 : vector<16xf32>
      %swap3A_262 = arith.constant 0 : i32
      %swap3A_263 = arith.index_cast %swap3A_262 : i32 to index
      %swap3A_264 = arith.constant 16 : index
      %swap3A_265 = tpu.vector_load %arg8[%swap3A_263, %swap3A_264] {strides = array<i32>} : memref<2x1024xf32, #tpu.memory_space<vmem>>, vector<16xf32>,
      tpu.vector_store %arg8[%swap3A_263, %swap3A_264], %add3A_261 {strides = array<i32>} : memref<2x1024xf32, #tpu.memory_space<vmem>>, vector<16xf32>,
      %gather3A_266 = tpu.vector_load_idx %arg7[%broadcast_in_dim3A, %add3A_18, %broadcast_in_dim3A_255] : memref<12x64x128xf32, #tpu.memory_space<vmem>>[vector<16xi32>, vector<16xi32>, vector<16xi32>], vector<16xf32>,
      %add3A_267 = arith.addf %gather3A_266, %get3A_7 : vector<16xf32>
      %swap3A_268 = arith.constant 0 : i32
      %swap3A_269 = arith.index_cast %swap3A_268 : i32 to index
      %swap3A_270 = arith.constant 32 : index
      %swap3A_271 = tpu.vector_load %arg8[%swap3A_269, %swap3A_270] {strides = array<i32>} : memref<2x1024xf32, #tpu.memory_space<vmem>>, vector<16xf32>,
      tpu.vector_store %arg8[%swap3A_269, %swap3A_270], %add3A_267 {strides = array<i32>} : memref<2x1024xf32, #tpu.memory_space<vmem>>, vector<16xf32>,
      %gather3A_272 = tpu.vector_load_idx %arg7[%broadcast_in_dim3A, %add3A_21, %broadcast_in_dim3A_255] : memref<12x64x128xf32, #tpu.memory_space<vmem>>[vector<16xi32>, vector<16xi32>, vector<16xi32>], vector<16xf32>,
      %add3A_273 = arith.addf %gather3A_272, %get3A_9 : vector<16xf32>
      %swap3A_274 = arith.constant 0 : i32
      %swap3A_275 = arith.index_cast %swap3A_274 : i32 to index
      %swap3A_276 = arith.constant 48 : index
      %swap3A_277 = tpu.vector_load %arg8[%swap3A_275, %swap3A_276] {strides = array<i32>} : memref<2x1024xf32, #tpu.memory_space<vmem>>, vector<16xf32>,
      tpu.vector_store %arg8[%swap3A_275, %swap3A_276], %add3A_273 {strides = array<i32>} : memref<2x1024xf32, #tpu.memory_space<vmem>>, vector<16xf32>,
      %broadcast_in_dim3A_278 = vector.broadcast %rem3A_105 : i32 to vector<16xi32>
      %slice3A_279 = vector.extract_strided_slice %and3A_63 {offsets = [1], sizes = [1], strides = [1]} : vector<16xi32> to vector<1xi32>
      %squeeze3A_280 = vector.extract %slice3A_279[0] : i32 from vector<1xi32>
      %broadcast_in_dim3A_281 = vector.broadcast %squeeze3A_280 : i32 to vector<16xi32>
      %gather3A_282 = tpu.vector_load_idx %arg7[%broadcast_in_dim3A_278, %add3A_12, %broadcast_in_dim3A_281] : memref<12x64x128xf32, #tpu.memory_space<vmem>>[vector<16xi32>, vector<16xi32>, vector<16xi32>], vector<16xf32>,
      %add3A_283 = arith.addf %gather3A_282, %get3A_3 : vector<16xf32>
      %swap3A_284 = arith.constant 0 : i32
      %swap3A_285 = arith.index_cast %swap3A_284 : i32 to index
      %swap3A_286 = arith.constant 64 : index
      %swap3A_287 = tpu.vector_load %arg8[%swap3A_285, %swap3A_286] {strides = array<i32>} : memref<2x1024xf32, #tpu.memory_space<vmem>>, vector<16xf32>,
      tpu.vector_store %arg8[%swap3A_285, %swap3A_286], %add3A_283 {strides = array<i32>} : memref<2x1024xf32, #tpu.memory_space<vmem>>, vector<16xf32>,
      %gather3A_288 = tpu.vector_load_idx %arg7[%broadcast_in_dim3A_278, %add3A_15, %broadcast_in_dim3A_281] : memref<12x64x128xf32, #tpu.memory_space<vmem>>[vector<16xi32>, vector<16xi32>, vector<16xi32>], vector<16xf32>,
      %add3A_289 = arith.addf %gather3A_288, %get3A_5 : vector<16xf32>
      %swap3A_290 = arith.constant 0 : i32
      %swap3A_291 = arith.index_cast %swap3A_290 : i32 to index
      %swap3A_292 = arith.constant 80 : index
      %swap3A_293 = tpu.vector_load %arg8[%swap3A_291, %swap3A_292] {strides = array<i32>} : memref<2x1024xf32, #tpu.memory_space<vmem>>, vector<16xf32>,
      tpu.vector_store %arg8[%swap3A_291, %swap3A_292], %add3A_289 {strides = array<i32>} : memref<2x1024xf32, #tpu.memory_space<vmem>>, vector<16xf32>,
      %gather3A_294 = tpu.vector_load_idx %arg7[%broadcast_in_dim3A_278, %add3A_18, %broadcast_in_dim3A_281] : memref<12x64x128xf32, #tpu.memory_space<vmem>>[vector<16xi32>, vector<16xi32>, vector<16xi32>], vector<16xf32>,
      %add3A_295 = arith.addf %gather3A_294, %get3A_7 : vector<16xf32>
      %swap3A_296 = arith.constant 0 : i32
      %swap3A_297 = arith.index_cast %swap3A_296 : i32 to index
      %swap3A_298 = arith.constant 96 : index
      %swap3A_299 = tpu.vector_load %arg8[%swap3A_297, %swap3A_298] {strides = array<i32>} : memref<2x1024xf32, #tpu.memory_space<vmem>>, vector<16xf32>,
      tpu.vector_store %arg8[%swap3A_297, %swap3A_298], %add3A_295 {strides = array<i32>} : memref<2x1024xf32, #tpu.memory_space<vmem>>, vector<16xf32>,
      %gather3A_300 = tpu.vector_load_idx %arg7[%broadcast_in_dim3A_278, %add3A_21, %broadcast_in_dim3A_281] : memref<12x64x128xf32, #tpu.memory_space<vmem>>[vector<16xi32>, vector<16xi32>, vector<16xi32>], vector<16xf32>,
      %add3A_301 = arith.addf %gather3A_300, %get3A_9 : vector<16xf32>
      %swap3A_302 = arith.constant 0 : i32
      %swap3A_303 = arith.index_cast %swap3A_302 : i32 to index
      %swap3A_304 = arith.constant 112 : index
      %swap3A_305 = tpu.vector_load %arg8[%swap3A_303, %swap3A_304] {strides = array<i32>} : memref<2x1024xf32, #tpu.memory_space<vmem>>, vector<16xf32>,
      tpu.vector_store %arg8[%swap3A_303, %swap3A_304], %add3A_301 {strides = array<i32>} : memref<2x1024xf32, #tpu.memory_space<vmem>>, vector<16xf32>,
      %broadcast_in_dim3A_306 = vector.broadcast %rem3A_111 : i32 to vector<16xi32>
      %slice3A_307 = vector.extract_strided_slice %and3A_63 {offsets = [2], sizes = [1], strides = [1]} : vector<16xi32> to vector<1xi32>
      %squeeze3A_308 = vector.extract %slice3A_307[0] : i32 from vector<1xi32>
      %broadcast_in_dim3A_309 = vector.broadcast %squeeze3A_308 : i32 to vector<16xi32>
      %gather3A_310 = tpu.vector_load_idx %arg7[%broadcast_in_dim3A_306, %add3A_12, %broadcast_in_dim3A_309] : memref<12x64x128xf32, #tpu.memory_space<vmem>>[vector<16xi32>, vector<16xi32>, vector<16xi32>], vector<16xf32>,
      %add3A_311 = arith.addf %gather3A_310, %get3A_3 : vector<16xf32>
      %swap3A_312 = arith.constant 0 : i32
      %swap3A_313 = arith.index_cast %swap3A_312 : i32 to index
      %swap3A_314 = arith.constant 128 : index
      %swap3A_315 = tpu.vector_load %arg8[%swap3A_313, %swap3A_314] {strides = array<i32>} : memref<2x1024xf32, #tpu.memory_space<vmem>>, vector<16xf32>,
      tpu.vector_store %arg8[%swap3A_313, %swap3A_314], %add3A_311 {strides = array<i32>} : memref<2x1024xf32, #tpu.memory_space<vmem>>, vector<16xf32>,
      %gather3A_316 = tpu.vector_load_idx %arg7[%broadcast_in_dim3A_306, %add3A_15, %broadcast_in_dim3A_309] : memref<12x64x128xf32, #tpu.memory_space<vmem>>[vector<16xi32>, vector<16xi32>, vector<16xi32>], vector<16xf32>,
      %add3A_317 = arith.addf %gather3A_316, %get3A_5 : vector<16xf32>
      %swap3A_318 = arith.constant 0 : i32
      %swap3A_319 = arith.index_cast %swap3A_318 : i32 to index
      %swap3A_320 = arith.constant 144 : index
      %swap3A_321 = tpu.vector_load %arg8[%swap3A_319, %swap3A_320] {strides = array<i32>} : memref<2x1024xf32, #tpu.memory_space<vmem>>, vector<16xf32>,
      tpu.vector_store %arg8[%swap3A_319, %swap3A_320], %add3A_317 {strides = array<i32>} : memref<2x1024xf32, #tpu.memory_space<vmem>>, vector<16xf32>,
      %gather3A_322 = tpu.vector_load_idx %arg7[%broadcast_in_dim3A_306, %add3A_18, %broadcast_in_dim3A_309] : memref<12x64x128xf32, #tpu.memory_space<vmem>>[vector<16xi32>, vector<16xi32>, vector<16xi32>], vector<16xf32>,
      %add3A_323 = arith.addf %gather3A_322, %get3A_7 : vector<16xf32>
      %swap3A_324 = arith.constant 0 : i32
      %swap3A_325 = arith.index_cast %swap3A_324 : i32 to index
      %swap3A_326 = arith.constant 160 : index
      %swap3A_327 = tpu.vector_load %arg8[%swap3A_325, %swap3A_326] {strides = array<i32>} : memref<2x1024xf32, #tpu.memory_space<vmem>>, vector<16xf32>,
      tpu.vector_store %arg8[%swap3A_325, %swap3A_326], %add3A_323 {strides = array<i32>} : memref<2x1024xf32, #tpu.memory_space<vmem>>, vector<16xf32>,
      %gather3A_328 = tpu.vector_load_idx %arg7[%broadcast_in_dim3A_306, %add3A_21, %broadcast_in_dim3A_309] : memref<12x64x128xf32, #tpu.memory_space<vmem>>[vector<16xi32>, vector<16xi32>, vector<16xi32>], vector<16xf32>,
      %add3A_329 = arith.addf %gather3A_328, %get3A_9 : vector<16xf32>
      %swap3A_330 = arith.constant 0 : i32
      %swap3A_331 = arith.index_cast %swap3A_330 : i32 to index
      %swap3A_332 = arith.constant 176 : index
      %swap3A_333 = tpu.vector_load %arg8[%swap3A_331, %swap3A_332] {strides = array<i32>} : memref<2x1024xf32, #tpu.memory_space<vmem>>, vector<16xf32>,
      tpu.vector_store %arg8[%swap3A_331, %swap3A_332], %add3A_329 {strides = array<i32>} : memref<2x1024xf32, #tpu.memory_space<vmem>>, vector<16xf32>,
      %broadcast_in_dim3A_334 = vector.broadcast %rem3A_117 : i32 to vector<16xi32>
      %slice3A_335 = vector.extract_strided_slice %and3A_63 {offsets = [3], sizes = [1], strides = [1]} : vector<16xi32> to vector<1xi32>
      %squeeze3A_336 = vector.extract %slice3A_335[0] : i32 from vector<1xi32>
      %broadcast_in_dim3A_337 = vector.broadcast %squeeze3A_336 : i32 to vector<16xi32>
      %gather3A_338 = tpu.vector_load_idx %arg7[%broadcast_in_dim3A_334, %add3A_12, %broadcast_in_dim3A_337] : memref<12x64x128xf32, #tpu.memory_space<vmem>>[vector<16xi32>, vector<16xi32>, vector<16xi32>], vector<16xf32>,
      %add3A_339 = arith.addf %gather3A_338, %get3A_3 : vector<16xf32>
      %swap3A_340 = arith.constant 0 : i32
      %swap3A_341 = arith.index_cast %swap3A_340 : i32 to index
      %swap3A_342 = arith.constant 192 : index
      %swap3A_343 = tpu.vector_load %arg8[%swap3A_341, %swap3A_342] {strides = array<i32>} : memref<2x1024xf32, #tpu.memory_space<vmem>>, vector<16xf32>,
      tpu.vector_store %arg8[%swap3A_341, %swap3A_342], %add3A_339 {strides = array<i32>} : memref<2x1024xf32, #tpu.memory_space<vmem>>, vector<16xf32>,
      %gather3A_344 = tpu.vector_load_idx %arg7[%broadcast_in_dim3A_334, %add3A_15, %broadcast_in_dim3A_337] : memref<12x64x128xf32, #tpu.memory_space<vmem>>[vector<16xi32>, vector<16xi32>, vector<16xi32>], vector<16xf32>,
      %add3A_345 = arith.addf %gather3A_344, %get3A_5 : vector<16xf32>
      %swap3A_346 = arith.constant 0 : i32
      %swap3A_347 = arith.index_cast %swap3A_346 : i32 to index
      %swap3A_348 = arith.constant 208 : index
      %swap3A_349 = tpu.vector_load %arg8[%swap3A_347, %swap3A_348] {strides = array<i32>} : memref<2x1024xf32, #tpu.memory_space<vmem>>, vector<16xf32>,
      tpu.vector_store %arg8[%swap3A_347, %swap3A_348], %add3A_345 {strides = array<i32>} : memref<2x1024xf32, #tpu.memory_space<vmem>>, vector<16xf32>,
      %gather3A_350 = tpu.vector_load_idx %arg7[%broadcast_in_dim3A_334, %add3A_18, %broadcast_in_dim3A_337] : memref<12x64x128xf32, #tpu.memory_space<vmem>>[vector<16xi32>, vector<16xi32>, vector<16xi32>], vector<16xf32>,
      %add3A_351 = arith.addf %gather3A_350, %get3A_7 : vector<16xf32>
      %swap3A_352 = arith.constant 0 : i32
      %swap3A_353 = arith.index_cast %swap3A_352 : i32 to index
      %swap3A_354 = arith.constant 224 : index
      %swap3A_355 = tpu.vector_load %arg8[%swap3A_353, %swap3A_354] {strides = array<i32>} : memref<2x1024xf32, #tpu.memory_space<vmem>>, vector<16xf32>,
      tpu.vector_store %arg8[%swap3A_353, %swap3A_354], %add3A_351 {strides = array<i32>} : memref<2x1024xf32, #tpu.memory_space<vmem>>, vector<16xf32>,
      %gather3A_356 = tpu.vector_load_idx %arg7[%broadcast_in_dim3A_334, %add3A_21, %broadcast_in_dim3A_337] : memref<12x64x128xf32, #tpu.memory_space<vmem>>[vector<16xi32>, vector<16xi32>, vector<16xi32>], vector<16xf32>,
      %add3A_357 = arith.addf %gather3A_356, %get3A_9 : vector<16xf32>
      %swap3A_358 = arith.constant 0 : i32
      %swap3A_359 = arith.index_cast %swap3A_358 : i32 to index
      %swap3A_360 = arith.constant 240 : index
      %swap3A_361 = tpu.vector_load %arg8[%swap3A_359, %swap3A_360] {strides = array<i32>} : memref<2x1024xf32, #tpu.memory_space<vmem>>, vector<16xf32>,
      tpu.vector_store %arg8[%swap3A_359, %swap3A_360], %add3A_357 {strides = array<i32>} : memref<2x1024xf32, #tpu.memory_space<vmem>>, vector<16xf32>,
      %convert_element_type3A_362 = arith.extui %ne3A_174 : i1 to i32
      %cond3A_363 = arith.constant 0 : i32
      %cond3A_364 = arith.cmpi ne, %convert_element_type3A_362, %cond3A_363 : i32
      scf.if %cond3A_364 {
        %multiple_of3A = tpu.assume_multiple %squeeze3A_87, 128 : i32
        %dma_start3A_1480 = arith.constant 0 : i32
        %dma_start3A_1481 = arith.constant 0 : i32
        %dma_start3A_1482 = tpu.memref_slice %arg7[%rem3A_183, %dma_start3A_1480, %dma_start3A_1481] : memref<12x64x128xf32, #tpu.memory_space<vmem>> -> memref<1x64x128xf32, #tpu.memory_space<vmem>>
        %dma_start3A_1483 = tpu.memref_squeeze %dma_start3A_1482 : memref<1x64x128xf32, #tpu.memory_space<vmem>> -> memref<64x128xf32, #tpu.memory_space<vmem>>
        %dma_start3A_1484 = arith.constant 0 : i32
        %dma_start3A_1485 = tpu.memref_slice %arg3[%dma_start3A_1484, %multiple_of3A] : memref<64x1000000xf32, #tpu.memory_space<hbm>> -> memref<64x128xf32, #tpu.memory_space<hbm>>
        %dma_start3A_1486 = arith.constant 0 : i32
        %dma_start3A_1487 = arith.constant 0 : i32
        %dma_start3A_1488 = tpu.memref_slice %arg7[%rem3A_183, %dma_start3A_1486, %dma_start3A_1487] : memref<12x64x128xf32, #tpu.memory_space<vmem>> -> memref<1x64x128xf32, #tpu.memory_space<vmem>>
        %dma_start3A_1489 = tpu.memref_squeeze %dma_start3A_1488 : memref<1x64x128xf32, #tpu.memory_space<vmem>> -> memref<64x128xf32, #tpu.memory_space<vmem>>
        %dma_start3A_1490 = arith.constant 0 : i32
        %dma_start3A_1491 = tpu.memref_slice %arg3[%dma_start3A_1490, %multiple_of3A] : memref<64x1000000xf32, #tpu.memory_space<hbm>> -> memref<64x128xf32, #tpu.memory_space<hbm>>
        tpu.enqueue_dma source(%dma_start3A_1491 : memref<64x128xf32, #tpu.memory_space<hbm>>) target(%dma_start3A_1489 : memref<64x128xf32, #tpu.memory_space<vmem>>) target_semaphore(%arg10 : memref<!tpu.dma_semaphore, #tpu.memory_space<semaphore_mem>>)
      } else {
      }
      %convert_element_type3A_365 = arith.extui %ne3A_175 : i1 to i32
      %cond3A_366 = arith.constant 0 : i32
      %cond3A_367 = arith.cmpi ne, %convert_element_type3A_365, %cond3A_366 : i32
      scf.if %cond3A_367 {
        %multiple_of3A = tpu.assume_multiple %squeeze3A_89, 128 : i32
        %dma_start3A_1480 = arith.constant 0 : i32
        %dma_start3A_1481 = arith.constant 0 : i32
        %dma_start3A_1482 = tpu.memref_slice %arg7[%rem3A_189, %dma_start3A_1480, %dma_start3A_1481] : memref<12x64x128xf32, #tpu.memory_space<vmem>> -> memref<1x64x128xf32, #tpu.memory_space<vmem>>
        %dma_start3A_1483 = tpu.memref_squeeze %dma_start3A_1482 : memref<1x64x128xf32, #tpu.memory_space<vmem>> -> memref<64x128xf32, #tpu.memory_space<vmem>>
        %dma_start3A_1484 = arith.constant 0 : i32
        %dma_start3A_1485 = tpu.memref_slice %arg3[%dma_start3A_1484, %multiple_of3A] : memref<64x1000000xf32, #tpu.memory_space<hbm>> -> memref<64x128xf32, #tpu.memory_space<hbm>>
        %dma_start3A_1486 = arith.constant 0 : i32
        %dma_start3A_1487 = arith.constant 0 : i32
        %dma_start3A_1488 = tpu.memref_slice %arg7[%rem3A_189, %dma_start3A_1486, %dma_start3A_1487] : memref<12x64x128xf32, #tpu.memory_space<vmem>> -> memref<1x64x128xf32, #tpu.memory_space<vmem>>
        %dma_start3A_1489 = tpu.memref_squeeze %dma_start3A_1488 : memref<1x64x128xf32, #tpu.memory_space<vmem>> -> memref<64x128xf32, #tpu.memory_space<vmem>>
        %dma_start3A_1490 = arith.constant 0 : i32
        %dma_start3A_1491 = tpu.memref_slice %arg3[%dma_start3A_1490, %multiple_of3A] : memref<64x1000000xf32, #tpu.memory_space<hbm>> -> memref<64x128xf32, #tpu.memory_space<hbm>>
        tpu.enqueue_dma source(%dma_start3A_1491 : memref<64x128xf32, #tpu.memory_space<hbm>>) target(%dma_start3A_1489 : memref<64x128xf32, #tpu.memory_space<vmem>>) target_semaphore(%arg10 : memref<!tpu.dma_semaphore, #tpu.memory_space<semaphore_mem>>)
      } else {
      }
      %convert_element_type3A_368 = arith.extui %ne3A_176 : i1 to i32
      %cond3A_369 = arith.constant 0 : i32
      %cond3A_370 = arith.cmpi ne, %convert_element_type3A_368, %cond3A_369 : i32
      scf.if %cond3A_370 {
        %multiple_of3A = tpu.assume_multiple %squeeze3A_91, 128 : i32
        %dma_start3A_1480 = arith.constant 0 : i32
        %dma_start3A_1481 = arith.constant 0 : i32
        %dma_start3A_1482 = tpu.memref_slice %arg7[%rem3A_195, %dma_start3A_1480, %dma_start3A_1481] : memref<12x64x128xf32, #tpu.memory_space<vmem>> -> memref<1x64x128xf32, #tpu.memory_space<vmem>>
        %dma_start3A_1483 = tpu.memref_squeeze %dma_start3A_1482 : memref<1x64x128xf32, #tpu.memory_space<vmem>> -> memref<64x128xf32, #tpu.memory_space<vmem>>
        %dma_start3A_1484 = arith.constant 0 : i32
        %dma_start3A_1485 = tpu.memref_slice %arg3[%dma_start3A_1484, %multiple_of3A] : memref<64x1000000xf32, #tpu.memory_space<hbm>> -> memref<64x128xf32, #tpu.memory_space<hbm>>
        %dma_start3A_1486 = arith.constant 0 : i32
        %dma_start3A_1487 = arith.constant 0 : i32
        %dma_start3A_1488 = tpu.memref_slice %arg7[%rem3A_195, %dma_start3A_1486, %dma_start3A_1487] : memref<12x64x128xf32, #tpu.memory_space<vmem>> -> memref<1x64x128xf32, #tpu.memory_space<vmem>>
        %dma_start3A_1489 = tpu.memref_squeeze %dma_start3A_1488 : memref<1x64x128xf32, #tpu.memory_space<vmem>> -> memref<64x128xf32, #tpu.memory_space<vmem>>
        %dma_start3A_1490 = arith.constant 0 : i32
        %dma_start3A_1491 = tpu.memref_slice %arg3[%dma_start3A_1490, %multiple_of3A] : memref<64x1000000xf32, #tpu.memory_space<hbm>> -> memref<64x128xf32, #tpu.memory_space<hbm>>
        tpu.enqueue_dma source(%dma_start3A_1491 : memref<64x128xf32, #tpu.memory_space<hbm>>) target(%dma_start3A_1489 : memref<64x128xf32, #tpu.memory_space<vmem>>) target_semaphore(%arg10 : memref<!tpu.dma_semaphore, #tpu.memory_space<semaphore_mem>>)
      } else {
      }
      %convert_element_type3A_371 = arith.extui %ne3A_177 : i1 to i32
      %cond3A_372 = arith.constant 0 : i32
      %cond3A_373 = arith.cmpi ne, %convert_element_type3A_371, %cond3A_372 : i32
      scf.if %cond3A_373 {
        %multiple_of3A = tpu.assume_multiple %squeeze3A_93, 128 : i32
        %dma_start3A_1480 = arith.constant 0 : i32
        %dma_start3A_1481 = arith.constant 0 : i32
        %dma_start3A_1482 = tpu.memref_slice %arg7[%rem3A_201, %dma_start3A_1480, %dma_start3A_1481] : memref<12x64x128xf32, #tpu.memory_space<vmem>> -> memref<1x64x128xf32, #tpu.memory_space<vmem>>
        %dma_start3A_1483 = tpu.memref_squeeze %dma_start3A_1482 : memref<1x64x128xf32, #tpu.memory_space<vmem>> -> memref<64x128xf32, #tpu.memory_space<vmem>>
        %dma_start3A_1484 = arith.constant 0 : i32
        %dma_start3A_1485 = tpu.memref_slice %arg3[%dma_start3A_1484, %multiple_of3A] : memref<64x1000000xf32, #tpu.memory_space<hbm>> -> memref<64x128xf32, #tpu.memory_space<hbm>>
        %dma_start3A_1486 = arith.constant 0 : i32
        %dma_start3A_1487 = arith.constant 0 : i32
        %dma_start3A_1488 = tpu.memref_slice %arg7[%rem3A_201, %dma_start3A_1486, %dma_start3A_1487] : memref<12x64x128xf32, #tpu.memory_space<vmem>> -> memref<1x64x128xf32, #tpu.memory_space<vmem>>
        %dma_start3A_1489 = tpu.memref_squeeze %dma_start3A_1488 : memref<1x64x128xf32, #tpu.memory_space<vmem>> -> memref<64x128xf32, #tpu.memory_space<vmem>>
        %dma_start3A_1490 = arith.constant 0 : i32
        %dma_start3A_1491 = tpu.memref_slice %arg3[%dma_start3A_1490, %multiple_of3A] : memref<64x1000000xf32, #tpu.memory_space<hbm>> -> memref<64x128xf32, #tpu.memory_space<hbm>>
        tpu.enqueue_dma source(%dma_start3A_1491 : memref<64x128xf32, #tpu.memory_space<hbm>>) target(%dma_start3A_1489 : memref<64x128xf32, #tpu.memory_space<vmem>>) target_semaphore(%arg10 : memref<!tpu.dma_semaphore, #tpu.memory_space<semaphore_mem>>)
      } else {
      }
      %convert_element_type3A_374 = arith.extui %ne3A_118 : i1 to i32
      %cond3A_375 = arith.constant 0 : i32
      %cond3A_376 = arith.cmpi ne, %convert_element_type3A_374, %cond3A_375 : i32
      scf.if %cond3A_376 {
        %dma_wait3A_1480 = arith.constant 0 : i32
        %dma_wait3A_1481 = arith.constant 0 : i32
        %dma_wait3A_1482 = arith.constant 0 : i32
        %dma_wait3A_1483 = tpu.memref_slice %arg7[%dma_wait3A_1480, %dma_wait3A_1481, %dma_wait3A_1482] : memref<12x64x128xf32, #tpu.memory_space<vmem>> -> memref<1x64x128xf32, #tpu.memory_space<vmem>>
        %dma_wait3A_1484 = tpu.memref_squeeze %dma_wait3A_1483 : memref<1x64x128xf32, #tpu.memory_space<vmem>> -> memref<64x128xf32, #tpu.memory_space<vmem>>
        %dma_wait3A_1485 = arith.constant 0 : i32
        %dma_wait3A_1486 = arith.constant 0 : i32
        %dma_wait3A_1487 = tpu.memref_slice %arg3[%dma_wait3A_1485, %dma_wait3A_1486] : memref<64x1000000xf32, #tpu.memory_space<hbm>> -> memref<64x128xf32, #tpu.memory_space<hbm>>
        %dma_wait3A_1488 = arith.constant 0 : i32
        %dma_wait3A_1489 = arith.constant 0 : i32
        %dma_wait3A_1490 = tpu.memref_slice %arg7[%dma_wait3A_1480, %dma_wait3A_1488, %dma_wait3A_1489] : memref<12x64x128xf32, #tpu.memory_space<vmem>> -> memref<1x64x128xf32, #tpu.memory_space<vmem>>
        %dma_wait3A_1491 = tpu.memref_squeeze %dma_wait3A_1490 : memref<1x64x128xf32, #tpu.memory_space<vmem>> -> memref<64x128xf32, #tpu.memory_space<vmem>>
        %dma_wait3A_1492 = arith.constant 0 : i32
        %dma_wait3A_1493 = arith.constant 0 : i32
        %dma_wait3A_1494 = tpu.memref_slice %arg3[%dma_wait3A_1492, %dma_wait3A_1493] : memref<64x1000000xf32, #tpu.memory_space<hbm>> -> memref<64x128xf32, #tpu.memory_space<hbm>>
        tpu.wait_dma2 semaphore(%arg11 : memref<!tpu.dma_semaphore, #tpu.memory_space<semaphore_mem>>) src(%dma_wait3A_1494 : memref<64x128xf32, #tpu.memory_space<hbm>>) dst(%dma_wait3A_1491 : memref<64x128xf32, #tpu.memory_space<vmem>>)
      } else {
      }
      %convert_element_type3A_377 = arith.extui %ne3A_119 : i1 to i32
      %cond3A_378 = arith.constant 0 : i32
      %cond3A_379 = arith.cmpi ne, %convert_element_type3A_377, %cond3A_378 : i32
      scf.if %cond3A_379 {
        %dma_wait3A_1480 = arith.constant 0 : i32
        %dma_wait3A_1481 = arith.constant 0 : i32
        %dma_wait3A_1482 = arith.constant 0 : i32
        %dma_wait3A_1483 = tpu.memref_slice %arg7[%dma_wait3A_1480, %dma_wait3A_1481, %dma_wait3A_1482] : memref<12x64x128xf32, #tpu.memory_space<vmem>> -> memref<1x64x128xf32, #tpu.memory_space<vmem>>
        %dma_wait3A_1484 = tpu.memref_squeeze %dma_wait3A_1483 : memref<1x64x128xf32, #tpu.memory_space<vmem>> -> memref<64x128xf32, #tpu.memory_space<vmem>>
        %dma_wait3A_1485 = arith.constant 0 : i32
        %dma_wait3A_1486 = arith.constant 0 : i32
        %dma_wait3A_1487 = tpu.memref_slice %arg3[%dma_wait3A_1485, %dma_wait3A_1486] : memref<64x1000000xf32, #tpu.memory_space<hbm>> -> memref<64x128xf32, #tpu.memory_space<hbm>>
        %dma_wait3A_1488 = arith.constant 0 : i32
        %dma_wait3A_1489 = arith.constant 0 : i32
        %dma_wait3A_1490 = tpu.memref_slice %arg7[%dma_wait3A_1480, %dma_wait3A_1488, %dma_wait3A_1489] : memref<12x64x128xf32, #tpu.memory_space<vmem>> -> memref<1x64x128xf32, #tpu.memory_space<vmem>>
        %dma_wait3A_1491 = tpu.memref_squeeze %dma_wait3A_1490 : memref<1x64x128xf32, #tpu.memory_space<vmem>> -> memref<64x128xf32, #tpu.memory_space<vmem>>
        %dma_wait3A_1492 = arith.constant 0 : i32
        %dma_wait3A_1493 = arith.constant 0 : i32
        %dma_wait3A_1494 = tpu.memref_slice %arg3[%dma_wait3A_1492, %dma_wait3A_1493] : memref<64x1000000xf32, #tpu.memory_space<hbm>> -> memref<64x128xf32, #tpu.memory_space<hbm>>
        tpu.wait_dma2 semaphore(%arg11 : memref<!tpu.dma_semaphore, #tpu.memory_space<semaphore_mem>>) src(%dma_wait3A_1494 : memref<64x128xf32, #tpu.memory_space<hbm>>) dst(%dma_wait3A_1491 : memref<64x128xf32, #tpu.memory_space<vmem>>)
      } else {
      }
      %convert_element_type3A_380 = arith.extui %ne3A_120 : i1 to i32
      %cond3A_381 = arith.constant 0 : i32
      %cond3A_382 = arith.cmpi ne, %convert_element_type3A_380, %cond3A_381 : i32
      scf.if %cond3A_382 {
        %dma_wait3A_1480 = arith.constant 0 : i32
        %dma_wait3A_1481 = arith.constant 0 : i32
        %dma_wait3A_1482 = arith.constant 0 : i32
        %dma_wait3A_1483 = tpu.memref_slice %arg7[%dma_wait3A_1480, %dma_wait3A_1481, %dma_wait3A_1482] : memref<12x64x128xf32, #tpu.memory_space<vmem>> -> memref<1x64x128xf32, #tpu.memory_space<vmem>>
        %dma_wait3A_1484 = tpu.memref_squeeze %dma_wait3A_1483 : memref<1x64x128xf32, #tpu.memory_space<vmem>> -> memref<64x128xf32, #tpu.memory_space<vmem>>
        %dma_wait3A_1485 = arith.constant 0 : i32
        %dma_wait3A_1486 = arith.constant 0 : i32
        %dma_wait3A_1487 = tpu.memref_slice %arg3[%dma_wait3A_1485, %dma_wait3A_1486] : memref<64x1000000xf32, #tpu.memory_space<hbm>> -> memref<64x128xf32, #tpu.memory_space<hbm>>
        %dma_wait3A_1488 = arith.constant 0 : i32
        %dma_wait3A_1489 = arith.constant 0 : i32
        %dma_wait3A_1490 = tpu.memref_slice %arg7[%dma_wait3A_1480, %dma_wait3A_1488, %dma_wait3A_1489] : memref<12x64x128xf32, #tpu.memory_space<vmem>> -> memref<1x64x128xf32, #tpu.memory_space<vmem>>
        %dma_wait3A_1491 = tpu.memref_squeeze %dma_wait3A_1490 : memref<1x64x128xf32, #tpu.memory_space<vmem>> -> memref<64x128xf32, #tpu.memory_space<vmem>>
        %dma_wait3A_1492 = arith.constant 0 : i32
        %dma_wait3A_1493 = arith.constant 0 : i32
        %dma_wait3A_1494 = tpu.memref_slice %arg3[%dma_wait3A_1492, %dma_wait3A_1493] : memref<64x1000000xf32, #tpu.memory_space<hbm>> -> memref<64x128xf32, #tpu.memory_space<hbm>>
        tpu.wait_dma2 semaphore(%arg11 : memref<!tpu.dma_semaphore, #tpu.memory_space<semaphore_mem>>) src(%dma_wait3A_1494 : memref<64x128xf32, #tpu.memory_space<hbm>>) dst(%dma_wait3A_1491 : memref<64x128xf32, #tpu.memory_space<vmem>>)
      } else {
      }
      %convert_element_type3A_383 = arith.extui %ne3A_121 : i1 to i32
      %cond3A_384 = arith.constant 0 : i32
      %cond3A_385 = arith.cmpi ne, %convert_element_type3A_383, %cond3A_384 : i32
      scf.if %cond3A_385 {
        %dma_wait3A_1480 = arith.constant 0 : i32
        %dma_wait3A_1481 = arith.constant 0 : i32
        %dma_wait3A_1482 = arith.constant 0 : i32
        %dma_wait3A_1483 = tpu.memref_slice %arg7[%dma_wait3A_1480, %dma_wait3A_1481, %dma_wait3A_1482] : memref<12x64x128xf32, #tpu.memory_space<vmem>> -> memref<1x64x128xf32, #tpu.memory_space<vmem>>
        %dma_wait3A_1484 = tpu.memref_squeeze %dma_wait3A_1483 : memref<1x64x128xf32, #tpu.memory_space<vmem>> -> memref<64x128xf32, #tpu.memory_space<vmem>>
        %dma_wait3A_1485 = arith.constant 0 : i32
        %dma_wait3A_1486 = arith.constant 0 : i32
        %dma_wait3A_1487 = tpu.memref_slice %arg3[%dma_wait3A_1485, %dma_wait3A_1486] : memref<64x1000000xf32, #tpu.memory_space<hbm>> -> memref<64x128xf32, #tpu.memory_space<hbm>>
        %dma_wait3A_1488 = arith.constant 0 : i32
        %dma_wait3A_1489 = arith.constant 0 : i32
        %dma_wait3A_1490 = tpu.memref_slice %arg7[%dma_wait3A_1480, %dma_wait3A_1488, %dma_wait3A_1489] : memref<12x64x128xf32, #tpu.memory_space<vmem>> -> memref<1x64x128xf32, #tpu.memory_space<vmem>>
        %dma_wait3A_1491 = tpu.memref_squeeze %dma_wait3A_1490 : memref<1x64x128xf32, #tpu.memory_space<vmem>> -> memref<64x128xf32, #tpu.memory_space<vmem>>
        %dma_wait3A_1492 = arith.constant 0 : i32
        %dma_wait3A_1493 = arith.constant 0 : i32
        %dma_wait3A_1494 = tpu.memref_slice %arg3[%dma_wait3A_1492, %dma_wait3A_1493] : memref<64x1000000xf32, #tpu.memory_space<hbm>> -> memref<64x128xf32, #tpu.memory_space<hbm>>
        tpu.wait_dma2 semaphore(%arg11 : memref<!tpu.dma_semaphore, #tpu.memory_space<semaphore_mem>>) src(%dma_wait3A_1494 : memref<64x128xf32, #tpu.memory_space<hbm>>) dst(%dma_wait3A_1491 : memref<64x128xf32, #tpu.memory_space<vmem>>)
      } else {
      }
      %broadcast_in_dim3A_386 = vector.broadcast %rem3A_127 : i32 to vector<16xi32>
      %slice3A_387 = vector.extract_strided_slice %and3A_63 {offsets = [4], sizes = [1], strides = [1]} : vector<16xi32> to vector<1xi32>
      %squeeze3A_388 = vector.extract %slice3A_387[0] : i32 from vector<1xi32>
      %broadcast_in_dim3A_389 = vector.broadcast %squeeze3A_388 : i32 to vector<16xi32>
      %gather3A_390 = tpu.vector_load_idx %arg7[%broadcast_in_dim3A_386, %add3A_12, %broadcast_in_dim3A_389] : memref<12x64x128xf32, #tpu.memory_space<vmem>>[vector<16xi32>, vector<16xi32>, vector<16xi32>], vector<16xf32>,
      %add3A_391 = arith.addf %gather3A_390, %get3A_3 : vector<16xf32>
      %swap3A_392 = arith.constant 0 : i32
      %swap3A_393 = arith.index_cast %swap3A_392 : i32 to index
      %swap3A_394 = arith.constant 256 : index
      %swap3A_395 = tpu.vector_load %arg8[%swap3A_393, %swap3A_394] {strides = array<i32>} : memref<2x1024xf32, #tpu.memory_space<vmem>>, vector<16xf32>,
      tpu.vector_store %arg8[%swap3A_393, %swap3A_394], %add3A_391 {strides = array<i32>} : memref<2x1024xf32, #tpu.memory_space<vmem>>, vector<16xf32>,
      %gather3A_396 = tpu.vector_load_idx %arg7[%broadcast_in_dim3A_386, %add3A_15, %broadcast_in_dim3A_389] : memref<12x64x128xf32, #tpu.memory_space<vmem>>[vector<16xi32>, vector<16xi32>, vector<16xi32>], vector<16xf32>,
      %add3A_397 = arith.addf %gather3A_396, %get3A_5 : vector<16xf32>
      %swap3A_398 = arith.constant 0 : i32
      %swap3A_399 = arith.index_cast %swap3A_398 : i32 to index
      %swap3A_400 = arith.constant 272 : index
      %swap3A_401 = tpu.vector_load %arg8[%swap3A_399, %swap3A_400] {strides = array<i32>} : memref<2x1024xf32, #tpu.memory_space<vmem>>, vector<16xf32>,
      tpu.vector_store %arg8[%swap3A_399, %swap3A_400], %add3A_397 {strides = array<i32>} : memref<2x1024xf32, #tpu.memory_space<vmem>>, vector<16xf32>,
      %gather3A_402 = tpu.vector_load_idx %arg7[%broadcast_in_dim3A_386, %add3A_18, %broadcast_in_dim3A_389] : memref<12x64x128xf32, #tpu.memory_space<vmem>>[vector<16xi32>, vector<16xi32>, vector<16xi32>], vector<16xf32>,
      %add3A_403 = arith.addf %gather3A_402, %get3A_7 : vector<16xf32>
      %swap3A_404 = arith.constant 0 : i32
      %swap3A_405 = arith.index_cast %swap3A_404 : i32 to index
      %swap3A_406 = arith.constant 288 : index
      %swap3A_407 = tpu.vector_load %arg8[%swap3A_405, %swap3A_406] {strides = array<i32>} : memref<2x1024xf32, #tpu.memory_space<vmem>>, vector<16xf32>,
      tpu.vector_store %arg8[%swap3A_405, %swap3A_406], %add3A_403 {strides = array<i32>} : memref<2x1024xf32, #tpu.memory_space<vmem>>, vector<16xf32>,
      %gather3A_408 = tpu.vector_load_idx %arg7[%broadcast_in_dim3A_386, %add3A_21, %broadcast_in_dim3A_389] : memref<12x64x128xf32, #tpu.memory_space<vmem>>[vector<16xi32>, vector<16xi32>, vector<16xi32>], vector<16xf32>,
      %add3A_409 = arith.addf %gather3A_408, %get3A_9 : vector<16xf32>
      %swap3A_410 = arith.constant 0 : i32
      %swap3A_411 = arith.index_cast %swap3A_410 : i32 to index
      %swap3A_412 = arith.constant 304 : index
      %swap3A_413 = tpu.vector_load %arg8[%swap3A_411, %swap3A_412] {strides = array<i32>} : memref<2x1024xf32, #tpu.memory_space<vmem>>, vector<16xf32>,
      tpu.vector_store %arg8[%swap3A_411, %swap3A_412], %add3A_409 {strides = array<i32>} : memref<2x1024xf32, #tpu.memory_space<vmem>>, vector<16xf32>,
      %broadcast_in_dim3A_414 = vector.broadcast %rem3A_133 : i32 to vector<16xi32>
      %slice3A_415 = vector.extract_strided_slice %and3A_63 {offsets = [5], sizes = [1], strides = [1]} : vector<16xi32> to vector<1xi32>
      %squeeze3A_416 = vector.extract %slice3A_415[0] : i32 from vector<1xi32>
      %broadcast_in_dim3A_417 = vector.broadcast %squeeze3A_416 : i32 to vector<16xi32>
      %gather3A_418 = tpu.vector_load_idx %arg7[%broadcast_in_dim3A_414, %add3A_12, %broadcast_in_dim3A_417] : memref<12x64x128xf32, #tpu.memory_space<vmem>>[vector<16xi32>, vector<16xi32>, vector<16xi32>], vector<16xf32>,
      %add3A_419 = arith.addf %gather3A_418, %get3A_3 : vector<16xf32>
      %swap3A_420 = arith.constant 0 : i32
      %swap3A_421 = arith.index_cast %swap3A_420 : i32 to index
      %swap3A_422 = arith.constant 320 : index
      %swap3A_423 = tpu.vector_load %arg8[%swap3A_421, %swap3A_422] {strides = array<i32>} : memref<2x1024xf32, #tpu.memory_space<vmem>>, vector<16xf32>,
      tpu.vector_store %arg8[%swap3A_421, %swap3A_422], %add3A_419 {strides = array<i32>} : memref<2x1024xf32, #tpu.memory_space<vmem>>, vector<16xf32>,
      %gather3A_424 = tpu.vector_load_idx %arg7[%broadcast_in_dim3A_414, %add3A_15, %broadcast_in_dim3A_417] : memref<12x64x128xf32, #tpu.memory_space<vmem>>[vector<16xi32>, vector<16xi32>, vector<16xi32>], vector<16xf32>,
      %add3A_425 = arith.addf %gather3A_424, %get3A_5 : vector<16xf32>
      %swap3A_426 = arith.constant 0 : i32
      %swap3A_427 = arith.index_cast %swap3A_426 : i32 to index
      %swap3A_428 = arith.constant 336 : index
      %swap3A_429 = tpu.vector_load %arg8[%swap3A_427, %swap3A_428] {strides = array<i32>} : memref<2x1024xf32, #tpu.memory_space<vmem>>, vector<16xf32>,
      tpu.vector_store %arg8[%swap3A_427, %swap3A_428], %add3A_425 {strides = array<i32>} : memref<2x1024xf32, #tpu.memory_space<vmem>>, vector<16xf32>,
      %gather3A_430 = tpu.vector_load_idx %arg7[%broadcast_in_dim3A_414, %add3A_18, %broadcast_in_dim3A_417] : memref<12x64x128xf32, #tpu.memory_space<vmem>>[vector<16xi32>, vector<16xi32>, vector<16xi32>], vector<16xf32>,
      %add3A_431 = arith.addf %gather3A_430, %get3A_7 : vector<16xf32>
      %swap3A_432 = arith.constant 0 : i32
      %swap3A_433 = arith.index_cast %swap3A_432 : i32 to index
      %swap3A_434 = arith.constant 352 : index
      %swap3A_435 = tpu.vector_load %arg8[%swap3A_433, %swap3A_434] {strides = array<i32>} : memref<2x1024xf32, #tpu.memory_space<vmem>>, vector<16xf32>,
      tpu.vector_store %arg8[%swap3A_433, %swap3A_434], %add3A_431 {strides = array<i32>} : memref<2x1024xf32, #tpu.memory_space<vmem>>, vector<16xf32>,
      %gather3A_436 = tpu.vector_load_idx %arg7[%broadcast_in_dim3A_414, %add3A_21, %broadcast_in_dim3A_417] : memref<12x64x128xf32, #tpu.memory_space<vmem>>[vector<16xi32>, vector<16xi32>, vector<16xi32>], vector<16xf32>,
      %add3A_437 = arith.addf %gather3A_436, %get3A_9 : vector<16xf32>
      %swap3A_438 = arith.constant 0 : i32
      %swap3A_439 = arith.index_cast %swap3A_438 : i32 to index
      %swap3A_440 = arith.constant 368 : index
      %swap3A_441 = tpu.vector_load %arg8[%swap3A_439, %swap3A_440] {strides = array<i32>} : memref<2x1024xf32, #tpu.memory_space<vmem>>, vector<16xf32>,
      tpu.vector_store %arg8[%swap3A_439, %swap3A_440], %add3A_437 {strides = array<i32>} : memref<2x1024xf32, #tpu.memory_space<vmem>>, vector<16xf32>,
      %broadcast_in_dim3A_442 = vector.broadcast %rem3A_139 : i32 to vector<16xi32>
      %slice3A_443 = vector.extract_strided_slice %and3A_63 {offsets = [6], sizes = [1], strides = [1]} : vector<16xi32> to vector<1xi32>
      %squeeze3A_444 = vector.extract %slice3A_443[0] : i32 from vector<1xi32>
      %broadcast_in_dim3A_445 = vector.broadcast %squeeze3A_444 : i32 to vector<16xi32>
      %gather3A_446 = tpu.vector_load_idx %arg7[%broadcast_in_dim3A_442, %add3A_12, %broadcast_in_dim3A_445] : memref<12x64x128xf32, #tpu.memory_space<vmem>>[vector<16xi32>, vector<16xi32>, vector<16xi32>], vector<16xf32>,
      %add3A_447 = arith.addf %gather3A_446, %get3A_3 : vector<16xf32>
      %swap3A_448 = arith.constant 0 : i32
      %swap3A_449 = arith.index_cast %swap3A_448 : i32 to index
      %swap3A_450 = arith.constant 384 : index
      %swap3A_451 = tpu.vector_load %arg8[%swap3A_449, %swap3A_450] {strides = array<i32>} : memref<2x1024xf32, #tpu.memory_space<vmem>>, vector<16xf32>,
      tpu.vector_store %arg8[%swap3A_449, %swap3A_450], %add3A_447 {strides = array<i32>} : memref<2x1024xf32, #tpu.memory_space<vmem>>, vector<16xf32>,
      %gather3A_452 = tpu.vector_load_idx %arg7[%broadcast_in_dim3A_442, %add3A_15, %broadcast_in_dim3A_445] : memref<12x64x128xf32, #tpu.memory_space<vmem>>[vector<16xi32>, vector<16xi32>, vector<16xi32>], vector<16xf32>,
      %add3A_453 = arith.addf %gather3A_452, %get3A_5 : vector<16xf32>
      %swap3A_454 = arith.constant 0 : i32
      %swap3A_455 = arith.index_cast %swap3A_454 : i32 to index
      %swap3A_456 = arith.constant 400 : index
      %swap3A_457 = tpu.vector_load %arg8[%swap3A_455, %swap3A_456] {strides = array<i32>} : memref<2x1024xf32, #tpu.memory_space<vmem>>, vector<16xf32>,
      tpu.vector_store %arg8[%swap3A_455, %swap3A_456], %add3A_453 {strides = array<i32>} : memref<2x1024xf32, #tpu.memory_space<vmem>>, vector<16xf32>,
      %gather3A_458 = tpu.vector_load_idx %arg7[%broadcast_in_dim3A_442, %add3A_18, %broadcast_in_dim3A_445] : memref<12x64x128xf32, #tpu.memory_space<vmem>>[vector<16xi32>, vector<16xi32>, vector<16xi32>], vector<16xf32>,
      %add3A_459 = arith.addf %gather3A_458, %get3A_7 : vector<16xf32>
      %swap3A_460 = arith.constant 0 : i32
      %swap3A_461 = arith.index_cast %swap3A_460 : i32 to index
      %swap3A_462 = arith.constant 416 : index
      %swap3A_463 = tpu.vector_load %arg8[%swap3A_461, %swap3A_462] {strides = array<i32>} : memref<2x1024xf32, #tpu.memory_space<vmem>>, vector<16xf32>,
      tpu.vector_store %arg8[%swap3A_461, %swap3A_462], %add3A_459 {strides = array<i32>} : memref<2x1024xf32, #tpu.memory_space<vmem>>, vector<16xf32>,
      %gather3A_464 = tpu.vector_load_idx %arg7[%broadcast_in_dim3A_442, %add3A_21, %broadcast_in_dim3A_445] : memref<12x64x128xf32, #tpu.memory_space<vmem>>[vector<16xi32>, vector<16xi32>, vector<16xi32>], vector<16xf32>,
      %add3A_465 = arith.addf %gather3A_464, %get3A_9 : vector<16xf32>
      %swap3A_466 = arith.constant 0 : i32
      %swap3A_467 = arith.index_cast %swap3A_466 : i32 to index
      %swap3A_468 = arith.constant 432 : index
      %swap3A_469 = tpu.vector_load %arg8[%swap3A_467, %swap3A_468] {strides = array<i32>} : memref<2x1024xf32, #tpu.memory_space<vmem>>, vector<16xf32>,
      tpu.vector_store %arg8[%swap3A_467, %swap3A_468], %add3A_465 {strides = array<i32>} : memref<2x1024xf32, #tpu.memory_space<vmem>>, vector<16xf32>,
      %broadcast_in_dim3A_470 = vector.broadcast %rem3A_145 : i32 to vector<16xi32>
      %slice3A_471 = vector.extract_strided_slice %and3A_63 {offsets = [7], sizes = [1], strides = [1]} : vector<16xi32> to vector<1xi32>
      %squeeze3A_472 = vector.extract %slice3A_471[0] : i32 from vector<1xi32>
      %broadcast_in_dim3A_473 = vector.broadcast %squeeze3A_472 : i32 to vector<16xi32>
      %gather3A_474 = tpu.vector_load_idx %arg7[%broadcast_in_dim3A_470, %add3A_12, %broadcast_in_dim3A_473] : memref<12x64x128xf32, #tpu.memory_space<vmem>>[vector<16xi32>, vector<16xi32>, vector<16xi32>], vector<16xf32>,
      %add3A_475 = arith.addf %gather3A_474, %get3A_3 : vector<16xf32>
      %swap3A_476 = arith.constant 0 : i32
      %swap3A_477 = arith.index_cast %swap3A_476 : i32 to index
      %swap3A_478 = arith.constant 448 : index
      %swap3A_479 = tpu.vector_load %arg8[%swap3A_477, %swap3A_478] {strides = array<i32>} : memref<2x1024xf32, #tpu.memory_space<vmem>>, vector<16xf32>,
      tpu.vector_store %arg8[%swap3A_477, %swap3A_478], %add3A_475 {strides = array<i32>} : memref<2x1024xf32, #tpu.memory_space<vmem>>, vector<16xf32>,
      %gather3A_480 = tpu.vector_load_idx %arg7[%broadcast_in_dim3A_470, %add3A_15, %broadcast_in_dim3A_473] : memref<12x64x128xf32, #tpu.memory_space<vmem>>[vector<16xi32>, vector<16xi32>, vector<16xi32>], vector<16xf32>,
      %add3A_481 = arith.addf %gather3A_480, %get3A_5 : vector<16xf32>
      %swap3A_482 = arith.constant 0 : i32
      %swap3A_483 = arith.index_cast %swap3A_482 : i32 to index
      %swap3A_484 = arith.constant 464 : index
      %swap3A_485 = tpu.vector_load %arg8[%swap3A_483, %swap3A_484] {strides = array<i32>} : memref<2x1024xf32, #tpu.memory_space<vmem>>, vector<16xf32>,
      tpu.vector_store %arg8[%swap3A_483, %swap3A_484], %add3A_481 {strides = array<i32>} : memref<2x1024xf32, #tpu.memory_space<vmem>>, vector<16xf32>,
      %gather3A_486 = tpu.vector_load_idx %arg7[%broadcast_in_dim3A_470, %add3A_18, %broadcast_in_dim3A_473] : memref<12x64x128xf32, #tpu.memory_space<vmem>>[vector<16xi32>, vector<16xi32>, vector<16xi32>], vector<16xf32>,
      %add3A_487 = arith.addf %gather3A_486, %get3A_7 : vector<16xf32>
      %swap3A_488 = arith.constant 0 : i32
      %swap3A_489 = arith.index_cast %swap3A_488 : i32 to index
      %swap3A_490 = arith.constant 480 : index
      %swap3A_491 = tpu.vector_load %arg8[%swap3A_489, %swap3A_490] {strides = array<i32>} : memref<2x1024xf32, #tpu.memory_space<vmem>>, vector<16xf32>,
      tpu.vector_store %arg8[%swap3A_489, %swap3A_490], %add3A_487 {strides = array<i32>} : memref<2x1024xf32, #tpu.memory_space<vmem>>, vector<16xf32>,
      %gather3A_492 = tpu.vector_load_idx %arg7[%broadcast_in_dim3A_470, %add3A_21, %broadcast_in_dim3A_473] : memref<12x64x128xf32, #tpu.memory_space<vmem>>[vector<16xi32>, vector<16xi32>, vector<16xi32>], vector<16xf32>,
      %add3A_493 = arith.addf %gather3A_492, %get3A_9 : vector<16xf32>
      %swap3A_494 = arith.constant 0 : i32
      %swap3A_495 = arith.index_cast %swap3A_494 : i32 to index
      %swap3A_496 = arith.constant 496 : index
      %swap3A_497 = tpu.vector_load %arg8[%swap3A_495, %swap3A_496] {strides = array<i32>} : memref<2x1024xf32, #tpu.memory_space<vmem>>, vector<16xf32>,
      tpu.vector_store %arg8[%swap3A_495, %swap3A_496], %add3A_493 {strides = array<i32>} : memref<2x1024xf32, #tpu.memory_space<vmem>>, vector<16xf32>,
      %convert_element_type3A_498 = arith.extui %ne3A_146 : i1 to i32
      %cond3A_499 = arith.constant 0 : i32
      %cond3A_500 = arith.cmpi ne, %convert_element_type3A_498, %cond3A_499 : i32
      scf.if %cond3A_500 {
        %dma_wait3A_1480 = arith.constant 0 : i32
        %dma_wait3A_1481 = arith.constant 0 : i32
        %dma_wait3A_1482 = arith.constant 0 : i32
        %dma_wait3A_1483 = tpu.memref_slice %arg7[%dma_wait3A_1480, %dma_wait3A_1481, %dma_wait3A_1482] : memref<12x64x128xf32, #tpu.memory_space<vmem>> -> memref<1x64x128xf32, #tpu.memory_space<vmem>>
        %dma_wait3A_1484 = tpu.memref_squeeze %dma_wait3A_1483 : memref<1x64x128xf32, #tpu.memory_space<vmem>> -> memref<64x128xf32, #tpu.memory_space<vmem>>
        %dma_wait3A_1485 = arith.constant 0 : i32
        %dma_wait3A_1486 = arith.constant 0 : i32
        %dma_wait3A_1487 = tpu.memref_slice %arg3[%dma_wait3A_1485, %dma_wait3A_1486] : memref<64x1000000xf32, #tpu.memory_space<hbm>> -> memref<64x128xf32, #tpu.memory_space<hbm>>
        %dma_wait3A_1488 = arith.constant 0 : i32
        %dma_wait3A_1489 = arith.constant 0 : i32
        %dma_wait3A_1490 = tpu.memref_slice %arg7[%dma_wait3A_1480, %dma_wait3A_1488, %dma_wait3A_1489] : memref<12x64x128xf32, #tpu.memory_space<vmem>> -> memref<1x64x128xf32, #tpu.memory_space<vmem>>
        %dma_wait3A_1491 = tpu.memref_squeeze %dma_wait3A_1490 : memref<1x64x128xf32, #tpu.memory_space<vmem>> -> memref<64x128xf32, #tpu.memory_space<vmem>>
        %dma_wait3A_1492 = arith.constant 0 : i32
        %dma_wait3A_1493 = arith.constant 0 : i32
        %dma_wait3A_1494 = tpu.memref_slice %arg3[%dma_wait3A_1492, %dma_wait3A_1493] : memref<64x1000000xf32, #tpu.memory_space<hbm>> -> memref<64x128xf32, #tpu.memory_space<hbm>>
        tpu.wait_dma2 semaphore(%arg12 : memref<!tpu.dma_semaphore, #tpu.memory_space<semaphore_mem>>) src(%dma_wait3A_1494 : memref<64x128xf32, #tpu.memory_space<hbm>>) dst(%dma_wait3A_1491 : memref<64x128xf32, #tpu.memory_space<vmem>>)
      } else {
      }
      %convert_element_type3A_501 = arith.extui %ne3A_147 : i1 to i32
      %cond3A_502 = arith.constant 0 : i32
      %cond3A_503 = arith.cmpi ne, %convert_element_type3A_501, %cond3A_502 : i32
      scf.if %cond3A_503 {
        %dma_wait3A_1480 = arith.constant 0 : i32
        %dma_wait3A_1481 = arith.constant 0 : i32
        %dma_wait3A_1482 = arith.constant 0 : i32
        %dma_wait3A_1483 = tpu.memref_slice %arg7[%dma_wait3A_1480, %dma_wait3A_1481, %dma_wait3A_1482] : memref<12x64x128xf32, #tpu.memory_space<vmem>> -> memref<1x64x128xf32, #tpu.memory_space<vmem>>
        %dma_wait3A_1484 = tpu.memref_squeeze %dma_wait3A_1483 : memref<1x64x128xf32, #tpu.memory_space<vmem>> -> memref<64x128xf32, #tpu.memory_space<vmem>>
        %dma_wait3A_1485 = arith.constant 0 : i32
        %dma_wait3A_1486 = arith.constant 0 : i32
        %dma_wait3A_1487 = tpu.memref_slice %arg3[%dma_wait3A_1485, %dma_wait3A_1486] : memref<64x1000000xf32, #tpu.memory_space<hbm>> -> memref<64x128xf32, #tpu.memory_space<hbm>>
        %dma_wait3A_1488 = arith.constant 0 : i32
        %dma_wait3A_1489 = arith.constant 0 : i32
        %dma_wait3A_1490 = tpu.memref_slice %arg7[%dma_wait3A_1480, %dma_wait3A_1488, %dma_wait3A_1489] : memref<12x64x128xf32, #tpu.memory_space<vmem>> -> memref<1x64x128xf32, #tpu.memory_space<vmem>>
        %dma_wait3A_1491 = tpu.memref_squeeze %dma_wait3A_1490 : memref<1x64x128xf32, #tpu.memory_space<vmem>> -> memref<64x128xf32, #tpu.memory_space<vmem>>
        %dma_wait3A_1492 = arith.constant 0 : i32
        %dma_wait3A_1493 = arith.constant 0 : i32
        %dma_wait3A_1494 = tpu.memref_slice %arg3[%dma_wait3A_1492, %dma_wait3A_1493] : memref<64x1000000xf32, #tpu.memory_space<hbm>> -> memref<64x128xf32, #tpu.memory_space<hbm>>
        tpu.wait_dma2 semaphore(%arg12 : memref<!tpu.dma_semaphore, #tpu.memory_space<semaphore_mem>>) src(%dma_wait3A_1494 : memref<64x128xf32, #tpu.memory_space<hbm>>) dst(%dma_wait3A_1491 : memref<64x128xf32, #tpu.memory_space<vmem>>)
      } else {
      }
      %convert_element_type3A_504 = arith.extui %ne3A_148 : i1 to i32
      %cond3A_505 = arith.constant 0 : i32
      %cond3A_506 = arith.cmpi ne, %convert_element_type3A_504, %cond3A_505 : i32
      scf.if %cond3A_506 {
        %dma_wait3A_1480 = arith.constant 0 : i32
        %dma_wait3A_1481 = arith.constant 0 : i32
        %dma_wait3A_1482 = arith.constant 0 : i32
        %dma_wait3A_1483 = tpu.memref_slice %arg7[%dma_wait3A_1480, %dma_wait3A_1481, %dma_wait3A_1482] : memref<12x64x128xf32, #tpu.memory_space<vmem>> -> memref<1x64x128xf32, #tpu.memory_space<vmem>>
        %dma_wait3A_1484 = tpu.memref_squeeze %dma_wait3A_1483 : memref<1x64x128xf32, #tpu.memory_space<vmem>> -> memref<64x128xf32, #tpu.memory_space<vmem>>
        %dma_wait3A_1485 = arith.constant 0 : i32
        %dma_wait3A_1486 = arith.constant 0 : i32
        %dma_wait3A_1487 = tpu.memref_slice %arg3[%dma_wait3A_1485, %dma_wait3A_1486] : memref<64x1000000xf32, #tpu.memory_space<hbm>> -> memref<64x128xf32, #tpu.memory_space<hbm>>
        %dma_wait3A_1488 = arith.constant 0 : i32
        %dma_wait3A_1489 = arith.constant 0 : i32
        %dma_wait3A_1490 = tpu.memref_slice %arg7[%dma_wait3A_1480, %dma_wait3A_1488, %dma_wait3A_1489] : memref<12x64x128xf32, #tpu.memory_space<vmem>> -> memref<1x64x128xf32, #tpu.memory_space<vmem>>
        %dma_wait3A_1491 = tpu.memref_squeeze %dma_wait3A_1490 : memref<1x64x128xf32, #tpu.memory_space<vmem>> -> memref<64x128xf32, #tpu.memory_space<vmem>>
        %dma_wait3A_1492 = arith.constant 0 : i32
        %dma_wait3A_1493 = arith.constant 0 : i32
        %dma_wait3A_1494 = tpu.memref_slice %arg3[%dma_wait3A_1492, %dma_wait3A_1493] : memref<64x1000000xf32, #tpu.memory_space<hbm>> -> memref<64x128xf32, #tpu.memory_space<hbm>>
        tpu.wait_dma2 semaphore(%arg12 : memref<!tpu.dma_semaphore, #tpu.memory_space<semaphore_mem>>) src(%dma_wait3A_1494 : memref<64x128xf32, #tpu.memory_space<hbm>>) dst(%dma_wait3A_1491 : memref<64x128xf32, #tpu.memory_space<vmem>>)
      } else {
      }
      %convert_element_type3A_507 = arith.extui %ne3A_149 : i1 to i32
      %cond3A_508 = arith.constant 0 : i32
      %cond3A_509 = arith.cmpi ne, %convert_element_type3A_507, %cond3A_508 : i32
      scf.if %cond3A_509 {
        %dma_wait3A_1480 = arith.constant 0 : i32
        %dma_wait3A_1481 = arith.constant 0 : i32
        %dma_wait3A_1482 = arith.constant 0 : i32
        %dma_wait3A_1483 = tpu.memref_slice %arg7[%dma_wait3A_1480, %dma_wait3A_1481, %dma_wait3A_1482] : memref<12x64x128xf32, #tpu.memory_space<vmem>> -> memref<1x64x128xf32, #tpu.memory_space<vmem>>
        %dma_wait3A_1484 = tpu.memref_squeeze %dma_wait3A_1483 : memref<1x64x128xf32, #tpu.memory_space<vmem>> -> memref<64x128xf32, #tpu.memory_space<vmem>>
        %dma_wait3A_1485 = arith.constant 0 : i32
        %dma_wait3A_1486 = arith.constant 0 : i32
        %dma_wait3A_1487 = tpu.memref_slice %arg3[%dma_wait3A_1485, %dma_wait3A_1486] : memref<64x1000000xf32, #tpu.memory_space<hbm>> -> memref<64x128xf32, #tpu.memory_space<hbm>>
        %dma_wait3A_1488 = arith.constant 0 : i32
        %dma_wait3A_1489 = arith.constant 0 : i32
        %dma_wait3A_1490 = tpu.memref_slice %arg7[%dma_wait3A_1480, %dma_wait3A_1488, %dma_wait3A_1489] : memref<12x64x128xf32, #tpu.memory_space<vmem>> -> memref<1x64x128xf32, #tpu.memory_space<vmem>>
        %dma_wait3A_1491 = tpu.memref_squeeze %dma_wait3A_1490 : memref<1x64x128xf32, #tpu.memory_space<vmem>> -> memref<64x128xf32, #tpu.memory_space<vmem>>
        %dma_wait3A_1492 = arith.constant 0 : i32
        %dma_wait3A_1493 = arith.constant 0 : i32
        %dma_wait3A_1494 = tpu.memref_slice %arg3[%dma_wait3A_1492, %dma_wait3A_1493] : memref<64x1000000xf32, #tpu.memory_space<hbm>> -> memref<64x128xf32, #tpu.memory_space<hbm>>
        tpu.wait_dma2 semaphore(%arg12 : memref<!tpu.dma_semaphore, #tpu.memory_space<semaphore_mem>>) src(%dma_wait3A_1494 : memref<64x128xf32, #tpu.memory_space<hbm>>) dst(%dma_wait3A_1491 : memref<64x128xf32, #tpu.memory_space<vmem>>)
      } else {
      }
      %broadcast_in_dim3A_510 = vector.broadcast %rem3A_155 : i32 to vector<16xi32>
      %slice3A_511 = vector.extract_strided_slice %and3A_63 {offsets = [8], sizes = [1], strides = [1]} : vector<16xi32> to vector<1xi32>
      %squeeze3A_512 = vector.extract %slice3A_511[0] : i32 from vector<1xi32>
      %broadcast_in_dim3A_513 = vector.broadcast %squeeze3A_512 : i32 to vector<16xi32>
      %gather3A_514 = tpu.vector_load_idx %arg7[%broadcast_in_dim3A_510, %add3A_12, %broadcast_in_dim3A_513] : memref<12x64x128xf32, #tpu.memory_space<vmem>>[vector<16xi32>, vector<16xi32>, vector<16xi32>], vector<16xf32>,
      %add3A_515 = arith.addf %gather3A_514, %get3A_3 : vector<16xf32>
      %swap3A_516 = arith.constant 0 : i32
      %swap3A_517 = arith.index_cast %swap3A_516 : i32 to index
      %swap3A_518 = arith.constant 512 : index
      %swap3A_519 = tpu.vector_load %arg8[%swap3A_517, %swap3A_518] {strides = array<i32>} : memref<2x1024xf32, #tpu.memory_space<vmem>>, vector<16xf32>,
      tpu.vector_store %arg8[%swap3A_517, %swap3A_518], %add3A_515 {strides = array<i32>} : memref<2x1024xf32, #tpu.memory_space<vmem>>, vector<16xf32>,
      %gather3A_520 = tpu.vector_load_idx %arg7[%broadcast_in_dim3A_510, %add3A_15, %broadcast_in_dim3A_513] : memref<12x64x128xf32, #tpu.memory_space<vmem>>[vector<16xi32>, vector<16xi32>, vector<16xi32>], vector<16xf32>,
      %add3A_521 = arith.addf %gather3A_520, %get3A_5 : vector<16xf32>
      %swap3A_522 = arith.constant 0 : i32
      %swap3A_523 = arith.index_cast %swap3A_522 : i32 to index
      %swap3A_524 = arith.constant 528 : index
      %swap3A_525 = tpu.vector_load %arg8[%swap3A_523, %swap3A_524] {strides = array<i32>} : memref<2x1024xf32, #tpu.memory_space<vmem>>, vector<16xf32>,
      tpu.vector_store %arg8[%swap3A_523, %swap3A_524], %add3A_521 {strides = array<i32>} : memref<2x1024xf32, #tpu.memory_space<vmem>>, vector<16xf32>,
      %gather3A_526 = tpu.vector_load_idx %arg7[%broadcast_in_dim3A_510, %add3A_18, %broadcast_in_dim3A_513] : memref<12x64x128xf32, #tpu.memory_space<vmem>>[vector<16xi32>, vector<16xi32>, vector<16xi32>], vector<16xf32>,
      %add3A_527 = arith.addf %gather3A_526, %get3A_7 : vector<16xf32>
      %swap3A_528 = arith.constant 0 : i32
      %swap3A_529 = arith.index_cast %swap3A_528 : i32 to index
      %swap3A_530 = arith.constant 544 : index
      %swap3A_531 = tpu.vector_load %arg8[%swap3A_529, %swap3A_530] {strides = array<i32>} : memref<2x1024xf32, #tpu.memory_space<vmem>>, vector<16xf32>,
      tpu.vector_store %arg8[%swap3A_529, %swap3A_530], %add3A_527 {strides = array<i32>} : memref<2x1024xf32, #tpu.memory_space<vmem>>, vector<16xf32>,
      %gather3A_532 = tpu.vector_load_idx %arg7[%broadcast_in_dim3A_510, %add3A_21, %broadcast_in_dim3A_513] : memref<12x64x128xf32, #tpu.memory_space<vmem>>[vector<16xi32>, vector<16xi32>, vector<16xi32>], vector<16xf32>,
      %add3A_533 = arith.addf %gather3A_532, %get3A_9 : vector<16xf32>
      %swap3A_534 = arith.constant 0 : i32
      %swap3A_535 = arith.index_cast %swap3A_534 : i32 to index
      %swap3A_536 = arith.constant 560 : index
      %swap3A_537 = tpu.vector_load %arg8[%swap3A_535, %swap3A_536] {strides = array<i32>} : memref<2x1024xf32, #tpu.memory_space<vmem>>, vector<16xf32>,
      tpu.vector_store %arg8[%swap3A_535, %swap3A_536], %add3A_533 {strides = array<i32>} : memref<2x1024xf32, #tpu.memory_space<vmem>>, vector<16xf32>,
      %broadcast_in_dim3A_538 = vector.broadcast %rem3A_161 : i32 to vector<16xi32>
      %slice3A_539 = vector.extract_strided_slice %and3A_63 {offsets = [9], sizes = [1], strides = [1]} : vector<16xi32> to vector<1xi32>
      %squeeze3A_540 = vector.extract %slice3A_539[0] : i32 from vector<1xi32>
      %broadcast_in_dim3A_541 = vector.broadcast %squeeze3A_540 : i32 to vector<16xi32>
      %gather3A_542 = tpu.vector_load_idx %arg7[%broadcast_in_dim3A_538, %add3A_12, %broadcast_in_dim3A_541] : memref<12x64x128xf32, #tpu.memory_space<vmem>>[vector<16xi32>, vector<16xi32>, vector<16xi32>], vector<16xf32>,
      %add3A_543 = arith.addf %gather3A_542, %get3A_3 : vector<16xf32>
      %swap3A_544 = arith.constant 0 : i32
      %swap3A_545 = arith.index_cast %swap3A_544 : i32 to index
      %swap3A_546 = arith.constant 576 : index
      %swap3A_547 = tpu.vector_load %arg8[%swap3A_545, %swap3A_546] {strides = array<i32>} : memref<2x1024xf32, #tpu.memory_space<vmem>>, vector<16xf32>,
      tpu.vector_store %arg8[%swap3A_545, %swap3A_546], %add3A_543 {strides = array<i32>} : memref<2x1024xf32, #tpu.memory_space<vmem>>, vector<16xf32>,
      %gather3A_548 = tpu.vector_load_idx %arg7[%broadcast_in_dim3A_538, %add3A_15, %broadcast_in_dim3A_541] : memref<12x64x128xf32, #tpu.memory_space<vmem>>[vector<16xi32>, vector<16xi32>, vector<16xi32>], vector<16xf32>,
      %add3A_549 = arith.addf %gather3A_548, %get3A_5 : vector<16xf32>
      %swap3A_550 = arith.constant 0 : i32
      %swap3A_551 = arith.index_cast %swap3A_550 : i32 to index
      %swap3A_552 = arith.constant 592 : index
      %swap3A_553 = tpu.vector_load %arg8[%swap3A_551, %swap3A_552] {strides = array<i32>} : memref<2x1024xf32, #tpu.memory_space<vmem>>, vector<16xf32>,
      tpu.vector_store %arg8[%swap3A_551, %swap3A_552], %add3A_549 {strides = array<i32>} : memref<2x1024xf32, #tpu.memory_space<vmem>>, vector<16xf32>,
      %gather3A_554 = tpu.vector_load_idx %arg7[%broadcast_in_dim3A_538, %add3A_18, %broadcast_in_dim3A_541] : memref<12x64x128xf32, #tpu.memory_space<vmem>>[vector<16xi32>, vector<16xi32>, vector<16xi32>], vector<16xf32>,
      %add3A_555 = arith.addf %gather3A_554, %get3A_7 : vector<16xf32>
      %swap3A_556 = arith.constant 0 : i32
      %swap3A_557 = arith.index_cast %swap3A_556 : i32 to index
      %swap3A_558 = arith.constant 608 : index
      %swap3A_559 = tpu.vector_load %arg8[%swap3A_557, %swap3A_558] {strides = array<i32>} : memref<2x1024xf32, #tpu.memory_space<vmem>>, vector<16xf32>,
      tpu.vector_store %arg8[%swap3A_557, %swap3A_558], %add3A_555 {strides = array<i32>} : memref<2x1024xf32, #tpu.memory_space<vmem>>, vector<16xf32>,
      %gather3A_560 = tpu.vector_load_idx %arg7[%broadcast_in_dim3A_538, %add3A_21, %broadcast_in_dim3A_541] : memref<12x64x128xf32, #tpu.memory_space<vmem>>[vector<16xi32>, vector<16xi32>, vector<16xi32>], vector<16xf32>,
      %add3A_561 = arith.addf %gather3A_560, %get3A_9 : vector<16xf32>
      %swap3A_562 = arith.constant 0 : i32
      %swap3A_563 = arith.index_cast %swap3A_562 : i32 to index
      %swap3A_564 = arith.constant 624 : index
      %swap3A_565 = tpu.vector_load %arg8[%swap3A_563, %swap3A_564] {strides = array<i32>} : memref<2x1024xf32, #tpu.memory_space<vmem>>, vector<16xf32>,
      tpu.vector_store %arg8[%swap3A_563, %swap3A_564], %add3A_561 {strides = array<i32>} : memref<2x1024xf32, #tpu.memory_space<vmem>>, vector<16xf32>,
      %broadcast_in_dim3A_566 = vector.broadcast %rem3A_167 : i32 to vector<16xi32>
      %slice3A_567 = vector.extract_strided_slice %and3A_63 {offsets = [10], sizes = [1], strides = [1]} : vector<16xi32> to vector<1xi32>
      %squeeze3A_568 = vector.extract %slice3A_567[0] : i32 from vector<1xi32>
      %broadcast_in_dim3A_569 = vector.broadcast %squeeze3A_568 : i32 to vector<16xi32>
      %gather3A_570 = tpu.vector_load_idx %arg7[%broadcast_in_dim3A_566, %add3A_12, %broadcast_in_dim3A_569] : memref<12x64x128xf32, #tpu.memory_space<vmem>>[vector<16xi32>, vector<16xi32>, vector<16xi32>], vector<16xf32>,
      %add3A_571 = arith.addf %gather3A_570, %get3A_3 : vector<16xf32>
      %swap3A_572 = arith.constant 0 : i32
      %swap3A_573 = arith.index_cast %swap3A_572 : i32 to index
      %swap3A_574 = arith.constant 640 : index
      %swap3A_575 = tpu.vector_load %arg8[%swap3A_573, %swap3A_574] {strides = array<i32>} : memref<2x1024xf32, #tpu.memory_space<vmem>>, vector<16xf32>,
      tpu.vector_store %arg8[%swap3A_573, %swap3A_574], %add3A_571 {strides = array<i32>} : memref<2x1024xf32, #tpu.memory_space<vmem>>, vector<16xf32>,
      %gather3A_576 = tpu.vector_load_idx %arg7[%broadcast_in_dim3A_566, %add3A_15, %broadcast_in_dim3A_569] : memref<12x64x128xf32, #tpu.memory_space<vmem>>[vector<16xi32>, vector<16xi32>, vector<16xi32>], vector<16xf32>,
      %add3A_577 = arith.addf %gather3A_576, %get3A_5 : vector<16xf32>
      %swap3A_578 = arith.constant 0 : i32
      %swap3A_579 = arith.index_cast %swap3A_578 : i32 to index
      %swap3A_580 = arith.constant 656 : index
      %swap3A_581 = tpu.vector_load %arg8[%swap3A_579, %swap3A_580] {strides = array<i32>} : memref<2x1024xf32, #tpu.memory_space<vmem>>, vector<16xf32>,
      tpu.vector_store %arg8[%swap3A_579, %swap3A_580], %add3A_577 {strides = array<i32>} : memref<2x1024xf32, #tpu.memory_space<vmem>>, vector<16xf32>,
      %gather3A_582 = tpu.vector_load_idx %arg7[%broadcast_in_dim3A_566, %add3A_18, %broadcast_in_dim3A_569] : memref<12x64x128xf32, #tpu.memory_space<vmem>>[vector<16xi32>, vector<16xi32>, vector<16xi32>], vector<16xf32>,
      %add3A_583 = arith.addf %gather3A_582, %get3A_7 : vector<16xf32>
      %swap3A_584 = arith.constant 0 : i32
      %swap3A_585 = arith.index_cast %swap3A_584 : i32 to index
      %swap3A_586 = arith.constant 672 : index
      %swap3A_587 = tpu.vector_load %arg8[%swap3A_585, %swap3A_586] {strides = array<i32>} : memref<2x1024xf32, #tpu.memory_space<vmem>>, vector<16xf32>,
      tpu.vector_store %arg8[%swap3A_585, %swap3A_586], %add3A_583 {strides = array<i32>} : memref<2x1024xf32, #tpu.memory_space<vmem>>, vector<16xf32>,
      %gather3A_588 = tpu.vector_load_idx %arg7[%broadcast_in_dim3A_566, %add3A_21, %broadcast_in_dim3A_569] : memref<12x64x128xf32, #tpu.memory_space<vmem>>[vector<16xi32>, vector<16xi32>, vector<16xi32>], vector<16xf32>,
      %add3A_589 = arith.addf %gather3A_588, %get3A_9 : vector<16xf32>
      %swap3A_590 = arith.constant 0 : i32
      %swap3A_591 = arith.index_cast %swap3A_590 : i32 to index
      %swap3A_592 = arith.constant 688 : index
      %swap3A_593 = tpu.vector_load %arg8[%swap3A_591, %swap3A_592] {strides = array<i32>} : memref<2x1024xf32, #tpu.memory_space<vmem>>, vector<16xf32>,
      tpu.vector_store %arg8[%swap3A_591, %swap3A_592], %add3A_589 {strides = array<i32>} : memref<2x1024xf32, #tpu.memory_space<vmem>>, vector<16xf32>,
      %broadcast_in_dim3A_594 = vector.broadcast %rem3A_173 : i32 to vector<16xi32>
      %slice3A_595 = vector.extract_strided_slice %and3A_63 {offsets = [11], sizes = [1], strides = [1]} : vector<16xi32> to vector<1xi32>
      %squeeze3A_596 = vector.extract %slice3A_595[0] : i32 from vector<1xi32>
      %broadcast_in_dim3A_597 = vector.broadcast %squeeze3A_596 : i32 to vector<16xi32>
      %gather3A_598 = tpu.vector_load_idx %arg7[%broadcast_in_dim3A_594, %add3A_12, %broadcast_in_dim3A_597] : memref<12x64x128xf32, #tpu.memory_space<vmem>>[vector<16xi32>, vector<16xi32>, vector<16xi32>], vector<16xf32>,
      %add3A_599 = arith.addf %gather3A_598, %get3A_3 : vector<16xf32>
      %swap3A_600 = arith.constant 0 : i32
      %swap3A_601 = arith.index_cast %swap3A_600 : i32 to index
      %swap3A_602 = arith.constant 704 : index
      %swap3A_603 = tpu.vector_load %arg8[%swap3A_601, %swap3A_602] {strides = array<i32>} : memref<2x1024xf32, #tpu.memory_space<vmem>>, vector<16xf32>,
      tpu.vector_store %arg8[%swap3A_601, %swap3A_602], %add3A_599 {strides = array<i32>} : memref<2x1024xf32, #tpu.memory_space<vmem>>, vector<16xf32>,
      %gather3A_604 = tpu.vector_load_idx %arg7[%broadcast_in_dim3A_594, %add3A_15, %broadcast_in_dim3A_597] : memref<12x64x128xf32, #tpu.memory_space<vmem>>[vector<16xi32>, vector<16xi32>, vector<16xi32>], vector<16xf32>,
      %add3A_605 = arith.addf %gather3A_604, %get3A_5 : vector<16xf32>
      %swap3A_606 = arith.constant 0 : i32
      %swap3A_607 = arith.index_cast %swap3A_606 : i32 to index
      %swap3A_608 = arith.constant 720 : index
      %swap3A_609 = tpu.vector_load %arg8[%swap3A_607, %swap3A_608] {strides = array<i32>} : memref<2x1024xf32, #tpu.memory_space<vmem>>, vector<16xf32>,
      tpu.vector_store %arg8[%swap3A_607, %swap3A_608], %add3A_605 {strides = array<i32>} : memref<2x1024xf32, #tpu.memory_space<vmem>>, vector<16xf32>,
      %gather3A_610 = tpu.vector_load_idx %arg7[%broadcast_in_dim3A_594, %add3A_18, %broadcast_in_dim3A_597] : memref<12x64x128xf32, #tpu.memory_space<vmem>>[vector<16xi32>, vector<16xi32>, vector<16xi32>], vector<16xf32>,
      %add3A_611 = arith.addf %gather3A_610, %get3A_7 : vector<16xf32>
      %swap3A_612 = arith.constant 0 : i32
      %swap3A_613 = arith.index_cast %swap3A_612 : i32 to index
      %swap3A_614 = arith.constant 736 : index
      %swap3A_615 = tpu.vector_load %arg8[%swap3A_613, %swap3A_614] {strides = array<i32>} : memref<2x1024xf32, #tpu.memory_space<vmem>>, vector<16xf32>,
      tpu.vector_store %arg8[%swap3A_613, %swap3A_614], %add3A_611 {strides = array<i32>} : memref<2x1024xf32, #tpu.memory_space<vmem>>, vector<16xf32>,
      %gather3A_616 = tpu.vector_load_idx %arg7[%broadcast_in_dim3A_594, %add3A_21, %broadcast_in_dim3A_597] : memref<12x64x128xf32, #tpu.memory_space<vmem>>[vector<16xi32>, vector<16xi32>, vector<16xi32>], vector<16xf32>,
      %add3A_617 = arith.addf %gather3A_616, %get3A_9 : vector<16xf32>
      %swap3A_618 = arith.constant 0 : i32
      %swap3A_619 = arith.index_cast %swap3A_618 : i32 to index
      %swap3A_620 = arith.constant 752 : index
      %swap3A_621 = tpu.vector_load %arg8[%swap3A_619, %swap3A_620] {strides = array<i32>} : memref<2x1024xf32, #tpu.memory_space<vmem>>, vector<16xf32>,
      tpu.vector_store %arg8[%swap3A_619, %swap3A_620], %add3A_617 {strides = array<i32>} : memref<2x1024xf32, #tpu.memory_space<vmem>>, vector<16xf32>,
      %convert_element_type3A_622 = arith.extui %ne3A_174 : i1 to i32
      %cond3A_623 = arith.constant 0 : i32
      %cond3A_624 = arith.cmpi ne, %convert_element_type3A_622, %cond3A_623 : i32
      scf.if %cond3A_624 {
        %dma_wait3A_1480 = arith.constant 0 : i32
        %dma_wait3A_1481 = arith.constant 0 : i32
        %dma_wait3A_1482 = arith.constant 0 : i32
        %dma_wait3A_1483 = tpu.memref_slice %arg7[%dma_wait3A_1480, %dma_wait3A_1481, %dma_wait3A_1482] : memref<12x64x128xf32, #tpu.memory_space<vmem>> -> memref<1x64x128xf32, #tpu.memory_space<vmem>>
        %dma_wait3A_1484 = tpu.memref_squeeze %dma_wait3A_1483 : memref<1x64x128xf32, #tpu.memory_space<vmem>> -> memref<64x128xf32, #tpu.memory_space<vmem>>
        %dma_wait3A_1485 = arith.constant 0 : i32
        %dma_wait3A_1486 = arith.constant 0 : i32
        %dma_wait3A_1487 = tpu.memref_slice %arg3[%dma_wait3A_1485, %dma_wait3A_1486] : memref<64x1000000xf32, #tpu.memory_space<hbm>> -> memref<64x128xf32, #tpu.memory_space<hbm>>
        %dma_wait3A_1488 = arith.constant 0 : i32
        %dma_wait3A_1489 = arith.constant 0 : i32
        %dma_wait3A_1490 = tpu.memref_slice %arg7[%dma_wait3A_1480, %dma_wait3A_1488, %dma_wait3A_1489] : memref<12x64x128xf32, #tpu.memory_space<vmem>> -> memref<1x64x128xf32, #tpu.memory_space<vmem>>
        %dma_wait3A_1491 = tpu.memref_squeeze %dma_wait3A_1490 : memref<1x64x128xf32, #tpu.memory_space<vmem>> -> memref<64x128xf32, #tpu.memory_space<vmem>>
        %dma_wait3A_1492 = arith.constant 0 : i32
        %dma_wait3A_1493 = arith.constant 0 : i32
        %dma_wait3A_1494 = tpu.memref_slice %arg3[%dma_wait3A_1492, %dma_wait3A_1493] : memref<64x1000000xf32, #tpu.memory_space<hbm>> -> memref<64x128xf32, #tpu.memory_space<hbm>>
        tpu.wait_dma2 semaphore(%arg10 : memref<!tpu.dma_semaphore, #tpu.memory_space<semaphore_mem>>) src(%dma_wait3A_1494 : memref<64x128xf32, #tpu.memory_space<hbm>>) dst(%dma_wait3A_1491 : memref<64x128xf32, #tpu.memory_space<vmem>>)
      } else {
      }
      %convert_element_type3A_625 = arith.extui %ne3A_175 : i1 to i32
      %cond3A_626 = arith.constant 0 : i32
      %cond3A_627 = arith.cmpi ne, %convert_element_type3A_625, %cond3A_626 : i32
      scf.if %cond3A_627 {
        %dma_wait3A_1480 = arith.constant 0 : i32
        %dma_wait3A_1481 = arith.constant 0 : i32
        %dma_wait3A_1482 = arith.constant 0 : i32
        %dma_wait3A_1483 = tpu.memref_slice %arg7[%dma_wait3A_1480, %dma_wait3A_1481, %dma_wait3A_1482] : memref<12x64x128xf32, #tpu.memory_space<vmem>> -> memref<1x64x128xf32, #tpu.memory_space<vmem>>
        %dma_wait3A_1484 = tpu.memref_squeeze %dma_wait3A_1483 : memref<1x64x128xf32, #tpu.memory_space<vmem>> -> memref<64x128xf32, #tpu.memory_space<vmem>>
        %dma_wait3A_1485 = arith.constant 0 : i32
        %dma_wait3A_1486 = arith.constant 0 : i32
        %dma_wait3A_1487 = tpu.memref_slice %arg3[%dma_wait3A_1485, %dma_wait3A_1486] : memref<64x1000000xf32, #tpu.memory_space<hbm>> -> memref<64x128xf32, #tpu.memory_space<hbm>>
        %dma_wait3A_1488 = arith.constant 0 : i32
        %dma_wait3A_1489 = arith.constant 0 : i32
        %dma_wait3A_1490 = tpu.memref_slice %arg7[%dma_wait3A_1480, %dma_wait3A_1488, %dma_wait3A_1489] : memref<12x64x128xf32, #tpu.memory_space<vmem>> -> memref<1x64x128xf32, #tpu.memory_space<vmem>>
        %dma_wait3A_1491 = tpu.memref_squeeze %dma_wait3A_1490 : memref<1x64x128xf32, #tpu.memory_space<vmem>> -> memref<64x128xf32, #tpu.memory_space<vmem>>
        %dma_wait3A_1492 = arith.constant 0 : i32
        %dma_wait3A_1493 = arith.constant 0 : i32
        %dma_wait3A_1494 = tpu.memref_slice %arg3[%dma_wait3A_1492, %dma_wait3A_1493] : memref<64x1000000xf32, #tpu.memory_space<hbm>> -> memref<64x128xf32, #tpu.memory_space<hbm>>
        tpu.wait_dma2 semaphore(%arg10 : memref<!tpu.dma_semaphore, #tpu.memory_space<semaphore_mem>>) src(%dma_wait3A_1494 : memref<64x128xf32, #tpu.memory_space<hbm>>) dst(%dma_wait3A_1491 : memref<64x128xf32, #tpu.memory_space<vmem>>)
      } else {
      }
      %convert_element_type3A_628 = arith.extui %ne3A_176 : i1 to i32
      %cond3A_629 = arith.constant 0 : i32
      %cond3A_630 = arith.cmpi ne, %convert_element_type3A_628, %cond3A_629 : i32
      scf.if %cond3A_630 {
        %dma_wait3A_1480 = arith.constant 0 : i32
        %dma_wait3A_1481 = arith.constant 0 : i32
        %dma_wait3A_1482 = arith.constant 0 : i32
        %dma_wait3A_1483 = tpu.memref_slice %arg7[%dma_wait3A_1480, %dma_wait3A_1481, %dma_wait3A_1482] : memref<12x64x128xf32, #tpu.memory_space<vmem>> -> memref<1x64x128xf32, #tpu.memory_space<vmem>>
        %dma_wait3A_1484 = tpu.memref_squeeze %dma_wait3A_1483 : memref<1x64x128xf32, #tpu.memory_space<vmem>> -> memref<64x128xf32, #tpu.memory_space<vmem>>
        %dma_wait3A_1485 = arith.constant 0 : i32
        %dma_wait3A_1486 = arith.constant 0 : i32
        %dma_wait3A_1487 = tpu.memref_slice %arg3[%dma_wait3A_1485, %dma_wait3A_1486] : memref<64x1000000xf32, #tpu.memory_space<hbm>> -> memref<64x128xf32, #tpu.memory_space<hbm>>
        %dma_wait3A_1488 = arith.constant 0 : i32
        %dma_wait3A_1489 = arith.constant 0 : i32
        %dma_wait3A_1490 = tpu.memref_slice %arg7[%dma_wait3A_1480, %dma_wait3A_1488, %dma_wait3A_1489] : memref<12x64x128xf32, #tpu.memory_space<vmem>> -> memref<1x64x128xf32, #tpu.memory_space<vmem>>
        %dma_wait3A_1491 = tpu.memref_squeeze %dma_wait3A_1490 : memref<1x64x128xf32, #tpu.memory_space<vmem>> -> memref<64x128xf32, #tpu.memory_space<vmem>>
        %dma_wait3A_1492 = arith.constant 0 : i32
        %dma_wait3A_1493 = arith.constant 0 : i32
        %dma_wait3A_1494 = tpu.memref_slice %arg3[%dma_wait3A_1492, %dma_wait3A_1493] : memref<64x1000000xf32, #tpu.memory_space<hbm>> -> memref<64x128xf32, #tpu.memory_space<hbm>>
        tpu.wait_dma2 semaphore(%arg10 : memref<!tpu.dma_semaphore, #tpu.memory_space<semaphore_mem>>) src(%dma_wait3A_1494 : memref<64x128xf32, #tpu.memory_space<hbm>>) dst(%dma_wait3A_1491 : memref<64x128xf32, #tpu.memory_space<vmem>>)
      } else {
      }
      %convert_element_type3A_631 = arith.extui %ne3A_177 : i1 to i32
      %cond3A_632 = arith.constant 0 : i32
      %cond3A_633 = arith.cmpi ne, %convert_element_type3A_631, %cond3A_632 : i32
      scf.if %cond3A_633 {
        %dma_wait3A_1480 = arith.constant 0 : i32
        %dma_wait3A_1481 = arith.constant 0 : i32
        %dma_wait3A_1482 = arith.constant 0 : i32
        %dma_wait3A_1483 = tpu.memref_slice %arg7[%dma_wait3A_1480, %dma_wait3A_1481, %dma_wait3A_1482] : memref<12x64x128xf32, #tpu.memory_space<vmem>> -> memref<1x64x128xf32, #tpu.memory_space<vmem>>
        %dma_wait3A_1484 = tpu.memref_squeeze %dma_wait3A_1483 : memref<1x64x128xf32, #tpu.memory_space<vmem>> -> memref<64x128xf32, #tpu.memory_space<vmem>>
        %dma_wait3A_1485 = arith.constant 0 : i32
        %dma_wait3A_1486 = arith.constant 0 : i32
        %dma_wait3A_1487 = tpu.memref_slice %arg3[%dma_wait3A_1485, %dma_wait3A_1486] : memref<64x1000000xf32, #tpu.memory_space<hbm>> -> memref<64x128xf32, #tpu.memory_space<hbm>>
        %dma_wait3A_1488 = arith.constant 0 : i32
        %dma_wait3A_1489 = arith.constant 0 : i32
        %dma_wait3A_1490 = tpu.memref_slice %arg7[%dma_wait3A_1480, %dma_wait3A_1488, %dma_wait3A_1489] : memref<12x64x128xf32, #tpu.memory_space<vmem>> -> memref<1x64x128xf32, #tpu.memory_space<vmem>>
        %dma_wait3A_1491 = tpu.memref_squeeze %dma_wait3A_1490 : memref<1x64x128xf32, #tpu.memory_space<vmem>> -> memref<64x128xf32, #tpu.memory_space<vmem>>
        %dma_wait3A_1492 = arith.constant 0 : i32
        %dma_wait3A_1493 = arith.constant 0 : i32
        %dma_wait3A_1494 = tpu.memref_slice %arg3[%dma_wait3A_1492, %dma_wait3A_1493] : memref<64x1000000xf32, #tpu.memory_space<hbm>> -> memref<64x128xf32, #tpu.memory_space<hbm>>
        tpu.wait_dma2 semaphore(%arg10 : memref<!tpu.dma_semaphore, #tpu.memory_space<semaphore_mem>>) src(%dma_wait3A_1494 : memref<64x128xf32, #tpu.memory_space<hbm>>) dst(%dma_wait3A_1491 : memref<64x128xf32, #tpu.memory_space<vmem>>)
      } else {
      }
      %broadcast_in_dim3A_634 = vector.broadcast %rem3A_183 : i32 to vector<16xi32>
      %slice3A_635 = vector.extract_strided_slice %and3A_63 {offsets = [12], sizes = [1], strides = [1]} : vector<16xi32> to vector<1xi32>
      %squeeze3A_636 = vector.extract %slice3A_635[0] : i32 from vector<1xi32>
      %broadcast_in_dim3A_637 = vector.broadcast %squeeze3A_636 : i32 to vector<16xi32>
      %gather3A_638 = tpu.vector_load_idx %arg7[%broadcast_in_dim3A_634, %add3A_12, %broadcast_in_dim3A_637] : memref<12x64x128xf32, #tpu.memory_space<vmem>>[vector<16xi32>, vector<16xi32>, vector<16xi32>], vector<16xf32>,
      %add3A_639 = arith.addf %gather3A_638, %get3A_3 : vector<16xf32>
      %swap3A_640 = arith.constant 0 : i32
      %swap3A_641 = arith.index_cast %swap3A_640 : i32 to index
      %swap3A_642 = arith.constant 768 : index
      %swap3A_643 = tpu.vector_load %arg8[%swap3A_641, %swap3A_642] {strides = array<i32>} : memref<2x1024xf32, #tpu.memory_space<vmem>>, vector<16xf32>,
      tpu.vector_store %arg8[%swap3A_641, %swap3A_642], %add3A_639 {strides = array<i32>} : memref<2x1024xf32, #tpu.memory_space<vmem>>, vector<16xf32>,
      %gather3A_644 = tpu.vector_load_idx %arg7[%broadcast_in_dim3A_634, %add3A_15, %broadcast_in_dim3A_637] : memref<12x64x128xf32, #tpu.memory_space<vmem>>[vector<16xi32>, vector<16xi32>, vector<16xi32>], vector<16xf32>,
      %add3A_645 = arith.addf %gather3A_644, %get3A_5 : vector<16xf32>
      %swap3A_646 = arith.constant 0 : i32
      %swap3A_647 = arith.index_cast %swap3A_646 : i32 to index
      %swap3A_648 = arith.constant 784 : index
      %swap3A_649 = tpu.vector_load %arg8[%swap3A_647, %swap3A_648] {strides = array<i32>} : memref<2x1024xf32, #tpu.memory_space<vmem>>, vector<16xf32>,
      tpu.vector_store %arg8[%swap3A_647, %swap3A_648], %add3A_645 {strides = array<i32>} : memref<2x1024xf32, #tpu.memory_space<vmem>>, vector<16xf32>,
      %gather3A_650 = tpu.vector_load_idx %arg7[%broadcast_in_dim3A_634, %add3A_18, %broadcast_in_dim3A_637] : memref<12x64x128xf32, #tpu.memory_space<vmem>>[vector<16xi32>, vector<16xi32>, vector<16xi32>], vector<16xf32>,
      %add3A_651 = arith.addf %gather3A_650, %get3A_7 : vector<16xf32>
      %swap3A_652 = arith.constant 0 : i32
      %swap3A_653 = arith.index_cast %swap3A_652 : i32 to index
      %swap3A_654 = arith.constant 800 : index
      %swap3A_655 = tpu.vector_load %arg8[%swap3A_653, %swap3A_654] {strides = array<i32>} : memref<2x1024xf32, #tpu.memory_space<vmem>>, vector<16xf32>,
      tpu.vector_store %arg8[%swap3A_653, %swap3A_654], %add3A_651 {strides = array<i32>} : memref<2x1024xf32, #tpu.memory_space<vmem>>, vector<16xf32>,
      %gather3A_656 = tpu.vector_load_idx %arg7[%broadcast_in_dim3A_634, %add3A_21, %broadcast_in_dim3A_637] : memref<12x64x128xf32, #tpu.memory_space<vmem>>[vector<16xi32>, vector<16xi32>, vector<16xi32>], vector<16xf32>,
      %add3A_657 = arith.addf %gather3A_656, %get3A_9 : vector<16xf32>
      %swap3A_658 = arith.constant 0 : i32
      %swap3A_659 = arith.index_cast %swap3A_658 : i32 to index
      %swap3A_660 = arith.constant 816 : index
      %swap3A_661 = tpu.vector_load %arg8[%swap3A_659, %swap3A_660] {strides = array<i32>} : memref<2x1024xf32, #tpu.memory_space<vmem>>, vector<16xf32>,
      tpu.vector_store %arg8[%swap3A_659, %swap3A_660], %add3A_657 {strides = array<i32>} : memref<2x1024xf32, #tpu.memory_space<vmem>>, vector<16xf32>,
      %broadcast_in_dim3A_662 = vector.broadcast %rem3A_189 : i32 to vector<16xi32>
      %slice3A_663 = vector.extract_strided_slice %and3A_63 {offsets = [13], sizes = [1], strides = [1]} : vector<16xi32> to vector<1xi32>
      %squeeze3A_664 = vector.extract %slice3A_663[0] : i32 from vector<1xi32>
      %broadcast_in_dim3A_665 = vector.broadcast %squeeze3A_664 : i32 to vector<16xi32>
      %gather3A_666 = tpu.vector_load_idx %arg7[%broadcast_in_dim3A_662, %add3A_12, %broadcast_in_dim3A_665] : memref<12x64x128xf32, #tpu.memory_space<vmem>>[vector<16xi32>, vector<16xi32>, vector<16xi32>], vector<16xf32>,
      %add3A_667 = arith.addf %gather3A_666, %get3A_3 : vector<16xf32>
      %swap3A_668 = arith.constant 0 : i32
      %swap3A_669 = arith.index_cast %swap3A_668 : i32 to index
      %swap3A_670 = arith.constant 832 : index
      %swap3A_671 = tpu.vector_load %arg8[%swap3A_669, %swap3A_670] {strides = array<i32>} : memref<2x1024xf32, #tpu.memory_space<vmem>>, vector<16xf32>,
      tpu.vector_store %arg8[%swap3A_669, %swap3A_670], %add3A_667 {strides = array<i32>} : memref<2x1024xf32, #tpu.memory_space<vmem>>, vector<16xf32>,
      %gather3A_672 = tpu.vector_load_idx %arg7[%broadcast_in_dim3A_662, %add3A_15, %broadcast_in_dim3A_665] : memref<12x64x128xf32, #tpu.memory_space<vmem>>[vector<16xi32>, vector<16xi32>, vector<16xi32>], vector<16xf32>,
      %add3A_673 = arith.addf %gather3A_672, %get3A_5 : vector<16xf32>
      %swap3A_674 = arith.constant 0 : i32
      %swap3A_675 = arith.index_cast %swap3A_674 : i32 to index
      %swap3A_676 = arith.constant 848 : index
      %swap3A_677 = tpu.vector_load %arg8[%swap3A_675, %swap3A_676] {strides = array<i32>} : memref<2x1024xf32, #tpu.memory_space<vmem>>, vector<16xf32>,
      tpu.vector_store %arg8[%swap3A_675, %swap3A_676], %add3A_673 {strides = array<i32>} : memref<2x1024xf32, #tpu.memory_space<vmem>>, vector<16xf32>,
      %gather3A_678 = tpu.vector_load_idx %arg7[%broadcast_in_dim3A_662, %add3A_18, %broadcast_in_dim3A_665] : memref<12x64x128xf32, #tpu.memory_space<vmem>>[vector<16xi32>, vector<16xi32>, vector<16xi32>], vector<16xf32>,
      %add3A_679 = arith.addf %gather3A_678, %get3A_7 : vector<16xf32>
      %swap3A_680 = arith.constant 0 : i32
      %swap3A_681 = arith.index_cast %swap3A_680 : i32 to index
      %swap3A_682 = arith.constant 864 : index
      %swap3A_683 = tpu.vector_load %arg8[%swap3A_681, %swap3A_682] {strides = array<i32>} : memref<2x1024xf32, #tpu.memory_space<vmem>>, vector<16xf32>,
      tpu.vector_store %arg8[%swap3A_681, %swap3A_682], %add3A_679 {strides = array<i32>} : memref<2x1024xf32, #tpu.memory_space<vmem>>, vector<16xf32>,
      %gather3A_684 = tpu.vector_load_idx %arg7[%broadcast_in_dim3A_662, %add3A_21, %broadcast_in_dim3A_665] : memref<12x64x128xf32, #tpu.memory_space<vmem>>[vector<16xi32>, vector<16xi32>, vector<16xi32>], vector<16xf32>,
      %add3A_685 = arith.addf %gather3A_684, %get3A_9 : vector<16xf32>
      %swap3A_686 = arith.constant 0 : i32
      %swap3A_687 = arith.index_cast %swap3A_686 : i32 to index
      %swap3A_688 = arith.constant 880 : index
      %swap3A_689 = tpu.vector_load %arg8[%swap3A_687, %swap3A_688] {strides = array<i32>} : memref<2x1024xf32, #tpu.memory_space<vmem>>, vector<16xf32>,
      tpu.vector_store %arg8[%swap3A_687, %swap3A_688], %add3A_685 {strides = array<i32>} : memref<2x1024xf32, #tpu.memory_space<vmem>>, vector<16xf32>,
      %broadcast_in_dim3A_690 = vector.broadcast %rem3A_195 : i32 to vector<16xi32>
      %slice3A_691 = vector.extract_strided_slice %and3A_63 {offsets = [14], sizes = [1], strides = [1]} : vector<16xi32> to vector<1xi32>
      %squeeze3A_692 = vector.extract %slice3A_691[0] : i32 from vector<1xi32>
      %broadcast_in_dim3A_693 = vector.broadcast %squeeze3A_692 : i32 to vector<16xi32>
      %gather3A_694 = tpu.vector_load_idx %arg7[%broadcast_in_dim3A_690, %add3A_12, %broadcast_in_dim3A_693] : memref<12x64x128xf32, #tpu.memory_space<vmem>>[vector<16xi32>, vector<16xi32>, vector<16xi32>], vector<16xf32>,
      %add3A_695 = arith.addf %gather3A_694, %get3A_3 : vector<16xf32>
      %swap3A_696 = arith.constant 0 : i32
      %swap3A_697 = arith.index_cast %swap3A_696 : i32 to index
      %swap3A_698 = arith.constant 896 : index
      %swap3A_699 = tpu.vector_load %arg8[%swap3A_697, %swap3A_698] {strides = array<i32>} : memref<2x1024xf32, #tpu.memory_space<vmem>>, vector<16xf32>,
      tpu.vector_store %arg8[%swap3A_697, %swap3A_698], %add3A_695 {strides = array<i32>} : memref<2x1024xf32, #tpu.memory_space<vmem>>, vector<16xf32>,
      %gather3A_700 = tpu.vector_load_idx %arg7[%broadcast_in_dim3A_690, %add3A_15, %broadcast_in_dim3A_693] : memref<12x64x128xf32, #tpu.memory_space<vmem>>[vector<16xi32>, vector<16xi32>, vector<16xi32>], vector<16xf32>,
      %add3A_701 = arith.addf %gather3A_700, %get3A_5 : vector<16xf32>
      %swap3A_702 = arith.constant 0 : i32
      %swap3A_703 = arith.index_cast %swap3A_702 : i32 to index
      %swap3A_704 = arith.constant 912 : index
      %swap3A_705 = tpu.vector_load %arg8[%swap3A_703, %swap3A_704] {strides = array<i32>} : memref<2x1024xf32, #tpu.memory_space<vmem>>, vector<16xf32>,
      tpu.vector_store %arg8[%swap3A_703, %swap3A_704], %add3A_701 {strides = array<i32>} : memref<2x1024xf32, #tpu.memory_space<vmem>>, vector<16xf32>,
      %gather3A_706 = tpu.vector_load_idx %arg7[%broadcast_in_dim3A_690, %add3A_18, %broadcast_in_dim3A_693] : memref<12x64x128xf32, #tpu.memory_space<vmem>>[vector<16xi32>, vector<16xi32>, vector<16xi32>], vector<16xf32>,
      %add3A_707 = arith.addf %gather3A_706, %get3A_7 : vector<16xf32>
      %swap3A_708 = arith.constant 0 : i32
      %swap3A_709 = arith.index_cast %swap3A_708 : i32 to index
      %swap3A_710 = arith.constant 928 : index
      %swap3A_711 = tpu.vector_load %arg8[%swap3A_709, %swap3A_710] {strides = array<i32>} : memref<2x1024xf32, #tpu.memory_space<vmem>>, vector<16xf32>,
      tpu.vector_store %arg8[%swap3A_709, %swap3A_710], %add3A_707 {strides = array<i32>} : memref<2x1024xf32, #tpu.memory_space<vmem>>, vector<16xf32>,
      %gather3A_712 = tpu.vector_load_idx %arg7[%broadcast_in_dim3A_690, %add3A_21, %broadcast_in_dim3A_693] : memref<12x64x128xf32, #tpu.memory_space<vmem>>[vector<16xi32>, vector<16xi32>, vector<16xi32>], vector<16xf32>,
      %add3A_713 = arith.addf %gather3A_712, %get3A_9 : vector<16xf32>
      %swap3A_714 = arith.constant 0 : i32
      %swap3A_715 = arith.index_cast %swap3A_714 : i32 to index
      %swap3A_716 = arith.constant 944 : index
      %swap3A_717 = tpu.vector_load %arg8[%swap3A_715, %swap3A_716] {strides = array<i32>} : memref<2x1024xf32, #tpu.memory_space<vmem>>, vector<16xf32>,
      tpu.vector_store %arg8[%swap3A_715, %swap3A_716], %add3A_713 {strides = array<i32>} : memref<2x1024xf32, #tpu.memory_space<vmem>>, vector<16xf32>,
      %broadcast_in_dim3A_718 = vector.broadcast %rem3A_201 : i32 to vector<16xi32>
      %slice3A_719 = vector.extract_strided_slice %and3A_63 {offsets = [15], sizes = [1], strides = [1]} : vector<16xi32> to vector<1xi32>
      %squeeze3A_720 = vector.extract %slice3A_719[0] : i32 from vector<1xi32>
      %broadcast_in_dim3A_721 = vector.broadcast %squeeze3A_720 : i32 to vector<16xi32>
      %gather3A_722 = tpu.vector_load_idx %arg7[%broadcast_in_dim3A_718, %add3A_12, %broadcast_in_dim3A_721] : memref<12x64x128xf32, #tpu.memory_space<vmem>>[vector<16xi32>, vector<16xi32>, vector<16xi32>], vector<16xf32>,
      %add3A_723 = arith.addf %gather3A_722, %get3A_3 : vector<16xf32>
      %swap3A_724 = arith.constant 0 : i32
      %swap3A_725 = arith.index_cast %swap3A_724 : i32 to index
      %swap3A_726 = arith.constant 960 : index
      %swap3A_727 = tpu.vector_load %arg8[%swap3A_725, %swap3A_726] {strides = array<i32>} : memref<2x1024xf32, #tpu.memory_space<vmem>>, vector<16xf32>,
      tpu.vector_store %arg8[%swap3A_725, %swap3A_726], %add3A_723 {strides = array<i32>} : memref<2x1024xf32, #tpu.memory_space<vmem>>, vector<16xf32>,
      %gather3A_728 = tpu.vector_load_idx %arg7[%broadcast_in_dim3A_718, %add3A_15, %broadcast_in_dim3A_721] : memref<12x64x128xf32, #tpu.memory_space<vmem>>[vector<16xi32>, vector<16xi32>, vector<16xi32>], vector<16xf32>,
      %add3A_729 = arith.addf %gather3A_728, %get3A_5 : vector<16xf32>
      %swap3A_730 = arith.constant 0 : i32
      %swap3A_731 = arith.index_cast %swap3A_730 : i32 to index
      %swap3A_732 = arith.constant 976 : index
      %swap3A_733 = tpu.vector_load %arg8[%swap3A_731, %swap3A_732] {strides = array<i32>} : memref<2x1024xf32, #tpu.memory_space<vmem>>, vector<16xf32>,
      tpu.vector_store %arg8[%swap3A_731, %swap3A_732], %add3A_729 {strides = array<i32>} : memref<2x1024xf32, #tpu.memory_space<vmem>>, vector<16xf32>,
      %gather3A_734 = tpu.vector_load_idx %arg7[%broadcast_in_dim3A_718, %add3A_18, %broadcast_in_dim3A_721] : memref<12x64x128xf32, #tpu.memory_space<vmem>>[vector<16xi32>, vector<16xi32>, vector<16xi32>], vector<16xf32>,
      %add3A_735 = arith.addf %gather3A_734, %get3A_7 : vector<16xf32>
      %swap3A_736 = arith.constant 0 : i32
      %swap3A_737 = arith.index_cast %swap3A_736 : i32 to index
      %swap3A_738 = arith.constant 992 : index
      %swap3A_739 = tpu.vector_load %arg8[%swap3A_737, %swap3A_738] {strides = array<i32>} : memref<2x1024xf32, #tpu.memory_space<vmem>>, vector<16xf32>,
      tpu.vector_store %arg8[%swap3A_737, %swap3A_738], %add3A_735 {strides = array<i32>} : memref<2x1024xf32, #tpu.memory_space<vmem>>, vector<16xf32>,
      %gather3A_740 = tpu.vector_load_idx %arg7[%broadcast_in_dim3A_718, %add3A_21, %broadcast_in_dim3A_721] : memref<12x64x128xf32, #tpu.memory_space<vmem>>[vector<16xi32>, vector<16xi32>, vector<16xi32>], vector<16xf32>,
      %add3A_741 = arith.addf %gather3A_740, %get3A_9 : vector<16xf32>
      %swap3A_742 = arith.constant 0 : i32
      %swap3A_743 = arith.index_cast %swap3A_742 : i32 to index
      %swap3A_744 = arith.constant 1008 : index
      %swap3A_745 = tpu.vector_load %arg8[%swap3A_743, %swap3A_744] {strides = array<i32>} : memref<2x1024xf32, #tpu.memory_space<vmem>>, vector<16xf32>,
      tpu.vector_store %arg8[%swap3A_743, %swap3A_744], %add3A_741 {strides = array<i32>} : memref<2x1024xf32, #tpu.memory_space<vmem>>, vector<16xf32>,
      %mul3A_746 = arith.constant 16 : i32
      %mul3A_747 = arith.muli %mul3A_54, %mul3A_746 : i32
      %add3A_748 = arith.addi %mul3A_2, %mul3A_747 : i32
      %mul3A_749 = arith.constant 64 : i32
      %mul3A_750 = arith.muli %add3A_748, %mul3A_749 : i32
      %dma_start3A = arith.constant 0 : i32
      %dma_start3A_751 = arith.constant 0 : i32
      %dma_start3A_752 = tpu.memref_slice %arg8[%dma_start3A, %dma_start3A_751] : memref<2x1024xf32, #tpu.memory_space<vmem>> -> memref<1x1024xf32, #tpu.memory_space<vmem>>
      %dma_start3A_753 = tpu.memref_squeeze %dma_start3A_752 : memref<1x1024xf32, #tpu.memory_space<vmem>> -> memref<1024xf32, #tpu.memory_space<vmem>>
      %dma_start3A_754 = tpu.memref_slice %arg5[%mul3A_750] : memref<1048576xf32, #tpu.memory_space<hbm>> -> memref<1024xf32, #tpu.memory_space<hbm>>
      %dma_start3A_755 = tpu.memref_slice %arg5[%mul3A_750] : memref<1048576xf32, #tpu.memory_space<hbm>> -> memref<1024xf32, #tpu.memory_space<hbm>>
      %dma_start3A_756 = arith.constant 0 : i32
      %dma_start3A_757 = tpu.memref_slice %arg8[%dma_start3A, %dma_start3A_756] : memref<2x1024xf32, #tpu.memory_space<vmem>> -> memref<1x1024xf32, #tpu.memory_space<vmem>>
      %dma_start3A_758 = tpu.memref_squeeze %dma_start3A_757 : memref<1x1024xf32, #tpu.memory_space<vmem>> -> memref<1024xf32, #tpu.memory_space<vmem>>
      tpu.enqueue_dma source(%dma_start3A_758 : memref<1024xf32, #tpu.memory_space<vmem>>) target(%dma_start3A_755 : memref<1024xf32, #tpu.memory_space<hbm>>) target_semaphore(%arg13 : memref<!tpu.dma_semaphore, #tpu.memory_space<semaphore_mem>>)
      %mul3A_759 = arith.constant 2 : i32
      %mul3A_760 = arith.muli %scan3A_50, %mul3A_759 : i32
      %add3A_761 = arith.constant 1 : i32
      %add3A_762 = arith.addi %mul3A_760, %add3A_761 : i32
      %mul3A_763 = arith.constant 16 : i32
      %mul3A_764 = arith.muli %add3A_762, %mul3A_763 : i32
      %get3A_765 = arith.index_cast %mul3A_764 : i32 to index
      %get3A_766 = tpu.vector_load %arg6[%get3A_765] {strides = array<i32>} : memref<512xi32, #tpu.memory_space<vmem>>, vector<16xi32>,
      %and3A_767 = arith.constant -128 : i32
      %and3A_768 = vector.broadcast %and3A_767 : i32 to vector<16xi32>
      %and3A_769 = arith.andi %get3A_766, %and3A_768 : vector<16xi32>
      %and3A_770 = arith.constant 127 : i32
      %and3A_771 = vector.broadcast %and3A_770 : i32 to vector<16xi32>
      %and3A_772 = arith.andi %get3A_766, %and3A_771 : vector<16xi32>
      %slice3A_773 = vector.extract_strided_slice %and3A_769 {offsets = [0], sizes = [1], strides = [1]} : vector<16xi32> to vector<1xi32>
      %squeeze3A_774 = vector.extract %slice3A_773[0] : i32 from vector<1xi32>
      %slice3A_775 = vector.extract_strided_slice %and3A_769 {offsets = [1], sizes = [1], strides = [1]} : vector<16xi32> to vector<1xi32>
      %squeeze3A_776 = vector.extract %slice3A_775[0] : i32 from vector<1xi32>
      %slice3A_777 = vector.extract_strided_slice %and3A_769 {offsets = [2], sizes = [1], strides = [1]} : vector<16xi32> to vector<1xi32>
      %squeeze3A_778 = vector.extract %slice3A_777[0] : i32 from vector<1xi32>
      %slice3A_779 = vector.extract_strided_slice %and3A_769 {offsets = [3], sizes = [1], strides = [1]} : vector<16xi32> to vector<1xi32>
      %squeeze3A_780 = vector.extract %slice3A_779[0] : i32 from vector<1xi32>
      %slice3A_781 = vector.extract_strided_slice %and3A_769 {offsets = [4], sizes = [1], strides = [1]} : vector<16xi32> to vector<1xi32>
      %squeeze3A_782 = vector.extract %slice3A_781[0] : i32 from vector<1xi32>
      %slice3A_783 = vector.extract_strided_slice %and3A_769 {offsets = [5], sizes = [1], strides = [1]} : vector<16xi32> to vector<1xi32>
      %squeeze3A_784 = vector.extract %slice3A_783[0] : i32 from vector<1xi32>
      %slice3A_785 = vector.extract_strided_slice %and3A_769 {offsets = [6], sizes = [1], strides = [1]} : vector<16xi32> to vector<1xi32>
      %squeeze3A_786 = vector.extract %slice3A_785[0] : i32 from vector<1xi32>
      %slice3A_787 = vector.extract_strided_slice %and3A_769 {offsets = [7], sizes = [1], strides = [1]} : vector<16xi32> to vector<1xi32>
      %squeeze3A_788 = vector.extract %slice3A_787[0] : i32 from vector<1xi32>
      %slice3A_789 = vector.extract_strided_slice %and3A_769 {offsets = [8], sizes = [1], strides = [1]} : vector<16xi32> to vector<1xi32>
      %squeeze3A_790 = vector.extract %slice3A_789[0] : i32 from vector<1xi32>
      %slice3A_791 = vector.extract_strided_slice %and3A_769 {offsets = [9], sizes = [1], strides = [1]} : vector<16xi32> to vector<1xi32>
      %squeeze3A_792 = vector.extract %slice3A_791[0] : i32 from vector<1xi32>
      %slice3A_793 = vector.extract_strided_slice %and3A_769 {offsets = [10], sizes = [1], strides = [1]} : vector<16xi32> to vector<1xi32>
      %squeeze3A_794 = vector.extract %slice3A_793[0] : i32 from vector<1xi32>
      %slice3A_795 = vector.extract_strided_slice %and3A_769 {offsets = [11], sizes = [1], strides = [1]} : vector<16xi32> to vector<1xi32>
      %squeeze3A_796 = vector.extract %slice3A_795[0] : i32 from vector<1xi32>
      %slice3A_797 = vector.extract_strided_slice %and3A_769 {offsets = [12], sizes = [1], strides = [1]} : vector<16xi32> to vector<1xi32>
      %squeeze3A_798 = vector.extract %slice3A_797[0] : i32 from vector<1xi32>
      %slice3A_799 = vector.extract_strided_slice %and3A_769 {offsets = [13], sizes = [1], strides = [1]} : vector<16xi32> to vector<1xi32>
      %squeeze3A_800 = vector.extract %slice3A_799[0] : i32 from vector<1xi32>
      %slice3A_801 = vector.extract_strided_slice %and3A_769 {offsets = [14], sizes = [1], strides = [1]} : vector<16xi32> to vector<1xi32>
      %squeeze3A_802 = vector.extract %slice3A_801[0] : i32 from vector<1xi32>
      %slice3A_803 = vector.extract_strided_slice %and3A_769 {offsets = [15], sizes = [1], strides = [1]} : vector<16xi32> to vector<1xi32>
      %squeeze3A_804 = vector.extract %slice3A_803[0] : i32 from vector<1xi32>
      %ne3A_805 = arith.cmpi ne, %squeeze3A_774, %squeeze3A_93 : i32
      %ne3A_806 = arith.cmpi ne, %squeeze3A_776, %squeeze3A_774 : i32
      %ne3A_807 = arith.cmpi ne, %squeeze3A_778, %squeeze3A_776 : i32
      %ne3A_808 = arith.cmpi ne, %squeeze3A_780, %squeeze3A_778 : i32
      %convert_element_type3A_809 = arith.extui %ne3A_805 : i1 to i32
      %add3A_810 = arith.addi %add3A_197, %convert_element_type3A_809 : i32
      %sub3A_811 = arith.constant 1 : i32
      %sub3A_812 = arith.subi %add3A_810, %sub3A_811 : i32
      %rem3A_813 = arith.constant 12 : i32
      %rem3A_814 = arith.remsi %sub3A_812, %rem3A_813 : i32
      %convert_element_type3A_815 = arith.extui %ne3A_806 : i1 to i32
      %add3A_816 = arith.addi %add3A_810, %convert_element_type3A_815 : i32
      %sub3A_817 = arith.constant 1 : i32
      %sub3A_818 = arith.subi %add3A_816, %sub3A_817 : i32
      %rem3A_819 = arith.constant 12 : i32
      %rem3A_820 = arith.remsi %sub3A_818, %rem3A_819 : i32
      %convert_element_type3A_821 = arith.extui %ne3A_807 : i1 to i32
      %add3A_822 = arith.addi %add3A_816, %convert_element_type3A_821 : i32
      %sub3A_823 = arith.constant 1 : i32
      %sub3A_824 = arith.subi %add3A_822, %sub3A_823 : i32
      %rem3A_825 = arith.constant 12 : i32
      %rem3A_826 = arith.remsi %sub3A_824, %rem3A_825 : i32
      %convert_element_type3A_827 = arith.extui %ne3A_808 : i1 to i32
      %add3A_828 = arith.addi %add3A_822, %convert_element_type3A_827 : i32
      %sub3A_829 = arith.constant 1 : i32
      %sub3A_830 = arith.subi %add3A_828, %sub3A_829 : i32
      %rem3A_831 = arith.constant 12 : i32
      %rem3A_832 = arith.remsi %sub3A_830, %rem3A_831 : i32
      %ne3A_833 = arith.cmpi ne, %squeeze3A_782, %squeeze3A_780 : i32
      %ne3A_834 = arith.cmpi ne, %squeeze3A_784, %squeeze3A_782 : i32
      %ne3A_835 = arith.cmpi ne, %squeeze3A_786, %squeeze3A_784 : i32
      %ne3A_836 = arith.cmpi ne, %squeeze3A_788, %squeeze3A_786 : i32
      %convert_element_type3A_837 = arith.extui %ne3A_833 : i1 to i32
      %add3A_838 = arith.addi %add3A_828, %convert_element_type3A_837 : i32
      %sub3A_839 = arith.constant 1 : i32
      %sub3A_840 = arith.subi %add3A_838, %sub3A_839 : i32
      %rem3A_841 = arith.constant 12 : i32
      %rem3A_842 = arith.remsi %sub3A_840, %rem3A_841 : i32
      %convert_element_type3A_843 = arith.extui %ne3A_834 : i1 to i32
      %add3A_844 = arith.addi %add3A_838, %convert_element_type3A_843 : i32
      %sub3A_845 = arith.constant 1 : i32
      %sub3A_846 = arith.subi %add3A_844, %sub3A_845 : i32
      %rem3A_847 = arith.constant 12 : i32
      %rem3A_848 = arith.remsi %sub3A_846, %rem3A_847 : i32
      %convert_element_type3A_849 = arith.extui %ne3A_835 : i1 to i32
      %add3A_850 = arith.addi %add3A_844, %convert_element_type3A_849 : i32
      %sub3A_851 = arith.constant 1 : i32
      %sub3A_852 = arith.subi %add3A_850, %sub3A_851 : i32
      %rem3A_853 = arith.constant 12 : i32
      %rem3A_854 = arith.remsi %sub3A_852, %rem3A_853 : i32
      %convert_element_type3A_855 = arith.extui %ne3A_836 : i1 to i32
      %add3A_856 = arith.addi %add3A_850, %convert_element_type3A_855 : i32
      %sub3A_857 = arith.constant 1 : i32
      %sub3A_858 = arith.subi %add3A_856, %sub3A_857 : i32
      %rem3A_859 = arith.constant 12 : i32
      %rem3A_860 = arith.remsi %sub3A_858, %rem3A_859 : i32
      %ne3A_861 = arith.cmpi ne, %squeeze3A_790, %squeeze3A_788 : i32
      %ne3A_862 = arith.cmpi ne, %squeeze3A_792, %squeeze3A_790 : i32
      %ne3A_863 = arith.cmpi ne, %squeeze3A_794, %squeeze3A_792 : i32
      %ne3A_864 = arith.cmpi ne, %squeeze3A_796, %squeeze3A_794 : i32
      %convert_element_type3A_865 = arith.extui %ne3A_861 : i1 to i32
      %add3A_866 = arith.addi %add3A_856, %convert_element_type3A_865 : i32
      %sub3A_867 = arith.constant 1 : i32
      %sub3A_868 = arith.subi %add3A_866, %sub3A_867 : i32
      %rem3A_869 = arith.constant 12 : i32
      %rem3A_870 = arith.remsi %sub3A_868, %rem3A_869 : i32
      %convert_element_type3A_871 = arith.extui %ne3A_862 : i1 to i32
      %add3A_872 = arith.addi %add3A_866, %convert_element_type3A_871 : i32
      %sub3A_873 = arith.constant 1 : i32
      %sub3A_874 = arith.subi %add3A_872, %sub3A_873 : i32
      %rem3A_875 = arith.constant 12 : i32
      %rem3A_876 = arith.remsi %sub3A_874, %rem3A_875 : i32
      %convert_element_type3A_877 = arith.extui %ne3A_863 : i1 to i32
      %add3A_878 = arith.addi %add3A_872, %convert_element_type3A_877 : i32
      %sub3A_879 = arith.constant 1 : i32
      %sub3A_880 = arith.subi %add3A_878, %sub3A_879 : i32
      %rem3A_881 = arith.constant 12 : i32
      %rem3A_882 = arith.remsi %sub3A_880, %rem3A_881 : i32
      %convert_element_type3A_883 = arith.extui %ne3A_864 : i1 to i32
      %add3A_884 = arith.addi %add3A_878, %convert_element_type3A_883 : i32
      %sub3A_885 = arith.constant 1 : i32
      %sub3A_886 = arith.subi %add3A_884, %sub3A_885 : i32
      %rem3A_887 = arith.constant 12 : i32
      %rem3A_888 = arith.remsi %sub3A_886, %rem3A_887 : i32
      %ne3A_889 = arith.cmpi ne, %squeeze3A_798, %squeeze3A_796 : i32
      %ne3A_890 = arith.cmpi ne, %squeeze3A_800, %squeeze3A_798 : i32
      %ne3A_891 = arith.cmpi ne, %squeeze3A_802, %squeeze3A_800 : i32
      %ne3A_892 = arith.cmpi ne, %squeeze3A_804, %squeeze3A_802 : i32
      %convert_element_type3A_893 = arith.extui %ne3A_889 : i1 to i32
      %add3A_894 = arith.addi %add3A_884, %convert_element_type3A_893 : i32
      %sub3A_895 = arith.constant 1 : i32
      %sub3A_896 = arith.subi %add3A_894, %sub3A_895 : i32
      %rem3A_897 = arith.constant 12 : i32
      %rem3A_898 = arith.remsi %sub3A_896, %rem3A_897 : i32
      %convert_element_type3A_899 = arith.extui %ne3A_890 : i1 to i32
      %add3A_900 = arith.addi %add3A_894, %convert_element_type3A_899 : i32
      %sub3A_901 = arith.constant 1 : i32
      %sub3A_902 = arith.subi %add3A_900, %sub3A_901 : i32
      %rem3A_903 = arith.constant 12 : i32
      %rem3A_904 = arith.remsi %sub3A_902, %rem3A_903 : i32
      %convert_element_type3A_905 = arith.extui %ne3A_891 : i1 to i32
      %add3A_906 = arith.addi %add3A_900, %convert_element_type3A_905 : i32
      %sub3A_907 = arith.constant 1 : i32
      %sub3A_908 = arith.subi %add3A_906, %sub3A_907 : i32
      %rem3A_909 = arith.constant 12 : i32
      %rem3A_910 = arith.remsi %sub3A_908, %rem3A_909 : i32
      %convert_element_type3A_911 = arith.extui %ne3A_892 : i1 to i32
      %add3A_912 = arith.addi %add3A_906, %convert_element_type3A_911 : i32
      %sub3A_913 = arith.constant 1 : i32
      %sub3A_914 = arith.subi %add3A_912, %sub3A_913 : i32
      %rem3A_915 = arith.constant 12 : i32
      %rem3A_916 = arith.remsi %sub3A_914, %rem3A_915 : i32
      %convert_element_type3A_917 = arith.extui %ne3A_805 : i1 to i32
      %cond3A_918 = arith.constant 0 : i32
      %cond3A_919 = arith.cmpi ne, %convert_element_type3A_917, %cond3A_918 : i32
      scf.if %cond3A_919 {
        %multiple_of3A = tpu.assume_multiple %squeeze3A_774, 128 : i32
        %dma_start3A_1480 = arith.constant 0 : i32
        %dma_start3A_1481 = arith.constant 0 : i32
        %dma_start3A_1482 = tpu.memref_slice %arg7[%rem3A_814, %dma_start3A_1480, %dma_start3A_1481] : memref<12x64x128xf32, #tpu.memory_space<vmem>> -> memref<1x64x128xf32, #tpu.memory_space<vmem>>
        %dma_start3A_1483 = tpu.memref_squeeze %dma_start3A_1482 : memref<1x64x128xf32, #tpu.memory_space<vmem>> -> memref<64x128xf32, #tpu.memory_space<vmem>>
        %dma_start3A_1484 = arith.constant 0 : i32
        %dma_start3A_1485 = tpu.memref_slice %arg3[%dma_start3A_1484, %multiple_of3A] : memref<64x1000000xf32, #tpu.memory_space<hbm>> -> memref<64x128xf32, #tpu.memory_space<hbm>>
        %dma_start3A_1486 = arith.constant 0 : i32
        %dma_start3A_1487 = arith.constant 0 : i32
        %dma_start3A_1488 = tpu.memref_slice %arg7[%rem3A_814, %dma_start3A_1486, %dma_start3A_1487] : memref<12x64x128xf32, #tpu.memory_space<vmem>> -> memref<1x64x128xf32, #tpu.memory_space<vmem>>
        %dma_start3A_1489 = tpu.memref_squeeze %dma_start3A_1488 : memref<1x64x128xf32, #tpu.memory_space<vmem>> -> memref<64x128xf32, #tpu.memory_space<vmem>>
        %dma_start3A_1490 = arith.constant 0 : i32
        %dma_start3A_1491 = tpu.memref_slice %arg3[%dma_start3A_1490, %multiple_of3A] : memref<64x1000000xf32, #tpu.memory_space<hbm>> -> memref<64x128xf32, #tpu.memory_space<hbm>>
        tpu.enqueue_dma source(%dma_start3A_1491 : memref<64x128xf32, #tpu.memory_space<hbm>>) target(%dma_start3A_1489 : memref<64x128xf32, #tpu.memory_space<vmem>>) target_semaphore(%arg10 : memref<!tpu.dma_semaphore, #tpu.memory_space<semaphore_mem>>)
      } else {
      }
      %convert_element_type3A_920 = arith.extui %ne3A_806 : i1 to i32
      %cond3A_921 = arith.constant 0 : i32
      %cond3A_922 = arith.cmpi ne, %convert_element_type3A_920, %cond3A_921 : i32
      scf.if %cond3A_922 {
        %multiple_of3A = tpu.assume_multiple %squeeze3A_776, 128 : i32
        %dma_start3A_1480 = arith.constant 0 : i32
        %dma_start3A_1481 = arith.constant 0 : i32
        %dma_start3A_1482 = tpu.memref_slice %arg7[%rem3A_820, %dma_start3A_1480, %dma_start3A_1481] : memref<12x64x128xf32, #tpu.memory_space<vmem>> -> memref<1x64x128xf32, #tpu.memory_space<vmem>>
        %dma_start3A_1483 = tpu.memref_squeeze %dma_start3A_1482 : memref<1x64x128xf32, #tpu.memory_space<vmem>> -> memref<64x128xf32, #tpu.memory_space<vmem>>
        %dma_start3A_1484 = arith.constant 0 : i32
        %dma_start3A_1485 = tpu.memref_slice %arg3[%dma_start3A_1484, %multiple_of3A] : memref<64x1000000xf32, #tpu.memory_space<hbm>> -> memref<64x128xf32, #tpu.memory_space<hbm>>
        %dma_start3A_1486 = arith.constant 0 : i32
        %dma_start3A_1487 = arith.constant 0 : i32
        %dma_start3A_1488 = tpu.memref_slice %arg7[%rem3A_820, %dma_start3A_1486, %dma_start3A_1487] : memref<12x64x128xf32, #tpu.memory_space<vmem>> -> memref<1x64x128xf32, #tpu.memory_space<vmem>>
        %dma_start3A_1489 = tpu.memref_squeeze %dma_start3A_1488 : memref<1x64x128xf32, #tpu.memory_space<vmem>> -> memref<64x128xf32, #tpu.memory_space<vmem>>
        %dma_start3A_1490 = arith.constant 0 : i32
        %dma_start3A_1491 = tpu.memref_slice %arg3[%dma_start3A_1490, %multiple_of3A] : memref<64x1000000xf32, #tpu.memory_space<hbm>> -> memref<64x128xf32, #tpu.memory_space<hbm>>
        tpu.enqueue_dma source(%dma_start3A_1491 : memref<64x128xf32, #tpu.memory_space<hbm>>) target(%dma_start3A_1489 : memref<64x128xf32, #tpu.memory_space<vmem>>) target_semaphore(%arg10 : memref<!tpu.dma_semaphore, #tpu.memory_space<semaphore_mem>>)
      } else {
      }
      %convert_element_type3A_923 = arith.extui %ne3A_807 : i1 to i32
      %cond3A_924 = arith.constant 0 : i32
      %cond3A_925 = arith.cmpi ne, %convert_element_type3A_923, %cond3A_924 : i32
      scf.if %cond3A_925 {
        %multiple_of3A = tpu.assume_multiple %squeeze3A_778, 128 : i32
        %dma_start3A_1480 = arith.constant 0 : i32
        %dma_start3A_1481 = arith.constant 0 : i32
        %dma_start3A_1482 = tpu.memref_slice %arg7[%rem3A_826, %dma_start3A_1480, %dma_start3A_1481] : memref<12x64x128xf32, #tpu.memory_space<vmem>> -> memref<1x64x128xf32, #tpu.memory_space<vmem>>
        %dma_start3A_1483 = tpu.memref_squeeze %dma_start3A_1482 : memref<1x64x128xf32, #tpu.memory_space<vmem>> -> memref<64x128xf32, #tpu.memory_space<vmem>>
        %dma_start3A_1484 = arith.constant 0 : i32
        %dma_start3A_1485 = tpu.memref_slice %arg3[%dma_start3A_1484, %multiple_of3A] : memref<64x1000000xf32, #tpu.memory_space<hbm>> -> memref<64x128xf32, #tpu.memory_space<hbm>>
        %dma_start3A_1486 = arith.constant 0 : i32
        %dma_start3A_1487 = arith.constant 0 : i32
        %dma_start3A_1488 = tpu.memref_slice %arg7[%rem3A_826, %dma_start3A_1486, %dma_start3A_1487] : memref<12x64x128xf32, #tpu.memory_space<vmem>> -> memref<1x64x128xf32, #tpu.memory_space<vmem>>
        %dma_start3A_1489 = tpu.memref_squeeze %dma_start3A_1488 : memref<1x64x128xf32, #tpu.memory_space<vmem>> -> memref<64x128xf32, #tpu.memory_space<vmem>>
        %dma_start3A_1490 = arith.constant 0 : i32
        %dma_start3A_1491 = tpu.memref_slice %arg3[%dma_start3A_1490, %multiple_of3A] : memref<64x1000000xf32, #tpu.memory_space<hbm>> -> memref<64x128xf32, #tpu.memory_space<hbm>>
        tpu.enqueue_dma source(%dma_start3A_1491 : memref<64x128xf32, #tpu.memory_space<hbm>>) target(%dma_start3A_1489 : memref<64x128xf32, #tpu.memory_space<vmem>>) target_semaphore(%arg10 : memref<!tpu.dma_semaphore, #tpu.memory_space<semaphore_mem>>)
      } else {
      }
      %convert_element_type3A_926 = arith.extui %ne3A_808 : i1 to i32
      %cond3A_927 = arith.constant 0 : i32
      %cond3A_928 = arith.cmpi ne, %convert_element_type3A_926, %cond3A_927 : i32
      scf.if %cond3A_928 {
        %multiple_of3A = tpu.assume_multiple %squeeze3A_780, 128 : i32
        %dma_start3A_1480 = arith.constant 0 : i32
        %dma_start3A_1481 = arith.constant 0 : i32
        %dma_start3A_1482 = tpu.memref_slice %arg7[%rem3A_832, %dma_start3A_1480, %dma_start3A_1481] : memref<12x64x128xf32, #tpu.memory_space<vmem>> -> memref<1x64x128xf32, #tpu.memory_space<vmem>>
        %dma_start3A_1483 = tpu.memref_squeeze %dma_start3A_1482 : memref<1x64x128xf32, #tpu.memory_space<vmem>> -> memref<64x128xf32, #tpu.memory_space<vmem>>
        %dma_start3A_1484 = arith.constant 0 : i32
        %dma_start3A_1485 = tpu.memref_slice %arg3[%dma_start3A_1484, %multiple_of3A] : memref<64x1000000xf32, #tpu.memory_space<hbm>> -> memref<64x128xf32, #tpu.memory_space<hbm>>
        %dma_start3A_1486 = arith.constant 0 : i32
        %dma_start3A_1487 = arith.constant 0 : i32
        %dma_start3A_1488 = tpu.memref_slice %arg7[%rem3A_832, %dma_start3A_1486, %dma_start3A_1487] : memref<12x64x128xf32, #tpu.memory_space<vmem>> -> memref<1x64x128xf32, #tpu.memory_space<vmem>>
        %dma_start3A_1489 = tpu.memref_squeeze %dma_start3A_1488 : memref<1x64x128xf32, #tpu.memory_space<vmem>> -> memref<64x128xf32, #tpu.memory_space<vmem>>
        %dma_start3A_1490 = arith.constant 0 : i32
        %dma_start3A_1491 = tpu.memref_slice %arg3[%dma_start3A_1490, %multiple_of3A] : memref<64x1000000xf32, #tpu.memory_space<hbm>> -> memref<64x128xf32, #tpu.memory_space<hbm>>
        tpu.enqueue_dma source(%dma_start3A_1491 : memref<64x128xf32, #tpu.memory_space<hbm>>) target(%dma_start3A_1489 : memref<64x128xf32, #tpu.memory_space<vmem>>) target_semaphore(%arg10 : memref<!tpu.dma_semaphore, #tpu.memory_space<semaphore_mem>>)
      } else {
      }
      %convert_element_type3A_929 = arith.extui %ne3A_833 : i1 to i32
      %cond3A_930 = arith.constant 0 : i32
      %cond3A_931 = arith.cmpi ne, %convert_element_type3A_929, %cond3A_930 : i32
      scf.if %cond3A_931 {
        %multiple_of3A = tpu.assume_multiple %squeeze3A_782, 128 : i32
        %dma_start3A_1480 = arith.constant 0 : i32
        %dma_start3A_1481 = arith.constant 0 : i32
        %dma_start3A_1482 = tpu.memref_slice %arg7[%rem3A_842, %dma_start3A_1480, %dma_start3A_1481] : memref<12x64x128xf32, #tpu.memory_space<vmem>> -> memref<1x64x128xf32, #tpu.memory_space<vmem>>
        %dma_start3A_1483 = tpu.memref_squeeze %dma_start3A_1482 : memref<1x64x128xf32, #tpu.memory_space<vmem>> -> memref<64x128xf32, #tpu.memory_space<vmem>>
        %dma_start3A_1484 = arith.constant 0 : i32
        %dma_start3A_1485 = tpu.memref_slice %arg3[%dma_start3A_1484, %multiple_of3A] : memref<64x1000000xf32, #tpu.memory_space<hbm>> -> memref<64x128xf32, #tpu.memory_space<hbm>>
        %dma_start3A_1486 = arith.constant 0 : i32
        %dma_start3A_1487 = arith.constant 0 : i32
        %dma_start3A_1488 = tpu.memref_slice %arg7[%rem3A_842, %dma_start3A_1486, %dma_start3A_1487] : memref<12x64x128xf32, #tpu.memory_space<vmem>> -> memref<1x64x128xf32, #tpu.memory_space<vmem>>
        %dma_start3A_1489 = tpu.memref_squeeze %dma_start3A_1488 : memref<1x64x128xf32, #tpu.memory_space<vmem>> -> memref<64x128xf32, #tpu.memory_space<vmem>>
        %dma_start3A_1490 = arith.constant 0 : i32
        %dma_start3A_1491 = tpu.memref_slice %arg3[%dma_start3A_1490, %multiple_of3A] : memref<64x1000000xf32, #tpu.memory_space<hbm>> -> memref<64x128xf32, #tpu.memory_space<hbm>>
        tpu.enqueue_dma source(%dma_start3A_1491 : memref<64x128xf32, #tpu.memory_space<hbm>>) target(%dma_start3A_1489 : memref<64x128xf32, #tpu.memory_space<vmem>>) target_semaphore(%arg11 : memref<!tpu.dma_semaphore, #tpu.memory_space<semaphore_mem>>)
      } else {
      }
      %convert_element_type3A_932 = arith.extui %ne3A_834 : i1 to i32
      %cond3A_933 = arith.constant 0 : i32
      %cond3A_934 = arith.cmpi ne, %convert_element_type3A_932, %cond3A_933 : i32
      scf.if %cond3A_934 {
        %multiple_of3A = tpu.assume_multiple %squeeze3A_784, 128 : i32
        %dma_start3A_1480 = arith.constant 0 : i32
        %dma_start3A_1481 = arith.constant 0 : i32
        %dma_start3A_1482 = tpu.memref_slice %arg7[%rem3A_848, %dma_start3A_1480, %dma_start3A_1481] : memref<12x64x128xf32, #tpu.memory_space<vmem>> -> memref<1x64x128xf32, #tpu.memory_space<vmem>>
        %dma_start3A_1483 = tpu.memref_squeeze %dma_start3A_1482 : memref<1x64x128xf32, #tpu.memory_space<vmem>> -> memref<64x128xf32, #tpu.memory_space<vmem>>
        %dma_start3A_1484 = arith.constant 0 : i32
        %dma_start3A_1485 = tpu.memref_slice %arg3[%dma_start3A_1484, %multiple_of3A] : memref<64x1000000xf32, #tpu.memory_space<hbm>> -> memref<64x128xf32, #tpu.memory_space<hbm>>
        %dma_start3A_1486 = arith.constant 0 : i32
        %dma_start3A_1487 = arith.constant 0 : i32
        %dma_start3A_1488 = tpu.memref_slice %arg7[%rem3A_848, %dma_start3A_1486, %dma_start3A_1487] : memref<12x64x128xf32, #tpu.memory_space<vmem>> -> memref<1x64x128xf32, #tpu.memory_space<vmem>>
        %dma_start3A_1489 = tpu.memref_squeeze %dma_start3A_1488 : memref<1x64x128xf32, #tpu.memory_space<vmem>> -> memref<64x128xf32, #tpu.memory_space<vmem>>
        %dma_start3A_1490 = arith.constant 0 : i32
        %dma_start3A_1491 = tpu.memref_slice %arg3[%dma_start3A_1490, %multiple_of3A] : memref<64x1000000xf32, #tpu.memory_space<hbm>> -> memref<64x128xf32, #tpu.memory_space<hbm>>
        tpu.enqueue_dma source(%dma_start3A_1491 : memref<64x128xf32, #tpu.memory_space<hbm>>) target(%dma_start3A_1489 : memref<64x128xf32, #tpu.memory_space<vmem>>) target_semaphore(%arg11 : memref<!tpu.dma_semaphore, #tpu.memory_space<semaphore_mem>>)
      } else {
      }
      %convert_element_type3A_935 = arith.extui %ne3A_835 : i1 to i32
      %cond3A_936 = arith.constant 0 : i32
      %cond3A_937 = arith.cmpi ne, %convert_element_type3A_935, %cond3A_936 : i32
      scf.if %cond3A_937 {
        %multiple_of3A = tpu.assume_multiple %squeeze3A_786, 128 : i32
        %dma_start3A_1480 = arith.constant 0 : i32
        %dma_start3A_1481 = arith.constant 0 : i32
        %dma_start3A_1482 = tpu.memref_slice %arg7[%rem3A_854, %dma_start3A_1480, %dma_start3A_1481] : memref<12x64x128xf32, #tpu.memory_space<vmem>> -> memref<1x64x128xf32, #tpu.memory_space<vmem>>
        %dma_start3A_1483 = tpu.memref_squeeze %dma_start3A_1482 : memref<1x64x128xf32, #tpu.memory_space<vmem>> -> memref<64x128xf32, #tpu.memory_space<vmem>>
        %dma_start3A_1484 = arith.constant 0 : i32
        %dma_start3A_1485 = tpu.memref_slice %arg3[%dma_start3A_1484, %multiple_of3A] : memref<64x1000000xf32, #tpu.memory_space<hbm>> -> memref<64x128xf32, #tpu.memory_space<hbm>>
        %dma_start3A_1486 = arith.constant 0 : i32
        %dma_start3A_1487 = arith.constant 0 : i32
        %dma_start3A_1488 = tpu.memref_slice %arg7[%rem3A_854, %dma_start3A_1486, %dma_start3A_1487] : memref<12x64x128xf32, #tpu.memory_space<vmem>> -> memref<1x64x128xf32, #tpu.memory_space<vmem>>
        %dma_start3A_1489 = tpu.memref_squeeze %dma_start3A_1488 : memref<1x64x128xf32, #tpu.memory_space<vmem>> -> memref<64x128xf32, #tpu.memory_space<vmem>>
        %dma_start3A_1490 = arith.constant 0 : i32
        %dma_start3A_1491 = tpu.memref_slice %arg3[%dma_start3A_1490, %multiple_of3A] : memref<64x1000000xf32, #tpu.memory_space<hbm>> -> memref<64x128xf32, #tpu.memory_space<hbm>>
        tpu.enqueue_dma source(%dma_start3A_1491 : memref<64x128xf32, #tpu.memory_space<hbm>>) target(%dma_start3A_1489 : memref<64x128xf32, #tpu.memory_space<vmem>>) target_semaphore(%arg11 : memref<!tpu.dma_semaphore, #tpu.memory_space<semaphore_mem>>)
      } else {
      }
      %convert_element_type3A_938 = arith.extui %ne3A_836 : i1 to i32
      %cond3A_939 = arith.constant 0 : i32
      %cond3A_940 = arith.cmpi ne, %convert_element_type3A_938, %cond3A_939 : i32
      scf.if %cond3A_940 {
        %multiple_of3A = tpu.assume_multiple %squeeze3A_788, 128 : i32
        %dma_start3A_1480 = arith.constant 0 : i32
        %dma_start3A_1481 = arith.constant 0 : i32
        %dma_start3A_1482 = tpu.memref_slice %arg7[%rem3A_860, %dma_start3A_1480, %dma_start3A_1481] : memref<12x64x128xf32, #tpu.memory_space<vmem>> -> memref<1x64x128xf32, #tpu.memory_space<vmem>>
        %dma_start3A_1483 = tpu.memref_squeeze %dma_start3A_1482 : memref<1x64x128xf32, #tpu.memory_space<vmem>> -> memref<64x128xf32, #tpu.memory_space<vmem>>
        %dma_start3A_1484 = arith.constant 0 : i32
        %dma_start3A_1485 = tpu.memref_slice %arg3[%dma_start3A_1484, %multiple_of3A] : memref<64x1000000xf32, #tpu.memory_space<hbm>> -> memref<64x128xf32, #tpu.memory_space<hbm>>
        %dma_start3A_1486 = arith.constant 0 : i32
        %dma_start3A_1487 = arith.constant 0 : i32
        %dma_start3A_1488 = tpu.memref_slice %arg7[%rem3A_860, %dma_start3A_1486, %dma_start3A_1487] : memref<12x64x128xf32, #tpu.memory_space<vmem>> -> memref<1x64x128xf32, #tpu.memory_space<vmem>>
        %dma_start3A_1489 = tpu.memref_squeeze %dma_start3A_1488 : memref<1x64x128xf32, #tpu.memory_space<vmem>> -> memref<64x128xf32, #tpu.memory_space<vmem>>
        %dma_start3A_1490 = arith.constant 0 : i32
        %dma_start3A_1491 = tpu.memref_slice %arg3[%dma_start3A_1490, %multiple_of3A] : memref<64x1000000xf32, #tpu.memory_space<hbm>> -> memref<64x128xf32, #tpu.memory_space<hbm>>
        tpu.enqueue_dma source(%dma_start3A_1491 : memref<64x128xf32, #tpu.memory_space<hbm>>) target(%dma_start3A_1489 : memref<64x128xf32, #tpu.memory_space<vmem>>) target_semaphore(%arg11 : memref<!tpu.dma_semaphore, #tpu.memory_space<semaphore_mem>>)
      } else {
      }
      %convert_element_type3A_941 = arith.extui %ne3A_861 : i1 to i32
      %cond3A_942 = arith.constant 0 : i32
      %cond3A_943 = arith.cmpi ne, %convert_element_type3A_941, %cond3A_942 : i32
      scf.if %cond3A_943 {
        %multiple_of3A = tpu.assume_multiple %squeeze3A_790, 128 : i32
        %dma_start3A_1480 = arith.constant 0 : i32
        %dma_start3A_1481 = arith.constant 0 : i32
        %dma_start3A_1482 = tpu.memref_slice %arg7[%rem3A_870, %dma_start3A_1480, %dma_start3A_1481] : memref<12x64x128xf32, #tpu.memory_space<vmem>> -> memref<1x64x128xf32, #tpu.memory_space<vmem>>
        %dma_start3A_1483 = tpu.memref_squeeze %dma_start3A_1482 : memref<1x64x128xf32, #tpu.memory_space<vmem>> -> memref<64x128xf32, #tpu.memory_space<vmem>>
        %dma_start3A_1484 = arith.constant 0 : i32
        %dma_start3A_1485 = tpu.memref_slice %arg3[%dma_start3A_1484, %multiple_of3A] : memref<64x1000000xf32, #tpu.memory_space<hbm>> -> memref<64x128xf32, #tpu.memory_space<hbm>>
        %dma_start3A_1486 = arith.constant 0 : i32
        %dma_start3A_1487 = arith.constant 0 : i32
        %dma_start3A_1488 = tpu.memref_slice %arg7[%rem3A_870, %dma_start3A_1486, %dma_start3A_1487] : memref<12x64x128xf32, #tpu.memory_space<vmem>> -> memref<1x64x128xf32, #tpu.memory_space<vmem>>
        %dma_start3A_1489 = tpu.memref_squeeze %dma_start3A_1488 : memref<1x64x128xf32, #tpu.memory_space<vmem>> -> memref<64x128xf32, #tpu.memory_space<vmem>>
        %dma_start3A_1490 = arith.constant 0 : i32
        %dma_start3A_1491 = tpu.memref_slice %arg3[%dma_start3A_1490, %multiple_of3A] : memref<64x1000000xf32, #tpu.memory_space<hbm>> -> memref<64x128xf32, #tpu.memory_space<hbm>>
        tpu.enqueue_dma source(%dma_start3A_1491 : memref<64x128xf32, #tpu.memory_space<hbm>>) target(%dma_start3A_1489 : memref<64x128xf32, #tpu.memory_space<vmem>>) target_semaphore(%arg12 : memref<!tpu.dma_semaphore, #tpu.memory_space<semaphore_mem>>)
      } else {
      }
      %convert_element_type3A_944 = arith.extui %ne3A_862 : i1 to i32
      %cond3A_945 = arith.constant 0 : i32
      %cond3A_946 = arith.cmpi ne, %convert_element_type3A_944, %cond3A_945 : i32
      scf.if %cond3A_946 {
        %multiple_of3A = tpu.assume_multiple %squeeze3A_792, 128 : i32
        %dma_start3A_1480 = arith.constant 0 : i32
        %dma_start3A_1481 = arith.constant 0 : i32
        %dma_start3A_1482 = tpu.memref_slice %arg7[%rem3A_876, %dma_start3A_1480, %dma_start3A_1481] : memref<12x64x128xf32, #tpu.memory_space<vmem>> -> memref<1x64x128xf32, #tpu.memory_space<vmem>>
        %dma_start3A_1483 = tpu.memref_squeeze %dma_start3A_1482 : memref<1x64x128xf32, #tpu.memory_space<vmem>> -> memref<64x128xf32, #tpu.memory_space<vmem>>
        %dma_start3A_1484 = arith.constant 0 : i32
        %dma_start3A_1485 = tpu.memref_slice %arg3[%dma_start3A_1484, %multiple_of3A] : memref<64x1000000xf32, #tpu.memory_space<hbm>> -> memref<64x128xf32, #tpu.memory_space<hbm>>
        %dma_start3A_1486 = arith.constant 0 : i32
        %dma_start3A_1487 = arith.constant 0 : i32
        %dma_start3A_1488 = tpu.memref_slice %arg7[%rem3A_876, %dma_start3A_1486, %dma_start3A_1487] : memref<12x64x128xf32, #tpu.memory_space<vmem>> -> memref<1x64x128xf32, #tpu.memory_space<vmem>>
        %dma_start3A_1489 = tpu.memref_squeeze %dma_start3A_1488 : memref<1x64x128xf32, #tpu.memory_space<vmem>> -> memref<64x128xf32, #tpu.memory_space<vmem>>
        %dma_start3A_1490 = arith.constant 0 : i32
        %dma_start3A_1491 = tpu.memref_slice %arg3[%dma_start3A_1490, %multiple_of3A] : memref<64x1000000xf32, #tpu.memory_space<hbm>> -> memref<64x128xf32, #tpu.memory_space<hbm>>
        tpu.enqueue_dma source(%dma_start3A_1491 : memref<64x128xf32, #tpu.memory_space<hbm>>) target(%dma_start3A_1489 : memref<64x128xf32, #tpu.memory_space<vmem>>) target_semaphore(%arg12 : memref<!tpu.dma_semaphore, #tpu.memory_space<semaphore_mem>>)
      } else {
      }
      %convert_element_type3A_947 = arith.extui %ne3A_863 : i1 to i32
      %cond3A_948 = arith.constant 0 : i32
      %cond3A_949 = arith.cmpi ne, %convert_element_type3A_947, %cond3A_948 : i32
      scf.if %cond3A_949 {
        %multiple_of3A = tpu.assume_multiple %squeeze3A_794, 128 : i32
        %dma_start3A_1480 = arith.constant 0 : i32
        %dma_start3A_1481 = arith.constant 0 : i32
        %dma_start3A_1482 = tpu.memref_slice %arg7[%rem3A_882, %dma_start3A_1480, %dma_start3A_1481] : memref<12x64x128xf32, #tpu.memory_space<vmem>> -> memref<1x64x128xf32, #tpu.memory_space<vmem>>
        %dma_start3A_1483 = tpu.memref_squeeze %dma_start3A_1482 : memref<1x64x128xf32, #tpu.memory_space<vmem>> -> memref<64x128xf32, #tpu.memory_space<vmem>>
        %dma_start3A_1484 = arith.constant 0 : i32
        %dma_start3A_1485 = tpu.memref_slice %arg3[%dma_start3A_1484, %multiple_of3A] : memref<64x1000000xf32, #tpu.memory_space<hbm>> -> memref<64x128xf32, #tpu.memory_space<hbm>>
        %dma_start3A_1486 = arith.constant 0 : i32
        %dma_start3A_1487 = arith.constant 0 : i32
        %dma_start3A_1488 = tpu.memref_slice %arg7[%rem3A_882, %dma_start3A_1486, %dma_start3A_1487] : memref<12x64x128xf32, #tpu.memory_space<vmem>> -> memref<1x64x128xf32, #tpu.memory_space<vmem>>
        %dma_start3A_1489 = tpu.memref_squeeze %dma_start3A_1488 : memref<1x64x128xf32, #tpu.memory_space<vmem>> -> memref<64x128xf32, #tpu.memory_space<vmem>>
        %dma_start3A_1490 = arith.constant 0 : i32
        %dma_start3A_1491 = tpu.memref_slice %arg3[%dma_start3A_1490, %multiple_of3A] : memref<64x1000000xf32, #tpu.memory_space<hbm>> -> memref<64x128xf32, #tpu.memory_space<hbm>>
        tpu.enqueue_dma source(%dma_start3A_1491 : memref<64x128xf32, #tpu.memory_space<hbm>>) target(%dma_start3A_1489 : memref<64x128xf32, #tpu.memory_space<vmem>>) target_semaphore(%arg12 : memref<!tpu.dma_semaphore, #tpu.memory_space<semaphore_mem>>)
      } else {
      }
      %convert_element_type3A_950 = arith.extui %ne3A_864 : i1 to i32
      %cond3A_951 = arith.constant 0 : i32
      %cond3A_952 = arith.cmpi ne, %convert_element_type3A_950, %cond3A_951 : i32
      scf.if %cond3A_952 {
        %multiple_of3A = tpu.assume_multiple %squeeze3A_796, 128 : i32
        %dma_start3A_1480 = arith.constant 0 : i32
        %dma_start3A_1481 = arith.constant 0 : i32
        %dma_start3A_1482 = tpu.memref_slice %arg7[%rem3A_888, %dma_start3A_1480, %dma_start3A_1481] : memref<12x64x128xf32, #tpu.memory_space<vmem>> -> memref<1x64x128xf32, #tpu.memory_space<vmem>>
        %dma_start3A_1483 = tpu.memref_squeeze %dma_start3A_1482 : memref<1x64x128xf32, #tpu.memory_space<vmem>> -> memref<64x128xf32, #tpu.memory_space<vmem>>
        %dma_start3A_1484 = arith.constant 0 : i32
        %dma_start3A_1485 = tpu.memref_slice %arg3[%dma_start3A_1484, %multiple_of3A] : memref<64x1000000xf32, #tpu.memory_space<hbm>> -> memref<64x128xf32, #tpu.memory_space<hbm>>
        %dma_start3A_1486 = arith.constant 0 : i32
        %dma_start3A_1487 = arith.constant 0 : i32
        %dma_start3A_1488 = tpu.memref_slice %arg7[%rem3A_888, %dma_start3A_1486, %dma_start3A_1487] : memref<12x64x128xf32, #tpu.memory_space<vmem>> -> memref<1x64x128xf32, #tpu.memory_space<vmem>>
        %dma_start3A_1489 = tpu.memref_squeeze %dma_start3A_1488 : memref<1x64x128xf32, #tpu.memory_space<vmem>> -> memref<64x128xf32, #tpu.memory_space<vmem>>
        %dma_start3A_1490 = arith.constant 0 : i32
        %dma_start3A_1491 = tpu.memref_slice %arg3[%dma_start3A_1490, %multiple_of3A] : memref<64x1000000xf32, #tpu.memory_space<hbm>> -> memref<64x128xf32, #tpu.memory_space<hbm>>
        tpu.enqueue_dma source(%dma_start3A_1491 : memref<64x128xf32, #tpu.memory_space<hbm>>) target(%dma_start3A_1489 : memref<64x128xf32, #tpu.memory_space<vmem>>) target_semaphore(%arg12 : memref<!tpu.dma_semaphore, #tpu.memory_space<semaphore_mem>>)
      } else {
      }
      %ge3A_953 = arith.constant 2 : i32
      %ge3A_954 = arith.cmpi sge, %add3A_762, %ge3A_953 : i32
      %convert_element_type3A_955 = arith.extui %ge3A_954 : i1 to i32
      %cond3A_956 = arith.constant 0 : i32
      %cond3A_957 = arith.cmpi ne, %convert_element_type3A_955, %cond3A_956 : i32
      scf.if %cond3A_957 {
        %dma_wait3A_1480 = arith.constant 1 : i32
        %dma_wait3A_1481 = arith.constant 0 : i32
        %dma_wait3A_1482 = tpu.memref_slice %arg8[%dma_wait3A_1480, %dma_wait3A_1481] : memref<2x1024xf32, #tpu.memory_space<vmem>> -> memref<1x1024xf32, #tpu.memory_space<vmem>>
        %dma_wait3A_1483 = tpu.memref_squeeze %dma_wait3A_1482 : memref<1x1024xf32, #tpu.memory_space<vmem>> -> memref<1024xf32, #tpu.memory_space<vmem>>
        %dma_wait3A_1484 = arith.constant 0 : i32
        %dma_wait3A_1485 = tpu.memref_slice %arg5[%dma_wait3A_1484] : memref<1048576xf32, #tpu.memory_space<hbm>> -> memref<1024xf32, #tpu.memory_space<hbm>>
        %dma_wait3A_1486 = arith.constant 0 : i32
        %dma_wait3A_1487 = tpu.memref_slice %arg5[%dma_wait3A_1486] : memref<1048576xf32, #tpu.memory_space<hbm>> -> memref<1024xf32, #tpu.memory_space<hbm>>
        %dma_wait3A_1488 = arith.constant 0 : i32
        %dma_wait3A_1489 = tpu.memref_slice %arg8[%dma_wait3A_1480, %dma_wait3A_1488] : memref<2x1024xf32, #tpu.memory_space<vmem>> -> memref<1x1024xf32, #tpu.memory_space<vmem>>
        %dma_wait3A_1490 = tpu.memref_squeeze %dma_wait3A_1489 : memref<1x1024xf32, #tpu.memory_space<vmem>> -> memref<1024xf32, #tpu.memory_space<vmem>>
        tpu.wait_dma2 semaphore(%arg13 : memref<!tpu.dma_semaphore, #tpu.memory_space<semaphore_mem>>) src(%dma_wait3A_1490 : memref<1024xf32, #tpu.memory_space<vmem>>) dst(%dma_wait3A_1487 : memref<1024xf32, #tpu.memory_space<hbm>>)
      } else {
      }
      %convert_element_type3A_958 = arith.extui %ne3A_805 : i1 to i32
      %cond3A_959 = arith.constant 0 : i32
      %cond3A_960 = arith.cmpi ne, %convert_element_type3A_958, %cond3A_959 : i32
      scf.if %cond3A_960 {
        %dma_wait3A_1480 = arith.constant 0 : i32
        %dma_wait3A_1481 = arith.constant 0 : i32
        %dma_wait3A_1482 = arith.constant 0 : i32
        %dma_wait3A_1483 = tpu.memref_slice %arg7[%dma_wait3A_1480, %dma_wait3A_1481, %dma_wait3A_1482] : memref<12x64x128xf32, #tpu.memory_space<vmem>> -> memref<1x64x128xf32, #tpu.memory_space<vmem>>
        %dma_wait3A_1484 = tpu.memref_squeeze %dma_wait3A_1483 : memref<1x64x128xf32, #tpu.memory_space<vmem>> -> memref<64x128xf32, #tpu.memory_space<vmem>>
        %dma_wait3A_1485 = arith.constant 0 : i32
        %dma_wait3A_1486 = arith.constant 0 : i32
        %dma_wait3A_1487 = tpu.memref_slice %arg3[%dma_wait3A_1485, %dma_wait3A_1486] : memref<64x1000000xf32, #tpu.memory_space<hbm>> -> memref<64x128xf32, #tpu.memory_space<hbm>>
        %dma_wait3A_1488 = arith.constant 0 : i32
        %dma_wait3A_1489 = arith.constant 0 : i32
        %dma_wait3A_1490 = tpu.memref_slice %arg7[%dma_wait3A_1480, %dma_wait3A_1488, %dma_wait3A_1489] : memref<12x64x128xf32, #tpu.memory_space<vmem>> -> memref<1x64x128xf32, #tpu.memory_space<vmem>>
        %dma_wait3A_1491 = tpu.memref_squeeze %dma_wait3A_1490 : memref<1x64x128xf32, #tpu.memory_space<vmem>> -> memref<64x128xf32, #tpu.memory_space<vmem>>
        %dma_wait3A_1492 = arith.constant 0 : i32
        %dma_wait3A_1493 = arith.constant 0 : i32
        %dma_wait3A_1494 = tpu.memref_slice %arg3[%dma_wait3A_1492, %dma_wait3A_1493] : memref<64x1000000xf32, #tpu.memory_space<hbm>> -> memref<64x128xf32, #tpu.memory_space<hbm>>
        tpu.wait_dma2 semaphore(%arg10 : memref<!tpu.dma_semaphore, #tpu.memory_space<semaphore_mem>>) src(%dma_wait3A_1494 : memref<64x128xf32, #tpu.memory_space<hbm>>) dst(%dma_wait3A_1491 : memref<64x128xf32, #tpu.memory_space<vmem>>)
      } else {
      }
      %convert_element_type3A_961 = arith.extui %ne3A_806 : i1 to i32
      %cond3A_962 = arith.constant 0 : i32
      %cond3A_963 = arith.cmpi ne, %convert_element_type3A_961, %cond3A_962 : i32
      scf.if %cond3A_963 {
        %dma_wait3A_1480 = arith.constant 0 : i32
        %dma_wait3A_1481 = arith.constant 0 : i32
        %dma_wait3A_1482 = arith.constant 0 : i32
        %dma_wait3A_1483 = tpu.memref_slice %arg7[%dma_wait3A_1480, %dma_wait3A_1481, %dma_wait3A_1482] : memref<12x64x128xf32, #tpu.memory_space<vmem>> -> memref<1x64x128xf32, #tpu.memory_space<vmem>>
        %dma_wait3A_1484 = tpu.memref_squeeze %dma_wait3A_1483 : memref<1x64x128xf32, #tpu.memory_space<vmem>> -> memref<64x128xf32, #tpu.memory_space<vmem>>
        %dma_wait3A_1485 = arith.constant 0 : i32
        %dma_wait3A_1486 = arith.constant 0 : i32
        %dma_wait3A_1487 = tpu.memref_slice %arg3[%dma_wait3A_1485, %dma_wait3A_1486] : memref<64x1000000xf32, #tpu.memory_space<hbm>> -> memref<64x128xf32, #tpu.memory_space<hbm>>
        %dma_wait3A_1488 = arith.constant 0 : i32
        %dma_wait3A_1489 = arith.constant 0 : i32
        %dma_wait3A_1490 = tpu.memref_slice %arg7[%dma_wait3A_1480, %dma_wait3A_1488, %dma_wait3A_1489] : memref<12x64x128xf32, #tpu.memory_space<vmem>> -> memref<1x64x128xf32, #tpu.memory_space<vmem>>
        %dma_wait3A_1491 = tpu.memref_squeeze %dma_wait3A_1490 : memref<1x64x128xf32, #tpu.memory_space<vmem>> -> memref<64x128xf32, #tpu.memory_space<vmem>>
        %dma_wait3A_1492 = arith.constant 0 : i32
        %dma_wait3A_1493 = arith.constant 0 : i32
        %dma_wait3A_1494 = tpu.memref_slice %arg3[%dma_wait3A_1492, %dma_wait3A_1493] : memref<64x1000000xf32, #tpu.memory_space<hbm>> -> memref<64x128xf32, #tpu.memory_space<hbm>>
        tpu.wait_dma2 semaphore(%arg10 : memref<!tpu.dma_semaphore, #tpu.memory_space<semaphore_mem>>) src(%dma_wait3A_1494 : memref<64x128xf32, #tpu.memory_space<hbm>>) dst(%dma_wait3A_1491 : memref<64x128xf32, #tpu.memory_space<vmem>>)
      } else {
      }
      %convert_element_type3A_964 = arith.extui %ne3A_807 : i1 to i32
      %cond3A_965 = arith.constant 0 : i32
      %cond3A_966 = arith.cmpi ne, %convert_element_type3A_964, %cond3A_965 : i32
      scf.if %cond3A_966 {
        %dma_wait3A_1480 = arith.constant 0 : i32
        %dma_wait3A_1481 = arith.constant 0 : i32
        %dma_wait3A_1482 = arith.constant 0 : i32
        %dma_wait3A_1483 = tpu.memref_slice %arg7[%dma_wait3A_1480, %dma_wait3A_1481, %dma_wait3A_1482] : memref<12x64x128xf32, #tpu.memory_space<vmem>> -> memref<1x64x128xf32, #tpu.memory_space<vmem>>
        %dma_wait3A_1484 = tpu.memref_squeeze %dma_wait3A_1483 : memref<1x64x128xf32, #tpu.memory_space<vmem>> -> memref<64x128xf32, #tpu.memory_space<vmem>>
        %dma_wait3A_1485 = arith.constant 0 : i32
        %dma_wait3A_1486 = arith.constant 0 : i32
        %dma_wait3A_1487 = tpu.memref_slice %arg3[%dma_wait3A_1485, %dma_wait3A_1486] : memref<64x1000000xf32, #tpu.memory_space<hbm>> -> memref<64x128xf32, #tpu.memory_space<hbm>>
        %dma_wait3A_1488 = arith.constant 0 : i32
        %dma_wait3A_1489 = arith.constant 0 : i32
        %dma_wait3A_1490 = tpu.memref_slice %arg7[%dma_wait3A_1480, %dma_wait3A_1488, %dma_wait3A_1489] : memref<12x64x128xf32, #tpu.memory_space<vmem>> -> memref<1x64x128xf32, #tpu.memory_space<vmem>>
        %dma_wait3A_1491 = tpu.memref_squeeze %dma_wait3A_1490 : memref<1x64x128xf32, #tpu.memory_space<vmem>> -> memref<64x128xf32, #tpu.memory_space<vmem>>
        %dma_wait3A_1492 = arith.constant 0 : i32
        %dma_wait3A_1493 = arith.constant 0 : i32
        %dma_wait3A_1494 = tpu.memref_slice %arg3[%dma_wait3A_1492, %dma_wait3A_1493] : memref<64x1000000xf32, #tpu.memory_space<hbm>> -> memref<64x128xf32, #tpu.memory_space<hbm>>
        tpu.wait_dma2 semaphore(%arg10 : memref<!tpu.dma_semaphore, #tpu.memory_space<semaphore_mem>>) src(%dma_wait3A_1494 : memref<64x128xf32, #tpu.memory_space<hbm>>) dst(%dma_wait3A_1491 : memref<64x128xf32, #tpu.memory_space<vmem>>)
      } else {
      }
      %convert_element_type3A_967 = arith.extui %ne3A_808 : i1 to i32
      %cond3A_968 = arith.constant 0 : i32
      %cond3A_969 = arith.cmpi ne, %convert_element_type3A_967, %cond3A_968 : i32
      scf.if %cond3A_969 {
        %dma_wait3A_1480 = arith.constant 0 : i32
        %dma_wait3A_1481 = arith.constant 0 : i32
        %dma_wait3A_1482 = arith.constant 0 : i32
        %dma_wait3A_1483 = tpu.memref_slice %arg7[%dma_wait3A_1480, %dma_wait3A_1481, %dma_wait3A_1482] : memref<12x64x128xf32, #tpu.memory_space<vmem>> -> memref<1x64x128xf32, #tpu.memory_space<vmem>>
        %dma_wait3A_1484 = tpu.memref_squeeze %dma_wait3A_1483 : memref<1x64x128xf32, #tpu.memory_space<vmem>> -> memref<64x128xf32, #tpu.memory_space<vmem>>
        %dma_wait3A_1485 = arith.constant 0 : i32
        %dma_wait3A_1486 = arith.constant 0 : i32
        %dma_wait3A_1487 = tpu.memref_slice %arg3[%dma_wait3A_1485, %dma_wait3A_1486] : memref<64x1000000xf32, #tpu.memory_space<hbm>> -> memref<64x128xf32, #tpu.memory_space<hbm>>
        %dma_wait3A_1488 = arith.constant 0 : i32
        %dma_wait3A_1489 = arith.constant 0 : i32
        %dma_wait3A_1490 = tpu.memref_slice %arg7[%dma_wait3A_1480, %dma_wait3A_1488, %dma_wait3A_1489] : memref<12x64x128xf32, #tpu.memory_space<vmem>> -> memref<1x64x128xf32, #tpu.memory_space<vmem>>
        %dma_wait3A_1491 = tpu.memref_squeeze %dma_wait3A_1490 : memref<1x64x128xf32, #tpu.memory_space<vmem>> -> memref<64x128xf32, #tpu.memory_space<vmem>>
        %dma_wait3A_1492 = arith.constant 0 : i32
        %dma_wait3A_1493 = arith.constant 0 : i32
        %dma_wait3A_1494 = tpu.memref_slice %arg3[%dma_wait3A_1492, %dma_wait3A_1493] : memref<64x1000000xf32, #tpu.memory_space<hbm>> -> memref<64x128xf32, #tpu.memory_space<hbm>>
        tpu.wait_dma2 semaphore(%arg10 : memref<!tpu.dma_semaphore, #tpu.memory_space<semaphore_mem>>) src(%dma_wait3A_1494 : memref<64x128xf32, #tpu.memory_space<hbm>>) dst(%dma_wait3A_1491 : memref<64x128xf32, #tpu.memory_space<vmem>>)
      } else {
      }
      %broadcast_in_dim3A_970 = vector.broadcast %rem3A_814 : i32 to vector<16xi32>
      %slice3A_971 = vector.extract_strided_slice %and3A_772 {offsets = [0], sizes = [1], strides = [1]} : vector<16xi32> to vector<1xi32>
      %squeeze3A_972 = vector.extract %slice3A_971[0] : i32 from vector<1xi32>
      %broadcast_in_dim3A_973 = vector.broadcast %squeeze3A_972 : i32 to vector<16xi32>
      %gather3A_974 = tpu.vector_load_idx %arg7[%broadcast_in_dim3A_970, %add3A_12, %broadcast_in_dim3A_973] : memref<12x64x128xf32, #tpu.memory_space<vmem>>[vector<16xi32>, vector<16xi32>, vector<16xi32>], vector<16xf32>,
      %add3A_975 = arith.addf %gather3A_974, %get3A_3 : vector<16xf32>
      %swap3A_976 = arith.constant 1 : i32
      %swap3A_977 = arith.index_cast %swap3A_976 : i32 to index
      %swap3A_978 = arith.constant 0 : index
      %swap3A_979 = tpu.vector_load %arg8[%swap3A_977, %swap3A_978] {strides = array<i32>} : memref<2x1024xf32, #tpu.memory_space<vmem>>, vector<16xf32>,
      tpu.vector_store %arg8[%swap3A_977, %swap3A_978], %add3A_975 {strides = array<i32>} : memref<2x1024xf32, #tpu.memory_space<vmem>>, vector<16xf32>,
      %gather3A_980 = tpu.vector_load_idx %arg7[%broadcast_in_dim3A_970, %add3A_15, %broadcast_in_dim3A_973] : memref<12x64x128xf32, #tpu.memory_space<vmem>>[vector<16xi32>, vector<16xi32>, vector<16xi32>], vector<16xf32>,
      %add3A_981 = arith.addf %gather3A_980, %get3A_5 : vector<16xf32>
      %swap3A_982 = arith.constant 1 : i32
      %swap3A_983 = arith.index_cast %swap3A_982 : i32 to index
      %swap3A_984 = arith.constant 16 : index
      %swap3A_985 = tpu.vector_load %arg8[%swap3A_983, %swap3A_984] {strides = array<i32>} : memref<2x1024xf32, #tpu.memory_space<vmem>>, vector<16xf32>,
      tpu.vector_store %arg8[%swap3A_983, %swap3A_984], %add3A_981 {strides = array<i32>} : memref<2x1024xf32, #tpu.memory_space<vmem>>, vector<16xf32>,
      %gather3A_986 = tpu.vector_load_idx %arg7[%broadcast_in_dim3A_970, %add3A_18, %broadcast_in_dim3A_973] : memref<12x64x128xf32, #tpu.memory_space<vmem>>[vector<16xi32>, vector<16xi32>, vector<16xi32>], vector<16xf32>,
      %add3A_987 = arith.addf %gather3A_986, %get3A_7 : vector<16xf32>
      %swap3A_988 = arith.constant 1 : i32
      %swap3A_989 = arith.index_cast %swap3A_988 : i32 to index
      %swap3A_990 = arith.constant 32 : index
      %swap3A_991 = tpu.vector_load %arg8[%swap3A_989, %swap3A_990] {strides = array<i32>} : memref<2x1024xf32, #tpu.memory_space<vmem>>, vector<16xf32>,
      tpu.vector_store %arg8[%swap3A_989, %swap3A_990], %add3A_987 {strides = array<i32>} : memref<2x1024xf32, #tpu.memory_space<vmem>>, vector<16xf32>,
      %gather3A_992 = tpu.vector_load_idx %arg7[%broadcast_in_dim3A_970, %add3A_21, %broadcast_in_dim3A_973] : memref<12x64x128xf32, #tpu.memory_space<vmem>>[vector<16xi32>, vector<16xi32>, vector<16xi32>], vector<16xf32>,
      %add3A_993 = arith.addf %gather3A_992, %get3A_9 : vector<16xf32>
      %swap3A_994 = arith.constant 1 : i32
      %swap3A_995 = arith.index_cast %swap3A_994 : i32 to index
      %swap3A_996 = arith.constant 48 : index
      %swap3A_997 = tpu.vector_load %arg8[%swap3A_995, %swap3A_996] {strides = array<i32>} : memref<2x1024xf32, #tpu.memory_space<vmem>>, vector<16xf32>,
      tpu.vector_store %arg8[%swap3A_995, %swap3A_996], %add3A_993 {strides = array<i32>} : memref<2x1024xf32, #tpu.memory_space<vmem>>, vector<16xf32>,
      %broadcast_in_dim3A_998 = vector.broadcast %rem3A_820 : i32 to vector<16xi32>
      %slice3A_999 = vector.extract_strided_slice %and3A_772 {offsets = [1], sizes = [1], strides = [1]} : vector<16xi32> to vector<1xi32>
      %squeeze3A_1000 = vector.extract %slice3A_999[0] : i32 from vector<1xi32>
      %broadcast_in_dim3A_1001 = vector.broadcast %squeeze3A_1000 : i32 to vector<16xi32>
      %gather3A_1002 = tpu.vector_load_idx %arg7[%broadcast_in_dim3A_998, %add3A_12, %broadcast_in_dim3A_1001] : memref<12x64x128xf32, #tpu.memory_space<vmem>>[vector<16xi32>, vector<16xi32>, vector<16xi32>], vector<16xf32>,
      %add3A_1003 = arith.addf %gather3A_1002, %get3A_3 : vector<16xf32>
      %swap3A_1004 = arith.constant 1 : i32
      %swap3A_1005 = arith.index_cast %swap3A_1004 : i32 to index
      %swap3A_1006 = arith.constant 64 : index
      %swap3A_1007 = tpu.vector_load %arg8[%swap3A_1005, %swap3A_1006] {strides = array<i32>} : memref<2x1024xf32, #tpu.memory_space<vmem>>, vector<16xf32>,
      tpu.vector_store %arg8[%swap3A_1005, %swap3A_1006], %add3A_1003 {strides = array<i32>} : memref<2x1024xf32, #tpu.memory_space<vmem>>, vector<16xf32>,
      %gather3A_1008 = tpu.vector_load_idx %arg7[%broadcast_in_dim3A_998, %add3A_15, %broadcast_in_dim3A_1001] : memref<12x64x128xf32, #tpu.memory_space<vmem>>[vector<16xi32>, vector<16xi32>, vector<16xi32>], vector<16xf32>,
      %add3A_1009 = arith.addf %gather3A_1008, %get3A_5 : vector<16xf32>
      %swap3A_1010 = arith.constant 1 : i32
      %swap3A_1011 = arith.index_cast %swap3A_1010 : i32 to index
      %swap3A_1012 = arith.constant 80 : index
      %swap3A_1013 = tpu.vector_load %arg8[%swap3A_1011, %swap3A_1012] {strides = array<i32>} : memref<2x1024xf32, #tpu.memory_space<vmem>>, vector<16xf32>,
      tpu.vector_store %arg8[%swap3A_1011, %swap3A_1012], %add3A_1009 {strides = array<i32>} : memref<2x1024xf32, #tpu.memory_space<vmem>>, vector<16xf32>,
      %gather3A_1014 = tpu.vector_load_idx %arg7[%broadcast_in_dim3A_998, %add3A_18, %broadcast_in_dim3A_1001] : memref<12x64x128xf32, #tpu.memory_space<vmem>>[vector<16xi32>, vector<16xi32>, vector<16xi32>], vector<16xf32>,
      %add3A_1015 = arith.addf %gather3A_1014, %get3A_7 : vector<16xf32>
      %swap3A_1016 = arith.constant 1 : i32
      %swap3A_1017 = arith.index_cast %swap3A_1016 : i32 to index
      %swap3A_1018 = arith.constant 96 : index
      %swap3A_1019 = tpu.vector_load %arg8[%swap3A_1017, %swap3A_1018] {strides = array<i32>} : memref<2x1024xf32, #tpu.memory_space<vmem>>, vector<16xf32>,
      tpu.vector_store %arg8[%swap3A_1017, %swap3A_1018], %add3A_1015 {strides = array<i32>} : memref<2x1024xf32, #tpu.memory_space<vmem>>, vector<16xf32>,
      %gather3A_1020 = tpu.vector_load_idx %arg7[%broadcast_in_dim3A_998, %add3A_21, %broadcast_in_dim3A_1001] : memref<12x64x128xf32, #tpu.memory_space<vmem>>[vector<16xi32>, vector<16xi32>, vector<16xi32>], vector<16xf32>,
      %add3A_1021 = arith.addf %gather3A_1020, %get3A_9 : vector<16xf32>
      %swap3A_1022 = arith.constant 1 : i32
      %swap3A_1023 = arith.index_cast %swap3A_1022 : i32 to index
      %swap3A_1024 = arith.constant 112 : index
      %swap3A_1025 = tpu.vector_load %arg8[%swap3A_1023, %swap3A_1024] {strides = array<i32>} : memref<2x1024xf32, #tpu.memory_space<vmem>>, vector<16xf32>,
      tpu.vector_store %arg8[%swap3A_1023, %swap3A_1024], %add3A_1021 {strides = array<i32>} : memref<2x1024xf32, #tpu.memory_space<vmem>>, vector<16xf32>,
      %broadcast_in_dim3A_1026 = vector.broadcast %rem3A_826 : i32 to vector<16xi32>
      %slice3A_1027 = vector.extract_strided_slice %and3A_772 {offsets = [2], sizes = [1], strides = [1]} : vector<16xi32> to vector<1xi32>
      %squeeze3A_1028 = vector.extract %slice3A_1027[0] : i32 from vector<1xi32>
      %broadcast_in_dim3A_1029 = vector.broadcast %squeeze3A_1028 : i32 to vector<16xi32>
      %gather3A_1030 = tpu.vector_load_idx %arg7[%broadcast_in_dim3A_1026, %add3A_12, %broadcast_in_dim3A_1029] : memref<12x64x128xf32, #tpu.memory_space<vmem>>[vector<16xi32>, vector<16xi32>, vector<16xi32>], vector<16xf32>,
      %add3A_1031 = arith.addf %gather3A_1030, %get3A_3 : vector<16xf32>
      %swap3A_1032 = arith.constant 1 : i32
      %swap3A_1033 = arith.index_cast %swap3A_1032 : i32 to index
      %swap3A_1034 = arith.constant 128 : index
      %swap3A_1035 = tpu.vector_load %arg8[%swap3A_1033, %swap3A_1034] {strides = array<i32>} : memref<2x1024xf32, #tpu.memory_space<vmem>>, vector<16xf32>,
      tpu.vector_store %arg8[%swap3A_1033, %swap3A_1034], %add3A_1031 {strides = array<i32>} : memref<2x1024xf32, #tpu.memory_space<vmem>>, vector<16xf32>,
      %gather3A_1036 = tpu.vector_load_idx %arg7[%broadcast_in_dim3A_1026, %add3A_15, %broadcast_in_dim3A_1029] : memref<12x64x128xf32, #tpu.memory_space<vmem>>[vector<16xi32>, vector<16xi32>, vector<16xi32>], vector<16xf32>,
      %add3A_1037 = arith.addf %gather3A_1036, %get3A_5 : vector<16xf32>
      %swap3A_1038 = arith.constant 1 : i32
      %swap3A_1039 = arith.index_cast %swap3A_1038 : i32 to index
      %swap3A_1040 = arith.constant 144 : index
      %swap3A_1041 = tpu.vector_load %arg8[%swap3A_1039, %swap3A_1040] {strides = array<i32>} : memref<2x1024xf32, #tpu.memory_space<vmem>>, vector<16xf32>,
      tpu.vector_store %arg8[%swap3A_1039, %swap3A_1040], %add3A_1037 {strides = array<i32>} : memref<2x1024xf32, #tpu.memory_space<vmem>>, vector<16xf32>,
      %gather3A_1042 = tpu.vector_load_idx %arg7[%broadcast_in_dim3A_1026, %add3A_18, %broadcast_in_dim3A_1029] : memref<12x64x128xf32, #tpu.memory_space<vmem>>[vector<16xi32>, vector<16xi32>, vector<16xi32>], vector<16xf32>,
      %add3A_1043 = arith.addf %gather3A_1042, %get3A_7 : vector<16xf32>
      %swap3A_1044 = arith.constant 1 : i32
      %swap3A_1045 = arith.index_cast %swap3A_1044 : i32 to index
      %swap3A_1046 = arith.constant 160 : index
      %swap3A_1047 = tpu.vector_load %arg8[%swap3A_1045, %swap3A_1046] {strides = array<i32>} : memref<2x1024xf32, #tpu.memory_space<vmem>>, vector<16xf32>,
      tpu.vector_store %arg8[%swap3A_1045, %swap3A_1046], %add3A_1043 {strides = array<i32>} : memref<2x1024xf32, #tpu.memory_space<vmem>>, vector<16xf32>,
      %gather3A_1048 = tpu.vector_load_idx %arg7[%broadcast_in_dim3A_1026, %add3A_21, %broadcast_in_dim3A_1029] : memref<12x64x128xf32, #tpu.memory_space<vmem>>[vector<16xi32>, vector<16xi32>, vector<16xi32>], vector<16xf32>,
      %add3A_1049 = arith.addf %gather3A_1048, %get3A_9 : vector<16xf32>
      %swap3A_1050 = arith.constant 1 : i32
      %swap3A_1051 = arith.index_cast %swap3A_1050 : i32 to index
      %swap3A_1052 = arith.constant 176 : index
      %swap3A_1053 = tpu.vector_load %arg8[%swap3A_1051, %swap3A_1052] {strides = array<i32>} : memref<2x1024xf32, #tpu.memory_space<vmem>>, vector<16xf32>,
      tpu.vector_store %arg8[%swap3A_1051, %swap3A_1052], %add3A_1049 {strides = array<i32>} : memref<2x1024xf32, #tpu.memory_space<vmem>>, vector<16xf32>,
      %broadcast_in_dim3A_1054 = vector.broadcast %rem3A_832 : i32 to vector<16xi32>
      %slice3A_1055 = vector.extract_strided_slice %and3A_772 {offsets = [3], sizes = [1], strides = [1]} : vector<16xi32> to vector<1xi32>
      %squeeze3A_1056 = vector.extract %slice3A_1055[0] : i32 from vector<1xi32>
      %broadcast_in_dim3A_1057 = vector.broadcast %squeeze3A_1056 : i32 to vector<16xi32>
      %gather3A_1058 = tpu.vector_load_idx %arg7[%broadcast_in_dim3A_1054, %add3A_12, %broadcast_in_dim3A_1057] : memref<12x64x128xf32, #tpu.memory_space<vmem>>[vector<16xi32>, vector<16xi32>, vector<16xi32>], vector<16xf32>,
      %add3A_1059 = arith.addf %gather3A_1058, %get3A_3 : vector<16xf32>
      %swap3A_1060 = arith.constant 1 : i32
      %swap3A_1061 = arith.index_cast %swap3A_1060 : i32 to index
      %swap3A_1062 = arith.constant 192 : index
      %swap3A_1063 = tpu.vector_load %arg8[%swap3A_1061, %swap3A_1062] {strides = array<i32>} : memref<2x1024xf32, #tpu.memory_space<vmem>>, vector<16xf32>,
      tpu.vector_store %arg8[%swap3A_1061, %swap3A_1062], %add3A_1059 {strides = array<i32>} : memref<2x1024xf32, #tpu.memory_space<vmem>>, vector<16xf32>,
      %gather3A_1064 = tpu.vector_load_idx %arg7[%broadcast_in_dim3A_1054, %add3A_15, %broadcast_in_dim3A_1057] : memref<12x64x128xf32, #tpu.memory_space<vmem>>[vector<16xi32>, vector<16xi32>, vector<16xi32>], vector<16xf32>,
      %add3A_1065 = arith.addf %gather3A_1064, %get3A_5 : vector<16xf32>
      %swap3A_1066 = arith.constant 1 : i32
      %swap3A_1067 = arith.index_cast %swap3A_1066 : i32 to index
      %swap3A_1068 = arith.constant 208 : index
      %swap3A_1069 = tpu.vector_load %arg8[%swap3A_1067, %swap3A_1068] {strides = array<i32>} : memref<2x1024xf32, #tpu.memory_space<vmem>>, vector<16xf32>,
      tpu.vector_store %arg8[%swap3A_1067, %swap3A_1068], %add3A_1065 {strides = array<i32>} : memref<2x1024xf32, #tpu.memory_space<vmem>>, vector<16xf32>,
      %gather3A_1070 = tpu.vector_load_idx %arg7[%broadcast_in_dim3A_1054, %add3A_18, %broadcast_in_dim3A_1057] : memref<12x64x128xf32, #tpu.memory_space<vmem>>[vector<16xi32>, vector<16xi32>, vector<16xi32>], vector<16xf32>,
      %add3A_1071 = arith.addf %gather3A_1070, %get3A_7 : vector<16xf32>
      %swap3A_1072 = arith.constant 1 : i32
      %swap3A_1073 = arith.index_cast %swap3A_1072 : i32 to index
      %swap3A_1074 = arith.constant 224 : index
      %swap3A_1075 = tpu.vector_load %arg8[%swap3A_1073, %swap3A_1074] {strides = array<i32>} : memref<2x1024xf32, #tpu.memory_space<vmem>>, vector<16xf32>,
      tpu.vector_store %arg8[%swap3A_1073, %swap3A_1074], %add3A_1071 {strides = array<i32>} : memref<2x1024xf32, #tpu.memory_space<vmem>>, vector<16xf32>,
      %gather3A_1076 = tpu.vector_load_idx %arg7[%broadcast_in_dim3A_1054, %add3A_21, %broadcast_in_dim3A_1057] : memref<12x64x128xf32, #tpu.memory_space<vmem>>[vector<16xi32>, vector<16xi32>, vector<16xi32>], vector<16xf32>,
      %add3A_1077 = arith.addf %gather3A_1076, %get3A_9 : vector<16xf32>
      %swap3A_1078 = arith.constant 1 : i32
      %swap3A_1079 = arith.index_cast %swap3A_1078 : i32 to index
      %swap3A_1080 = arith.constant 240 : index
      %swap3A_1081 = tpu.vector_load %arg8[%swap3A_1079, %swap3A_1080] {strides = array<i32>} : memref<2x1024xf32, #tpu.memory_space<vmem>>, vector<16xf32>,
      tpu.vector_store %arg8[%swap3A_1079, %swap3A_1080], %add3A_1077 {strides = array<i32>} : memref<2x1024xf32, #tpu.memory_space<vmem>>, vector<16xf32>,
      %convert_element_type3A_1082 = arith.extui %ne3A_889 : i1 to i32
      %cond3A_1083 = arith.constant 0 : i32
      %cond3A_1084 = arith.cmpi ne, %convert_element_type3A_1082, %cond3A_1083 : i32
      scf.if %cond3A_1084 {
        %multiple_of3A = tpu.assume_multiple %squeeze3A_798, 128 : i32
        %dma_start3A_1480 = arith.constant 0 : i32
        %dma_start3A_1481 = arith.constant 0 : i32
        %dma_start3A_1482 = tpu.memref_slice %arg7[%rem3A_898, %dma_start3A_1480, %dma_start3A_1481] : memref<12x64x128xf32, #tpu.memory_space<vmem>> -> memref<1x64x128xf32, #tpu.memory_space<vmem>>
        %dma_start3A_1483 = tpu.memref_squeeze %dma_start3A_1482 : memref<1x64x128xf32, #tpu.memory_space<vmem>> -> memref<64x128xf32, #tpu.memory_space<vmem>>
        %dma_start3A_1484 = arith.constant 0 : i32
        %dma_start3A_1485 = tpu.memref_slice %arg3[%dma_start3A_1484, %multiple_of3A] : memref<64x1000000xf32, #tpu.memory_space<hbm>> -> memref<64x128xf32, #tpu.memory_space<hbm>>
        %dma_start3A_1486 = arith.constant 0 : i32
        %dma_start3A_1487 = arith.constant 0 : i32
        %dma_start3A_1488 = tpu.memref_slice %arg7[%rem3A_898, %dma_start3A_1486, %dma_start3A_1487] : memref<12x64x128xf32, #tpu.memory_space<vmem>> -> memref<1x64x128xf32, #tpu.memory_space<vmem>>
        %dma_start3A_1489 = tpu.memref_squeeze %dma_start3A_1488 : memref<1x64x128xf32, #tpu.memory_space<vmem>> -> memref<64x128xf32, #tpu.memory_space<vmem>>
        %dma_start3A_1490 = arith.constant 0 : i32
        %dma_start3A_1491 = tpu.memref_slice %arg3[%dma_start3A_1490, %multiple_of3A] : memref<64x1000000xf32, #tpu.memory_space<hbm>> -> memref<64x128xf32, #tpu.memory_space<hbm>>
        tpu.enqueue_dma source(%dma_start3A_1491 : memref<64x128xf32, #tpu.memory_space<hbm>>) target(%dma_start3A_1489 : memref<64x128xf32, #tpu.memory_space<vmem>>) target_semaphore(%arg10 : memref<!tpu.dma_semaphore, #tpu.memory_space<semaphore_mem>>)
      } else {
      }
      %convert_element_type3A_1085 = arith.extui %ne3A_890 : i1 to i32
      %cond3A_1086 = arith.constant 0 : i32
      %cond3A_1087 = arith.cmpi ne, %convert_element_type3A_1085, %cond3A_1086 : i32
      scf.if %cond3A_1087 {
        %multiple_of3A = tpu.assume_multiple %squeeze3A_800, 128 : i32
        %dma_start3A_1480 = arith.constant 0 : i32
        %dma_start3A_1481 = arith.constant 0 : i32
        %dma_start3A_1482 = tpu.memref_slice %arg7[%rem3A_904, %dma_start3A_1480, %dma_start3A_1481] : memref<12x64x128xf32, #tpu.memory_space<vmem>> -> memref<1x64x128xf32, #tpu.memory_space<vmem>>
        %dma_start3A_1483 = tpu.memref_squeeze %dma_start3A_1482 : memref<1x64x128xf32, #tpu.memory_space<vmem>> -> memref<64x128xf32, #tpu.memory_space<vmem>>
        %dma_start3A_1484 = arith.constant 0 : i32
        %dma_start3A_1485 = tpu.memref_slice %arg3[%dma_start3A_1484, %multiple_of3A] : memref<64x1000000xf32, #tpu.memory_space<hbm>> -> memref<64x128xf32, #tpu.memory_space<hbm>>
        %dma_start3A_1486 = arith.constant 0 : i32
        %dma_start3A_1487 = arith.constant 0 : i32
        %dma_start3A_1488 = tpu.memref_slice %arg7[%rem3A_904, %dma_start3A_1486, %dma_start3A_1487] : memref<12x64x128xf32, #tpu.memory_space<vmem>> -> memref<1x64x128xf32, #tpu.memory_space<vmem>>
        %dma_start3A_1489 = tpu.memref_squeeze %dma_start3A_1488 : memref<1x64x128xf32, #tpu.memory_space<vmem>> -> memref<64x128xf32, #tpu.memory_space<vmem>>
        %dma_start3A_1490 = arith.constant 0 : i32
        %dma_start3A_1491 = tpu.memref_slice %arg3[%dma_start3A_1490, %multiple_of3A] : memref<64x1000000xf32, #tpu.memory_space<hbm>> -> memref<64x128xf32, #tpu.memory_space<hbm>>
        tpu.enqueue_dma source(%dma_start3A_1491 : memref<64x128xf32, #tpu.memory_space<hbm>>) target(%dma_start3A_1489 : memref<64x128xf32, #tpu.memory_space<vmem>>) target_semaphore(%arg10 : memref<!tpu.dma_semaphore, #tpu.memory_space<semaphore_mem>>)
      } else {
      }
      %convert_element_type3A_1088 = arith.extui %ne3A_891 : i1 to i32
      %cond3A_1089 = arith.constant 0 : i32
      %cond3A_1090 = arith.cmpi ne, %convert_element_type3A_1088, %cond3A_1089 : i32
      scf.if %cond3A_1090 {
        %multiple_of3A = tpu.assume_multiple %squeeze3A_802, 128 : i32
        %dma_start3A_1480 = arith.constant 0 : i32
        %dma_start3A_1481 = arith.constant 0 : i32
        %dma_start3A_1482 = tpu.memref_slice %arg7[%rem3A_910, %dma_start3A_1480, %dma_start3A_1481] : memref<12x64x128xf32, #tpu.memory_space<vmem>> -> memref<1x64x128xf32, #tpu.memory_space<vmem>>
        %dma_start3A_1483 = tpu.memref_squeeze %dma_start3A_1482 : memref<1x64x128xf32, #tpu.memory_space<vmem>> -> memref<64x128xf32, #tpu.memory_space<vmem>>
        %dma_start3A_1484 = arith.constant 0 : i32
        %dma_start3A_1485 = tpu.memref_slice %arg3[%dma_start3A_1484, %multiple_of3A] : memref<64x1000000xf32, #tpu.memory_space<hbm>> -> memref<64x128xf32, #tpu.memory_space<hbm>>
        %dma_start3A_1486 = arith.constant 0 : i32
        %dma_start3A_1487 = arith.constant 0 : i32
        %dma_start3A_1488 = tpu.memref_slice %arg7[%rem3A_910, %dma_start3A_1486, %dma_start3A_1487] : memref<12x64x128xf32, #tpu.memory_space<vmem>> -> memref<1x64x128xf32, #tpu.memory_space<vmem>>
        %dma_start3A_1489 = tpu.memref_squeeze %dma_start3A_1488 : memref<1x64x128xf32, #tpu.memory_space<vmem>> -> memref<64x128xf32, #tpu.memory_space<vmem>>
        %dma_start3A_1490 = arith.constant 0 : i32
        %dma_start3A_1491 = tpu.memref_slice %arg3[%dma_start3A_1490, %multiple_of3A] : memref<64x1000000xf32, #tpu.memory_space<hbm>> -> memref<64x128xf32, #tpu.memory_space<hbm>>
        tpu.enqueue_dma source(%dma_start3A_1491 : memref<64x128xf32, #tpu.memory_space<hbm>>) target(%dma_start3A_1489 : memref<64x128xf32, #tpu.memory_space<vmem>>) target_semaphore(%arg10 : memref<!tpu.dma_semaphore, #tpu.memory_space<semaphore_mem>>)
      } else {
      }
      %convert_element_type3A_1091 = arith.extui %ne3A_892 : i1 to i32
      %cond3A_1092 = arith.constant 0 : i32
      %cond3A_1093 = arith.cmpi ne, %convert_element_type3A_1091, %cond3A_1092 : i32
      scf.if %cond3A_1093 {
        %multiple_of3A = tpu.assume_multiple %squeeze3A_804, 128 : i32
        %dma_start3A_1480 = arith.constant 0 : i32
        %dma_start3A_1481 = arith.constant 0 : i32
        %dma_start3A_1482 = tpu.memref_slice %arg7[%rem3A_916, %dma_start3A_1480, %dma_start3A_1481] : memref<12x64x128xf32, #tpu.memory_space<vmem>> -> memref<1x64x128xf32, #tpu.memory_space<vmem>>
        %dma_start3A_1483 = tpu.memref_squeeze %dma_start3A_1482 : memref<1x64x128xf32, #tpu.memory_space<vmem>> -> memref<64x128xf32, #tpu.memory_space<vmem>>
        %dma_start3A_1484 = arith.constant 0 : i32
        %dma_start3A_1485 = tpu.memref_slice %arg3[%dma_start3A_1484, %multiple_of3A] : memref<64x1000000xf32, #tpu.memory_space<hbm>> -> memref<64x128xf32, #tpu.memory_space<hbm>>
        %dma_start3A_1486 = arith.constant 0 : i32
        %dma_start3A_1487 = arith.constant 0 : i32
        %dma_start3A_1488 = tpu.memref_slice %arg7[%rem3A_916, %dma_start3A_1486, %dma_start3A_1487] : memref<12x64x128xf32, #tpu.memory_space<vmem>> -> memref<1x64x128xf32, #tpu.memory_space<vmem>>
        %dma_start3A_1489 = tpu.memref_squeeze %dma_start3A_1488 : memref<1x64x128xf32, #tpu.memory_space<vmem>> -> memref<64x128xf32, #tpu.memory_space<vmem>>
        %dma_start3A_1490 = arith.constant 0 : i32
        %dma_start3A_1491 = tpu.memref_slice %arg3[%dma_start3A_1490, %multiple_of3A] : memref<64x1000000xf32, #tpu.memory_space<hbm>> -> memref<64x128xf32, #tpu.memory_space<hbm>>
        tpu.enqueue_dma source(%dma_start3A_1491 : memref<64x128xf32, #tpu.memory_space<hbm>>) target(%dma_start3A_1489 : memref<64x128xf32, #tpu.memory_space<vmem>>) target_semaphore(%arg10 : memref<!tpu.dma_semaphore, #tpu.memory_space<semaphore_mem>>)
      } else {
      }
      %convert_element_type3A_1094 = arith.extui %ne3A_833 : i1 to i32
      %cond3A_1095 = arith.constant 0 : i32
      %cond3A_1096 = arith.cmpi ne, %convert_element_type3A_1094, %cond3A_1095 : i32
      scf.if %cond3A_1096 {
        %dma_wait3A_1480 = arith.constant 0 : i32
        %dma_wait3A_1481 = arith.constant 0 : i32
        %dma_wait3A_1482 = arith.constant 0 : i32
        %dma_wait3A_1483 = tpu.memref_slice %arg7[%dma_wait3A_1480, %dma_wait3A_1481, %dma_wait3A_1482] : memref<12x64x128xf32, #tpu.memory_space<vmem>> -> memref<1x64x128xf32, #tpu.memory_space<vmem>>
        %dma_wait3A_1484 = tpu.memref_squeeze %dma_wait3A_1483 : memref<1x64x128xf32, #tpu.memory_space<vmem>> -> memref<64x128xf32, #tpu.memory_space<vmem>>
        %dma_wait3A_1485 = arith.constant 0 : i32
        %dma_wait3A_1486 = arith.constant 0 : i32
        %dma_wait3A_1487 = tpu.memref_slice %arg3[%dma_wait3A_1485, %dma_wait3A_1486] : memref<64x1000000xf32, #tpu.memory_space<hbm>> -> memref<64x128xf32, #tpu.memory_space<hbm>>
        %dma_wait3A_1488 = arith.constant 0 : i32
        %dma_wait3A_1489 = arith.constant 0 : i32
        %dma_wait3A_1490 = tpu.memref_slice %arg7[%dma_wait3A_1480, %dma_wait3A_1488, %dma_wait3A_1489] : memref<12x64x128xf32, #tpu.memory_space<vmem>> -> memref<1x64x128xf32, #tpu.memory_space<vmem>>
        %dma_wait3A_1491 = tpu.memref_squeeze %dma_wait3A_1490 : memref<1x64x128xf32, #tpu.memory_space<vmem>> -> memref<64x128xf32, #tpu.memory_space<vmem>>
        %dma_wait3A_1492 = arith.constant 0 : i32
        %dma_wait3A_1493 = arith.constant 0 : i32
        %dma_wait3A_1494 = tpu.memref_slice %arg3[%dma_wait3A_1492, %dma_wait3A_1493] : memref<64x1000000xf32, #tpu.memory_space<hbm>> -> memref<64x128xf32, #tpu.memory_space<hbm>>
        tpu.wait_dma2 semaphore(%arg11 : memref<!tpu.dma_semaphore, #tpu.memory_space<semaphore_mem>>) src(%dma_wait3A_1494 : memref<64x128xf32, #tpu.memory_space<hbm>>) dst(%dma_wait3A_1491 : memref<64x128xf32, #tpu.memory_space<vmem>>)
      } else {
      }
      %convert_element_type3A_1097 = arith.extui %ne3A_834 : i1 to i32
      %cond3A_1098 = arith.constant 0 : i32
      %cond3A_1099 = arith.cmpi ne, %convert_element_type3A_1097, %cond3A_1098 : i32
      scf.if %cond3A_1099 {
        %dma_wait3A_1480 = arith.constant 0 : i32
        %dma_wait3A_1481 = arith.constant 0 : i32
        %dma_wait3A_1482 = arith.constant 0 : i32
        %dma_wait3A_1483 = tpu.memref_slice %arg7[%dma_wait3A_1480, %dma_wait3A_1481, %dma_wait3A_1482] : memref<12x64x128xf32, #tpu.memory_space<vmem>> -> memref<1x64x128xf32, #tpu.memory_space<vmem>>
        %dma_wait3A_1484 = tpu.memref_squeeze %dma_wait3A_1483 : memref<1x64x128xf32, #tpu.memory_space<vmem>> -> memref<64x128xf32, #tpu.memory_space<vmem>>
        %dma_wait3A_1485 = arith.constant 0 : i32
        %dma_wait3A_1486 = arith.constant 0 : i32
        %dma_wait3A_1487 = tpu.memref_slice %arg3[%dma_wait3A_1485, %dma_wait3A_1486] : memref<64x1000000xf32, #tpu.memory_space<hbm>> -> memref<64x128xf32, #tpu.memory_space<hbm>>
        %dma_wait3A_1488 = arith.constant 0 : i32
        %dma_wait3A_1489 = arith.constant 0 : i32
        %dma_wait3A_1490 = tpu.memref_slice %arg7[%dma_wait3A_1480, %dma_wait3A_1488, %dma_wait3A_1489] : memref<12x64x128xf32, #tpu.memory_space<vmem>> -> memref<1x64x128xf32, #tpu.memory_space<vmem>>
        %dma_wait3A_1491 = tpu.memref_squeeze %dma_wait3A_1490 : memref<1x64x128xf32, #tpu.memory_space<vmem>> -> memref<64x128xf32, #tpu.memory_space<vmem>>
        %dma_wait3A_1492 = arith.constant 0 : i32
        %dma_wait3A_1493 = arith.constant 0 : i32
        %dma_wait3A_1494 = tpu.memref_slice %arg3[%dma_wait3A_1492, %dma_wait3A_1493] : memref<64x1000000xf32, #tpu.memory_space<hbm>> -> memref<64x128xf32, #tpu.memory_space<hbm>>
        tpu.wait_dma2 semaphore(%arg11 : memref<!tpu.dma_semaphore, #tpu.memory_space<semaphore_mem>>) src(%dma_wait3A_1494 : memref<64x128xf32, #tpu.memory_space<hbm>>) dst(%dma_wait3A_1491 : memref<64x128xf32, #tpu.memory_space<vmem>>)
      } else {
      }
      %convert_element_type3A_1100 = arith.extui %ne3A_835 : i1 to i32
      %cond3A_1101 = arith.constant 0 : i32
      %cond3A_1102 = arith.cmpi ne, %convert_element_type3A_1100, %cond3A_1101 : i32
      scf.if %cond3A_1102 {
        %dma_wait3A_1480 = arith.constant 0 : i32
        %dma_wait3A_1481 = arith.constant 0 : i32
        %dma_wait3A_1482 = arith.constant 0 : i32
        %dma_wait3A_1483 = tpu.memref_slice %arg7[%dma_wait3A_1480, %dma_wait3A_1481, %dma_wait3A_1482] : memref<12x64x128xf32, #tpu.memory_space<vmem>> -> memref<1x64x128xf32, #tpu.memory_space<vmem>>
        %dma_wait3A_1484 = tpu.memref_squeeze %dma_wait3A_1483 : memref<1x64x128xf32, #tpu.memory_space<vmem>> -> memref<64x128xf32, #tpu.memory_space<vmem>>
        %dma_wait3A_1485 = arith.constant 0 : i32
        %dma_wait3A_1486 = arith.constant 0 : i32
        %dma_wait3A_1487 = tpu.memref_slice %arg3[%dma_wait3A_1485, %dma_wait3A_1486] : memref<64x1000000xf32, #tpu.memory_space<hbm>> -> memref<64x128xf32, #tpu.memory_space<hbm>>
        %dma_wait3A_1488 = arith.constant 0 : i32
        %dma_wait3A_1489 = arith.constant 0 : i32
        %dma_wait3A_1490 = tpu.memref_slice %arg7[%dma_wait3A_1480, %dma_wait3A_1488, %dma_wait3A_1489] : memref<12x64x128xf32, #tpu.memory_space<vmem>> -> memref<1x64x128xf32, #tpu.memory_space<vmem>>
        %dma_wait3A_1491 = tpu.memref_squeeze %dma_wait3A_1490 : memref<1x64x128xf32, #tpu.memory_space<vmem>> -> memref<64x128xf32, #tpu.memory_space<vmem>>
        %dma_wait3A_1492 = arith.constant 0 : i32
        %dma_wait3A_1493 = arith.constant 0 : i32
        %dma_wait3A_1494 = tpu.memref_slice %arg3[%dma_wait3A_1492, %dma_wait3A_1493] : memref<64x1000000xf32, #tpu.memory_space<hbm>> -> memref<64x128xf32, #tpu.memory_space<hbm>>
        tpu.wait_dma2 semaphore(%arg11 : memref<!tpu.dma_semaphore, #tpu.memory_space<semaphore_mem>>) src(%dma_wait3A_1494 : memref<64x128xf32, #tpu.memory_space<hbm>>) dst(%dma_wait3A_1491 : memref<64x128xf32, #tpu.memory_space<vmem>>)
      } else {
      }
      %convert_element_type3A_1103 = arith.extui %ne3A_836 : i1 to i32
      %cond3A_1104 = arith.constant 0 : i32
      %cond3A_1105 = arith.cmpi ne, %convert_element_type3A_1103, %cond3A_1104 : i32
      scf.if %cond3A_1105 {
        %dma_wait3A_1480 = arith.constant 0 : i32
        %dma_wait3A_1481 = arith.constant 0 : i32
        %dma_wait3A_1482 = arith.constant 0 : i32
        %dma_wait3A_1483 = tpu.memref_slice %arg7[%dma_wait3A_1480, %dma_wait3A_1481, %dma_wait3A_1482] : memref<12x64x128xf32, #tpu.memory_space<vmem>> -> memref<1x64x128xf32, #tpu.memory_space<vmem>>
        %dma_wait3A_1484 = tpu.memref_squeeze %dma_wait3A_1483 : memref<1x64x128xf32, #tpu.memory_space<vmem>> -> memref<64x128xf32, #tpu.memory_space<vmem>>
        %dma_wait3A_1485 = arith.constant 0 : i32
        %dma_wait3A_1486 = arith.constant 0 : i32
        %dma_wait3A_1487 = tpu.memref_slice %arg3[%dma_wait3A_1485, %dma_wait3A_1486] : memref<64x1000000xf32, #tpu.memory_space<hbm>> -> memref<64x128xf32, #tpu.memory_space<hbm>>
        %dma_wait3A_1488 = arith.constant 0 : i32
        %dma_wait3A_1489 = arith.constant 0 : i32
        %dma_wait3A_1490 = tpu.memref_slice %arg7[%dma_wait3A_1480, %dma_wait3A_1488, %dma_wait3A_1489] : memref<12x64x128xf32, #tpu.memory_space<vmem>> -> memref<1x64x128xf32, #tpu.memory_space<vmem>>
        %dma_wait3A_1491 = tpu.memref_squeeze %dma_wait3A_1490 : memref<1x64x128xf32, #tpu.memory_space<vmem>> -> memref<64x128xf32, #tpu.memory_space<vmem>>
        %dma_wait3A_1492 = arith.constant 0 : i32
        %dma_wait3A_1493 = arith.constant 0 : i32
        %dma_wait3A_1494 = tpu.memref_slice %arg3[%dma_wait3A_1492, %dma_wait3A_1493] : memref<64x1000000xf32, #tpu.memory_space<hbm>> -> memref<64x128xf32, #tpu.memory_space<hbm>>
        tpu.wait_dma2 semaphore(%arg11 : memref<!tpu.dma_semaphore, #tpu.memory_space<semaphore_mem>>) src(%dma_wait3A_1494 : memref<64x128xf32, #tpu.memory_space<hbm>>) dst(%dma_wait3A_1491 : memref<64x128xf32, #tpu.memory_space<vmem>>)
      } else {
      }
      %broadcast_in_dim3A_1106 = vector.broadcast %rem3A_842 : i32 to vector<16xi32>
      %slice3A_1107 = vector.extract_strided_slice %and3A_772 {offsets = [4], sizes = [1], strides = [1]} : vector<16xi32> to vector<1xi32>
      %squeeze3A_1108 = vector.extract %slice3A_1107[0] : i32 from vector<1xi32>
      %broadcast_in_dim3A_1109 = vector.broadcast %squeeze3A_1108 : i32 to vector<16xi32>
      %gather3A_1110 = tpu.vector_load_idx %arg7[%broadcast_in_dim3A_1106, %add3A_12, %broadcast_in_dim3A_1109] : memref<12x64x128xf32, #tpu.memory_space<vmem>>[vector<16xi32>, vector<16xi32>, vector<16xi32>], vector<16xf32>,
      %add3A_1111 = arith.addf %gather3A_1110, %get3A_3 : vector<16xf32>
      %swap3A_1112 = arith.constant 1 : i32
      %swap3A_1113 = arith.index_cast %swap3A_1112 : i32 to index
      %swap3A_1114 = arith.constant 256 : index
      %swap3A_1115 = tpu.vector_load %arg8[%swap3A_1113, %swap3A_1114] {strides = array<i32>} : memref<2x1024xf32, #tpu.memory_space<vmem>>, vector<16xf32>,
      tpu.vector_store %arg8[%swap3A_1113, %swap3A_1114], %add3A_1111 {strides = array<i32>} : memref<2x1024xf32, #tpu.memory_space<vmem>>, vector<16xf32>,
      %gather3A_1116 = tpu.vector_load_idx %arg7[%broadcast_in_dim3A_1106, %add3A_15, %broadcast_in_dim3A_1109] : memref<12x64x128xf32, #tpu.memory_space<vmem>>[vector<16xi32>, vector<16xi32>, vector<16xi32>], vector<16xf32>,
      %add3A_1117 = arith.addf %gather3A_1116, %get3A_5 : vector<16xf32>
      %swap3A_1118 = arith.constant 1 : i32
      %swap3A_1119 = arith.index_cast %swap3A_1118 : i32 to index
      %swap3A_1120 = arith.constant 272 : index
      %swap3A_1121 = tpu.vector_load %arg8[%swap3A_1119, %swap3A_1120] {strides = array<i32>} : memref<2x1024xf32, #tpu.memory_space<vmem>>, vector<16xf32>,
      tpu.vector_store %arg8[%swap3A_1119, %swap3A_1120], %add3A_1117 {strides = array<i32>} : memref<2x1024xf32, #tpu.memory_space<vmem>>, vector<16xf32>,
      %gather3A_1122 = tpu.vector_load_idx %arg7[%broadcast_in_dim3A_1106, %add3A_18, %broadcast_in_dim3A_1109] : memref<12x64x128xf32, #tpu.memory_space<vmem>>[vector<16xi32>, vector<16xi32>, vector<16xi32>], vector<16xf32>,
      %add3A_1123 = arith.addf %gather3A_1122, %get3A_7 : vector<16xf32>
      %swap3A_1124 = arith.constant 1 : i32
      %swap3A_1125 = arith.index_cast %swap3A_1124 : i32 to index
      %swap3A_1126 = arith.constant 288 : index
      %swap3A_1127 = tpu.vector_load %arg8[%swap3A_1125, %swap3A_1126] {strides = array<i32>} : memref<2x1024xf32, #tpu.memory_space<vmem>>, vector<16xf32>,
      tpu.vector_store %arg8[%swap3A_1125, %swap3A_1126], %add3A_1123 {strides = array<i32>} : memref<2x1024xf32, #tpu.memory_space<vmem>>, vector<16xf32>,
      %gather3A_1128 = tpu.vector_load_idx %arg7[%broadcast_in_dim3A_1106, %add3A_21, %broadcast_in_dim3A_1109] : memref<12x64x128xf32, #tpu.memory_space<vmem>>[vector<16xi32>, vector<16xi32>, vector<16xi32>], vector<16xf32>,
      %add3A_1129 = arith.addf %gather3A_1128, %get3A_9 : vector<16xf32>
      %swap3A_1130 = arith.constant 1 : i32
      %swap3A_1131 = arith.index_cast %swap3A_1130 : i32 to index
      %swap3A_1132 = arith.constant 304 : index
      %swap3A_1133 = tpu.vector_load %arg8[%swap3A_1131, %swap3A_1132] {strides = array<i32>} : memref<2x1024xf32, #tpu.memory_space<vmem>>, vector<16xf32>,
      tpu.vector_store %arg8[%swap3A_1131, %swap3A_1132], %add3A_1129 {strides = array<i32>} : memref<2x1024xf32, #tpu.memory_space<vmem>>, vector<16xf32>,
      %broadcast_in_dim3A_1134 = vector.broadcast %rem3A_848 : i32 to vector<16xi32>
      %slice3A_1135 = vector.extract_strided_slice %and3A_772 {offsets = [5], sizes = [1], strides = [1]} : vector<16xi32> to vector<1xi32>
      %squeeze3A_1136 = vector.extract %slice3A_1135[0] : i32 from vector<1xi32>
      %broadcast_in_dim3A_1137 = vector.broadcast %squeeze3A_1136 : i32 to vector<16xi32>
      %gather3A_1138 = tpu.vector_load_idx %arg7[%broadcast_in_dim3A_1134, %add3A_12, %broadcast_in_dim3A_1137] : memref<12x64x128xf32, #tpu.memory_space<vmem>>[vector<16xi32>, vector<16xi32>, vector<16xi32>], vector<16xf32>,
      %add3A_1139 = arith.addf %gather3A_1138, %get3A_3 : vector<16xf32>
      %swap3A_1140 = arith.constant 1 : i32
      %swap3A_1141 = arith.index_cast %swap3A_1140 : i32 to index
      %swap3A_1142 = arith.constant 320 : index
      %swap3A_1143 = tpu.vector_load %arg8[%swap3A_1141, %swap3A_1142] {strides = array<i32>} : memref<2x1024xf32, #tpu.memory_space<vmem>>, vector<16xf32>,
      tpu.vector_store %arg8[%swap3A_1141, %swap3A_1142], %add3A_1139 {strides = array<i32>} : memref<2x1024xf32, #tpu.memory_space<vmem>>, vector<16xf32>,
      %gather3A_1144 = tpu.vector_load_idx %arg7[%broadcast_in_dim3A_1134, %add3A_15, %broadcast_in_dim3A_1137] : memref<12x64x128xf32, #tpu.memory_space<vmem>>[vector<16xi32>, vector<16xi32>, vector<16xi32>], vector<16xf32>,
      %add3A_1145 = arith.addf %gather3A_1144, %get3A_5 : vector<16xf32>
      %swap3A_1146 = arith.constant 1 : i32
      %swap3A_1147 = arith.index_cast %swap3A_1146 : i32 to index
      %swap3A_1148 = arith.constant 336 : index
      %swap3A_1149 = tpu.vector_load %arg8[%swap3A_1147, %swap3A_1148] {strides = array<i32>} : memref<2x1024xf32, #tpu.memory_space<vmem>>, vector<16xf32>,
      tpu.vector_store %arg8[%swap3A_1147, %swap3A_1148], %add3A_1145 {strides = array<i32>} : memref<2x1024xf32, #tpu.memory_space<vmem>>, vector<16xf32>,
      %gather3A_1150 = tpu.vector_load_idx %arg7[%broadcast_in_dim3A_1134, %add3A_18, %broadcast_in_dim3A_1137] : memref<12x64x128xf32, #tpu.memory_space<vmem>>[vector<16xi32>, vector<16xi32>, vector<16xi32>], vector<16xf32>,
      %add3A_1151 = arith.addf %gather3A_1150, %get3A_7 : vector<16xf32>
      %swap3A_1152 = arith.constant 1 : i32
      %swap3A_1153 = arith.index_cast %swap3A_1152 : i32 to index
      %swap3A_1154 = arith.constant 352 : index
      %swap3A_1155 = tpu.vector_load %arg8[%swap3A_1153, %swap3A_1154] {strides = array<i32>} : memref<2x1024xf32, #tpu.memory_space<vmem>>, vector<16xf32>,
      tpu.vector_store %arg8[%swap3A_1153, %swap3A_1154], %add3A_1151 {strides = array<i32>} : memref<2x1024xf32, #tpu.memory_space<vmem>>, vector<16xf32>,
      %gather3A_1156 = tpu.vector_load_idx %arg7[%broadcast_in_dim3A_1134, %add3A_21, %broadcast_in_dim3A_1137] : memref<12x64x128xf32, #tpu.memory_space<vmem>>[vector<16xi32>, vector<16xi32>, vector<16xi32>], vector<16xf32>,
      %add3A_1157 = arith.addf %gather3A_1156, %get3A_9 : vector<16xf32>
      %swap3A_1158 = arith.constant 1 : i32
      %swap3A_1159 = arith.index_cast %swap3A_1158 : i32 to index
      %swap3A_1160 = arith.constant 368 : index
      %swap3A_1161 = tpu.vector_load %arg8[%swap3A_1159, %swap3A_1160] {strides = array<i32>} : memref<2x1024xf32, #tpu.memory_space<vmem>>, vector<16xf32>,
      tpu.vector_store %arg8[%swap3A_1159, %swap3A_1160], %add3A_1157 {strides = array<i32>} : memref<2x1024xf32, #tpu.memory_space<vmem>>, vector<16xf32>,
      %broadcast_in_dim3A_1162 = vector.broadcast %rem3A_854 : i32 to vector<16xi32>
      %slice3A_1163 = vector.extract_strided_slice %and3A_772 {offsets = [6], sizes = [1], strides = [1]} : vector<16xi32> to vector<1xi32>
      %squeeze3A_1164 = vector.extract %slice3A_1163[0] : i32 from vector<1xi32>
      %broadcast_in_dim3A_1165 = vector.broadcast %squeeze3A_1164 : i32 to vector<16xi32>
      %gather3A_1166 = tpu.vector_load_idx %arg7[%broadcast_in_dim3A_1162, %add3A_12, %broadcast_in_dim3A_1165] : memref<12x64x128xf32, #tpu.memory_space<vmem>>[vector<16xi32>, vector<16xi32>, vector<16xi32>], vector<16xf32>,
      %add3A_1167 = arith.addf %gather3A_1166, %get3A_3 : vector<16xf32>
      %swap3A_1168 = arith.constant 1 : i32
      %swap3A_1169 = arith.index_cast %swap3A_1168 : i32 to index
      %swap3A_1170 = arith.constant 384 : index
      %swap3A_1171 = tpu.vector_load %arg8[%swap3A_1169, %swap3A_1170] {strides = array<i32>} : memref<2x1024xf32, #tpu.memory_space<vmem>>, vector<16xf32>,
      tpu.vector_store %arg8[%swap3A_1169, %swap3A_1170], %add3A_1167 {strides = array<i32>} : memref<2x1024xf32, #tpu.memory_space<vmem>>, vector<16xf32>,
      %gather3A_1172 = tpu.vector_load_idx %arg7[%broadcast_in_dim3A_1162, %add3A_15, %broadcast_in_dim3A_1165] : memref<12x64x128xf32, #tpu.memory_space<vmem>>[vector<16xi32>, vector<16xi32>, vector<16xi32>], vector<16xf32>,
      %add3A_1173 = arith.addf %gather3A_1172, %get3A_5 : vector<16xf32>
      %swap3A_1174 = arith.constant 1 : i32
      %swap3A_1175 = arith.index_cast %swap3A_1174 : i32 to index
      %swap3A_1176 = arith.constant 400 : index
      %swap3A_1177 = tpu.vector_load %arg8[%swap3A_1175, %swap3A_1176] {strides = array<i32>} : memref<2x1024xf32, #tpu.memory_space<vmem>>, vector<16xf32>,
      tpu.vector_store %arg8[%swap3A_1175, %swap3A_1176], %add3A_1173 {strides = array<i32>} : memref<2x1024xf32, #tpu.memory_space<vmem>>, vector<16xf32>,
      %gather3A_1178 = tpu.vector_load_idx %arg7[%broadcast_in_dim3A_1162, %add3A_18, %broadcast_in_dim3A_1165] : memref<12x64x128xf32, #tpu.memory_space<vmem>>[vector<16xi32>, vector<16xi32>, vector<16xi32>], vector<16xf32>,
      %add3A_1179 = arith.addf %gather3A_1178, %get3A_7 : vector<16xf32>
      %swap3A_1180 = arith.constant 1 : i32
      %swap3A_1181 = arith.index_cast %swap3A_1180 : i32 to index
      %swap3A_1182 = arith.constant 416 : index
      %swap3A_1183 = tpu.vector_load %arg8[%swap3A_1181, %swap3A_1182] {strides = array<i32>} : memref<2x1024xf32, #tpu.memory_space<vmem>>, vector<16xf32>,
      tpu.vector_store %arg8[%swap3A_1181, %swap3A_1182], %add3A_1179 {strides = array<i32>} : memref<2x1024xf32, #tpu.memory_space<vmem>>, vector<16xf32>,
      %gather3A_1184 = tpu.vector_load_idx %arg7[%broadcast_in_dim3A_1162, %add3A_21, %broadcast_in_dim3A_1165] : memref<12x64x128xf32, #tpu.memory_space<vmem>>[vector<16xi32>, vector<16xi32>, vector<16xi32>], vector<16xf32>,
      %add3A_1185 = arith.addf %gather3A_1184, %get3A_9 : vector<16xf32>
      %swap3A_1186 = arith.constant 1 : i32
      %swap3A_1187 = arith.index_cast %swap3A_1186 : i32 to index
      %swap3A_1188 = arith.constant 432 : index
      %swap3A_1189 = tpu.vector_load %arg8[%swap3A_1187, %swap3A_1188] {strides = array<i32>} : memref<2x1024xf32, #tpu.memory_space<vmem>>, vector<16xf32>,
      tpu.vector_store %arg8[%swap3A_1187, %swap3A_1188], %add3A_1185 {strides = array<i32>} : memref<2x1024xf32, #tpu.memory_space<vmem>>, vector<16xf32>,
      %broadcast_in_dim3A_1190 = vector.broadcast %rem3A_860 : i32 to vector<16xi32>
      %slice3A_1191 = vector.extract_strided_slice %and3A_772 {offsets = [7], sizes = [1], strides = [1]} : vector<16xi32> to vector<1xi32>
      %squeeze3A_1192 = vector.extract %slice3A_1191[0] : i32 from vector<1xi32>
      %broadcast_in_dim3A_1193 = vector.broadcast %squeeze3A_1192 : i32 to vector<16xi32>
      %gather3A_1194 = tpu.vector_load_idx %arg7[%broadcast_in_dim3A_1190, %add3A_12, %broadcast_in_dim3A_1193] : memref<12x64x128xf32, #tpu.memory_space<vmem>>[vector<16xi32>, vector<16xi32>, vector<16xi32>], vector<16xf32>,
      %add3A_1195 = arith.addf %gather3A_1194, %get3A_3 : vector<16xf32>
      %swap3A_1196 = arith.constant 1 : i32
      %swap3A_1197 = arith.index_cast %swap3A_1196 : i32 to index
      %swap3A_1198 = arith.constant 448 : index
      %swap3A_1199 = tpu.vector_load %arg8[%swap3A_1197, %swap3A_1198] {strides = array<i32>} : memref<2x1024xf32, #tpu.memory_space<vmem>>, vector<16xf32>,
      tpu.vector_store %arg8[%swap3A_1197, %swap3A_1198], %add3A_1195 {strides = array<i32>} : memref<2x1024xf32, #tpu.memory_space<vmem>>, vector<16xf32>,
      %gather3A_1200 = tpu.vector_load_idx %arg7[%broadcast_in_dim3A_1190, %add3A_15, %broadcast_in_dim3A_1193] : memref<12x64x128xf32, #tpu.memory_space<vmem>>[vector<16xi32>, vector<16xi32>, vector<16xi32>], vector<16xf32>,
      %add3A_1201 = arith.addf %gather3A_1200, %get3A_5 : vector<16xf32>
      %swap3A_1202 = arith.constant 1 : i32
      %swap3A_1203 = arith.index_cast %swap3A_1202 : i32 to index
      %swap3A_1204 = arith.constant 464 : index
      %swap3A_1205 = tpu.vector_load %arg8[%swap3A_1203, %swap3A_1204] {strides = array<i32>} : memref<2x1024xf32, #tpu.memory_space<vmem>>, vector<16xf32>,
      tpu.vector_store %arg8[%swap3A_1203, %swap3A_1204], %add3A_1201 {strides = array<i32>} : memref<2x1024xf32, #tpu.memory_space<vmem>>, vector<16xf32>,
      %gather3A_1206 = tpu.vector_load_idx %arg7[%broadcast_in_dim3A_1190, %add3A_18, %broadcast_in_dim3A_1193] : memref<12x64x128xf32, #tpu.memory_space<vmem>>[vector<16xi32>, vector<16xi32>, vector<16xi32>], vector<16xf32>,
      %add3A_1207 = arith.addf %gather3A_1206, %get3A_7 : vector<16xf32>
      %swap3A_1208 = arith.constant 1 : i32
      %swap3A_1209 = arith.index_cast %swap3A_1208 : i32 to index
      %swap3A_1210 = arith.constant 480 : index
      %swap3A_1211 = tpu.vector_load %arg8[%swap3A_1209, %swap3A_1210] {strides = array<i32>} : memref<2x1024xf32, #tpu.memory_space<vmem>>, vector<16xf32>,
      tpu.vector_store %arg8[%swap3A_1209, %swap3A_1210], %add3A_1207 {strides = array<i32>} : memref<2x1024xf32, #tpu.memory_space<vmem>>, vector<16xf32>,
      %gather3A_1212 = tpu.vector_load_idx %arg7[%broadcast_in_dim3A_1190, %add3A_21, %broadcast_in_dim3A_1193] : memref<12x64x128xf32, #tpu.memory_space<vmem>>[vector<16xi32>, vector<16xi32>, vector<16xi32>], vector<16xf32>,
      %add3A_1213 = arith.addf %gather3A_1212, %get3A_9 : vector<16xf32>
      %swap3A_1214 = arith.constant 1 : i32
      %swap3A_1215 = arith.index_cast %swap3A_1214 : i32 to index
      %swap3A_1216 = arith.constant 496 : index
      %swap3A_1217 = tpu.vector_load %arg8[%swap3A_1215, %swap3A_1216] {strides = array<i32>} : memref<2x1024xf32, #tpu.memory_space<vmem>>, vector<16xf32>,
      tpu.vector_store %arg8[%swap3A_1215, %swap3A_1216], %add3A_1213 {strides = array<i32>} : memref<2x1024xf32, #tpu.memory_space<vmem>>, vector<16xf32>,
      %convert_element_type3A_1218 = arith.extui %ne3A_861 : i1 to i32
      %cond3A_1219 = arith.constant 0 : i32
      %cond3A_1220 = arith.cmpi ne, %convert_element_type3A_1218, %cond3A_1219 : i32
      scf.if %cond3A_1220 {
        %dma_wait3A_1480 = arith.constant 0 : i32
        %dma_wait3A_1481 = arith.constant 0 : i32
        %dma_wait3A_1482 = arith.constant 0 : i32
        %dma_wait3A_1483 = tpu.memref_slice %arg7[%dma_wait3A_1480, %dma_wait3A_1481, %dma_wait3A_1482] : memref<12x64x128xf32, #tpu.memory_space<vmem>> -> memref<1x64x128xf32, #tpu.memory_space<vmem>>
        %dma_wait3A_1484 = tpu.memref_squeeze %dma_wait3A_1483 : memref<1x64x128xf32, #tpu.memory_space<vmem>> -> memref<64x128xf32, #tpu.memory_space<vmem>>
        %dma_wait3A_1485 = arith.constant 0 : i32
        %dma_wait3A_1486 = arith.constant 0 : i32
        %dma_wait3A_1487 = tpu.memref_slice %arg3[%dma_wait3A_1485, %dma_wait3A_1486] : memref<64x1000000xf32, #tpu.memory_space<hbm>> -> memref<64x128xf32, #tpu.memory_space<hbm>>
        %dma_wait3A_1488 = arith.constant 0 : i32
        %dma_wait3A_1489 = arith.constant 0 : i32
        %dma_wait3A_1490 = tpu.memref_slice %arg7[%dma_wait3A_1480, %dma_wait3A_1488, %dma_wait3A_1489] : memref<12x64x128xf32, #tpu.memory_space<vmem>> -> memref<1x64x128xf32, #tpu.memory_space<vmem>>
        %dma_wait3A_1491 = tpu.memref_squeeze %dma_wait3A_1490 : memref<1x64x128xf32, #tpu.memory_space<vmem>> -> memref<64x128xf32, #tpu.memory_space<vmem>>
        %dma_wait3A_1492 = arith.constant 0 : i32
        %dma_wait3A_1493 = arith.constant 0 : i32
        %dma_wait3A_1494 = tpu.memref_slice %arg3[%dma_wait3A_1492, %dma_wait3A_1493] : memref<64x1000000xf32, #tpu.memory_space<hbm>> -> memref<64x128xf32, #tpu.memory_space<hbm>>
        tpu.wait_dma2 semaphore(%arg12 : memref<!tpu.dma_semaphore, #tpu.memory_space<semaphore_mem>>) src(%dma_wait3A_1494 : memref<64x128xf32, #tpu.memory_space<hbm>>) dst(%dma_wait3A_1491 : memref<64x128xf32, #tpu.memory_space<vmem>>)
      } else {
      }
      %convert_element_type3A_1221 = arith.extui %ne3A_862 : i1 to i32
      %cond3A_1222 = arith.constant 0 : i32
      %cond3A_1223 = arith.cmpi ne, %convert_element_type3A_1221, %cond3A_1222 : i32
      scf.if %cond3A_1223 {
        %dma_wait3A_1480 = arith.constant 0 : i32
        %dma_wait3A_1481 = arith.constant 0 : i32
        %dma_wait3A_1482 = arith.constant 0 : i32
        %dma_wait3A_1483 = tpu.memref_slice %arg7[%dma_wait3A_1480, %dma_wait3A_1481, %dma_wait3A_1482] : memref<12x64x128xf32, #tpu.memory_space<vmem>> -> memref<1x64x128xf32, #tpu.memory_space<vmem>>
        %dma_wait3A_1484 = tpu.memref_squeeze %dma_wait3A_1483 : memref<1x64x128xf32, #tpu.memory_space<vmem>> -> memref<64x128xf32, #tpu.memory_space<vmem>>
        %dma_wait3A_1485 = arith.constant 0 : i32
        %dma_wait3A_1486 = arith.constant 0 : i32
        %dma_wait3A_1487 = tpu.memref_slice %arg3[%dma_wait3A_1485, %dma_wait3A_1486] : memref<64x1000000xf32, #tpu.memory_space<hbm>> -> memref<64x128xf32, #tpu.memory_space<hbm>>
        %dma_wait3A_1488 = arith.constant 0 : i32
        %dma_wait3A_1489 = arith.constant 0 : i32
        %dma_wait3A_1490 = tpu.memref_slice %arg7[%dma_wait3A_1480, %dma_wait3A_1488, %dma_wait3A_1489] : memref<12x64x128xf32, #tpu.memory_space<vmem>> -> memref<1x64x128xf32, #tpu.memory_space<vmem>>
        %dma_wait3A_1491 = tpu.memref_squeeze %dma_wait3A_1490 : memref<1x64x128xf32, #tpu.memory_space<vmem>> -> memref<64x128xf32, #tpu.memory_space<vmem>>
        %dma_wait3A_1492 = arith.constant 0 : i32
        %dma_wait3A_1493 = arith.constant 0 : i32
        %dma_wait3A_1494 = tpu.memref_slice %arg3[%dma_wait3A_1492, %dma_wait3A_1493] : memref<64x1000000xf32, #tpu.memory_space<hbm>> -> memref<64x128xf32, #tpu.memory_space<hbm>>
        tpu.wait_dma2 semaphore(%arg12 : memref<!tpu.dma_semaphore, #tpu.memory_space<semaphore_mem>>) src(%dma_wait3A_1494 : memref<64x128xf32, #tpu.memory_space<hbm>>) dst(%dma_wait3A_1491 : memref<64x128xf32, #tpu.memory_space<vmem>>)
      } else {
      }
      %convert_element_type3A_1224 = arith.extui %ne3A_863 : i1 to i32
      %cond3A_1225 = arith.constant 0 : i32
      %cond3A_1226 = arith.cmpi ne, %convert_element_type3A_1224, %cond3A_1225 : i32
      scf.if %cond3A_1226 {
        %dma_wait3A_1480 = arith.constant 0 : i32
        %dma_wait3A_1481 = arith.constant 0 : i32
        %dma_wait3A_1482 = arith.constant 0 : i32
        %dma_wait3A_1483 = tpu.memref_slice %arg7[%dma_wait3A_1480, %dma_wait3A_1481, %dma_wait3A_1482] : memref<12x64x128xf32, #tpu.memory_space<vmem>> -> memref<1x64x128xf32, #tpu.memory_space<vmem>>
        %dma_wait3A_1484 = tpu.memref_squeeze %dma_wait3A_1483 : memref<1x64x128xf32, #tpu.memory_space<vmem>> -> memref<64x128xf32, #tpu.memory_space<vmem>>
        %dma_wait3A_1485 = arith.constant 0 : i32
        %dma_wait3A_1486 = arith.constant 0 : i32
        %dma_wait3A_1487 = tpu.memref_slice %arg3[%dma_wait3A_1485, %dma_wait3A_1486] : memref<64x1000000xf32, #tpu.memory_space<hbm>> -> memref<64x128xf32, #tpu.memory_space<hbm>>
        %dma_wait3A_1488 = arith.constant 0 : i32
        %dma_wait3A_1489 = arith.constant 0 : i32
        %dma_wait3A_1490 = tpu.memref_slice %arg7[%dma_wait3A_1480, %dma_wait3A_1488, %dma_wait3A_1489] : memref<12x64x128xf32, #tpu.memory_space<vmem>> -> memref<1x64x128xf32, #tpu.memory_space<vmem>>
        %dma_wait3A_1491 = tpu.memref_squeeze %dma_wait3A_1490 : memref<1x64x128xf32, #tpu.memory_space<vmem>> -> memref<64x128xf32, #tpu.memory_space<vmem>>
        %dma_wait3A_1492 = arith.constant 0 : i32
        %dma_wait3A_1493 = arith.constant 0 : i32
        %dma_wait3A_1494 = tpu.memref_slice %arg3[%dma_wait3A_1492, %dma_wait3A_1493] : memref<64x1000000xf32, #tpu.memory_space<hbm>> -> memref<64x128xf32, #tpu.memory_space<hbm>>
        tpu.wait_dma2 semaphore(%arg12 : memref<!tpu.dma_semaphore, #tpu.memory_space<semaphore_mem>>) src(%dma_wait3A_1494 : memref<64x128xf32, #tpu.memory_space<hbm>>) dst(%dma_wait3A_1491 : memref<64x128xf32, #tpu.memory_space<vmem>>)
      } else {
      }
      %convert_element_type3A_1227 = arith.extui %ne3A_864 : i1 to i32
      %cond3A_1228 = arith.constant 0 : i32
      %cond3A_1229 = arith.cmpi ne, %convert_element_type3A_1227, %cond3A_1228 : i32
      scf.if %cond3A_1229 {
        %dma_wait3A_1480 = arith.constant 0 : i32
        %dma_wait3A_1481 = arith.constant 0 : i32
        %dma_wait3A_1482 = arith.constant 0 : i32
        %dma_wait3A_1483 = tpu.memref_slice %arg7[%dma_wait3A_1480, %dma_wait3A_1481, %dma_wait3A_1482] : memref<12x64x128xf32, #tpu.memory_space<vmem>> -> memref<1x64x128xf32, #tpu.memory_space<vmem>>
        %dma_wait3A_1484 = tpu.memref_squeeze %dma_wait3A_1483 : memref<1x64x128xf32, #tpu.memory_space<vmem>> -> memref<64x128xf32, #tpu.memory_space<vmem>>
        %dma_wait3A_1485 = arith.constant 0 : i32
        %dma_wait3A_1486 = arith.constant 0 : i32
        %dma_wait3A_1487 = tpu.memref_slice %arg3[%dma_wait3A_1485, %dma_wait3A_1486] : memref<64x1000000xf32, #tpu.memory_space<hbm>> -> memref<64x128xf32, #tpu.memory_space<hbm>>
        %dma_wait3A_1488 = arith.constant 0 : i32
        %dma_wait3A_1489 = arith.constant 0 : i32
        %dma_wait3A_1490 = tpu.memref_slice %arg7[%dma_wait3A_1480, %dma_wait3A_1488, %dma_wait3A_1489] : memref<12x64x128xf32, #tpu.memory_space<vmem>> -> memref<1x64x128xf32, #tpu.memory_space<vmem>>
        %dma_wait3A_1491 = tpu.memref_squeeze %dma_wait3A_1490 : memref<1x64x128xf32, #tpu.memory_space<vmem>> -> memref<64x128xf32, #tpu.memory_space<vmem>>
        %dma_wait3A_1492 = arith.constant 0 : i32
        %dma_wait3A_1493 = arith.constant 0 : i32
        %dma_wait3A_1494 = tpu.memref_slice %arg3[%dma_wait3A_1492, %dma_wait3A_1493] : memref<64x1000000xf32, #tpu.memory_space<hbm>> -> memref<64x128xf32, #tpu.memory_space<hbm>>
        tpu.wait_dma2 semaphore(%arg12 : memref<!tpu.dma_semaphore, #tpu.memory_space<semaphore_mem>>) src(%dma_wait3A_1494 : memref<64x128xf32, #tpu.memory_space<hbm>>) dst(%dma_wait3A_1491 : memref<64x128xf32, #tpu.memory_space<vmem>>)
      } else {
      }
      %broadcast_in_dim3A_1230 = vector.broadcast %rem3A_870 : i32 to vector<16xi32>
      %slice3A_1231 = vector.extract_strided_slice %and3A_772 {offsets = [8], sizes = [1], strides = [1]} : vector<16xi32> to vector<1xi32>
      %squeeze3A_1232 = vector.extract %slice3A_1231[0] : i32 from vector<1xi32>
      %broadcast_in_dim3A_1233 = vector.broadcast %squeeze3A_1232 : i32 to vector<16xi32>
      %gather3A_1234 = tpu.vector_load_idx %arg7[%broadcast_in_dim3A_1230, %add3A_12, %broadcast_in_dim3A_1233] : memref<12x64x128xf32, #tpu.memory_space<vmem>>[vector<16xi32>, vector<16xi32>, vector<16xi32>], vector<16xf32>,
      %add3A_1235 = arith.addf %gather3A_1234, %get3A_3 : vector<16xf32>
      %swap3A_1236 = arith.constant 1 : i32
      %swap3A_1237 = arith.index_cast %swap3A_1236 : i32 to index
      %swap3A_1238 = arith.constant 512 : index
      %swap3A_1239 = tpu.vector_load %arg8[%swap3A_1237, %swap3A_1238] {strides = array<i32>} : memref<2x1024xf32, #tpu.memory_space<vmem>>, vector<16xf32>,
      tpu.vector_store %arg8[%swap3A_1237, %swap3A_1238], %add3A_1235 {strides = array<i32>} : memref<2x1024xf32, #tpu.memory_space<vmem>>, vector<16xf32>,
      %gather3A_1240 = tpu.vector_load_idx %arg7[%broadcast_in_dim3A_1230, %add3A_15, %broadcast_in_dim3A_1233] : memref<12x64x128xf32, #tpu.memory_space<vmem>>[vector<16xi32>, vector<16xi32>, vector<16xi32>], vector<16xf32>,
      %add3A_1241 = arith.addf %gather3A_1240, %get3A_5 : vector<16xf32>
      %swap3A_1242 = arith.constant 1 : i32
      %swap3A_1243 = arith.index_cast %swap3A_1242 : i32 to index
      %swap3A_1244 = arith.constant 528 : index
      %swap3A_1245 = tpu.vector_load %arg8[%swap3A_1243, %swap3A_1244] {strides = array<i32>} : memref<2x1024xf32, #tpu.memory_space<vmem>>, vector<16xf32>,
      tpu.vector_store %arg8[%swap3A_1243, %swap3A_1244], %add3A_1241 {strides = array<i32>} : memref<2x1024xf32, #tpu.memory_space<vmem>>, vector<16xf32>,
      %gather3A_1246 = tpu.vector_load_idx %arg7[%broadcast_in_dim3A_1230, %add3A_18, %broadcast_in_dim3A_1233] : memref<12x64x128xf32, #tpu.memory_space<vmem>>[vector<16xi32>, vector<16xi32>, vector<16xi32>], vector<16xf32>,
      %add3A_1247 = arith.addf %gather3A_1246, %get3A_7 : vector<16xf32>
      %swap3A_1248 = arith.constant 1 : i32
      %swap3A_1249 = arith.index_cast %swap3A_1248 : i32 to index
      %swap3A_1250 = arith.constant 544 : index
      %swap3A_1251 = tpu.vector_load %arg8[%swap3A_1249, %swap3A_1250] {strides = array<i32>} : memref<2x1024xf32, #tpu.memory_space<vmem>>, vector<16xf32>,
      tpu.vector_store %arg8[%swap3A_1249, %swap3A_1250], %add3A_1247 {strides = array<i32>} : memref<2x1024xf32, #tpu.memory_space<vmem>>, vector<16xf32>,
      %gather3A_1252 = tpu.vector_load_idx %arg7[%broadcast_in_dim3A_1230, %add3A_21, %broadcast_in_dim3A_1233] : memref<12x64x128xf32, #tpu.memory_space<vmem>>[vector<16xi32>, vector<16xi32>, vector<16xi32>], vector<16xf32>,
      %add3A_1253 = arith.addf %gather3A_1252, %get3A_9 : vector<16xf32>
      %swap3A_1254 = arith.constant 1 : i32
      %swap3A_1255 = arith.index_cast %swap3A_1254 : i32 to index
      %swap3A_1256 = arith.constant 560 : index
      %swap3A_1257 = tpu.vector_load %arg8[%swap3A_1255, %swap3A_1256] {strides = array<i32>} : memref<2x1024xf32, #tpu.memory_space<vmem>>, vector<16xf32>,
      tpu.vector_store %arg8[%swap3A_1255, %swap3A_1256], %add3A_1253 {strides = array<i32>} : memref<2x1024xf32, #tpu.memory_space<vmem>>, vector<16xf32>,
      %broadcast_in_dim3A_1258 = vector.broadcast %rem3A_876 : i32 to vector<16xi32>
      %slice3A_1259 = vector.extract_strided_slice %and3A_772 {offsets = [9], sizes = [1], strides = [1]} : vector<16xi32> to vector<1xi32>
      %squeeze3A_1260 = vector.extract %slice3A_1259[0] : i32 from vector<1xi32>
      %broadcast_in_dim3A_1261 = vector.broadcast %squeeze3A_1260 : i32 to vector<16xi32>
      %gather3A_1262 = tpu.vector_load_idx %arg7[%broadcast_in_dim3A_1258, %add3A_12, %broadcast_in_dim3A_1261] : memref<12x64x128xf32, #tpu.memory_space<vmem>>[vector<16xi32>, vector<16xi32>, vector<16xi32>], vector<16xf32>,
      %add3A_1263 = arith.addf %gather3A_1262, %get3A_3 : vector<16xf32>
      %swap3A_1264 = arith.constant 1 : i32
      %swap3A_1265 = arith.index_cast %swap3A_1264 : i32 to index
      %swap3A_1266 = arith.constant 576 : index
      %swap3A_1267 = tpu.vector_load %arg8[%swap3A_1265, %swap3A_1266] {strides = array<i32>} : memref<2x1024xf32, #tpu.memory_space<vmem>>, vector<16xf32>,
      tpu.vector_store %arg8[%swap3A_1265, %swap3A_1266], %add3A_1263 {strides = array<i32>} : memref<2x1024xf32, #tpu.memory_space<vmem>>, vector<16xf32>,
      %gather3A_1268 = tpu.vector_load_idx %arg7[%broadcast_in_dim3A_1258, %add3A_15, %broadcast_in_dim3A_1261] : memref<12x64x128xf32, #tpu.memory_space<vmem>>[vector<16xi32>, vector<16xi32>, vector<16xi32>], vector<16xf32>,
      %add3A_1269 = arith.addf %gather3A_1268, %get3A_5 : vector<16xf32>
      %swap3A_1270 = arith.constant 1 : i32
      %swap3A_1271 = arith.index_cast %swap3A_1270 : i32 to index
      %swap3A_1272 = arith.constant 592 : index
      %swap3A_1273 = tpu.vector_load %arg8[%swap3A_1271, %swap3A_1272] {strides = array<i32>} : memref<2x1024xf32, #tpu.memory_space<vmem>>, vector<16xf32>,
      tpu.vector_store %arg8[%swap3A_1271, %swap3A_1272], %add3A_1269 {strides = array<i32>} : memref<2x1024xf32, #tpu.memory_space<vmem>>, vector<16xf32>,
      %gather3A_1274 = tpu.vector_load_idx %arg7[%broadcast_in_dim3A_1258, %add3A_18, %broadcast_in_dim3A_1261] : memref<12x64x128xf32, #tpu.memory_space<vmem>>[vector<16xi32>, vector<16xi32>, vector<16xi32>], vector<16xf32>,
      %add3A_1275 = arith.addf %gather3A_1274, %get3A_7 : vector<16xf32>
      %swap3A_1276 = arith.constant 1 : i32
      %swap3A_1277 = arith.index_cast %swap3A_1276 : i32 to index
      %swap3A_1278 = arith.constant 608 : index
      %swap3A_1279 = tpu.vector_load %arg8[%swap3A_1277, %swap3A_1278] {strides = array<i32>} : memref<2x1024xf32, #tpu.memory_space<vmem>>, vector<16xf32>,
      tpu.vector_store %arg8[%swap3A_1277, %swap3A_1278], %add3A_1275 {strides = array<i32>} : memref<2x1024xf32, #tpu.memory_space<vmem>>, vector<16xf32>,
      %gather3A_1280 = tpu.vector_load_idx %arg7[%broadcast_in_dim3A_1258, %add3A_21, %broadcast_in_dim3A_1261] : memref<12x64x128xf32, #tpu.memory_space<vmem>>[vector<16xi32>, vector<16xi32>, vector<16xi32>], vector<16xf32>,
      %add3A_1281 = arith.addf %gather3A_1280, %get3A_9 : vector<16xf32>
      %swap3A_1282 = arith.constant 1 : i32
      %swap3A_1283 = arith.index_cast %swap3A_1282 : i32 to index
      %swap3A_1284 = arith.constant 624 : index
      %swap3A_1285 = tpu.vector_load %arg8[%swap3A_1283, %swap3A_1284] {strides = array<i32>} : memref<2x1024xf32, #tpu.memory_space<vmem>>, vector<16xf32>,
      tpu.vector_store %arg8[%swap3A_1283, %swap3A_1284], %add3A_1281 {strides = array<i32>} : memref<2x1024xf32, #tpu.memory_space<vmem>>, vector<16xf32>,
      %broadcast_in_dim3A_1286 = vector.broadcast %rem3A_882 : i32 to vector<16xi32>
      %slice3A_1287 = vector.extract_strided_slice %and3A_772 {offsets = [10], sizes = [1], strides = [1]} : vector<16xi32> to vector<1xi32>
      %squeeze3A_1288 = vector.extract %slice3A_1287[0] : i32 from vector<1xi32>
      %broadcast_in_dim3A_1289 = vector.broadcast %squeeze3A_1288 : i32 to vector<16xi32>
      %gather3A_1290 = tpu.vector_load_idx %arg7[%broadcast_in_dim3A_1286, %add3A_12, %broadcast_in_dim3A_1289] : memref<12x64x128xf32, #tpu.memory_space<vmem>>[vector<16xi32>, vector<16xi32>, vector<16xi32>], vector<16xf32>,
      %add3A_1291 = arith.addf %gather3A_1290, %get3A_3 : vector<16xf32>
      %swap3A_1292 = arith.constant 1 : i32
      %swap3A_1293 = arith.index_cast %swap3A_1292 : i32 to index
      %swap3A_1294 = arith.constant 640 : index
      %swap3A_1295 = tpu.vector_load %arg8[%swap3A_1293, %swap3A_1294] {strides = array<i32>} : memref<2x1024xf32, #tpu.memory_space<vmem>>, vector<16xf32>,
      tpu.vector_store %arg8[%swap3A_1293, %swap3A_1294], %add3A_1291 {strides = array<i32>} : memref<2x1024xf32, #tpu.memory_space<vmem>>, vector<16xf32>,
      %gather3A_1296 = tpu.vector_load_idx %arg7[%broadcast_in_dim3A_1286, %add3A_15, %broadcast_in_dim3A_1289] : memref<12x64x128xf32, #tpu.memory_space<vmem>>[vector<16xi32>, vector<16xi32>, vector<16xi32>], vector<16xf32>,
      %add3A_1297 = arith.addf %gather3A_1296, %get3A_5 : vector<16xf32>
      %swap3A_1298 = arith.constant 1 : i32
      %swap3A_1299 = arith.index_cast %swap3A_1298 : i32 to index
      %swap3A_1300 = arith.constant 656 : index
      %swap3A_1301 = tpu.vector_load %arg8[%swap3A_1299, %swap3A_1300] {strides = array<i32>} : memref<2x1024xf32, #tpu.memory_space<vmem>>, vector<16xf32>,
      tpu.vector_store %arg8[%swap3A_1299, %swap3A_1300], %add3A_1297 {strides = array<i32>} : memref<2x1024xf32, #tpu.memory_space<vmem>>, vector<16xf32>,
      %gather3A_1302 = tpu.vector_load_idx %arg7[%broadcast_in_dim3A_1286, %add3A_18, %broadcast_in_dim3A_1289] : memref<12x64x128xf32, #tpu.memory_space<vmem>>[vector<16xi32>, vector<16xi32>, vector<16xi32>], vector<16xf32>,
      %add3A_1303 = arith.addf %gather3A_1302, %get3A_7 : vector<16xf32>
      %swap3A_1304 = arith.constant 1 : i32
      %swap3A_1305 = arith.index_cast %swap3A_1304 : i32 to index
      %swap3A_1306 = arith.constant 672 : index
      %swap3A_1307 = tpu.vector_load %arg8[%swap3A_1305, %swap3A_1306] {strides = array<i32>} : memref<2x1024xf32, #tpu.memory_space<vmem>>, vector<16xf32>,
      tpu.vector_store %arg8[%swap3A_1305, %swap3A_1306], %add3A_1303 {strides = array<i32>} : memref<2x1024xf32, #tpu.memory_space<vmem>>, vector<16xf32>,
      %gather3A_1308 = tpu.vector_load_idx %arg7[%broadcast_in_dim3A_1286, %add3A_21, %broadcast_in_dim3A_1289] : memref<12x64x128xf32, #tpu.memory_space<vmem>>[vector<16xi32>, vector<16xi32>, vector<16xi32>], vector<16xf32>,
      %add3A_1309 = arith.addf %gather3A_1308, %get3A_9 : vector<16xf32>
      %swap3A_1310 = arith.constant 1 : i32
      %swap3A_1311 = arith.index_cast %swap3A_1310 : i32 to index
      %swap3A_1312 = arith.constant 688 : index
      %swap3A_1313 = tpu.vector_load %arg8[%swap3A_1311, %swap3A_1312] {strides = array<i32>} : memref<2x1024xf32, #tpu.memory_space<vmem>>, vector<16xf32>,
      tpu.vector_store %arg8[%swap3A_1311, %swap3A_1312], %add3A_1309 {strides = array<i32>} : memref<2x1024xf32, #tpu.memory_space<vmem>>, vector<16xf32>,
      %broadcast_in_dim3A_1314 = vector.broadcast %rem3A_888 : i32 to vector<16xi32>
      %slice3A_1315 = vector.extract_strided_slice %and3A_772 {offsets = [11], sizes = [1], strides = [1]} : vector<16xi32> to vector<1xi32>
      %squeeze3A_1316 = vector.extract %slice3A_1315[0] : i32 from vector<1xi32>
      %broadcast_in_dim3A_1317 = vector.broadcast %squeeze3A_1316 : i32 to vector<16xi32>
      %gather3A_1318 = tpu.vector_load_idx %arg7[%broadcast_in_dim3A_1314, %add3A_12, %broadcast_in_dim3A_1317] : memref<12x64x128xf32, #tpu.memory_space<vmem>>[vector<16xi32>, vector<16xi32>, vector<16xi32>], vector<16xf32>,
      %add3A_1319 = arith.addf %gather3A_1318, %get3A_3 : vector<16xf32>
      %swap3A_1320 = arith.constant 1 : i32
      %swap3A_1321 = arith.index_cast %swap3A_1320 : i32 to index
      %swap3A_1322 = arith.constant 704 : index
      %swap3A_1323 = tpu.vector_load %arg8[%swap3A_1321, %swap3A_1322] {strides = array<i32>} : memref<2x1024xf32, #tpu.memory_space<vmem>>, vector<16xf32>,
      tpu.vector_store %arg8[%swap3A_1321, %swap3A_1322], %add3A_1319 {strides = array<i32>} : memref<2x1024xf32, #tpu.memory_space<vmem>>, vector<16xf32>,
      %gather3A_1324 = tpu.vector_load_idx %arg7[%broadcast_in_dim3A_1314, %add3A_15, %broadcast_in_dim3A_1317] : memref<12x64x128xf32, #tpu.memory_space<vmem>>[vector<16xi32>, vector<16xi32>, vector<16xi32>], vector<16xf32>,
      %add3A_1325 = arith.addf %gather3A_1324, %get3A_5 : vector<16xf32>
      %swap3A_1326 = arith.constant 1 : i32
      %swap3A_1327 = arith.index_cast %swap3A_1326 : i32 to index
      %swap3A_1328 = arith.constant 720 : index
      %swap3A_1329 = tpu.vector_load %arg8[%swap3A_1327, %swap3A_1328] {strides = array<i32>} : memref<2x1024xf32, #tpu.memory_space<vmem>>, vector<16xf32>,
      tpu.vector_store %arg8[%swap3A_1327, %swap3A_1328], %add3A_1325 {strides = array<i32>} : memref<2x1024xf32, #tpu.memory_space<vmem>>, vector<16xf32>,
      %gather3A_1330 = tpu.vector_load_idx %arg7[%broadcast_in_dim3A_1314, %add3A_18, %broadcast_in_dim3A_1317] : memref<12x64x128xf32, #tpu.memory_space<vmem>>[vector<16xi32>, vector<16xi32>, vector<16xi32>], vector<16xf32>,
      %add3A_1331 = arith.addf %gather3A_1330, %get3A_7 : vector<16xf32>
      %swap3A_1332 = arith.constant 1 : i32
      %swap3A_1333 = arith.index_cast %swap3A_1332 : i32 to index
      %swap3A_1334 = arith.constant 736 : index
      %swap3A_1335 = tpu.vector_load %arg8[%swap3A_1333, %swap3A_1334] {strides = array<i32>} : memref<2x1024xf32, #tpu.memory_space<vmem>>, vector<16xf32>,
      tpu.vector_store %arg8[%swap3A_1333, %swap3A_1334], %add3A_1331 {strides = array<i32>} : memref<2x1024xf32, #tpu.memory_space<vmem>>, vector<16xf32>,
      %gather3A_1336 = tpu.vector_load_idx %arg7[%broadcast_in_dim3A_1314, %add3A_21, %broadcast_in_dim3A_1317] : memref<12x64x128xf32, #tpu.memory_space<vmem>>[vector<16xi32>, vector<16xi32>, vector<16xi32>], vector<16xf32>,
      %add3A_1337 = arith.addf %gather3A_1336, %get3A_9 : vector<16xf32>
      %swap3A_1338 = arith.constant 1 : i32
      %swap3A_1339 = arith.index_cast %swap3A_1338 : i32 to index
      %swap3A_1340 = arith.constant 752 : index
      %swap3A_1341 = tpu.vector_load %arg8[%swap3A_1339, %swap3A_1340] {strides = array<i32>} : memref<2x1024xf32, #tpu.memory_space<vmem>>, vector<16xf32>,
      tpu.vector_store %arg8[%swap3A_1339, %swap3A_1340], %add3A_1337 {strides = array<i32>} : memref<2x1024xf32, #tpu.memory_space<vmem>>, vector<16xf32>,
      %convert_element_type3A_1342 = arith.extui %ne3A_889 : i1 to i32
      %cond3A_1343 = arith.constant 0 : i32
      %cond3A_1344 = arith.cmpi ne, %convert_element_type3A_1342, %cond3A_1343 : i32
      scf.if %cond3A_1344 {
        %dma_wait3A_1480 = arith.constant 0 : i32
        %dma_wait3A_1481 = arith.constant 0 : i32
        %dma_wait3A_1482 = arith.constant 0 : i32
        %dma_wait3A_1483 = tpu.memref_slice %arg7[%dma_wait3A_1480, %dma_wait3A_1481, %dma_wait3A_1482] : memref<12x64x128xf32, #tpu.memory_space<vmem>> -> memref<1x64x128xf32, #tpu.memory_space<vmem>>
        %dma_wait3A_1484 = tpu.memref_squeeze %dma_wait3A_1483 : memref<1x64x128xf32, #tpu.memory_space<vmem>> -> memref<64x128xf32, #tpu.memory_space<vmem>>
        %dma_wait3A_1485 = arith.constant 0 : i32
        %dma_wait3A_1486 = arith.constant 0 : i32
        %dma_wait3A_1487 = tpu.memref_slice %arg3[%dma_wait3A_1485, %dma_wait3A_1486] : memref<64x1000000xf32, #tpu.memory_space<hbm>> -> memref<64x128xf32, #tpu.memory_space<hbm>>
        %dma_wait3A_1488 = arith.constant 0 : i32
        %dma_wait3A_1489 = arith.constant 0 : i32
        %dma_wait3A_1490 = tpu.memref_slice %arg7[%dma_wait3A_1480, %dma_wait3A_1488, %dma_wait3A_1489] : memref<12x64x128xf32, #tpu.memory_space<vmem>> -> memref<1x64x128xf32, #tpu.memory_space<vmem>>
        %dma_wait3A_1491 = tpu.memref_squeeze %dma_wait3A_1490 : memref<1x64x128xf32, #tpu.memory_space<vmem>> -> memref<64x128xf32, #tpu.memory_space<vmem>>
        %dma_wait3A_1492 = arith.constant 0 : i32
        %dma_wait3A_1493 = arith.constant 0 : i32
        %dma_wait3A_1494 = tpu.memref_slice %arg3[%dma_wait3A_1492, %dma_wait3A_1493] : memref<64x1000000xf32, #tpu.memory_space<hbm>> -> memref<64x128xf32, #tpu.memory_space<hbm>>
        tpu.wait_dma2 semaphore(%arg10 : memref<!tpu.dma_semaphore, #tpu.memory_space<semaphore_mem>>) src(%dma_wait3A_1494 : memref<64x128xf32, #tpu.memory_space<hbm>>) dst(%dma_wait3A_1491 : memref<64x128xf32, #tpu.memory_space<vmem>>)
      } else {
      }
      %convert_element_type3A_1345 = arith.extui %ne3A_890 : i1 to i32
      %cond3A_1346 = arith.constant 0 : i32
      %cond3A_1347 = arith.cmpi ne, %convert_element_type3A_1345, %cond3A_1346 : i32
      scf.if %cond3A_1347 {
        %dma_wait3A_1480 = arith.constant 0 : i32
        %dma_wait3A_1481 = arith.constant 0 : i32
        %dma_wait3A_1482 = arith.constant 0 : i32
        %dma_wait3A_1483 = tpu.memref_slice %arg7[%dma_wait3A_1480, %dma_wait3A_1481, %dma_wait3A_1482] : memref<12x64x128xf32, #tpu.memory_space<vmem>> -> memref<1x64x128xf32, #tpu.memory_space<vmem>>
        %dma_wait3A_1484 = tpu.memref_squeeze %dma_wait3A_1483 : memref<1x64x128xf32, #tpu.memory_space<vmem>> -> memref<64x128xf32, #tpu.memory_space<vmem>>
        %dma_wait3A_1485 = arith.constant 0 : i32
        %dma_wait3A_1486 = arith.constant 0 : i32
        %dma_wait3A_1487 = tpu.memref_slice %arg3[%dma_wait3A_1485, %dma_wait3A_1486] : memref<64x1000000xf32, #tpu.memory_space<hbm>> -> memref<64x128xf32, #tpu.memory_space<hbm>>
        %dma_wait3A_1488 = arith.constant 0 : i32
        %dma_wait3A_1489 = arith.constant 0 : i32
        %dma_wait3A_1490 = tpu.memref_slice %arg7[%dma_wait3A_1480, %dma_wait3A_1488, %dma_wait3A_1489] : memref<12x64x128xf32, #tpu.memory_space<vmem>> -> memref<1x64x128xf32, #tpu.memory_space<vmem>>
        %dma_wait3A_1491 = tpu.memref_squeeze %dma_wait3A_1490 : memref<1x64x128xf32, #tpu.memory_space<vmem>> -> memref<64x128xf32, #tpu.memory_space<vmem>>
        %dma_wait3A_1492 = arith.constant 0 : i32
        %dma_wait3A_1493 = arith.constant 0 : i32
        %dma_wait3A_1494 = tpu.memref_slice %arg3[%dma_wait3A_1492, %dma_wait3A_1493] : memref<64x1000000xf32, #tpu.memory_space<hbm>> -> memref<64x128xf32, #tpu.memory_space<hbm>>
        tpu.wait_dma2 semaphore(%arg10 : memref<!tpu.dma_semaphore, #tpu.memory_space<semaphore_mem>>) src(%dma_wait3A_1494 : memref<64x128xf32, #tpu.memory_space<hbm>>) dst(%dma_wait3A_1491 : memref<64x128xf32, #tpu.memory_space<vmem>>)
      } else {
      }
      %convert_element_type3A_1348 = arith.extui %ne3A_891 : i1 to i32
      %cond3A_1349 = arith.constant 0 : i32
      %cond3A_1350 = arith.cmpi ne, %convert_element_type3A_1348, %cond3A_1349 : i32
      scf.if %cond3A_1350 {
        %dma_wait3A_1480 = arith.constant 0 : i32
        %dma_wait3A_1481 = arith.constant 0 : i32
        %dma_wait3A_1482 = arith.constant 0 : i32
        %dma_wait3A_1483 = tpu.memref_slice %arg7[%dma_wait3A_1480, %dma_wait3A_1481, %dma_wait3A_1482] : memref<12x64x128xf32, #tpu.memory_space<vmem>> -> memref<1x64x128xf32, #tpu.memory_space<vmem>>
        %dma_wait3A_1484 = tpu.memref_squeeze %dma_wait3A_1483 : memref<1x64x128xf32, #tpu.memory_space<vmem>> -> memref<64x128xf32, #tpu.memory_space<vmem>>
        %dma_wait3A_1485 = arith.constant 0 : i32
        %dma_wait3A_1486 = arith.constant 0 : i32
        %dma_wait3A_1487 = tpu.memref_slice %arg3[%dma_wait3A_1485, %dma_wait3A_1486] : memref<64x1000000xf32, #tpu.memory_space<hbm>> -> memref<64x128xf32, #tpu.memory_space<hbm>>
        %dma_wait3A_1488 = arith.constant 0 : i32
        %dma_wait3A_1489 = arith.constant 0 : i32
        %dma_wait3A_1490 = tpu.memref_slice %arg7[%dma_wait3A_1480, %dma_wait3A_1488, %dma_wait3A_1489] : memref<12x64x128xf32, #tpu.memory_space<vmem>> -> memref<1x64x128xf32, #tpu.memory_space<vmem>>
        %dma_wait3A_1491 = tpu.memref_squeeze %dma_wait3A_1490 : memref<1x64x128xf32, #tpu.memory_space<vmem>> -> memref<64x128xf32, #tpu.memory_space<vmem>>
        %dma_wait3A_1492 = arith.constant 0 : i32
        %dma_wait3A_1493 = arith.constant 0 : i32
        %dma_wait3A_1494 = tpu.memref_slice %arg3[%dma_wait3A_1492, %dma_wait3A_1493] : memref<64x1000000xf32, #tpu.memory_space<hbm>> -> memref<64x128xf32, #tpu.memory_space<hbm>>
        tpu.wait_dma2 semaphore(%arg10 : memref<!tpu.dma_semaphore, #tpu.memory_space<semaphore_mem>>) src(%dma_wait3A_1494 : memref<64x128xf32, #tpu.memory_space<hbm>>) dst(%dma_wait3A_1491 : memref<64x128xf32, #tpu.memory_space<vmem>>)
      } else {
      }
      %convert_element_type3A_1351 = arith.extui %ne3A_892 : i1 to i32
      %cond3A_1352 = arith.constant 0 : i32
      %cond3A_1353 = arith.cmpi ne, %convert_element_type3A_1351, %cond3A_1352 : i32
      scf.if %cond3A_1353 {
        %dma_wait3A_1480 = arith.constant 0 : i32
        %dma_wait3A_1481 = arith.constant 0 : i32
        %dma_wait3A_1482 = arith.constant 0 : i32
        %dma_wait3A_1483 = tpu.memref_slice %arg7[%dma_wait3A_1480, %dma_wait3A_1481, %dma_wait3A_1482] : memref<12x64x128xf32, #tpu.memory_space<vmem>> -> memref<1x64x128xf32, #tpu.memory_space<vmem>>
        %dma_wait3A_1484 = tpu.memref_squeeze %dma_wait3A_1483 : memref<1x64x128xf32, #tpu.memory_space<vmem>> -> memref<64x128xf32, #tpu.memory_space<vmem>>
        %dma_wait3A_1485 = arith.constant 0 : i32
        %dma_wait3A_1486 = arith.constant 0 : i32
        %dma_wait3A_1487 = tpu.memref_slice %arg3[%dma_wait3A_1485, %dma_wait3A_1486] : memref<64x1000000xf32, #tpu.memory_space<hbm>> -> memref<64x128xf32, #tpu.memory_space<hbm>>
        %dma_wait3A_1488 = arith.constant 0 : i32
        %dma_wait3A_1489 = arith.constant 0 : i32
        %dma_wait3A_1490 = tpu.memref_slice %arg7[%dma_wait3A_1480, %dma_wait3A_1488, %dma_wait3A_1489] : memref<12x64x128xf32, #tpu.memory_space<vmem>> -> memref<1x64x128xf32, #tpu.memory_space<vmem>>
        %dma_wait3A_1491 = tpu.memref_squeeze %dma_wait3A_1490 : memref<1x64x128xf32, #tpu.memory_space<vmem>> -> memref<64x128xf32, #tpu.memory_space<vmem>>
        %dma_wait3A_1492 = arith.constant 0 : i32
        %dma_wait3A_1493 = arith.constant 0 : i32
        %dma_wait3A_1494 = tpu.memref_slice %arg3[%dma_wait3A_1492, %dma_wait3A_1493] : memref<64x1000000xf32, #tpu.memory_space<hbm>> -> memref<64x128xf32, #tpu.memory_space<hbm>>
        tpu.wait_dma2 semaphore(%arg10 : memref<!tpu.dma_semaphore, #tpu.memory_space<semaphore_mem>>) src(%dma_wait3A_1494 : memref<64x128xf32, #tpu.memory_space<hbm>>) dst(%dma_wait3A_1491 : memref<64x128xf32, #tpu.memory_space<vmem>>)
      } else {
      }
      %broadcast_in_dim3A_1354 = vector.broadcast %rem3A_898 : i32 to vector<16xi32>
      %slice3A_1355 = vector.extract_strided_slice %and3A_772 {offsets = [12], sizes = [1], strides = [1]} : vector<16xi32> to vector<1xi32>
      %squeeze3A_1356 = vector.extract %slice3A_1355[0] : i32 from vector<1xi32>
      %broadcast_in_dim3A_1357 = vector.broadcast %squeeze3A_1356 : i32 to vector<16xi32>
      %gather3A_1358 = tpu.vector_load_idx %arg7[%broadcast_in_dim3A_1354, %add3A_12, %broadcast_in_dim3A_1357] : memref<12x64x128xf32, #tpu.memory_space<vmem>>[vector<16xi32>, vector<16xi32>, vector<16xi32>], vector<16xf32>,
      %add3A_1359 = arith.addf %gather3A_1358, %get3A_3 : vector<16xf32>
      %swap3A_1360 = arith.constant 1 : i32
      %swap3A_1361 = arith.index_cast %swap3A_1360 : i32 to index
      %swap3A_1362 = arith.constant 768 : index
      %swap3A_1363 = tpu.vector_load %arg8[%swap3A_1361, %swap3A_1362] {strides = array<i32>} : memref<2x1024xf32, #tpu.memory_space<vmem>>, vector<16xf32>,
      tpu.vector_store %arg8[%swap3A_1361, %swap3A_1362], %add3A_1359 {strides = array<i32>} : memref<2x1024xf32, #tpu.memory_space<vmem>>, vector<16xf32>,
      %gather3A_1364 = tpu.vector_load_idx %arg7[%broadcast_in_dim3A_1354, %add3A_15, %broadcast_in_dim3A_1357] : memref<12x64x128xf32, #tpu.memory_space<vmem>>[vector<16xi32>, vector<16xi32>, vector<16xi32>], vector<16xf32>,
      %add3A_1365 = arith.addf %gather3A_1364, %get3A_5 : vector<16xf32>
      %swap3A_1366 = arith.constant 1 : i32
      %swap3A_1367 = arith.index_cast %swap3A_1366 : i32 to index
      %swap3A_1368 = arith.constant 784 : index
      %swap3A_1369 = tpu.vector_load %arg8[%swap3A_1367, %swap3A_1368] {strides = array<i32>} : memref<2x1024xf32, #tpu.memory_space<vmem>>, vector<16xf32>,
      tpu.vector_store %arg8[%swap3A_1367, %swap3A_1368], %add3A_1365 {strides = array<i32>} : memref<2x1024xf32, #tpu.memory_space<vmem>>, vector<16xf32>,
      %gather3A_1370 = tpu.vector_load_idx %arg7[%broadcast_in_dim3A_1354, %add3A_18, %broadcast_in_dim3A_1357] : memref<12x64x128xf32, #tpu.memory_space<vmem>>[vector<16xi32>, vector<16xi32>, vector<16xi32>], vector<16xf32>,
      %add3A_1371 = arith.addf %gather3A_1370, %get3A_7 : vector<16xf32>
      %swap3A_1372 = arith.constant 1 : i32
      %swap3A_1373 = arith.index_cast %swap3A_1372 : i32 to index
      %swap3A_1374 = arith.constant 800 : index
      %swap3A_1375 = tpu.vector_load %arg8[%swap3A_1373, %swap3A_1374] {strides = array<i32>} : memref<2x1024xf32, #tpu.memory_space<vmem>>, vector<16xf32>,
      tpu.vector_store %arg8[%swap3A_1373, %swap3A_1374], %add3A_1371 {strides = array<i32>} : memref<2x1024xf32, #tpu.memory_space<vmem>>, vector<16xf32>,
      %gather3A_1376 = tpu.vector_load_idx %arg7[%broadcast_in_dim3A_1354, %add3A_21, %broadcast_in_dim3A_1357] : memref<12x64x128xf32, #tpu.memory_space<vmem>>[vector<16xi32>, vector<16xi32>, vector<16xi32>], vector<16xf32>,
      %add3A_1377 = arith.addf %gather3A_1376, %get3A_9 : vector<16xf32>
      %swap3A_1378 = arith.constant 1 : i32
      %swap3A_1379 = arith.index_cast %swap3A_1378 : i32 to index
      %swap3A_1380 = arith.constant 816 : index
      %swap3A_1381 = tpu.vector_load %arg8[%swap3A_1379, %swap3A_1380] {strides = array<i32>} : memref<2x1024xf32, #tpu.memory_space<vmem>>, vector<16xf32>,
      tpu.vector_store %arg8[%swap3A_1379, %swap3A_1380], %add3A_1377 {strides = array<i32>} : memref<2x1024xf32, #tpu.memory_space<vmem>>, vector<16xf32>,
      %broadcast_in_dim3A_1382 = vector.broadcast %rem3A_904 : i32 to vector<16xi32>
      %slice3A_1383 = vector.extract_strided_slice %and3A_772 {offsets = [13], sizes = [1], strides = [1]} : vector<16xi32> to vector<1xi32>
      %squeeze3A_1384 = vector.extract %slice3A_1383[0] : i32 from vector<1xi32>
      %broadcast_in_dim3A_1385 = vector.broadcast %squeeze3A_1384 : i32 to vector<16xi32>
      %gather3A_1386 = tpu.vector_load_idx %arg7[%broadcast_in_dim3A_1382, %add3A_12, %broadcast_in_dim3A_1385] : memref<12x64x128xf32, #tpu.memory_space<vmem>>[vector<16xi32>, vector<16xi32>, vector<16xi32>], vector<16xf32>,
      %add3A_1387 = arith.addf %gather3A_1386, %get3A_3 : vector<16xf32>
      %swap3A_1388 = arith.constant 1 : i32
      %swap3A_1389 = arith.index_cast %swap3A_1388 : i32 to index
      %swap3A_1390 = arith.constant 832 : index
      %swap3A_1391 = tpu.vector_load %arg8[%swap3A_1389, %swap3A_1390] {strides = array<i32>} : memref<2x1024xf32, #tpu.memory_space<vmem>>, vector<16xf32>,
      tpu.vector_store %arg8[%swap3A_1389, %swap3A_1390], %add3A_1387 {strides = array<i32>} : memref<2x1024xf32, #tpu.memory_space<vmem>>, vector<16xf32>,
      %gather3A_1392 = tpu.vector_load_idx %arg7[%broadcast_in_dim3A_1382, %add3A_15, %broadcast_in_dim3A_1385] : memref<12x64x128xf32, #tpu.memory_space<vmem>>[vector<16xi32>, vector<16xi32>, vector<16xi32>], vector<16xf32>,
      %add3A_1393 = arith.addf %gather3A_1392, %get3A_5 : vector<16xf32>
      %swap3A_1394 = arith.constant 1 : i32
      %swap3A_1395 = arith.index_cast %swap3A_1394 : i32 to index
      %swap3A_1396 = arith.constant 848 : index
      %swap3A_1397 = tpu.vector_load %arg8[%swap3A_1395, %swap3A_1396] {strides = array<i32>} : memref<2x1024xf32, #tpu.memory_space<vmem>>, vector<16xf32>,
      tpu.vector_store %arg8[%swap3A_1395, %swap3A_1396], %add3A_1393 {strides = array<i32>} : memref<2x1024xf32, #tpu.memory_space<vmem>>, vector<16xf32>,
      %gather3A_1398 = tpu.vector_load_idx %arg7[%broadcast_in_dim3A_1382, %add3A_18, %broadcast_in_dim3A_1385] : memref<12x64x128xf32, #tpu.memory_space<vmem>>[vector<16xi32>, vector<16xi32>, vector<16xi32>], vector<16xf32>,
      %add3A_1399 = arith.addf %gather3A_1398, %get3A_7 : vector<16xf32>
      %swap3A_1400 = arith.constant 1 : i32
      %swap3A_1401 = arith.index_cast %swap3A_1400 : i32 to index
      %swap3A_1402 = arith.constant 864 : index
      %swap3A_1403 = tpu.vector_load %arg8[%swap3A_1401, %swap3A_1402] {strides = array<i32>} : memref<2x1024xf32, #tpu.memory_space<vmem>>, vector<16xf32>,
      tpu.vector_store %arg8[%swap3A_1401, %swap3A_1402], %add3A_1399 {strides = array<i32>} : memref<2x1024xf32, #tpu.memory_space<vmem>>, vector<16xf32>,
      %gather3A_1404 = tpu.vector_load_idx %arg7[%broadcast_in_dim3A_1382, %add3A_21, %broadcast_in_dim3A_1385] : memref<12x64x128xf32, #tpu.memory_space<vmem>>[vector<16xi32>, vector<16xi32>, vector<16xi32>], vector<16xf32>,
      %add3A_1405 = arith.addf %gather3A_1404, %get3A_9 : vector<16xf32>
      %swap3A_1406 = arith.constant 1 : i32
      %swap3A_1407 = arith.index_cast %swap3A_1406 : i32 to index
      %swap3A_1408 = arith.constant 880 : index
      %swap3A_1409 = tpu.vector_load %arg8[%swap3A_1407, %swap3A_1408] {strides = array<i32>} : memref<2x1024xf32, #tpu.memory_space<vmem>>, vector<16xf32>,
      tpu.vector_store %arg8[%swap3A_1407, %swap3A_1408], %add3A_1405 {strides = array<i32>} : memref<2x1024xf32, #tpu.memory_space<vmem>>, vector<16xf32>,
      %broadcast_in_dim3A_1410 = vector.broadcast %rem3A_910 : i32 to vector<16xi32>
      %slice3A_1411 = vector.extract_strided_slice %and3A_772 {offsets = [14], sizes = [1], strides = [1]} : vector<16xi32> to vector<1xi32>
      %squeeze3A_1412 = vector.extract %slice3A_1411[0] : i32 from vector<1xi32>
      %broadcast_in_dim3A_1413 = vector.broadcast %squeeze3A_1412 : i32 to vector<16xi32>
      %gather3A_1414 = tpu.vector_load_idx %arg7[%broadcast_in_dim3A_1410, %add3A_12, %broadcast_in_dim3A_1413] : memref<12x64x128xf32, #tpu.memory_space<vmem>>[vector<16xi32>, vector<16xi32>, vector<16xi32>], vector<16xf32>,
      %add3A_1415 = arith.addf %gather3A_1414, %get3A_3 : vector<16xf32>
      %swap3A_1416 = arith.constant 1 : i32
      %swap3A_1417 = arith.index_cast %swap3A_1416 : i32 to index
      %swap3A_1418 = arith.constant 896 : index
      %swap3A_1419 = tpu.vector_load %arg8[%swap3A_1417, %swap3A_1418] {strides = array<i32>} : memref<2x1024xf32, #tpu.memory_space<vmem>>, vector<16xf32>,
      tpu.vector_store %arg8[%swap3A_1417, %swap3A_1418], %add3A_1415 {strides = array<i32>} : memref<2x1024xf32, #tpu.memory_space<vmem>>, vector<16xf32>,
      %gather3A_1420 = tpu.vector_load_idx %arg7[%broadcast_in_dim3A_1410, %add3A_15, %broadcast_in_dim3A_1413] : memref<12x64x128xf32, #tpu.memory_space<vmem>>[vector<16xi32>, vector<16xi32>, vector<16xi32>], vector<16xf32>,
      %add3A_1421 = arith.addf %gather3A_1420, %get3A_5 : vector<16xf32>
      %swap3A_1422 = arith.constant 1 : i32
      %swap3A_1423 = arith.index_cast %swap3A_1422 : i32 to index
      %swap3A_1424 = arith.constant 912 : index
      %swap3A_1425 = tpu.vector_load %arg8[%swap3A_1423, %swap3A_1424] {strides = array<i32>} : memref<2x1024xf32, #tpu.memory_space<vmem>>, vector<16xf32>,
      tpu.vector_store %arg8[%swap3A_1423, %swap3A_1424], %add3A_1421 {strides = array<i32>} : memref<2x1024xf32, #tpu.memory_space<vmem>>, vector<16xf32>,
      %gather3A_1426 = tpu.vector_load_idx %arg7[%broadcast_in_dim3A_1410, %add3A_18, %broadcast_in_dim3A_1413] : memref<12x64x128xf32, #tpu.memory_space<vmem>>[vector<16xi32>, vector<16xi32>, vector<16xi32>], vector<16xf32>,
      %add3A_1427 = arith.addf %gather3A_1426, %get3A_7 : vector<16xf32>
      %swap3A_1428 = arith.constant 1 : i32
      %swap3A_1429 = arith.index_cast %swap3A_1428 : i32 to index
      %swap3A_1430 = arith.constant 928 : index
      %swap3A_1431 = tpu.vector_load %arg8[%swap3A_1429, %swap3A_1430] {strides = array<i32>} : memref<2x1024xf32, #tpu.memory_space<vmem>>, vector<16xf32>,
      tpu.vector_store %arg8[%swap3A_1429, %swap3A_1430], %add3A_1427 {strides = array<i32>} : memref<2x1024xf32, #tpu.memory_space<vmem>>, vector<16xf32>,
      %gather3A_1432 = tpu.vector_load_idx %arg7[%broadcast_in_dim3A_1410, %add3A_21, %broadcast_in_dim3A_1413] : memref<12x64x128xf32, #tpu.memory_space<vmem>>[vector<16xi32>, vector<16xi32>, vector<16xi32>], vector<16xf32>,
      %add3A_1433 = arith.addf %gather3A_1432, %get3A_9 : vector<16xf32>
      %swap3A_1434 = arith.constant 1 : i32
      %swap3A_1435 = arith.index_cast %swap3A_1434 : i32 to index
      %swap3A_1436 = arith.constant 944 : index
      %swap3A_1437 = tpu.vector_load %arg8[%swap3A_1435, %swap3A_1436] {strides = array<i32>} : memref<2x1024xf32, #tpu.memory_space<vmem>>, vector<16xf32>,
      tpu.vector_store %arg8[%swap3A_1435, %swap3A_1436], %add3A_1433 {strides = array<i32>} : memref<2x1024xf32, #tpu.memory_space<vmem>>, vector<16xf32>,
      %broadcast_in_dim3A_1438 = vector.broadcast %rem3A_916 : i32 to vector<16xi32>
      %slice3A_1439 = vector.extract_strided_slice %and3A_772 {offsets = [15], sizes = [1], strides = [1]} : vector<16xi32> to vector<1xi32>
      %squeeze3A_1440 = vector.extract %slice3A_1439[0] : i32 from vector<1xi32>
      %broadcast_in_dim3A_1441 = vector.broadcast %squeeze3A_1440 : i32 to vector<16xi32>
      %gather3A_1442 = tpu.vector_load_idx %arg7[%broadcast_in_dim3A_1438, %add3A_12, %broadcast_in_dim3A_1441] : memref<12x64x128xf32, #tpu.memory_space<vmem>>[vector<16xi32>, vector<16xi32>, vector<16xi32>], vector<16xf32>,
      %add3A_1443 = arith.addf %gather3A_1442, %get3A_3 : vector<16xf32>
      %swap3A_1444 = arith.constant 1 : i32
      %swap3A_1445 = arith.index_cast %swap3A_1444 : i32 to index
      %swap3A_1446 = arith.constant 960 : index
      %swap3A_1447 = tpu.vector_load %arg8[%swap3A_1445, %swap3A_1446] {strides = array<i32>} : memref<2x1024xf32, #tpu.memory_space<vmem>>, vector<16xf32>,
      tpu.vector_store %arg8[%swap3A_1445, %swap3A_1446], %add3A_1443 {strides = array<i32>} : memref<2x1024xf32, #tpu.memory_space<vmem>>, vector<16xf32>,
      %gather3A_1448 = tpu.vector_load_idx %arg7[%broadcast_in_dim3A_1438, %add3A_15, %broadcast_in_dim3A_1441] : memref<12x64x128xf32, #tpu.memory_space<vmem>>[vector<16xi32>, vector<16xi32>, vector<16xi32>], vector<16xf32>,
      %add3A_1449 = arith.addf %gather3A_1448, %get3A_5 : vector<16xf32>
      %swap3A_1450 = arith.constant 1 : i32
      %swap3A_1451 = arith.index_cast %swap3A_1450 : i32 to index
      %swap3A_1452 = arith.constant 976 : index
      %swap3A_1453 = tpu.vector_load %arg8[%swap3A_1451, %swap3A_1452] {strides = array<i32>} : memref<2x1024xf32, #tpu.memory_space<vmem>>, vector<16xf32>,
      tpu.vector_store %arg8[%swap3A_1451, %swap3A_1452], %add3A_1449 {strides = array<i32>} : memref<2x1024xf32, #tpu.memory_space<vmem>>, vector<16xf32>,
      %gather3A_1454 = tpu.vector_load_idx %arg7[%broadcast_in_dim3A_1438, %add3A_18, %broadcast_in_dim3A_1441] : memref<12x64x128xf32, #tpu.memory_space<vmem>>[vector<16xi32>, vector<16xi32>, vector<16xi32>], vector<16xf32>,
      %add3A_1455 = arith.addf %gather3A_1454, %get3A_7 : vector<16xf32>
      %swap3A_1456 = arith.constant 1 : i32
      %swap3A_1457 = arith.index_cast %swap3A_1456 : i32 to index
      %swap3A_1458 = arith.constant 992 : index
      %swap3A_1459 = tpu.vector_load %arg8[%swap3A_1457, %swap3A_1458] {strides = array<i32>} : memref<2x1024xf32, #tpu.memory_space<vmem>>, vector<16xf32>,
      tpu.vector_store %arg8[%swap3A_1457, %swap3A_1458], %add3A_1455 {strides = array<i32>} : memref<2x1024xf32, #tpu.memory_space<vmem>>, vector<16xf32>,
      %gather3A_1460 = tpu.vector_load_idx %arg7[%broadcast_in_dim3A_1438, %add3A_21, %broadcast_in_dim3A_1441] : memref<12x64x128xf32, #tpu.memory_space<vmem>>[vector<16xi32>, vector<16xi32>, vector<16xi32>], vector<16xf32>,
      %add3A_1461 = arith.addf %gather3A_1460, %get3A_9 : vector<16xf32>
      %swap3A_1462 = arith.constant 1 : i32
      %swap3A_1463 = arith.index_cast %swap3A_1462 : i32 to index
      %swap3A_1464 = arith.constant 1008 : index
      %swap3A_1465 = tpu.vector_load %arg8[%swap3A_1463, %swap3A_1464] {strides = array<i32>} : memref<2x1024xf32, #tpu.memory_space<vmem>>, vector<16xf32>,
      tpu.vector_store %arg8[%swap3A_1463, %swap3A_1464], %add3A_1461 {strides = array<i32>} : memref<2x1024xf32, #tpu.memory_space<vmem>>, vector<16xf32>,
      %mul3A_1466 = arith.constant 16 : i32
      %mul3A_1467 = arith.muli %add3A_762, %mul3A_1466 : i32
      %add3A_1468 = arith.addi %mul3A_2, %mul3A_1467 : i32
      %mul3A_1469 = arith.constant 64 : i32
      %mul3A_1470 = arith.muli %add3A_1468, %mul3A_1469 : i32
      %dma_start3A_1471 = arith.constant 1 : i32
      %dma_start3A_1472 = arith.constant 0 : i32
      %dma_start3A_1473 = tpu.memref_slice %arg8[%dma_start3A_1471, %dma_start3A_1472] : memref<2x1024xf32, #tpu.memory_space<vmem>> -> memref<1x1024xf32, #tpu.memory_space<vmem>>
      %dma_start3A_1474 = tpu.memref_squeeze %dma_start3A_1473 : memref<1x1024xf32, #tpu.memory_space<vmem>> -> memref<1024xf32, #tpu.memory_space<vmem>>
      %dma_start3A_1475 = tpu.memref_slice %arg5[%mul3A_1470] : memref<1048576xf32, #tpu.memory_space<hbm>> -> memref<1024xf32, #tpu.memory_space<hbm>>
      %dma_start3A_1476 = tpu.memref_slice %arg5[%mul3A_1470] : memref<1048576xf32, #tpu.memory_space<hbm>> -> memref<1024xf32, #tpu.memory_space<hbm>>
      %dma_start3A_1477 = arith.constant 0 : i32
      %dma_start3A_1478 = tpu.memref_slice %arg8[%dma_start3A_1471, %dma_start3A_1477] : memref<2x1024xf32, #tpu.memory_space<vmem>> -> memref<1x1024xf32, #tpu.memory_space<vmem>>
      %dma_start3A_1479 = tpu.memref_squeeze %dma_start3A_1478 : memref<1x1024xf32, #tpu.memory_space<vmem>> -> memref<1024xf32, #tpu.memory_space<vmem>>
      tpu.enqueue_dma source(%dma_start3A_1479 : memref<1024xf32, #tpu.memory_space<vmem>>) target(%dma_start3A_1476 : memref<1024xf32, #tpu.memory_space<hbm>>) target_semaphore(%arg13 : memref<!tpu.dma_semaphore, #tpu.memory_space<semaphore_mem>>)
      scf.yield %squeeze3A_804, %add3A_912 : i32, i32
    }
    %scan3A_28 = arith.constant 16 : i32
    %dma_wait3A = arith.constant 0 : i32
    %dma_wait3A_29 = arith.constant 0 : i32
    %dma_wait3A_30 = tpu.memref_slice %arg8[%dma_wait3A, %dma_wait3A_29] : memref<2x1024xf32, #tpu.memory_space<vmem>> -> memref<1x1024xf32, #tpu.memory_space<vmem>>
    %dma_wait3A_31 = tpu.memref_squeeze %dma_wait3A_30 : memref<1x1024xf32, #tpu.memory_space<vmem>> -> memref<1024xf32, #tpu.memory_space<vmem>>
    %dma_wait3A_32 = arith.constant 0 : i32
    %dma_wait3A_33 = tpu.memref_slice %arg5[%dma_wait3A_32] : memref<1048576xf32, #tpu.memory_space<hbm>> -> memref<1024xf32, #tpu.memory_space<hbm>>
    %dma_wait3A_34 = arith.constant 0 : i32
    %dma_wait3A_35 = tpu.memref_slice %arg5[%dma_wait3A_34] : memref<1048576xf32, #tpu.memory_space<hbm>> -> memref<1024xf32, #tpu.memory_space<hbm>>
    %dma_wait3A_36 = arith.constant 0 : i32
    %dma_wait3A_37 = tpu.memref_slice %arg8[%dma_wait3A, %dma_wait3A_36] : memref<2x1024xf32, #tpu.memory_space<vmem>> -> memref<1x1024xf32, #tpu.memory_space<vmem>>
    %dma_wait3A_38 = tpu.memref_squeeze %dma_wait3A_37 : memref<1x1024xf32, #tpu.memory_space<vmem>> -> memref<1024xf32, #tpu.memory_space<vmem>>
    tpu.wait_dma2 semaphore(%arg13 : memref<!tpu.dma_semaphore, #tpu.memory_space<semaphore_mem>>) src(%dma_wait3A_38 : memref<1024xf32, #tpu.memory_space<vmem>>) dst(%dma_wait3A_35 : memref<1024xf32, #tpu.memory_space<hbm>>)
    %dma_wait3A_39 = arith.constant 1 : i32
    %dma_wait3A_40 = arith.constant 0 : i32
    %dma_wait3A_41 = tpu.memref_slice %arg8[%dma_wait3A_39, %dma_wait3A_40] : memref<2x1024xf32, #tpu.memory_space<vmem>> -> memref<1x1024xf32, #tpu.memory_space<vmem>>
    %dma_wait3A_42 = tpu.memref_squeeze %dma_wait3A_41 : memref<1x1024xf32, #tpu.memory_space<vmem>> -> memref<1024xf32, #tpu.memory_space<vmem>>
    %dma_wait3A_43 = arith.constant 0 : i32
    %dma_wait3A_44 = tpu.memref_slice %arg5[%dma_wait3A_43] : memref<1048576xf32, #tpu.memory_space<hbm>> -> memref<1024xf32, #tpu.memory_space<hbm>>
    %dma_wait3A_45 = arith.constant 0 : i32
    %dma_wait3A_46 = tpu.memref_slice %arg5[%dma_wait3A_45] : memref<1048576xf32, #tpu.memory_space<hbm>> -> memref<1024xf32, #tpu.memory_space<hbm>>
    %dma_wait3A_47 = arith.constant 0 : i32
    %dma_wait3A_48 = tpu.memref_slice %arg8[%dma_wait3A_39, %dma_wait3A_47] : memref<2x1024xf32, #tpu.memory_space<vmem>> -> memref<1x1024xf32, #tpu.memory_space<vmem>>
    %dma_wait3A_49 = tpu.memref_squeeze %dma_wait3A_48 : memref<1x1024xf32, #tpu.memory_space<vmem>> -> memref<1024xf32, #tpu.memory_space<vmem>>
    tpu.wait_dma2 semaphore(%arg13 : memref<!tpu.dma_semaphore, #tpu.memory_space<semaphore_mem>>) src(%dma_wait3A_49 : memref<1024xf32, #tpu.memory_space<vmem>>) dst(%dma_wait3A_46 : memref<1024xf32, #tpu.memory_space<hbm>>)
    return
  }
}

#map = affine_map<(d0, d1) -> (0)>
#map1 = affine_map<(d0, d1) -> (0, 0)>
module attributes {stable_mosaic.version = 14 : i64} {
  func.func @_scatter_body(%arg0: i32, %arg1: i32, %arg2: memref<16384xi32, #tpu.memory_space<hbm>>, %arg3: memref<16384x64xf32, #tpu.memory_space<hbm>>, %arg4: memref<16384x64xf32, #tpu.memory_space<hbm>>, %arg5: memref<512xi32, #tpu.memory_space<vmem>>, %arg6: memref<512x64xf32, #tpu.memory_space<vmem>>, %arg7: memref<!tpu.dma_semaphore, #tpu.memory_space<semaphore_mem>>) attributes {dimension_semantics = [#tpu.dimension_semantics<core_parallel>, #tpu.dimension_semantics<subcore_parallel>], iteration_bounds = array<i64: 2, 16>, scalar_prefetch = 0 : i64, scratch_operands = 3 : i64, tpu.core_type = #tpu.core_type<sc_vector_subcore>, window_params = [{transform_indices = #map}, {transform_indices = #map1}, {transform_indices = #map1}]} {
    %mul3A = arith.constant 2 : i32
    %mul3A_0 = arith.muli %arg1, %mul3A : i32
    %add3A = arith.addi %mul3A_0, %arg0 : i32
    %mul3A_1 = arith.constant 512 : i32
    %mul3A_2 = arith.muli %add3A, %mul3A_1 : i32
    "tpu.region"() ({
      %run_scoped3A = tpu.sem_alloc : memref<!tpu.dma_semaphore, #tpu.memory_space<semaphore_mem>>
      %dma_start3A_65 = tpu.memref_slice %arg2[%mul3A_2] : memref<16384xi32, #tpu.memory_space<hbm>> -> memref<512xi32, #tpu.memory_space<hbm>>
      %dma_start3A_66 = tpu.memref_slice %arg2[%mul3A_2] : memref<16384xi32, #tpu.memory_space<hbm>> -> memref<512xi32, #tpu.memory_space<hbm>>
      tpu.enqueue_dma source(%dma_start3A_66 : memref<512xi32, #tpu.memory_space<hbm>>) target(%arg5 : memref<512xi32, #tpu.memory_space<vmem>>) target_semaphore(%run_scoped3A : memref<!tpu.dma_semaphore, #tpu.memory_space<semaphore_mem>>)
      %dma_wait3A_67 = tpu.memref_slice %arg2[%mul3A_2] : memref<16384xi32, #tpu.memory_space<hbm>> -> memref<512xi32, #tpu.memory_space<hbm>>
      %dma_wait3A_68 = tpu.memref_slice %arg2[%mul3A_2] : memref<16384xi32, #tpu.memory_space<hbm>> -> memref<512xi32, #tpu.memory_space<hbm>>
      tpu.wait_dma2 semaphore(%run_scoped3A : memref<!tpu.dma_semaphore, #tpu.memory_space<semaphore_mem>>) src(%dma_wait3A_68 : memref<512xi32, #tpu.memory_space<hbm>>) dst(%arg5 : memref<512xi32, #tpu.memory_space<vmem>>)
      tpu.yield
    }) : () -> ()
    "tpu.region"() ({
      %run_scoped3A = tpu.sem_alloc : memref<!tpu.dma_semaphore, #tpu.memory_space<semaphore_mem>>
      %dma_start3A_65 = arith.constant 0 : i32
      %dma_start3A_66 = tpu.memref_slice %arg3[%mul3A_2, %dma_start3A_65] : memref<16384x64xf32, #tpu.memory_space<hbm>> -> memref<512x64xf32, #tpu.memory_space<hbm>>
      %dma_start3A_67 = arith.constant 0 : i32
      %dma_start3A_68 = tpu.memref_slice %arg3[%mul3A_2, %dma_start3A_67] : memref<16384x64xf32, #tpu.memory_space<hbm>> -> memref<512x64xf32, #tpu.memory_space<hbm>>
      tpu.enqueue_dma source(%dma_start3A_68 : memref<512x64xf32, #tpu.memory_space<hbm>>) target(%arg6 : memref<512x64xf32, #tpu.memory_space<vmem>>) target_semaphore(%run_scoped3A : memref<!tpu.dma_semaphore, #tpu.memory_space<semaphore_mem>>)
      %dma_wait3A_69 = arith.constant 0 : i32
      %dma_wait3A_70 = tpu.memref_slice %arg3[%mul3A_2, %dma_wait3A_69] : memref<16384x64xf32, #tpu.memory_space<hbm>> -> memref<512x64xf32, #tpu.memory_space<hbm>>
      %dma_wait3A_71 = arith.constant 0 : i32
      %dma_wait3A_72 = tpu.memref_slice %arg3[%mul3A_2, %dma_wait3A_71] : memref<16384x64xf32, #tpu.memory_space<hbm>> -> memref<512x64xf32, #tpu.memory_space<hbm>>
      tpu.wait_dma2 semaphore(%run_scoped3A : memref<!tpu.dma_semaphore, #tpu.memory_space<semaphore_mem>>) src(%dma_wait3A_72 : memref<512x64xf32, #tpu.memory_space<hbm>>) dst(%arg6 : memref<512x64xf32, #tpu.memory_space<vmem>>)
      tpu.yield
    }) : () -> ()
    %dma_start3A = arith.constant 0 : i32
    %dma_start3A_3 = arith.constant 0 : i32
    %dma_start3A_4 = tpu.memref_slice %arg6[%dma_start3A, %dma_start3A_3] : memref<512x64xf32, #tpu.memory_space<vmem>> -> memref<128x64xf32, #tpu.memory_space<vmem>>
    %dma_start3A_5 = arith.constant 0 : i32
    %dma_start3A_6 = tpu.memref_slice %arg5[%dma_start3A_5] : memref<512xi32, #tpu.memory_space<vmem>> -> memref<128xi32, #tpu.memory_space<vmem>>
    %dma_start3A_7 = arith.constant 0 : i32
    %dma_start3A_8 = arith.constant 0 : i32
    %dma_start3A_9 = tpu.memref_slice %arg4[%dma_start3A_7, %dma_start3A_8] : memref<16384x64xf32, #tpu.memory_space<hbm>> -> memref<16384x64xf32, #tpu.memory_space<hbm>>
    tpu.enqueue_indirect_dma source(%dma_start3A_4 : memref<128x64xf32, #tpu.memory_space<vmem>>) target(%dma_start3A_9 : memref<16384x64xf32, #tpu.memory_space<hbm>>) offsets(%dma_start3A_6 : memref<128xi32, #tpu.memory_space<vmem>>) semaphore(%arg7 : memref<!tpu.dma_semaphore, #tpu.memory_space<semaphore_mem>>)
    %dma_start3A_10 = arith.constant 128 : i32
    %dma_start3A_11 = arith.constant 0 : i32
    %dma_start3A_12 = tpu.memref_slice %arg6[%dma_start3A_10, %dma_start3A_11] : memref<512x64xf32, #tpu.memory_space<vmem>> -> memref<128x64xf32, #tpu.memory_space<vmem>>
    %dma_start3A_13 = arith.constant 128 : i32
    %dma_start3A_14 = tpu.memref_slice %arg5[%dma_start3A_13] : memref<512xi32, #tpu.memory_space<vmem>> -> memref<128xi32, #tpu.memory_space<vmem>>
    %dma_start3A_15 = arith.constant 0 : i32
    %dma_start3A_16 = arith.constant 0 : i32
    %dma_start3A_17 = tpu.memref_slice %arg4[%dma_start3A_15, %dma_start3A_16] : memref<16384x64xf32, #tpu.memory_space<hbm>> -> memref<16384x64xf32, #tpu.memory_space<hbm>>
    tpu.enqueue_indirect_dma source(%dma_start3A_12 : memref<128x64xf32, #tpu.memory_space<vmem>>) target(%dma_start3A_17 : memref<16384x64xf32, #tpu.memory_space<hbm>>) offsets(%dma_start3A_14 : memref<128xi32, #tpu.memory_space<vmem>>) semaphore(%arg7 : memref<!tpu.dma_semaphore, #tpu.memory_space<semaphore_mem>>)
    %dma_start3A_18 = arith.constant 256 : i32
    %dma_start3A_19 = arith.constant 0 : i32
    %dma_start3A_20 = tpu.memref_slice %arg6[%dma_start3A_18, %dma_start3A_19] : memref<512x64xf32, #tpu.memory_space<vmem>> -> memref<128x64xf32, #tpu.memory_space<vmem>>
    %dma_start3A_21 = arith.constant 256 : i32
    %dma_start3A_22 = tpu.memref_slice %arg5[%dma_start3A_21] : memref<512xi32, #tpu.memory_space<vmem>> -> memref<128xi32, #tpu.memory_space<vmem>>
    %dma_start3A_23 = arith.constant 0 : i32
    %dma_start3A_24 = arith.constant 0 : i32
    %dma_start3A_25 = tpu.memref_slice %arg4[%dma_start3A_23, %dma_start3A_24] : memref<16384x64xf32, #tpu.memory_space<hbm>> -> memref<16384x64xf32, #tpu.memory_space<hbm>>
    tpu.enqueue_indirect_dma source(%dma_start3A_20 : memref<128x64xf32, #tpu.memory_space<vmem>>) target(%dma_start3A_25 : memref<16384x64xf32, #tpu.memory_space<hbm>>) offsets(%dma_start3A_22 : memref<128xi32, #tpu.memory_space<vmem>>) semaphore(%arg7 : memref<!tpu.dma_semaphore, #tpu.memory_space<semaphore_mem>>)
    %dma_start3A_26 = arith.constant 384 : i32
    %dma_start3A_27 = arith.constant 0 : i32
    %dma_start3A_28 = tpu.memref_slice %arg6[%dma_start3A_26, %dma_start3A_27] : memref<512x64xf32, #tpu.memory_space<vmem>> -> memref<128x64xf32, #tpu.memory_space<vmem>>
    %dma_start3A_29 = arith.constant 384 : i32
    %dma_start3A_30 = tpu.memref_slice %arg5[%dma_start3A_29] : memref<512xi32, #tpu.memory_space<vmem>> -> memref<128xi32, #tpu.memory_space<vmem>>
    %dma_start3A_31 = arith.constant 0 : i32
    %dma_start3A_32 = arith.constant 0 : i32
    %dma_start3A_33 = tpu.memref_slice %arg4[%dma_start3A_31, %dma_start3A_32] : memref<16384x64xf32, #tpu.memory_space<hbm>> -> memref<16384x64xf32, #tpu.memory_space<hbm>>
    tpu.enqueue_indirect_dma source(%dma_start3A_28 : memref<128x64xf32, #tpu.memory_space<vmem>>) target(%dma_start3A_33 : memref<16384x64xf32, #tpu.memory_space<hbm>>) offsets(%dma_start3A_30 : memref<128xi32, #tpu.memory_space<vmem>>) semaphore(%arg7 : memref<!tpu.dma_semaphore, #tpu.memory_space<semaphore_mem>>)
    %dma_wait3A = arith.constant 0 : i32
    %dma_wait3A_34 = arith.constant 0 : i32
    %dma_wait3A_35 = tpu.memref_slice %arg6[%dma_wait3A, %dma_wait3A_34] : memref<512x64xf32, #tpu.memory_space<vmem>> -> memref<128x64xf32, #tpu.memory_space<vmem>>
    %dma_wait3A_36 = arith.constant 0 : i32
    %dma_wait3A_37 = tpu.memref_slice %arg5[%dma_wait3A_36] : memref<512xi32, #tpu.memory_space<vmem>> -> memref<128xi32, #tpu.memory_space<vmem>>
    %dma_wait3A_38 = arith.constant 0 : i32
    %dma_wait3A_39 = arith.constant 0 : i32
    %dma_wait3A_40 = tpu.memref_slice %arg4[%dma_wait3A_38, %dma_wait3A_39] : memref<16384x64xf32, #tpu.memory_space<hbm>> -> memref<16384x64xf32, #tpu.memory_space<hbm>>
    tpu.wait_indirect_dma semaphore(%arg7 : memref<!tpu.dma_semaphore, #tpu.memory_space<semaphore_mem>>) src(%dma_wait3A_35 : memref<128x64xf32, #tpu.memory_space<vmem>>) dst(%dma_wait3A_40 : memref<16384x64xf32, #tpu.memory_space<hbm>>)
    %dma_wait3A_41 = arith.constant 128 : i32
    %dma_wait3A_42 = arith.constant 0 : i32
    %dma_wait3A_43 = tpu.memref_slice %arg6[%dma_wait3A_41, %dma_wait3A_42] : memref<512x64xf32, #tpu.memory_space<vmem>> -> memref<128x64xf32, #tpu.memory_space<vmem>>
    %dma_wait3A_44 = arith.constant 128 : i32
    %dma_wait3A_45 = tpu.memref_slice %arg5[%dma_wait3A_44] : memref<512xi32, #tpu.memory_space<vmem>> -> memref<128xi32, #tpu.memory_space<vmem>>
    %dma_wait3A_46 = arith.constant 0 : i32
    %dma_wait3A_47 = arith.constant 0 : i32
    %dma_wait3A_48 = tpu.memref_slice %arg4[%dma_wait3A_46, %dma_wait3A_47] : memref<16384x64xf32, #tpu.memory_space<hbm>> -> memref<16384x64xf32, #tpu.memory_space<hbm>>
    tpu.wait_indirect_dma semaphore(%arg7 : memref<!tpu.dma_semaphore, #tpu.memory_space<semaphore_mem>>) src(%dma_wait3A_43 : memref<128x64xf32, #tpu.memory_space<vmem>>) dst(%dma_wait3A_48 : memref<16384x64xf32, #tpu.memory_space<hbm>>)
    %dma_wait3A_49 = arith.constant 256 : i32
    %dma_wait3A_50 = arith.constant 0 : i32
    %dma_wait3A_51 = tpu.memref_slice %arg6[%dma_wait3A_49, %dma_wait3A_50] : memref<512x64xf32, #tpu.memory_space<vmem>> -> memref<128x64xf32, #tpu.memory_space<vmem>>
    %dma_wait3A_52 = arith.constant 256 : i32
    %dma_wait3A_53 = tpu.memref_slice %arg5[%dma_wait3A_52] : memref<512xi32, #tpu.memory_space<vmem>> -> memref<128xi32, #tpu.memory_space<vmem>>
    %dma_wait3A_54 = arith.constant 0 : i32
    %dma_wait3A_55 = arith.constant 0 : i32
    %dma_wait3A_56 = tpu.memref_slice %arg4[%dma_wait3A_54, %dma_wait3A_55] : memref<16384x64xf32, #tpu.memory_space<hbm>> -> memref<16384x64xf32, #tpu.memory_space<hbm>>
    tpu.wait_indirect_dma semaphore(%arg7 : memref<!tpu.dma_semaphore, #tpu.memory_space<semaphore_mem>>) src(%dma_wait3A_51 : memref<128x64xf32, #tpu.memory_space<vmem>>) dst(%dma_wait3A_56 : memref<16384x64xf32, #tpu.memory_space<hbm>>)
    %dma_wait3A_57 = arith.constant 384 : i32
    %dma_wait3A_58 = arith.constant 0 : i32
    %dma_wait3A_59 = tpu.memref_slice %arg6[%dma_wait3A_57, %dma_wait3A_58] : memref<512x64xf32, #tpu.memory_space<vmem>> -> memref<128x64xf32, #tpu.memory_space<vmem>>
    %dma_wait3A_60 = arith.constant 384 : i32
    %dma_wait3A_61 = tpu.memref_slice %arg5[%dma_wait3A_60] : memref<512xi32, #tpu.memory_space<vmem>> -> memref<128xi32, #tpu.memory_space<vmem>>
    %dma_wait3A_62 = arith.constant 0 : i32
    %dma_wait3A_63 = arith.constant 0 : i32
    %dma_wait3A_64 = tpu.memref_slice %arg4[%dma_wait3A_62, %dma_wait3A_63] : memref<16384x64xf32, #tpu.memory_space<hbm>> -> memref<16384x64xf32, #tpu.memory_space<hbm>>
    tpu.wait_indirect_dma semaphore(%arg7 : memref<!tpu.dma_semaphore, #tpu.memory_space<semaphore_mem>>) src(%dma_wait3A_59 : memref<128x64xf32, #tpu.memory_space<vmem>>) dst(%dma_wait3A_64 : memref<16384x64xf32, #tpu.memory_space<hbm>>)
    return
  }
}

</mosaic_0001>

<sc_bundles>
// kernel: _run.4.cloned.1.call-start
scs
__scs_entry_jumppad:
0x0: {  	(pc) =	sbr.rel $0x88, $3  }
0x1: {  	(tag) =	ssettag $0x0;
	lr =	simm.s32 $0x1  }
0x2: {  	[smem:$0x3F9E] =	sst lr;
	_ =	strace $0xD0000000  }
0x3: {  	_ = 	snop  }
0x4: {  	_ = 	snop  }
0x5: {  	_ = 	snop  }
0x6: {  	_ = 	snop  }
0x7: {  	_ = 	snop  }
__scs_overlays_trampoline_lowered:
0x8: {  	[smem:$0x3FAD] =	sst s0  }
0x9: {  	[smem:$0x3FAE] =	sst s1  }
0xa: {  	[smem:$0x3FAF] =	sst s2  }
0xb: {  	[smem:$0x3FB0] =	sst s3  }
0xc: {  	[smem:$0x3FB1] =	sst s4  }
0xd: {  	[smem:$0x3FB2] =	sst s5  }
0xe: {  	[smem:$0x3FB3] =	sst s6  }
0xf: {  	[smem:$0x3FB4] =	sst s7  }
0x10: {  	[smem:$0x3FB5] =	sst s8  }
0x11: {  	[smem:$0x3FB6] =	sst s9;
	s0 =	simm.s32 @!p0 $0x0  }
0x12: {  	s1 =	sld [smem:$0x3F9C];
	s0 =	simm.s32 @p0 $0x1  }
0x13: {  	[smem:$0x3FB7] =	sst s0;
	s0 =	simm.s32 @!p1 $0x0  }
0x14: {  	s2 =	sld [smem:$0x3F9B];
	s0 =	simm.s32 @p1 $0x1  }
0x15: {  	[smem:$0x3FB8] =	sst s0;
	s0 =	simm.s32 @!p2 $0x0  }
0x16: {  	s3 =	sld [smem:$0x3FDB];
	s0 =	simm.s32 @p2 $0x1  }
0x17: {  	s4 =	simm.s32 $0x1BF5;
	[smem:$0x3FBA] =	sst s0  }
0x18: {  	s0 =	sld [smem:$0x3F9D];
	_ =	swait.ge [sflag:s4], $0x0  }
0x19: {  	s7 =	sld [smem:$0x3F9E]  }
0x1a: {  	s8 =	sadd.s32 $0xFFFFE003, lr  }
0x1b: {  	s9 =	sadd.s32 $0xFFFFFEF7, lr;
	s5 =	simm.s32 $0xFFFFFFFF;
	p2 =	slt.u32 s8, $0xFFFFF086  }
0x1c: {  	p1 =	slt.u32 s9, $0xF7A;
	s5 =	simm.s32 @!p2 $0x0  }
0x1d: {  	s5 =	simm.s32 @p1 $0x1;
	p0 =	seq.s32 s7, s2  }
0x1e: {  	s7 =	smul.u32 @!p0 $0xF7A, s2;
	p2 =	seq.s32 @!p0 s5, $0x0  }
0x1f: {  	s9 =	smul.u32 $0xF7A, s1;
	s8 =	simm.s32 @!p0 $0x1BF5;
	p2 =	por !p2, p0  }
0x20: {  	[sflag:s8] =	ssyncset.s32 @!p0 $0xFFFFF086;
	s6 =	sadd.s32 @!p0 s3, s7;
	s7 =	simm.s32 @!p0 $0x108  }
0x21: {  	s3 =	sadd.s32 s3, s9;
	s6 =	sadd.s32 @!p0 $0x88, s6;
	s7 =	simm.s32 @p2 $0x1082  }
0x22: {  	[simem:s7], [sflag:s8] =	dma.local @!p0 [hbm:s6], $0xF7A  }
0x23: {  	s9 =	sor.u32 $0xD0000000, s2;
	s6 =	simm.s32 $0x108;
	_ =	swait.ge @!p0 [sflag:s8], $0x0  }
0x24: {  	s3 =	sadd.s32 $0x88, s3;
	s6 =	simm.s32 @!p1 $0x1082;
	[sflag:s4] =	ssyncset.s32 $0xFFFFF086  }
0x25: {  	[simem:s6], [sflag:s4] =	dma.local [hbm:s3], $0xF7A  }
0x26: {  	[smem:$0x3F9E] =	sst s1;
	(tag) =	ssettag s2;
	_ =	strace s9  }
0x27: {  	s1 =	sld [smem:$0x3FAE]  }
0x28: {  	s2 =	sld [smem:$0x3FAF]  }
0x29: {  	s4 =	sld [smem:$0x3FB1]  }
0x2a: {  	p0 =	seq.s32 s5, $0x0;
	s5 =	sld [smem:$0x3FB2]  }
0x2b: {  	s6 =	sld [smem:$0x3FB3]  }
0x2c: {  	s7 =	sld [smem:$0x3FB4]  }
0x2d: {  	s3 =	simm.s32 $0x108;
	s8 =	sld [smem:$0x3FB5]  }
0x2e: {  	s3 =	simm.s32 @!p0 $0x1082;
	s9 =	sld [smem:$0x3FB6]  }
0x2f: {  	lr =	sadd.s32 s0, s3;
	s0 =	sld [smem:$0x3FAD]  }
0x30: {  	s3 =	sld [smem:$0x3FB0]  }
0x31: {  	[smem:$0x3FB9] =	sst s10  }
0x32: {  	s10 =	sld [smem:$0x3FB7];
	_ =	sdelay $0x3  }
0x33: {  	p0 =	seq.s32 s10, $0x1;
	s10 =	sld [smem:$0x3FB9];
	_ =	sdelay $0x3  }
0x34: {  	[smem:$0x3FB9] =	sst s10  }
0x35: {  	s10 =	sld [smem:$0x3FB8];
	_ =	sdelay $0x3  }
0x36: {  	p1 =	seq.s32 s10, $0x1;
	s10 =	sld [smem:$0x3FB9];
	_ =	sdelay $0x3  }
0x37: {  	[smem:$0x3FB9] =	sst s10  }
0x38: {  	s10 =	sld [smem:$0x3FBA]  }
0x39: {  	_ = 	snop;
	(pc) =	sbr.ind lr, $3  }
0x3a: {  	_ = 	snop  }
0x3b: {  	_ = 	snop  }
0x3c: {  	p2 =	seq.s32 s10, $0x1;
	s10 =	sld [smem:$0x3FB9]  }
0x3d: {  	_ =	shalt  }
0x3e: {  	_ =	shalt  }
0x3f: {  	_ =	shalt  }
0x40: {  	_ =	shalt  }
0x41: {  	_ =	shalt  }
0x42: {  	_ =	shalt  }
0x43: {  	_ =	shalt  }
0x44: {  	_ =	shalt  }
0x45: {  	_ =	shalt  }
0x46: {  	_ =	shalt  }
0x47: {  	_ =	shalt  }
0x48: {  	_ =	shalt  }
0x49: {  	_ =	shalt  }
0x4a: {  	_ =	shalt  }
0x4b: {  	_ =	shalt  }
0x4c: {  	_ =	shalt  }
0x4d: {  	_ =	shalt  }
0x4e: {  	_ =	shalt  }
0x4f: {  	_ =	shalt  }
0x50: {  	_ =	shalt  }
0x51: {  	_ =	shalt  }
0x52: {  	_ =	shalt  }
0x53: {  	_ =	shalt  }
0x54: {  	_ =	shalt  }
0x55: {  	_ =	shalt  }
0x56: {  	_ =	shalt  }
0x57: {  	_ =	shalt  }
0x58: {  	_ =	shalt  }
0x59: {  	_ =	shalt  }
0x5a: {  	_ =	shalt  }
0x5b: {  	_ =	shalt  }
0x5c: {  	_ =	shalt  }
0x5d: {  	_ =	shalt  }
0x5e: {  	_ =	shalt  }
0x5f: {  	_ =	shalt  }
0x60: {  	_ =	shalt  }
0x61: {  	_ =	shalt  }
0x62: {  	_ =	shalt  }
0x63: {  	_ =	shalt  }
0x64: {  	_ =	shalt  }
0x65: {  	_ =	shalt  }
0x66: {  	_ =	shalt  }
0x67: {  	_ =	shalt  }
0x68: {  	_ =	shalt  }
0x69: {  	_ =	shalt  }
0x6a: {  	_ =	shalt  }
0x6b: {  	_ =	shalt  }
0x6c: {  	_ =	shalt  }
0x6d: {  	_ =	shalt  }
0x6e: {  	_ =	shalt  }
0x6f: {  	_ =	shalt  }
0x70: {  	_ =	shalt  }
0x71: {  	_ =	shalt  }
0x72: {  	_ =	shalt  }
0x73: {  	_ =	shalt  }
0x74: {  	_ =	shalt  }
0x75: {  	_ =	shalt  }
0x76: {  	_ =	shalt  }
0x77: {  	_ =	shalt  }
0x78: {  	_ =	shalt  }
0x79: {  	_ =	shalt  }
0x7a: {  	_ =	shalt  }
0x7b: {  	_ =	shalt  }
0x7c: {  	_ =	shalt  }
0x7d: {  	_ =	shalt  }
0x7e: {  	_ =	shalt  }
0x7f: {  	_ =	shalt  }
0x80: {  	_ =	shalt  }
0x81: {  	_ =	shalt  }
0x82: {  	_ =	shalt  }
0x83: {  	_ =	shalt  }
0x84: {  	_ =	shalt  }
0x85: {  	_ =	shalt  }
0x86: {  	_ =	shalt  }
0x87: {  	_ =	shalt  }
.Lfunc_end0:
.L_simem_size_0:
called_computation_lowered:
.L_overlay_start_0:
0x88: {  	s2 =	sld [smem:$0x3FD9]  }
0x89: {  	s3 =	sld [smem:$0x3FFE];
	_ =	sdelay $0x1  }
0x8a: {  	s1 =	srdreg.scid  }
0x8b: {  	s0 =	sand.u32 $0x1, s1  }
0x8c: {  	s17 =	sshll.u32 s0, $0xA;
	s2 =	sadd.s32 s3, s2  }
0x8d: {  	s2 =	sadd.s32 s2, s17  }
0x8e: {  	[smem:$0x3FC5] =	sst s2  }
0x8f: {  	_ = 	snop  }
0x90: {  	s2 =	sld [smem:$0x3FC8]  }
0x91: {  	s18 =	sld [smem:$0x3FC7]  }
0x92: {  	s4 =	sld [smem:$0x3FD0];
	(tm) =	ssettm $0x1  }
0x93: {  	s5 =	sld [smem:$0x3FFB];
	_ =	sdelay $0x3  }
0x94: {  	_ =	strace s5  }
0x95: {  	s5 =	sld [smem:$0x3FFC];
	_ =	sdelay $0x3  }
0x96: {  	_ =	strace s5  }
0x97: {  	s5 =	sld [smem:$0x3FFD];
	_ =	sdelay $0x3  }
0x98: {  	_ =	strace s5  }
0x99: {  	_ =	strace $0x8FFFFFFF  }
0x9a: {  	s19 =	sld [smem:$0x3FDB];
	_ =	sdelay $0x1  }
0x9b: {  	s6 =	simm.s32 $_scs_section_size  }
0x9c: {  	s7 =	simm.s32 $_size__tile_overlayer_lowered;
	s8 =	simm.s32 $_tile_overlayer_lowered  }
0x9d: {  	s22 =	simm.s32 $0x1BFF;
	s21 =	sshll.u32 s8, $0x1;
	s5 =	sadd.s32 s6, s19  }
0x9e: {  	s9 =	simm.s32 $0x0;
	s20 =	sshll.u32 s7, $0x1;
	s7 =	sadd.s32 s21, s5  }
0x9f: {  	[timem:s9], [sflag:s22] =	dma.local [hbm:s7], s20  }
0xa0: {  	_ =	swait.ge [sflag:s22], s20  }
0xa1: {  	s6 =	ssub.s32 $0x0, s20;
	[sflag:s22] =	ssyncset.done $0x0  }
0xa2: {  	[sflag:s22] =	ssyncadd.s32 s6;
	_ =	sdelay $0x1  }
0xa3: {  	s23 =	simm.s32 $0x1B8B  }
0xa4: {  	_ =	swait.ge [sflag:s23], $0x1  }
0xa5: {  	[sflag:s23] =	ssyncset.done $0x0  }
0xa6: {  	s25 =	simm.s32 $0x1B8E;
	s24 =	sld [smem:$0x3FFE];
	[sflag:s23] =	ssyncadd.s32 $0xFFFFFFFF  }
0xa7: {  	s26 =	simm.s32 $execute0_lowered;
	[smem:$0x3FD2] =	sst s25  }
0xa8: {  	s7 =	sshll.u32 s26, $0x1;
	_ =	strace $0x80000046;
	[dreg:$0x1] =	wrdreg $0xFFFFFFFF  }
0xa9: {  	s28 =	simm.s32 $_size_execute0_lowered;
	s5 =	sadd.s32 s5, s7;
	[dreg:$0x0] =	wrdreg $0x0  }
0xaa: {  	s7 =	sshll.u32 s28, $0x1;
	[dreg:$0x2] =	wrdreg s5  }
0xab: {  	[dreg:$0x3] =	wrdreg s7  }
0xac: {  	[dreg:$0x4] =	wrdreg $0xC0  }
0xad: {  	_ =	task [dreg:s9], $0x5FFFF  }
0xae: {  	[dreg:$0x1] =	wrdreg $0xFFFFFFFF  }
0xaf: {  	[dreg:$0x0] =	wrdreg $0x60  }
0xb0: {  	[dreg:$0x2] =	wrdreg s4  }
0xb1: {  	[dreg:$0x3] =	wrdreg s2  }
0xb2: {  	[dreg:$0x4] =	wrdreg s18  }
0xb3: {  	[dreg:$0x5] =	wrdreg s24  }
0xb4: {  	[dreg:$0x6] =	wrdreg $0x9  }
0xb5: {  	_ =	task.clear_ibuf [dreg:s9], $0x7FFFF;
	_ =	strace $0x90000046  }
0xb6: {  	s29 =	simm.s32 $0x9;
	_ =	strace $0x80000048  }
0xb7: {  	_ =	swait.ge [sflag:s29], $0x1  }
0xb8: {  	[sflag:s29] =	ssyncadd.s32 $0xFFFFFFFF  }
0xb9: {  	_ =	strace $0x90000048  }
0xba: {  	_ =	sfence  }
0xbb: {  	s30 =	sld [smem:$0x0];
	_ =	sdelay $0x2  }
0xbc: {  	s31 =	sshll.u32 s1, $0xD;
	s1 =	sshrl.u32 s1, $0x2  }
0xbd: {  	s3 =	sand.u32 $0x4000, s31;
	s1 =	sadd.s32 s1, s30  }
0xbe: {  	s0 =	sor.u32 s3, s0;
	s1 =	sshll.u32 s1, $0x11  }
0xbf: {  	s0 =	sor.u32 s1, s0  }
0xc0: {  	s0 =	sadd.s32 $0x8F2B, s0  }
0xc1: {  	[sflag:s0] =	ssyncadd.remote.s32 $0x1  }
0xc2: {  	_ =	sfence.sel $0xFFFF  }
0xc3: {  	[dreg:$0x0] =	wrdreg $0xFFFFFFFF;
	(pc) =	sbr.abs _section_cstart, $3  }
0xc4: {  	[dreg:$0x1] =	wrdreg $0xFFFFFFFF  }
0xc5: {  	_ =	task.clear_ibuf [dreg:s9], $0x2FFFF;
	_ =	strace $0x9FFFFFFF  }
0xc6: {  	(tm) =	ssettm $0x7FFFFFFF  }
0xc7: {  	_ =	shalt  }
tec
execute0_lowered:
.L_overlay_start_1:
0x0: {  	(tag) =	ssettag $0x1  }
0x1: {  	s0 =	rddreg [dreg:$0x0]  }
0x2: {  	s2 =	rddreg [dreg:$0x1]  }
0x3: {  	s1 =	rddreg [dreg:$0x3];
	s4 =	simm.s32 $0x0  }
0x4: {  	s12 =	simm.s32 $0x18200;
	[smem:$0x7FF] =	sst s4  }
0x5: {  	s13 =	simm.s32 $0x18300;
	_ =	strace $0x80000047;
	[dreg:$0x6] =	wrdreg s12  }
0x6: {  	s14 =	simm.s32 $0x18400;
	[dreg:$0x7] =	wrdreg s13  }
0x7: {  	s15 =	simm.s32 $0x18500;
	[dreg:$0x8] =	wrdreg s14  }
0x8: {  	s17 =	simm.s32 $0x18600;
	[dreg:$0x9] =	wrdreg s15  }
0x9: {  	s18 =	simm.s32 $0x18700;
	[dreg:$0xa] =	wrdreg s17  }
0xa: {  	s19 =	simm.s32 $0x18800;
	[dreg:$0xb] =	wrdreg s18  }
0xb: {  	s7 =	stileid.u32;
	s21 =	simm.s32 $0x18900;
	[dreg:$0xc] =	wrdreg s19  }
0xc: {  	s3 =	srdreg.scid;
	s22 =	simm.s32 $0x18280;
	[dreg:$0xd] =	wrdreg s21  }
0xd: {  	s23 =	simm.s32 $0x18380;
	s24 =	simm.s32 $0x18480;
	[dreg:$0xe] =	wrdreg s22  }
0xe: {  	s25 =	simm.s32 $0x18580;
	s28 =	simm.s32 $0x18680;
	[dreg:$0xf] =	wrdreg s23  }
0xf: {  	s29 =	simm.s32 $0x18780;
	s30 =	simm.s32 $0x18880;
	[dreg:$0x10] =	wrdreg s24  }
0x10: {  	s31 =	simm.s32 $0x18980;
	s5 =	sshll.u32 s7, $0xD;
	[dreg:$0x11] =	wrdreg s25  }
0x11: {  	s3 =	sand.u32 $0x1, s3;
	s20 =	sshll.u32 s7, $0xA;
	[dreg:$0x12] =	wrdreg s28  }
0x12: {  	s1 =	sadd.s32 s5, s1;
	s11 =	sshll.u32 s3, $0xC;
	[dreg:$0x13] =	wrdreg s29  }
0x13: {  	s16 =	ssub.s32 $0x2, s3;
	s3 =	sshll.u32 s3, $0x9;
	[dreg:$0x14] =	wrdreg s30  }
0x14: {  	[dreg:$0x15] =	wrdreg s31;
	s1 =	sadd.s32 s11, s1;
	s3 =	sor.u32 s3, s20  }
0x15: {  	v0 =	vlaneseq.u32;
	s6 =	sshrl.u32 s16, $0x1;
	s1 =	sadd.s32 $0x800, s1;
	s3 =	sshrl.u32 s3, $0x3  }
0x16: {  	v0 =	vmul.u32 $0x80, v0;
	s6 =	ssub.s32 s16, s6;
	[dreg:$0x5] =	wrdreg s1;
	s0 =	sadd.s32 s0, s3  }
0x17: {  	s26 =	smax.u32 s6, $0x1;
	[dreg:$0x16] =	wrdreg s0  }
0x18: {  	s9 =	simm.s32 $0x200;
	v1 =	vor.u32 $0x800, v0;
	v2 =	vor.u32 $0x1000, v0;
	v3 =	vor.u32 $0x1800, v0;
	s11 =	simm.s32 $0x0;
	[dreg:$0x17] =	wrdreg s26  }
.LBB2_1:
0x19: {  	s0 =	rddreg [dreg:$0x16];
	s1 =	simm.s32 $0x5  }
0x1a: {  	[tilespmem:s4], [sflag:$0x5] =	stream.linear.gather [hbm4b:s0+s4], $0x200, $0x38;
	[tilespmem:$0x18A80] =	vst v63  }
0x1b: {  	_ =	swait.ge [sflag:s1], $0x200  }
0x1c: {  	[sflag:s1] =	ssyncset.done $0x0  }
0x1d: {  	[sflag:s1] =	ssyncadd.s32 $0xFFFFFE00  }
0x1e: {  	s3 =	simm.s32 $0x18A00;
	s31 =	rddreg [dreg:$0x2]  }
0x1f: {  	[tilespmem:s3], [sflag:$0x5] =	stream.linear.gather [hbm4b:s31+s4], $0x80, $0x38;
	[tilespmem:$0x18A80] =	vst v63  }
0x20: {  	_ =	swait.ge [sflag:s1], $0x80  }
0x21: {  	[sflag:s1] =	ssyncset.done $0x0  }
0x22: {  	[sflag:s1] =	ssyncadd.s32 $0xFFFFFF80  }
0x23: {  	v4 =	vld [tilespmem:$0x18A00]  }
0x24: {  	v5 =	vld [tilespmem:$0x18A10]  }
0x25: {  	s16 =	simm.s32 $0xFFF0BDC0;
	v6 =	vld [tilespmem:$0x18A20]  }
0x26: {  	s12 =	simm.s32 $0x10;
	s13 =	simm.s32 $0x0;
	s15 =	simm.s32 $0x0;
	v7 =	vld [tilespmem:$0x18A30]  }
.LBB2_2:
0x27: {  	v8 =	vld [tilespmem:s12+$0xFFFFFFF0];
	_ =	sdelay $0x4  }
0x28: {  	v9 =	vand.u32 $0xFFFFFF80, v8  }
0x29: {  	(v2sf) =	vpush v9, $0x0  }
0x2a: {  	(v2sf) =	vpush v9, $0x1  }
0x2b: {  	(v2sf) =	vpush v9, $0x2;
	_ =	sdelay $0x1  }
0x2c: {  	(v2sf) =	vpush v9, $0x3  }
0x2d: {  	(v2sf) =	vpush v9, $0x4;
	_ =	sdelay $0x1  }
0x2e: {  	(v2sf) =	vpush v9, $0x5;
	_ =	sdelay $0x1  }
0x2f: {  	(v2sf) =	vpush v9, $0x6;
	_ =	sdelay $0x1  }
0x30: {  	(v2sf) =	vpush v9, $0x7;
	_ =	sdelay $0x1  }
0x31: {  	(v2sf) =	vpush v9, $0x8  }
0x32: {  	(v2sf) =	vpush v9, $0x9  }
0x33: {  	s19 =	simm.s32 $0x1;
	s18 =	spop (v2sf)  }
0x34: {  	s20 =	simm.s32 $0x1;
	s30 =	simm.s32 $0x1;
	s3 =	spop (v2sf)  }
0x35: {  	p0 =	sne.s32 s18, s16;
	p6 =	seq.s32 s18, s16;
	s14 =	spop (v2sf)  }
0x36: {  	s19 =	simm.s32 @!p0 $0x0;
	p0 =	sne.s32 s3, s18;
	p5 =	seq.s32 s3, s18  }
0x37: {  	s1 =	spop (v2sf);
	s15 =	sadd.s32 s19, s15;
	s20 =	simm.s32 @!p0 $0x0  }
0x38: {  	p1 =	sne.s32 s14, s3;
	s0 =	spop (v2sf);
	s25 =	sadd.s32 $0xFFFFFFFF, s15  }
0x39: {  	s20 =	sadd.s32 s20, s15;
	p0 =	sne.s32 s1, s14;
	s30 =	simm.s32 @!p1 $0x0  }
0x3a: {  	s22 =	spop (v2sf);
	s23 =	smulhi.u32 $0x2AAAAAAB, s25;
	s24 =	sshra.s32 s25, $0x1F  }
0x3b: {  	s26 =	sadd.s32 $0xFFFFFFFF, s20;
	s20 =	sadd.s32 s30, s20;
	s30 =	simm.s32 $0x1  }
0x3c: {  	p1 =	sne.s32 s0, s1;
	s21 =	spop (v2sf);
	s24 =	smul.u32 $0x2AAAAAAB, s24  }
0x3d: {  	s28 =	smulhi.u32 $0x2AAAAAAB, s26;
	s29 =	sshra.s32 s26, $0x1F;
	s30 =	simm.s32 @!p0 $0x0  }
0x3e: {  	p0 =	seq.s32 s0, s1;
	s17 =	spop (v2sf);
	s5 =	smul.u32 $0x2AAAAAAB, s29  }
0x3f: {  	s29 =	sadd.s32 $0xFFFFFFFF, s20;
	s20 =	sadd.s32 s30, s20;
	p2 =	sne.s32 s21, s22  }
0x40: {  	s19 =	spop (v2sf);
	s23 =	sadd.s32 s24, s23;
	s31 =	smulhi.u32 $0x2AAAAAAB, s29  }
0x41: {  	s8 =	sshra.s32 s29, $0x1F;
	p3 =	sne.s32 s17, s21;
	s15 =	spop (v2sf)  }
0x42: {  	s6 =	sshrl.u32 s23, $0x1F;
	s23 =	sshrl.u32 s23, $0x1;
	s24 =	sadd.s32 s5, s28  }
0x43: {  	s8 =	smul.u32 $0x2AAAAAAB, s8;
	p4 =	sne.s32 s19, s17;
	s23 =	sadd.s32 s6, s23  }
0x44: {  	s7 =	sshrl.u32 s24, $0x1F;
	s24 =	sshrl.u32 s24, $0x1;
	s28 =	smul.u32 $0xC, s23  }
0x45: {  	s23 =	sadd.s32 s7, s24;
	s8 =	sadd.s32 s8, s31;
	s31 =	simm.s32 $0x1  }
0x46: {  	s16 =	smul.u32 $0xC, s23;
	s23 =	sadd.s32 $0xFFFFFFFF, s20;
	s5 =	sshrl.u32 s8, $0x1F  }
0x47: {  	s8 =	sshrl.u32 s8, $0x1;
	s10 =	smulhi.u32 $0x2AAAAAAB, s23;
	s6 =	sshra.s32 s23, $0x1F  }
0x48: {  	s31 =	simm.s32 @!p1 $0x0;
	s5 =	sadd.s32 s5, s8;
	s30 =	smul.u32 $0x2AAAAAAB, s6  }
0x49: {  	s20 =	sadd.s32 s31, s20;
	s28 =	ssub.s32 s25, s28;
	s5 =	smul.u32 $0xC, s5  }
0x4a: {  	s24 =	sadd.s32 $0xFFFFFFFF, s20;
	s26 =	ssub.s32 s26, s16;
	s16 =	sshll.u32 @!p6 s28, $0xF  }
0x4b: {  	s6 =	sshra.s32 s24, $0x1F;
	s7 =	sadd.s32 s30, s10;
	s10 =	smulhi.u32 $0x2AAAAAAB, s24  }
0x4c: {  	p1 =	sne.s32 s22, s0;
	s16 =	sshra.s32 @!p6 s16, $0x2;
	s6 =	smul.u32 $0x2AAAAAAB, s6  }
0x4d: {  	s25 =	ssub.s32 s29, s5;
	s30 =	sshrl.u32 s7, $0x1F;
	s8 =	sshrl.u32 s7, $0x1  }
0x4e: {  	s8 =	sadd.s32 s30, s8;
	s31 =	sadd.s32 s6, s10;
	s30 =	simm.s32 @!p6 $0x7A1400  }
0x4f: {  	s29 =	smul.u32 $0xC, s8;
	s6 =	sshrl.u32 s31, $0x1F;
	s8 =	simm.s32 $0x1  }
0x50: {  	s5 =	sshrl.u32 s31, $0x1;
	s31 =	sadd.s32 @!p5 s2, s3;
	s8 =	simm.s32 @!p1 $0x0  }
0x51: {  	s5 =	sadd.s32 s6, s5;
	s7 =	sadd.s32 s8, s20;
	s8 =	sor.u32 @!p6 $0x200, s16  }
0x52: {  	s16 =	sadd.s32 @!p6 s2, s18;
	s20 =	simm.s32 @!p6 $0x400;
	s5 =	smul.u32 $0xC, s5  }
0x53: {  	[tilespmem:s8], [sflag:$0x1] =	stream.strided.gather @!p6 [hbm4b:s16+s20], $0x2000, s30, s20, $0x38;
	[tilespmem:$0x18A80] =	vst v63  }
0x54: {  	(v2sf) =	vpush v9, $0xA;
	s29 =	ssub.s32 s23, s29;
	s8 =	sadd.s32 $0xFFFFFFFF, s7;
	s16 =	simm.s32 $0x1  }
0x55: {  	s20 =	sshll.u32 @!p5 s26, $0xF;
	s18 =	smulhi.u32 $0x2AAAAAAB, s8;
	s16 =	simm.s32 @!p2 $0x0  }
0x56: {  	(v2sf) =	vpush v9, $0xB;
	s10 =	sshra.s32 s8, $0x1F;
	p2 =	seq.s32 s14, s3;
	s6 =	sadd.s32 s16, s7  }
0x57: {  	s16 =	sshra.s32 @!p5 s20, $0x2;
	s20 =	smul.u32 $0x2AAAAAAB, s10;
	s7 =	simm.s32 @!p5 $0x400  }
0x58: {  	s10 =	simm.s32 @!p5 $0x7A1400;
	s30 =	sadd.s32 $0xFFFFFFFF, s6;
	s16 =	sor.u32 @!p5 $0x200, s16  }
0x59: {  	[tilespmem:s16], [sflag:$0x1] =	stream.strided.gather @!p5 [hbm4b:s31+s7], $0x2000, s10, s7, $0x38;
	[tilespmem:$0x18A80] =	vst v63  }
0x5a: {  	s16 =	sadd.s32 s20, s18;
	s20 =	smulhi.u32 $0x2AAAAAAB, s30;
	s31 =	sshra.s32 s30, $0x1F  }
0x5b: {  	s18 =	sshrl.u32 s16, $0x1F;
	s7 =	sshrl.u32 s16, $0x1;
	s16 =	smul.u32 $0x2AAAAAAB, s31  }
0x5c: {  	s24 =	ssub.s32 s24, s5;
	s7 =	sadd.s32 s18, s7;
	s18 =	sshll.u32 @!p2 s25, $0xF  }
0x5d: {  	s7 =	smul.u32 $0xC, s7;
	s10 =	sadd.s32 s16, s20;
	s16 =	simm.s32 $0x1  }
0x5e: {  	s18 =	sshra.s32 @!p2 s18, $0x2;
	s20 =	sshrl.u32 s10, $0x1F;
	s10 =	sshrl.u32 s10, $0x1  }
0x5f: {  	s16 =	simm.s32 @!p3 $0x0;
	p3 =	seq.s32 s1, s14;
	s3 =	sadd.s32 s20, s10  }
0x60: {  	s6 =	sadd.s32 s16, s6;
	s10 =	sor.u32 @!p2 $0x200, s18;
	s16 =	sadd.s32 @!p2 s2, s14  }
0x61: {  	s18 =	simm.s32 @!p2 $0x400;
	s20 =	simm.s32 @!p2 $0x7A1400;
	s5 =	sshll.u32 @!p3 s29, $0xF  }
0x62: {  	[tilespmem:s10], [sflag:$0x1] =	stream.strided.gather @!p2 [hbm4b:s16+s18], $0x2000, s20, s18, $0x38;
	[tilespmem:$0x18A80] =	vst v63  }
0x63: {  	s16 =	spop (v2sf);
	s3 =	smul.u32 $0xC, s3;
	s10 =	sadd.s32 $0xFFFFFFFF, s6  }
0x64: {  	s5 =	sshra.s32 @!p3 s5, $0x2;
	s31 =	smulhi.u32 $0x2AAAAAAB, s10;
	s18 =	sshra.s32 s10, $0x1F  }
0x65: {  	s20 =	spop (v2sf);
	s5 =	sor.u32 @!p3 $0x200, s5;
	s23 =	smul.u32 $0x2AAAAAAB, s18  }
0x66: {  	s18 =	ssub.s32 s8, s7;
	s14 =	ssub.s32 s30, s3;
	s7 =	simm.s32 $0x1  }
0x67: {  	s8 =	sadd.s32 @!p3 s2, s1;
	s30 =	simm.s32 @!p3 $0x7A1400;
	s1 =	simm.s32 @!p0 $0x0  }
0x68: {  	p1 =	sne.s32 s20, s16;
	s7 =	simm.s32 @!p4 $0x0;
	s1 =	simm.s32 @p0 $0x1  }
0x69: {  	p4 =	sne.s32 s15, s19;
	s3 =	sadd.s32 s23, s31;
	s23 =	simm.s32 @!p3 $0x400  }
0x6a: {  	[tilespmem:s5], [sflag:$0x1] =	stream.strided.gather @!p3 [hbm4b:s8+s23], $0x2000, s30, s23, $0x38;
	[tilespmem:$0x18A80] =	vst v63  }
0x6b: {  	[smem:$0x7F0] =	sst s1;
	s31 =	sshrl.u32 s3, $0x1F;
	s8 =	sshrl.u32 s3, $0x1  }
0x6c: {  	s3 =	sadd.s32 s7, s6;
	s6 =	sshll.u32 @!p0 s24, $0xF;
	s23 =	sadd.s32 @!p0 s2, s0  }
0x6d: {  	s30 =	simm.s32 @!p0 $0x400;
	s1 =	sadd.s32 s31, s8;
	s5 =	sadd.s32 $0xFFFFFFFF, s3  }
0x6e: {  	s6 =	sshra.s32 @!p0 s6, $0x2;
	s31 =	simm.s32 @!p0 $0x7A1400;
	s7 =	smulhi.u32 $0x2AAAAAAB, s5  }
0x6f: {  	s8 =	sshra.s32 s5, $0x1F;
	s6 =	sor.u32 @!p0 $0x200, s6;
	s1 =	smul.u32 $0xC, s1  }
0x70: {  	[tilespmem:s6], [sflag:$0x2] =	stream.strided.gather @!p0 [hbm4b:s23+s30], $0x2000, s31, s30, $0x38;
	[tilespmem:$0x18A80] =	vst v63  }
0x71: {  	s23 =	smul.u32 $0x2AAAAAAB, s8;
	s8 =	simm.s32 $0x1;
	p0 =	seq.s32 s22, s0  }
0x72: {  	s8 =	simm.s32 @!p4 $0x0;
	s0 =	simm.s32 @!p0 $0x0;
	s6 =	sshll.u32 @!p0 s18, $0xF  }
0x73: {  	s31 =	simm.s32 @!p0 $0x7A1400;
	s0 =	simm.s32 @p0 $0x1;
	s30 =	sadd.s32 s23, s7  }
0x74: {  	s3 =	sadd.s32 s8, s3;
	s6 =	sshra.s32 @!p0 s6, $0x2;
	s23 =	sadd.s32 @!p0 s2, s22  }
0x75: {  	[smem:$0x7F1] =	sst s0;
	s7 =	sshrl.u32 s30, $0x1F;
	s0 =	sshrl.u32 s30, $0x1  }
0x76: {  	s8 =	sadd.s32 $0xFFFFFFFF, s3;
	s6 =	sor.u32 @!p0 $0x200, s6;
	s30 =	simm.s32 @!p0 $0x400  }
0x77: {  	[tilespmem:s6], [sflag:$0x2] =	stream.strided.gather @!p0 [hbm4b:s23+s30], $0x2000, s31, s30, $0x38;
	[tilespmem:$0x18A80] =	vst v63  }
0x78: {  	p4 =	sne.s32 s16, s15;
	s6 =	smulhi.u32 $0x2AAAAAAB, s8;
	s31 =	sshra.s32 s8, $0x1F  }
0x79: {  	s30 =	simm.s32 $0x1;
	p0 =	seq.s32 s21, s22;
	s23 =	ssub.s32 s10, s1  }
0x7a: {  	s0 =	sadd.s32 s7, s0;
	s31 =	smul.u32 $0x2AAAAAAB, s31;
	s30 =	simm.s32 @!p4 $0x0  }
0x7b: {  	s22 =	simm.s32 @!p0 $0x0;
	s1 =	sshll.u32 @!p0 s14, $0xF;
	s0 =	smul.u32 $0xC, s0  }
0x7c: {  	s10 =	sadd.s32 @!p0 s2, s21;
	p4 =	seq.s32 s17, s21;
	s22 =	simm.s32 @p0 $0x1  }
0x7d: {  	s1 =	sshra.s32 @!p0 s1, $0x2;
	s3 =	sadd.s32 s30, s3;
	[smem:$0x7F2] =	sst s22  }
0x7e: {  	s6 =	sadd.s32 s31, s6;
	s1 =	sor.u32 @!p0 $0x200, s1;
	s22 =	simm.s32 @!p0 $0x400  }
0x7f: {  	s31 =	simm.s32 @!p0 $0x7A1400;
	s7 =	sshrl.u32 s6, $0x1F;
	s6 =	sshrl.u32 s6, $0x1  }
0x80: {  	[tilespmem:s1], [sflag:$0x2] =	stream.strided.gather @!p0 [hbm4b:s10+s22], $0x2000, s31, s22, $0x38;
	[tilespmem:$0x18A80] =	vst v63  }
0x81: {  	s21 =	simm.s32 @!p4 $0x400;
	s22 =	sadd.s32 s7, s6;
	s6 =	sadd.s32 $0xFFFFFFFF, s3  }
0x82: {  	s7 =	sshll.u32 @!p4 s23, $0xF;
	s1 =	smul.u32 $0xC, s22;
	s30 =	sshra.s32 s6, $0x1F  }
0x83: {  	s7 =	sshra.s32 @!p4 s7, $0x2;
	s22 =	ssub.s32 s5, s0;
	s31 =	smul.u32 $0x2AAAAAAB, s30  }
0x84: {  	s5 =	sor.u32 @!p4 $0x200, s7;
	s7 =	sadd.s32 @!p4 s2, s17;
	s30 =	simm.s32 @!p4 $0x7A1400  }
0x85: {  	[tilespmem:s5], [sflag:$0x2] =	stream.strided.gather @!p4 [hbm4b:s7+s21], $0x2000, s30, s21, $0x38;
	[tilespmem:$0x18A80] =	vst v63  }
0x86: {  	p0 =	seq.s32 s19, s17;
	s10 =	smulhi.u32 $0x2AAAAAAB, s6;
	s5 =	simm.s32 $0x1  }
0x87: {  	s7 =	simm.s32 @!p0 $0x0;
	s17 =	ssub.s32 s8, s1;
	s8 =	sadd.s32 @!p0 s2, s19  }
0x88: {  	s21 =	simm.s32 @!p0 $0x7A1400;
	s7 =	simm.s32 @p0 $0x1;
	s5 =	simm.s32 @!p1 $0x0  }
0x89: {  	s0 =	sadd.s32 s31, s10;
	[smem:$0x7F3] =	sst s7;
	s7 =	sshll.u32 @!p0 s22, $0xF  }
0x8a: {  	s31 =	sshrl.u32 s0, $0x1F;
	s0 =	sshrl.u32 s0, $0x1;
	s1 =	sshra.s32 @!p0 s7, $0x2  }
0x8b: {  	s10 =	simm.s32 @!p0 $0x400;
	s0 =	sadd.s32 s31, s0;
	s1 =	sor.u32 @!p0 $0x200, s1  }
0x8c: {  	[tilespmem:s1], [sflag:$0x3] =	stream.strided.gather @!p0 [hbm4b:s8+s10], $0x2000, s21, s10, $0x38;
	[tilespmem:$0x18A80] =	vst v63  }
0x8d: {  	s0 =	smul.u32 $0xC, s0;
	s1 =	sadd.s32 s5, s3;
	p0 =	seq.s32 s15, s19  }
0x8e: {  	s3 =	simm.s32 @!p0 $0x0;
	s5 =	sshll.u32 @!p0 s17, $0xF;
	s10 =	sadd.s32 @!p0 s2, s15  }
0x8f: {  	s19 =	simm.s32 @!p0 $0x400;
	s21 =	simm.s32 @!p0 $0x7A1400;
	s3 =	simm.s32 @p0 $0x1  }
0x90: {  	(v2sf) =	vpush v9, $0xC;
	s5 =	sshra.s32 @!p0 s5, $0x2;
	[smem:$0x7F4] =	sst s3;
	s3 =	sadd.s32 $0xFFFFFFFF, s1  }
0x91: {  	(v2sf) =	vpush v9, $0xD;
	s5 =	sor.u32 @!p0 $0x200, s5;
	s30 =	smulhi.u32 $0x2AAAAAAB, s3;
	s31 =	sshra.s32 s3, $0x1F  }
0x92: {  	(v2sf) =	vpush v9, $0xE;
	[tilespmem:s5], [sflag:$0x3] =	stream.strided.gather @!p0 [hbm4b:s10+s19], $0x2000, s21, s19, $0x38;
	[tilespmem:$0x18A80] =	vst v63  }
0x93: {  	(v2sf) =	vpush v9, $0xF;
	s21 =	ssub.s32 s6, s0;
	p0 =	seq.s32 s16, s15;
	s8 =	smul.u32 $0x2AAAAAAB, s31  }
0x94: {  	s5 =	simm.s32 @!p0 $0x0;
	s6 =	sshll.u32 @!p0 s21, $0xF  }
0x95: {  	s7 =	simm.s32 @!p0 $0x400;
	s5 =	simm.s32 @p0 $0x1;
	s10 =	sadd.s32 s8, s30  }
0x96: {  	[smem:$0x7F5] =	sst s5;
	s19 =	sshrl.u32 s10, $0x1F;
	s0 =	sshrl.u32 s10, $0x1  }
0x97: {  	s5 =	sshra.s32 @!p0 s6, $0x2;
	s6 =	sadd.s32 @!p0 s2, s16;
	s0 =	sadd.s32 s19, s0  }
0x98: {  	s8 =	simm.s32 @!p0 $0x7A1400;
	s5 =	sor.u32 @!p0 $0x200, s5;
	s0 =	smul.u32 $0xC, s0  }
0x99: {  	[tilespmem:s5], [sflag:$0x3] =	stream.strided.gather @!p0 [hbm4b:s6+s7], $0x2000, s8, s7, $0x38;
	[tilespmem:$0x18A80] =	vst v63  }
0x9a: {  	p0 =	seq.s32 s20, s16;
	s19 =	ssub.s32 s3, s0  }
0x9b: {  	s5 =	sadd.s32 @!p0 s2, s20;
	s3 =	sshll.u32 @!p0 s19, $0xF  }
0x9c: {  	s6 =	simm.s32 @!p0 $0x400;
	s0 =	simm.s32 @!p0 $0x0;
	s3 =	sshra.s32 @!p0 s3, $0x2  }
0x9d: {  	s7 =	simm.s32 @!p0 $0x7A1400;
	s0 =	simm.s32 @p0 $0x1;
	s3 =	sor.u32 @!p0 $0x200, s3  }
0x9e: {  	[tilespmem:s3], [sflag:$0x3] =	stream.strided.gather @!p0 [hbm4b:s5+s6], $0x2000, s7, s6, $0x38;
	[tilespmem:$0x18A80] =	vst v63  }
0x9f: {  	[smem:$0x7F6] =	sst s0;
	s0 =	spop (v2sf);
	p0 =	seq.s32 s13, $0x0  }
0xa0: {  	s31 =	spop (v2sf);
	s3 =	simm.s32 @!p0 $0x0  }
0xa1: {  	s30 =	spop (v2sf);
	s3 =	simm.s32 @p0 $0x1  }
0xa2: {  	s16 =	spop (v2sf);
	s15 =	simm.s32 @!p0 $0x4;
	[smem:$0x7F7] =	sst s3  }
0xa3: {  	_ =	swait.ge @!p0 [sflag:s15], $0x400  }
0xa4: {  	[sflag:s15] =	ssyncset.done @!p0 $0x0  }
0xa5: {  	s3 =	simm.s32 @!p6 $0x1;
	[sflag:s15] =	ssyncadd.s32 @!p0 $0xFFFFFC00  }
0xa6: {  	_ =	swait.ge @!p6 [sflag:s3], $0x2000  }
0xa7: {  	[sflag:s3] =	ssyncset.done @!p6 $0x0  }
0xa8: {  	[sflag:s3] =	ssyncadd.s32 @!p6 $0xFFFFE000;
	s3 =	simm.s32 @!p5 $0x1  }
0xa9: {  	v8 =	vand.u32 $0x7F, v8;
	s28 =	sshll.u32 s28, $0xD;
	_ =	swait.ge @!p5 [sflag:s3], $0x2000  }
0xaa: {  	v43 =	vor.u32 s28, v8;
	[sflag:s3] =	ssyncset.done @!p5 $0x0  }
0xab: {  	v9 =	vbroadcast v43, $0x0;
	[sflag:s3] =	ssyncadd.s32 @!p5 $0xFFFFE000;
	s3 =	simm.s32 @!p2 $0x1  }
0xac: {  	_ =	swait.ge @!p2 [sflag:s3], $0x2000  }
0xad: {  	v10 =	vor.u32 v0, v9;
	[sflag:s3] =	ssyncset.done @!p2 $0x0  }
0xae: {  	[sflag:s3] =	ssyncadd.s32 @!p2 $0xFFFFE000;
	s3 =	simm.s32 @!p3 $0x1  }
0xaf: {  	_ =	swait.ge @!p3 [sflag:s3], $0x2000  }
0xb0: {  	[sflag:s3] =	ssyncset.done @!p3 $0x0  }
0xb1: {  	[sflag:s3] =	ssyncadd.s32 @!p3 $0xFFFFE000  }
0xb2: {  	v10 =	vld.idx.msk [tilespmem:v10+s9+$0x0], $0xffff;
	_ =	sdelay $0x2  }
0xb3: {  	v11 =	vor.u32 v1, v9;
	_ =	sdelay $0x1  }
0xb4: {  	v10 =	vadd.f32 v10, v4;
	_ =	sdelay $0x1  }
0xb5: {  	[tilespmem:$0x18200] =	vst v10  }
0xb6: {  	v10 =	vld.idx.msk [tilespmem:v11+s9+$0x0], $0xffff;
	_ =	sdelay $0x2  }
0xb7: {  	v44 =	vor.u32 v2, v9;
	_ =	sdelay $0x1  }
0xb8: {  	v10 =	vadd.f32 v10, v5;
	_ =	sdelay $0x1  }
0xb9: {  	[tilespmem:$0x18210] =	vst v10  }
0xba: {  	v10 =	vld.idx.msk [tilespmem:v44+s9+$0x0], $0xffff;
	_ =	sdelay $0x2  }
0xbb: {  	v9 =	vor.u32 v3, v9;
	_ =	sdelay $0x1  }
0xbc: {  	v10 =	vadd.f32 v10, v6;
	_ =	sdelay $0x1  }
0xbd: {  	[tilespmem:$0x18220] =	vst v10  }
0xbe: {  	v45 =	vbroadcast v8, $0x1;
	v9 =	vld.idx.msk [tilespmem:v9+s9+$0x0], $0xffff  }
0xbf: {  	s5 =	sshll.u32 s26, $0xD  }
0xc0: {  	v10 =	vor.u32 s5, v45  }
0xc1: {  	v46 =	vor.u32 v0, v10;
	_ =	sdelay $0x1  }
0xc2: {  	v9 =	vadd.f32 v9, v7;
	_ =	sdelay $0x1  }
0xc3: {  	[tilespmem:$0x18230] =	vst v9  }
0xc4: {  	v9 =	vld.idx.msk [tilespmem:v46+s9+$0x0], $0xffff;
	_ =	sdelay $0x2  }
0xc5: {  	v47 =	vor.u32 v1, v10;
	_ =	sdelay $0x1  }
0xc6: {  	v9 =	vadd.f32 v9, v4;
	_ =	sdelay $0x1  }
0xc7: {  	[tilespmem:$0x18240] =	vst v9  }
0xc8: {  	v9 =	vld.idx.msk [tilespmem:v47+s9+$0x0], $0xffff;
	_ =	sdelay $0x2  }
0xc9: {  	v48 =	vor.u32 v2, v10;
	_ =	sdelay $0x1  }
0xca: {  	v9 =	vadd.f32 v9, v5;
	_ =	sdelay $0x1  }
0xcb: {  	[tilespmem:$0x18250] =	vst v9  }
0xcc: {  	v9 =	vld.idx.msk [tilespmem:v48+s9+$0x0], $0xffff;
	_ =	sdelay $0x2  }
0xcd: {  	v10 =	vor.u32 v3, v10;
	_ =	sdelay $0x1  }
0xce: {  	v9 =	vadd.f32 v9, v6;
	_ =	sdelay $0x1  }
0xcf: {  	[tilespmem:$0x18260] =	vst v9  }
0xd0: {  	v49 =	vbroadcast v8, $0x2;
	v9 =	vld.idx.msk [tilespmem:v10+s9+$0x0], $0xffff  }
0xd1: {  	s6 =	sshll.u32 s25, $0xD  }
0xd2: {  	v10 =	vor.u32 s6, v49  }
0xd3: {  	v50 =	vor.u32 v0, v10;
	_ =	sdelay $0x1  }
0xd4: {  	v9 =	vadd.f32 v9, v7;
	_ =	sdelay $0x1  }
0xd5: {  	[tilespmem:$0x18270] =	vst v9  }
0xd6: {  	v9 =	vld.idx.msk [tilespmem:v50+s9+$0x0], $0xffff;
	_ =	sdelay $0x2  }
0xd7: {  	v51 =	vor.u32 v1, v10;
	_ =	sdelay $0x1  }
0xd8: {  	v9 =	vadd.f32 v9, v4;
	_ =	sdelay $0x1  }
0xd9: {  	[tilespmem:$0x18300] =	vst v9  }
0xda: {  	v9 =	vld.idx.msk [tilespmem:v51+s9+$0x0], $0xffff;
	_ =	sdelay $0x2  }
0xdb: {  	v52 =	vor.u32 v2, v10;
	_ =	sdelay $0x1  }
0xdc: {  	v9 =	vadd.f32 v9, v5;
	_ =	sdelay $0x1  }
0xdd: {  	[tilespmem:$0x18310] =	vst v9  }
0xde: {  	v9 =	vld.idx.msk [tilespmem:v52+s9+$0x0], $0xffff;
	_ =	sdelay $0x2  }
0xdf: {  	v10 =	vor.u32 v3, v10;
	_ =	sdelay $0x1  }
0xe0: {  	v9 =	vadd.f32 v9, v6;
	_ =	sdelay $0x1  }
0xe1: {  	[tilespmem:$0x18320] =	vst v9  }
0xe2: {  	v53 =	vbroadcast v8, $0x3;
	v9 =	vld.idx.msk [tilespmem:v10+s9+$0x0], $0xffff  }
0xe3: {  	s7 =	sshll.u32 s29, $0xD  }
0xe4: {  	v10 =	vor.u32 s7, v53  }
0xe5: {  	v54 =	vor.u32 v0, v10;
	_ =	sdelay $0x1  }
0xe6: {  	v9 =	vadd.f32 v9, v7;
	_ =	sdelay $0x1  }
0xe7: {  	[tilespmem:$0x18330] =	vst v9  }
0xe8: {  	v9 =	vld.idx.msk [tilespmem:v54+s9+$0x0], $0xffff;
	_ =	sdelay $0x2  }
0xe9: {  	v55 =	vor.u32 v1, v10;
	_ =	sdelay $0x1  }
0xea: {  	v9 =	vadd.f32 v9, v4;
	_ =	sdelay $0x1  }
0xeb: {  	[tilespmem:$0x18340] =	vst v9  }
0xec: {  	v9 =	vld.idx.msk [tilespmem:v55+s9+$0x0], $0xffff;
	_ =	sdelay $0x2  }
0xed: {  	v56 =	vor.u32 v2, v10  }
0xee: {  	p0 =	sne.s32 s0, s20;
	s3 =	simm.s32 $0x1  }
0xef: {  	s3 =	simm.s32 @!p0 $0x0;
	v9 =	vadd.f32 v9, v5  }
0xf0: {  	p0 =	sne.s32 s31, s0;
	s1 =	sadd.s32 s3, s1;
	s3 =	simm.s32 $0x1  }
0xf1: {  	s3 =	simm.s32 @!p0 $0x0;
	s5 =	sadd.s32 $0xFFFFFFFF, s1;
	[tilespmem:$0x18350] =	vst v9  }
0xf2: {  	s1 =	sadd.s32 s3, s1;
	s8 =	smulhi.u32 $0x2AAAAAAB, s5;
	s26 =	sshra.s32 s5, $0x1F;
	v9 =	vld.idx.msk [tilespmem:v56+s9+$0x0], $0xffff  }
0xf3: {  	s28 =	smul.u32 $0x2AAAAAAB, s26;
	s7 =	sadd.s32 $0xFFFFFFFF, s1  }
0xf4: {  	s29 =	smulhi.u32 $0x2AAAAAAB, s7;
	s25 =	sshra.s32 s7, $0x1F  }
0xf5: {  	s3 =	sadd.s32 s28, s8;
	v10 =	vor.u32 v3, v10;
	s10 =	smul.u32 $0x2AAAAAAB, s25  }
0xf6: {  	p0 =	sne.s32 s30, s31;
	s6 =	sshrl.u32 s3, $0x1F;
	s3 =	sshrl.u32 s3, $0x1  }
0xf7: {  	s3 =	sadd.s32 s6, s3;
	s25 =	simm.s32 $0x1;
	s8 =	sadd.s32 s10, s29;
	v9 =	vadd.f32 v9, v6  }
0xf8: {  	s25 =	simm.s32 @!p0 $0x0;
	s26 =	sshrl.u32 s8, $0x1F;
	s8 =	sshrl.u32 s8, $0x1  }
0xf9: {  	s3 =	smul.u32 $0xC, s3;
	s1 =	sadd.s32 s25, s1;
	s6 =	sadd.s32 s26, s8;
	[tilespmem:$0x18360] =	vst v9  }
0xfa: {  	p3 =	seq.s32 s0, s20;
	s8 =	sadd.s32 $0xFFFFFFFF, s1;
	s6 =	smul.u32 $0xC, s6;
	v9 =	vld.idx.msk [tilespmem:v10+s9+$0x0], $0xffff  }
0xfb: {  	p0 =	sne.s32 s16, s30;
	s10 =	smulhi.u32 $0x2AAAAAAB, s8;
	s28 =	sshra.s32 s8, $0x1F  }
0xfc: {  	s29 =	ssub.s32 s5, s3;
	s5 =	simm.s32 $0x1;
	s26 =	smul.u32 $0x2AAAAAAB, s28  }
0xfd: {  	p2 =	seq.s32 s31, s0;
	s5 =	simm.s32 @!p0 $0x0;
	s20 =	sshll.u32 @!p3 s29, $0xF  }
0xfe: {  	s25 =	ssub.s32 s7, s6;
	s6 =	sshra.s32 @!p3 s20, $0x2;
	s3 =	sadd.s32 s26, s10  }
0xff: {  	s20 =	simm.s32 @!p3 $0x400;
	s28 =	sshrl.u32 s3, $0x1F;
	s3 =	sshrl.u32 s3, $0x1;
	v9 =	vadd.f32 v9, v7  }
0x100: {  	s6 =	sor.u32 @!p3 $0x200, s6;
	s10 =	sadd.s32 @!p3 s2, s0;
	s3 =	sadd.s32 s28, s3  }
0x101: {  	s26 =	simm.s32 @!p3 $0x7A1400;
	s0 =	smul.u32 $0xC, s3;
	s3 =	sshll.u32 @!p2 s25, $0xF;
	[tilespmem:$0x18370] =	vst v9  }
0x102: {  	[tilespmem:s6], [sflag:$0x1] =	stream.strided.gather @!p3 [hbm4b:s10+s20], $0x2000, s26, s20, $0x38;
	[tilespmem:$0x18A80] =	vst v63  }
0x103: {  	s7 =	sadd.s32 @!p2 s2, s31;
	s3 =	sshra.s32 @!p2 s3, $0x2;
	s20 =	sadd.s32 s5, s1  }
0x104: {  	s3 =	sor.u32 @!p2 $0x200, s3;
	s26 =	simm.s32 @!p2 $0x7A1400;
	s1 =	sadd.s32 $0xFFFFFFFF, s20  }
0x105: {  	s10 =	simm.s32 @!p2 $0x400;
	s5 =	smulhi.u32 $0x2AAAAAAB, s1;
	s28 =	sshra.s32 s1, $0x1F  }
0x106: {  	[tilespmem:s3], [sflag:$0x1] =	stream.strided.gather @!p2 [hbm4b:s7+s10], $0x2000, s26, s10, $0x38;
	[tilespmem:$0x18A80] =	vst v63  }
0x107: {  	s6 =	smul.u32 $0x2AAAAAAB, s28  }
0x108: {  	p1 =	seq.s32 s30, s31;
	s28 =	ssub.s32 s8, s0  }
0x109: {  	s8 =	sld [smem:$0x7F0];
	s6 =	sadd.s32 s6, s5;
	s5 =	sshll.u32 @!p1 s28, $0xF  }
0x10a: {  	s7 =	sshrl.u32 s6, $0x1F;
	s0 =	sshrl.u32 s6, $0x1;
	s3 =	sshra.s32 @!p1 s5, $0x2  }
0x10b: {  	s5 =	sadd.s32 @!p1 s2, s30;
	s6 =	simm.s32 @!p1 $0x400;
	s0 =	sadd.s32 s7, s0  }
0x10c: {  	s3 =	sor.u32 @!p1 $0x200, s3;
	s7 =	simm.s32 @!p1 $0x7A1400;
	s0 =	smul.u32 $0xC, s0  }
0x10d: {  	[tilespmem:s3], [sflag:$0x1] =	stream.strided.gather @!p1 [hbm4b:s5+s6], $0x2000, s7, s6, $0x38;
	[tilespmem:$0x18A80] =	vst v63  }
0x10e: {  	p0 =	seq.s32 s16, s30;
	s26 =	ssub.s32 s1, s0  }
0x10f: {  	s0 =	sshll.u32 @!p0 s26, $0xF  }
0x110: {  	p5 =	seq.s32 s8, $0x1;
	s3 =	simm.s32 @!p0 $0x400;
	s0 =	sshra.s32 @!p0 s0, $0x2  }
0x111: {  	s5 =	simm.s32 @!p0 $0x7A1400;
	s1 =	sadd.s32 @!p0 s2, s16;
	s0 =	sor.u32 @!p0 $0x200, s0  }
0x112: {  	[tilespmem:s0], [sflag:$0x1] =	stream.strided.gather @!p0 [hbm4b:s1+s3], $0x2000, s5, s3, $0x38;
	[tilespmem:$0x18A80] =	vst v63  }
0x113: {  	s0 =	simm.s32 @!p5 $0x2  }
0x114: {  	_ =	swait.ge @!p5 [sflag:s0], $0x2000  }
0x115: {  	s10 =	sld [smem:$0x7F1];
	_ =	sdelay $0x1  }
0x116: {  	[sflag:s0] =	ssyncset.done @!p5 $0x0  }
0x117: {  	[sflag:s0] =	ssyncadd.s32 @!p5 $0xFFFFE000;
	p5 =	seq.s32 s10, $0x1  }
0x118: {  	s0 =	simm.s32 @!p5 $0x2  }
0x119: {  	_ =	swait.ge @!p5 [sflag:s0], $0x2000  }
0x11a: {  	s30 =	sld [smem:$0x7F2];
	_ =	sdelay $0x1  }
0x11b: {  	[sflag:s0] =	ssyncset.done @!p5 $0x0  }
0x11c: {  	v57 =	vbroadcast v8, $0x4;
	[sflag:s0] =	ssyncadd.s32 @!p5 $0xFFFFE000;
	p5 =	seq.s32 s30, $0x1  }
0x11d: {  	s31 =	sshll.u32 s24, $0xD;
	s0 =	simm.s32 @!p5 $0x2  }
0x11e: {  	v9 =	vor.u32 s31, v57;
	_ =	swait.ge @!p5 [sflag:s0], $0x2000  }
0x11f: {  	v58 =	vor.u32 v0, v9;
	[sflag:s0] =	ssyncset.done @!p5 $0x0  }
0x120: {  	[sflag:s0] =	ssyncadd.s32 @!p5 $0xFFFFE000;
	s0 =	simm.s32 @!p4 $0x2  }
0x121: {  	_ =	swait.ge @!p4 [sflag:s0], $0x2000  }
0x122: {  	[sflag:s0] =	ssyncset.done @!p4 $0x0  }
0x123: {  	[sflag:s0] =	ssyncadd.s32 @!p4 $0xFFFFE000  }
0x124: {  	v10 =	vld.idx.msk [tilespmem:v58+s9+$0x0], $0xffff;
	_ =	sdelay $0x2  }
0x125: {  	v59 =	vor.u32 v1, v9;
	_ =	sdelay $0x1  }
0x126: {  	v10 =	vadd.f32 v10, v4;
	_ =	sdelay $0x1  }
0x127: {  	[tilespmem:$0x18400] =	vst v10  }
0x128: {  	v10 =	vld.idx.msk [tilespmem:v59+s9+$0x0], $0xffff;
	_ =	sdelay $0x2  }
0x129: {  	v60 =	vor.u32 v2, v9;
	_ =	sdelay $0x1  }
0x12a: {  	v10 =	vadd.f32 v10, v5;
	_ =	sdelay $0x1  }
0x12b: {  	[tilespmem:$0x18410] =	vst v10  }
0x12c: {  	v10 =	vld.idx.msk [tilespmem:v60+s9+$0x0], $0xffff;
	_ =	sdelay $0x2  }
0x12d: {  	v9 =	vor.u32 v3, v9;
	_ =	sdelay $0x1  }
0x12e: {  	v10 =	vadd.f32 v10, v6;
	_ =	sdelay $0x1  }
0x12f: {  	[tilespmem:$0x18420] =	vst v10  }
0x130: {  	v61 =	vbroadcast v8, $0x5;
	v9 =	vld.idx.msk [tilespmem:v9+s9+$0x0], $0xffff  }
0x131: {  	s1 =	sshll.u32 s18, $0xD  }
0x132: {  	v10 =	vor.u32 s1, v61  }
0x133: {  	v62 =	vor.u32 v0, v10;
	_ =	sdelay $0x1  }
0x134: {  	v9 =	vadd.f32 v9, v7;
	_ =	sdelay $0x1  }
0x135: {  	[tilespmem:$0x18430] =	vst v9  }
0x136: {  	v9 =	vld.idx.msk [tilespmem:v62+s9+$0x0], $0xffff;
	_ =	sdelay $0x2  }
0x137: {  	v63 =	vor.u32 v1, v10;
	_ =	sdelay $0x1  }
0x138: {  	v9 =	vadd.f32 v9, v4;
	_ =	sdelay $0x1  }
0x139: {  	[tilespmem:$0x18440] =	vst v9  }
0x13a: {  	v9 =	vld.idx.msk [tilespmem:v63+s9+$0x0], $0xffff;
	_ =	sdelay $0x2  }
0x13b: {  	v12 =	vor.u32 v2, v10;
	_ =	sdelay $0x1  }
0x13c: {  	v9 =	vadd.f32 v9, v5;
	_ =	sdelay $0x1  }
0x13d: {  	[tilespmem:$0x18450] =	vst v9  }
0x13e: {  	v9 =	vld.idx.msk [tilespmem:v12+s9+$0x0], $0xffff;
	_ =	sdelay $0x2  }
0x13f: {  	v10 =	vor.u32 v3, v10;
	_ =	sdelay $0x1  }
0x140: {  	v9 =	vadd.f32 v9, v6;
	_ =	sdelay $0x1  }
0x141: {  	[tilespmem:$0x18460] =	vst v9  }
0x142: {  	v13 =	vbroadcast v8, $0x6;
	v9 =	vld.idx.msk [tilespmem:v10+s9+$0x0], $0xffff  }
0x143: {  	s3 =	sshll.u32 s14, $0xD  }
0x144: {  	v10 =	vor.u32 s3, v13  }
0x145: {  	v14 =	vor.u32 v0, v10;
	_ =	sdelay $0x1  }
0x146: {  	v9 =	vadd.f32 v9, v7;
	_ =	sdelay $0x1  }
0x147: {  	[tilespmem:$0x18470] =	vst v9  }
0x148: {  	v9 =	vld.idx.msk [tilespmem:v14+s9+$0x0], $0xffff;
	_ =	sdelay $0x2  }
0x149: {  	v15 =	vor.u32 v1, v10;
	_ =	sdelay $0x1  }
0x14a: {  	v9 =	vadd.f32 v9, v4;
	_ =	sdelay $0x1  }
0x14b: {  	[tilespmem:$0x18500] =	vst v9  }
0x14c: {  	v9 =	vld.idx.msk [tilespmem:v15+s9+$0x0], $0xffff;
	_ =	sdelay $0x2  }
0x14d: {  	v16 =	vor.u32 v2, v10;
	_ =	sdelay $0x1  }
0x14e: {  	v9 =	vadd.f32 v9, v5;
	_ =	sdelay $0x1  }
0x14f: {  	[tilespmem:$0x18510] =	vst v9  }
0x150: {  	v9 =	vld.idx.msk [tilespmem:v16+s9+$0x0], $0xffff;
	_ =	sdelay $0x2  }
0x151: {  	v10 =	vor.u32 v3, v10;
	_ =	sdelay $0x1  }
0x152: {  	v9 =	vadd.f32 v9, v6;
	_ =	sdelay $0x1  }
0x153: {  	[tilespmem:$0x18520] =	vst v9  }
0x154: {  	v17 =	vbroadcast v8, $0x7;
	v9 =	vld.idx.msk [tilespmem:v10+s9+$0x0], $0xffff  }
0x155: {  	s5 =	sshll.u32 s23, $0xD  }
0x156: {  	v10 =	vor.u32 s5, v17  }
0x157: {  	v18 =	vor.u32 v0, v10;
	_ =	sdelay $0x1  }
0x158: {  	v9 =	vadd.f32 v9, v7;
	_ =	sdelay $0x1  }
0x159: {  	[tilespmem:$0x18530] =	vst v9  }
0x15a: {  	v9 =	vld.idx.msk [tilespmem:v18+s9+$0x0], $0xffff;
	_ =	sdelay $0x2  }
0x15b: {  	v19 =	vor.u32 v1, v10;
	_ =	sdelay $0x1  }
0x15c: {  	v9 =	vadd.f32 v9, v4;
	_ =	sdelay $0x1  }
0x15d: {  	[tilespmem:$0x18540] =	vst v9  }
0x15e: {  	v9 =	vld.idx.msk [tilespmem:v19+s9+$0x0], $0xffff;
	_ =	sdelay $0x2  }
0x15f: {  	v20 =	vor.u32 v2, v10;
	_ =	sdelay $0x1  }
0x160: {  	v9 =	vadd.f32 v9, v5;
	_ =	sdelay $0x1  }
0x161: {  	[tilespmem:$0x18550] =	vst v9  }
0x162: {  	v9 =	vld.idx.msk [tilespmem:v20+s9+$0x0], $0xffff;
	_ =	sdelay $0x2  }
0x163: {  	v10 =	vor.u32 v3, v10;
	_ =	sdelay $0x1  }
0x164: {  	v9 =	vadd.f32 v9, v6;
	_ =	sdelay $0x1  }
0x165: {  	[tilespmem:$0x18560] =	vst v9  }
0x166: {  	v9 =	vld.idx.msk [tilespmem:v10+s9+$0x0], $0xffff;
	_ =	sdelay $0x2  }
0x167: {  	s6 =	sld [smem:$0x7F3];
	_ =	sdelay $0x1  }
0x168: {  	v9 =	vadd.f32 v9, v7  }
0x169: {  	p4 =	seq.s32 s6, $0x1  }
0x16a: {  	s0 =	simm.s32 @!p4 $0x3;
	[tilespmem:$0x18570] =	vst v9  }
0x16b: {  	_ =	swait.ge @!p4 [sflag:s0], $0x2000  }
0x16c: {  	s7 =	sld [smem:$0x7F4];
	_ =	sdelay $0x1  }
0x16d: {  	[sflag:s0] =	ssyncset.done @!p4 $0x0  }
0x16e: {  	[sflag:s0] =	ssyncadd.s32 @!p4 $0xFFFFE000;
	p4 =	seq.s32 s7, $0x1  }
0x16f: {  	s0 =	simm.s32 @!p4 $0x3  }
0x170: {  	_ =	swait.ge @!p4 [sflag:s0], $0x2000  }
0x171: {  	s8 =	sld [smem:$0x7F5];
	_ =	sdelay $0x1  }
0x172: {  	[sflag:s0] =	ssyncset.done @!p4 $0x0  }
0x173: {  	[sflag:s0] =	ssyncadd.s32 @!p4 $0xFFFFE000;
	p4 =	seq.s32 s8, $0x1  }
0x174: {  	s0 =	simm.s32 @!p4 $0x3  }
0x175: {  	_ =	swait.ge @!p4 [sflag:s0], $0x2000  }
0x176: {  	v21 =	vbroadcast v8, $0x8;
	s14 =	sld [smem:$0x7F6]  }
0x177: {  	s10 =	sshll.u32 s22, $0xD  }
0x178: {  	v9 =	vor.u32 s10, v21;
	[sflag:s0] =	ssyncset.done @!p4 $0x0  }
0x179: {  	v22 =	vor.u32 v0, v9;
	[sflag:s0] =	ssyncadd.s32 @!p4 $0xFFFFE000;
	p4 =	seq.s32 s14, $0x1  }
0x17a: {  	s0 =	simm.s32 @!p4 $0x3  }
0x17b: {  	_ =	swait.ge @!p4 [sflag:s0], $0x2000  }
0x17c: {  	[sflag:s0] =	ssyncset.done @!p4 $0x0  }
0x17d: {  	[sflag:s0] =	ssyncadd.s32 @!p4 $0xFFFFE000  }
0x17e: {  	v10 =	vld.idx.msk [tilespmem:v22+s9+$0x0], $0xffff;
	_ =	sdelay $0x2  }
0x17f: {  	v23 =	vor.u32 v1, v9;
	_ =	sdelay $0x1  }
0x180: {  	v10 =	vadd.f32 v10, v4;
	_ =	sdelay $0x1  }
0x181: {  	[tilespmem:$0x18600] =	vst v10  }
0x182: {  	v10 =	vld.idx.msk [tilespmem:v23+s9+$0x0], $0xffff;
	_ =	sdelay $0x2  }
0x183: {  	v24 =	vor.u32 v2, v9;
	_ =	sdelay $0x1  }
0x184: {  	v10 =	vadd.f32 v10, v5;
	_ =	sdelay $0x1  }
0x185: {  	[tilespmem:$0x18610] =	vst v10  }
0x186: {  	v10 =	vld.idx.msk [tilespmem:v24+s9+$0x0], $0xffff;
	_ =	sdelay $0x2  }
0x187: {  	v9 =	vor.u32 v3, v9;
	_ =	sdelay $0x1  }
0x188: {  	v10 =	vadd.f32 v10, v6;
	_ =	sdelay $0x1  }
0x189: {  	[tilespmem:$0x18620] =	vst v10  }
0x18a: {  	v25 =	vbroadcast v8, $0x9;
	v9 =	vld.idx.msk [tilespmem:v9+s9+$0x0], $0xffff  }
0x18b: {  	s18 =	sshll.u32 s17, $0xD  }
0x18c: {  	v10 =	vor.u32 s18, v25  }
0x18d: {  	v26 =	vor.u32 v0, v10;
	_ =	sdelay $0x1  }
0x18e: {  	v9 =	vadd.f32 v9, v7;
	_ =	sdelay $0x1  }
0x18f: {  	[tilespmem:$0x18630] =	vst v9  }
0x190: {  	v9 =	vld.idx.msk [tilespmem:v26+s9+$0x0], $0xffff;
	_ =	sdelay $0x2  }
0x191: {  	v27 =	vor.u32 v1, v10;
	_ =	sdelay $0x1  }
0x192: {  	v9 =	vadd.f32 v9, v4;
	_ =	sdelay $0x1  }
0x193: {  	[tilespmem:$0x18640] =	vst v9  }
0x194: {  	v9 =	vld.idx.msk [tilespmem:v27+s9+$0x0], $0xffff;
	_ =	sdelay $0x2  }
0x195: {  	v28 =	vor.u32 v2, v10;
	_ =	sdelay $0x1  }
0x196: {  	v9 =	vadd.f32 v9, v5;
	_ =	sdelay $0x1  }
0x197: {  	[tilespmem:$0x18650] =	vst v9  }
0x198: {  	v9 =	vld.idx.msk [tilespmem:v28+s9+$0x0], $0xffff;
	_ =	sdelay $0x2  }
0x199: {  	v10 =	vor.u32 v3, v10;
	_ =	sdelay $0x1  }
0x19a: {  	v9 =	vadd.f32 v9, v6;
	_ =	sdelay $0x1  }
0x19b: {  	[tilespmem:$0x18660] =	vst v9  }
0x19c: {  	v29 =	vbroadcast v8, $0xA;
	v9 =	vld.idx.msk [tilespmem:v10+s9+$0x0], $0xffff  }
0x19d: {  	s22 =	sshll.u32 s21, $0xD  }
0x19e: {  	v10 =	vor.u32 s22, v29  }
0x19f: {  	v30 =	vor.u32 v0, v10;
	_ =	sdelay $0x1  }
0x1a0: {  	v9 =	vadd.f32 v9, v7;
	_ =	sdelay $0x1  }
0x1a1: {  	[tilespmem:$0x18670] =	vst v9  }
0x1a2: {  	v9 =	vld.idx.msk [tilespmem:v30+s9+$0x0], $0xffff;
	_ =	sdelay $0x2  }
0x1a3: {  	v31 =	vor.u32 v1, v10;
	_ =	sdelay $0x1  }
0x1a4: {  	v9 =	vadd.f32 v9, v4;
	_ =	sdelay $0x1  }
0x1a5: {  	[tilespmem:$0x18700] =	vst v9  }
0x1a6: {  	v9 =	vld.idx.msk [tilespmem:v31+s9+$0x0], $0xffff;
	_ =	sdelay $0x2  }
0x1a7: {  	v32 =	vor.u32 v2, v10;
	_ =	sdelay $0x1  }
0x1a8: {  	v9 =	vadd.f32 v9, v5;
	_ =	sdelay $0x1  }
0x1a9: {  	[tilespmem:$0x18710] =	vst v9  }
0x1aa: {  	v9 =	vld.idx.msk [tilespmem:v32+s9+$0x0], $0xffff;
	_ =	sdelay $0x2  }
0x1ab: {  	v10 =	vor.u32 v3, v10;
	_ =	sdelay $0x1  }
0x1ac: {  	v9 =	vadd.f32 v9, v6;
	_ =	sdelay $0x1  }
0x1ad: {  	[tilespmem:$0x18720] =	vst v9  }
0x1ae: {  	v33 =	vbroadcast v8, $0xB;
	v9 =	vld.idx.msk [tilespmem:v10+s9+$0x0], $0xffff  }
0x1af: {  	s23 =	sshll.u32 s19, $0xD  }
0x1b0: {  	v10 =	vor.u32 s23, v33  }
0x1b1: {  	v34 =	vor.u32 v0, v10;
	_ =	sdelay $0x1  }
0x1b2: {  	v9 =	vadd.f32 v9, v7;
	_ =	sdelay $0x1  }
0x1b3: {  	[tilespmem:$0x18730] =	vst v9  }
0x1b4: {  	v9 =	vld.idx.msk [tilespmem:v34+s9+$0x0], $0xffff;
	_ =	sdelay $0x2  }
0x1b5: {  	v35 =	vor.u32 v1, v10;
	_ =	sdelay $0x1  }
0x1b6: {  	v9 =	vadd.f32 v9, v4;
	_ =	sdelay $0x1  }
0x1b7: {  	[tilespmem:$0x18740] =	vst v9  }
0x1b8: {  	v9 =	vld.idx.msk [tilespmem:v35+s9+$0x0], $0xffff;
	_ =	sdelay $0x2  }
0x1b9: {  	v36 =	vor.u32 v2, v10;
	_ =	sdelay $0x1  }
0x1ba: {  	v9 =	vadd.f32 v9, v5;
	_ =	sdelay $0x1  }
0x1bb: {  	[tilespmem:$0x18750] =	vst v9  }
0x1bc: {  	v9 =	vld.idx.msk [tilespmem:v36+s9+$0x0], $0xffff;
	_ =	sdelay $0x2  }
0x1bd: {  	v10 =	vor.u32 v3, v10;
	_ =	sdelay $0x1  }
0x1be: {  	v9 =	vadd.f32 v9, v6;
	_ =	sdelay $0x1  }
0x1bf: {  	[tilespmem:$0x18760] =	vst v9  }
0x1c0: {  	v9 =	vld.idx.msk [tilespmem:v10+s9+$0x0], $0xffff;
	_ =	sdelay $0x4  }
0x1c1: {  	v9 =	vadd.f32 v9, v7;
	_ =	sdelay $0x1  }
0x1c2: {  	s0 =	simm.s32 @!p3 $0x1;
	[tilespmem:$0x18770] =	vst v9  }
0x1c3: {  	_ =	swait.ge @!p3 [sflag:s0], $0x2000  }
0x1c4: {  	[sflag:s0] =	ssyncset.done @!p3 $0x0  }
0x1c5: {  	[sflag:s0] =	ssyncadd.s32 @!p3 $0xFFFFE000;
	s0 =	simm.s32 @!p2 $0x1  }
0x1c6: {  	_ =	swait.ge @!p2 [sflag:s0], $0x2000  }
0x1c7: {  	v37 =	vbroadcast v8, $0xC;
	[sflag:s0] =	ssyncset.done @!p2 $0x0  }
0x1c8: {  	s24 =	sshll.u32 s29, $0xD;
	[sflag:s0] =	ssyncadd.s32 @!p2 $0xFFFFE000;
	s0 =	simm.s32 @!p1 $0x1  }
0x1c9: {  	v9 =	vor.u32 s24, v37;
	_ =	swait.ge @!p1 [sflag:s0], $0x2000  }
0x1ca: {  	v38 =	vor.u32 v0, v9;
	[sflag:s0] =	ssyncset.done @!p1 $0x0  }
0x1cb: {  	[sflag:s0] =	ssyncadd.s32 @!p1 $0xFFFFE000;
	s0 =	simm.s32 @!p0 $0x1  }
0x1cc: {  	_ =	swait.ge @!p0 [sflag:s0], $0x2000  }
0x1cd: {  	[sflag:s0] =	ssyncset.done @!p0 $0x0  }
0x1ce: {  	[sflag:s0] =	ssyncadd.s32 @!p0 $0xFFFFE000  }
0x1cf: {  	v10 =	vld.idx.msk [tilespmem:v38+s9+$0x0], $0xffff;
	_ =	sdelay $0x2  }
0x1d0: {  	v39 =	vor.u32 v1, v9;
	_ =	sdelay $0x1  }
0x1d1: {  	v10 =	vadd.f32 v10, v4;
	_ =	sdelay $0x1  }
0x1d2: {  	[tilespmem:$0x18800] =	vst v10  }
0x1d3: {  	v10 =	vld.idx.msk [tilespmem:v39+s9+$0x0], $0xffff;
	_ =	sdelay $0x2  }
0x1d4: {  	v40 =	vor.u32 v2, v9;
	_ =	sdelay $0x1  }
0x1d5: {  	v10 =	vadd.f32 v10, v5;
	_ =	sdelay $0x1  }
0x1d6: {  	[tilespmem:$0x18810] =	vst v10  }
0x1d7: {  	v10 =	vld.idx.msk [tilespmem:v40+s9+$0x0], $0xffff;
	_ =	sdelay $0x2  }
0x1d8: {  	v9 =	vor.u32 v3, v9;
	_ =	sdelay $0x1  }
0x1d9: {  	v10 =	vadd.f32 v10, v6;
	_ =	sdelay $0x1  }
0x1da: {  	[tilespmem:$0x18820] =	vst v10  }
0x1db: {  	v41 =	vbroadcast v8, $0xD;
	v9 =	vld.idx.msk [tilespmem:v9+s9+$0x0], $0xffff  }
0x1dc: {  	s25 =	sshll.u32 s25, $0xD  }
0x1dd: {  	v10 =	vor.u32 s25, v41  }
0x1de: {  	v42 =	vor.u32 v0, v10;
	_ =	sdelay $0x1  }
0x1df: {  	v9 =	vadd.f32 v9, v7;
	_ =	sdelay $0x1  }
0x1e0: {  	[tilespmem:$0x18830] =	vst v9  }
0x1e1: {  	v9 =	vld.idx.msk [tilespmem:v42+s9+$0x0], $0xffff;
	_ =	sdelay $0x2  }
0x1e2: {  	v43 =	vor.u32 v1, v10;
	_ =	sdelay $0x1  }
0x1e3: {  	v9 =	vadd.f32 v9, v4;
	_ =	sdelay $0x1  }
0x1e4: {  	[tilespmem:$0x18840] =	vst v9  }
0x1e5: {  	v9 =	vld.idx.msk [tilespmem:v43+s9+$0x0], $0xffff;
	_ =	sdelay $0x2  }
0x1e6: {  	v44 =	vor.u32 v2, v10;
	_ =	sdelay $0x1  }
0x1e7: {  	v9 =	vadd.f32 v9, v5;
	_ =	sdelay $0x1  }
0x1e8: {  	[tilespmem:$0x18850] =	vst v9  }
0x1e9: {  	v9 =	vld.idx.msk [tilespmem:v44+s9+$0x0], $0xffff;
	_ =	sdelay $0x2  }
0x1ea: {  	v10 =	vor.u32 v3, v10;
	_ =	sdelay $0x1  }
0x1eb: {  	v9 =	vadd.f32 v9, v6;
	_ =	sdelay $0x1  }
0x1ec: {  	[tilespmem:$0x18860] =	vst v9  }
0x1ed: {  	v45 =	vbroadcast v8, $0xE;
	v9 =	vld.idx.msk [tilespmem:v10+s9+$0x0], $0xffff  }
0x1ee: {  	s28 =	sshll.u32 s28, $0xD  }
0x1ef: {  	v10 =	vor.u32 s28, v45  }
0x1f0: {  	v46 =	vor.u32 v0, v10;
	_ =	sdelay $0x1  }
0x1f1: {  	v9 =	vadd.f32 v9, v7;
	_ =	sdelay $0x1  }
0x1f2: {  	[tilespmem:$0x18870] =	vst v9  }
0x1f3: {  	v9 =	vld.idx.msk [tilespmem:v46+s9+$0x0], $0xffff;
	_ =	sdelay $0x2  }
0x1f4: {  	v47 =	vor.u32 v1, v10;
	_ =	sdelay $0x1  }
0x1f5: {  	v9 =	vadd.f32 v9, v4;
	_ =	sdelay $0x1  }
0x1f6: {  	[tilespmem:$0x18900] =	vst v9  }
0x1f7: {  	v9 =	vld.idx.msk [tilespmem:v47+s9+$0x0], $0xffff;
	_ =	sdelay $0x2  }
0x1f8: {  	v48 =	vor.u32 v2, v10;
	_ =	sdelay $0x1  }
0x1f9: {  	v9 =	vadd.f32 v9, v5;
	_ =	sdelay $0x1  }
0x1fa: {  	[tilespmem:$0x18910] =	vst v9  }
0x1fb: {  	v9 =	vld.idx.msk [tilespmem:v48+s9+$0x0], $0xffff;
	_ =	sdelay $0x2  }
0x1fc: {  	v10 =	vor.u32 v3, v10;
	_ =	sdelay $0x1  }
0x1fd: {  	v9 =	vadd.f32 v9, v6;
	_ =	sdelay $0x1  }
0x1fe: {  	[tilespmem:$0x18920] =	vst v9  }
0x1ff: {  	v8 =	vbroadcast v8, $0xF;
	v9 =	vld.idx.msk [tilespmem:v10+s9+$0x0], $0xffff  }
0x200: {  	s29 =	sshll.u32 s26, $0xD  }
0x201: {  	v8 =	vor.u32 s29, v8  }
0x202: {  	v49 =	vor.u32 v0, v8;
	_ =	sdelay $0x1  }
0x203: {  	v9 =	vadd.f32 v9, v7;
	_ =	sdelay $0x1  }
0x204: {  	[tilespmem:$0x18930] =	vst v9  }
0x205: {  	v9 =	vld.idx.msk [tilespmem:v49+s9+$0x0], $0xffff;
	_ =	sdelay $0x2  }
0x206: {  	v50 =	vor.u32 v1, v8;
	_ =	sdelay $0x1  }
0x207: {  	v9 =	vadd.f32 v9, v4;
	_ =	sdelay $0x1  }
0x208: {  	[tilespmem:$0x18940] =	vst v9  }
0x209: {  	v9 =	vld.idx.msk [tilespmem:v50+s9+$0x0], $0xffff;
	_ =	sdelay $0x2  }
0x20a: {  	v51 =	vor.u32 v2, v8;
	_ =	sdelay $0x1  }
0x20b: {  	v9 =	vadd.f32 v9, v5;
	_ =	sdelay $0x1  }
0x20c: {  	[tilespmem:$0x18950] =	vst v9  }
0x20d: {  	v9 =	vld.idx.msk [tilespmem:v51+s9+$0x0], $0xffff;
	_ =	sdelay $0x2  }
0x20e: {  	v8 =	vor.u32 v3, v8;
	_ =	sdelay $0x1  }
0x20f: {  	v9 =	vadd.f32 v9, v6;
	_ =	sdelay $0x1  }
0x210: {  	[tilespmem:$0x18960] =	vst v9  }
0x211: {  	v8 =	vld.idx.msk [tilespmem:v8+s9+$0x0], $0xffff;
	_ =	sdelay $0x4  }
0x212: {  	v8 =	vadd.f32 v8, v7  }
0x213: {  	s30 =	rddreg [dreg:$0x5]  }
0x214: {  	s31 =	rddreg [dreg:$0x6];
	s14 =	sadd.s32 s13, s30;
	[tilespmem:$0x18970] =	vst v8  }
0x215: {  	[hbm4b:s14+s4] =	stream.linear.scatter [tilespmem:s31], [sflag:$0x4], $0x80, $0x38;
	[tilespmem:$0x18A80] =	vst v63  }
0x216: {  	s3 =	rddreg [dreg:$0x7];
	s5 =	sadd.s32 $0x10, s14  }
0x217: {  	[hbm4b:s5+s4] =	stream.linear.scatter [tilespmem:s3], [sflag:$0x4], $0x80, $0x38;
	[tilespmem:$0x18A80] =	vst v63  }
0x218: {  	s6 =	rddreg [dreg:$0x8];
	s7 =	sadd.s32 $0x20, s14  }
0x219: {  	[hbm4b:s7+s4] =	stream.linear.scatter [tilespmem:s6], [sflag:$0x4], $0x80, $0x38;
	[tilespmem:$0x18A80] =	vst v63  }
0x21a: {  	s8 =	rddreg [dreg:$0x9];
	s10 =	sadd.s32 $0x30, s14  }
0x21b: {  	[hbm4b:s10+s4] =	stream.linear.scatter [tilespmem:s8], [sflag:$0x4], $0x80, $0x38;
	[tilespmem:$0x18A80] =	vst v63  }
0x21c: {  	s17 =	rddreg [dreg:$0xa];
	s18 =	sadd.s32 $0x40, s14  }
0x21d: {  	[hbm4b:s18+s4] =	stream.linear.scatter [tilespmem:s17], [sflag:$0x4], $0x80, $0x38;
	[tilespmem:$0x18A80] =	vst v63  }
0x21e: {  	s19 =	rddreg [dreg:$0xb];
	s21 =	sadd.s32 $0x50, s14  }
0x21f: {  	[hbm4b:s21+s4] =	stream.linear.scatter [tilespmem:s19], [sflag:$0x4], $0x80, $0x38;
	[tilespmem:$0x18A80] =	vst v63  }
0x220: {  	s22 =	rddreg [dreg:$0xc];
	s23 =	sadd.s32 $0x60, s14  }
0x221: {  	[hbm4b:s23+s4] =	stream.linear.scatter [tilespmem:s22], [sflag:$0x4], $0x80, $0x38;
	[tilespmem:$0x18A80] =	vst v63  }
0x222: {  	s24 =	rddreg [dreg:$0xd];
	s25 =	sadd.s32 $0x70, s14  }
0x223: {  	[hbm4b:s25+s4] =	stream.linear.scatter [tilespmem:s24], [sflag:$0x4], $0x80, $0x38;
	[tilespmem:$0x18A80] =	vst v63  }
0x224: {  	v8 =	vld [tilespmem:s12+$0x0];
	_ =	sdelay $0x4  }
0x225: {  	v52 =	vand.u32 $0xFFFFFF80, v8  }
0x226: {  	(v2sf) =	vpush v52, $0x0  }
0x227: {  	(v2sf) =	vpush v52, $0x1  }
0x228: {  	(v2sf) =	vpush v52, $0x2  }
0x229: {  	(v2sf) =	vpush v52, $0x3  }
0x22a: {  	(v2sf) =	vpush v52, $0x4;
	_ =	sdelay $0x1  }
0x22b: {  	(v2sf) =	vpush v52, $0x5;
	_ =	sdelay $0x2  }
0x22c: {  	(v2sf) =	vpush v52, $0x6  }
0x22d: {  	(v2sf) =	vpush v52, $0x7  }
0x22e: {  	(v2sf) =	vpush v52, $0x8;
	_ =	sdelay $0x3  }
0x22f: {  	s5 =	simm.s32 $0x1;
	s6 =	simm.s32 $0x1;
	s19 =	spop (v2sf)  }
0x230: {  	s25 =	simm.s32 $0x1;
	s17 =	spop (v2sf);
	p0 =	sne.s32 s19, s16  }
0x231: {  	p5 =	seq.s32 s19, s16;
	s3 =	spop (v2sf);
	s5 =	simm.s32 @!p0 $0x0  }
0x232: {  	p0 =	sne.s32 s17, s19;
	s1 =	spop (v2sf);
	s5 =	sadd.s32 s5, s20  }
0x233: {  	s6 =	simm.s32 @!p0 $0x0;
	p1 =	sne.s32 s3, s17;
	s0 =	spop (v2sf)  }
0x234: {  	s7 =	sadd.s32 $0xFFFFFFFF, s5;
	s5 =	sadd.s32 s6, s5;
	p0 =	sne.s32 s1, s3  }
0x235: {  	s25 =	simm.s32 @!p1 $0x0;
	p3 =	seq.s32 s1, s3;
	s24 =	spop (v2sf)  }
0x236: {  	s26 =	smulhi.u32 $0x2AAAAAAB, s7;
	s29 =	sshra.s32 s7, $0x1F;
	s10 =	sadd.s32 $0xFFFFFFFF, s5  }
0x237: {  	s5 =	sadd.s32 s25, s5;
	p1 =	sne.s32 s0, s1;
	s30 =	smul.u32 $0x2AAAAAAB, s29  }
0x238: {  	s23 =	spop (v2sf);
	s31 =	smulhi.u32 $0x2AAAAAAB, s10;
	s28 =	sshra.s32 s10, $0x1F  }
0x239: {  	s25 =	sadd.s32 $0xFFFFFFFF, s5;
	s18 =	spop (v2sf);
	s29 =	smul.u32 $0x2AAAAAAB, s28  }
0x23a: {  	p2 =	sne.s32 s23, s24;
	s22 =	spop (v2sf);
	s6 =	sadd.s32 s30, s26  }
0x23b: {  	s26 =	simm.s32 $0x1;
	s30 =	sshrl.u32 s6, $0x1F;
	s6 =	sshrl.u32 s6, $0x1  }
0x23c: {  	s8 =	sadd.s32 s29, s31;
	s31 =	smulhi.u32 $0x2AAAAAAB, s25;
	s26 =	simm.s32 @!p0 $0x0  }
0x23d: {  	s6 =	sadd.s32 s30, s6;
	s20 =	sshrl.u32 s8, $0x1F;
	s30 =	sshra.s32 s25, $0x1F  }
0x23e: {  	s8 =	sshrl.u32 s8, $0x1;
	s5 =	sadd.s32 s26, s5;
	s29 =	smul.u32 $0x2AAAAAAB, s30  }
0x23f: {  	s6 =	smul.u32 $0xC, s6;
	s8 =	sadd.s32 s20, s8;
	s20 =	sadd.s32 $0xFFFFFFFF, s5  }
0x240: {  	s28 =	smulhi.u32 $0x2AAAAAAB, s20;
	s26 =	sadd.s32 s29, s31;
	s29 =	sshra.s32 s20, $0x1F  }
0x241: {  	s31 =	sshrl.u32 s26, $0x1F;
	s26 =	sshrl.u32 s26, $0x1;
	s29 =	smul.u32 $0x2AAAAAAB, s29  }
0x242: {  	p4 =	sne.s32 s18, s23;
	s8 =	smul.u32 $0xC, s8;
	s30 =	sadd.s32 s31, s26  }
0x243: {  	s31 =	sadd.s32 s29, s28;
	s28 =	simm.s32 $0x1;
	s16 =	smul.u32 $0xC, s30  }
0x244: {  	s29 =	sshrl.u32 s31, $0x1F;
	s26 =	sshrl.u32 s31, $0x1;
	s28 =	simm.s32 @!p1 $0x0  }
0x245: {  	p1 =	sne.s32 s24, s0;
	s26 =	sadd.s32 s29, s26;
	s5 =	sadd.s32 s28, s5  }
0x246: {  	s29 =	ssub.s32 s7, s6;
	s28 =	ssub.s32 s10, s8;
	s10 =	simm.s32 $0x1  }
0x247: {  	s6 =	smul.u32 $0xC, s26;
	s7 =	sadd.s32 $0xFFFFFFFF, s5;
	s26 =	ssub.s32 s25, s16  }
0x248: {  	s10 =	simm.s32 @!p1 $0x0;
	s8 =	sshll.u32 @!p5 s29, $0xF;
	p1 =	seq.s32 s17, s19  }
0x249: {  	s30 =	smulhi.u32 $0x2AAAAAAB, s7;
	s31 =	sshra.s32 s7, $0x1F;
	s5 =	sadd.s32 s10, s5  }
0x24a: {  	s8 =	sshra.s32 @!p5 s8, $0x2;
	s25 =	ssub.s32 s20, s6;
	s20 =	smul.u32 $0x2AAAAAAB, s31  }
0x24b: {  	s10 =	sadd.s32 $0xFFFFFFFF, s5;
	s8 =	sor.u32 @!p5 $0x200, s8;
	s31 =	simm.s32 @!p5 $0x7A1400  }
0x24c: {  	(v2sf) =	vpush v52, $0x9;
	s6 =	sadd.s32 s20, s30;
	s20 =	sadd.s32 @!p5 s2, s19;
	s30 =	simm.s32 @!p5 $0x400  }
0x24d: {  	s19 =	sshll.u32 @!p1 s28, $0xF;
	s16 =	sshrl.u32 s6, $0x1F;
	s6 =	sshrl.u32 s6, $0x1  }
0x24e: {  	[tilespmem:s8], [sflag:$0x1] =	stream.strided.gather @!p5 [hbm4b:s20+s30], $0x2000, s31, s30, $0x38;
	[tilespmem:$0x18A80] =	vst v63  }
0x24f: {  	s30 =	smulhi.u32 $0x2AAAAAAB, s10;
	s31 =	sshra.s32 s10, $0x1F;
	s19 =	sshra.s32 @!p1 s19, $0x2  }
0x250: {  	s6 =	sadd.s32 s16, s6;
	s20 =	smul.u32 $0x2AAAAAAB, s31;
	s16 =	simm.s32 $0x1  }
0x251: {  	s19 =	sor.u32 @!p1 $0x200, s19;
	s31 =	simm.s32 @!p1 $0x7A1400;
	s6 =	smul.u32 $0xC, s6  }
0x252: {  	s16 =	simm.s32 @!p2 $0x0;
	p2 =	seq.s32 s3, s17;
	s8 =	sadd.s32 s20, s30  }
0x253: {  	s20 =	sadd.s32 @!p1 s2, s17;
	s30 =	simm.s32 @!p1 $0x400;
	s5 =	sadd.s32 s16, s5  }
0x254: {  	[tilespmem:s19], [sflag:$0x1] =	stream.strided.gather @!p1 [hbm4b:s20+s30], $0x2000, s31, s30, $0x38;
	[tilespmem:$0x18A80] =	vst v63  }
0x255: {  	s17 =	sshll.u32 @!p2 s26, $0xF;
	s30 =	sshrl.u32 s8, $0x1F;
	s8 =	sshrl.u32 s8, $0x1  }
0x256: {  	s16 =	sadd.s32 $0xFFFFFFFF, s5;
	s17 =	sshra.s32 @!p2 s17, $0x2;
	s19 =	ssub.s32 s7, s6  }
0x257: {  	s8 =	sadd.s32 s30, s8;
	s20 =	smulhi.u32 $0x2AAAAAAB, s16;
	s31 =	sshra.s32 s16, $0x1F  }
0x258: {  	s7 =	sor.u32 @!p2 $0x200, s17;
	s30 =	simm.s32 @!p2 $0x400;
	s8 =	smul.u32 $0xC, s8  }
0x259: {  	s17 =	sadd.s32 @!p2 s2, s3;
	s6 =	smul.u32 $0x2AAAAAAB, s31;
	s31 =	simm.s32 @!p2 $0x7A1400  }
0x25a: {  	[tilespmem:s7], [sflag:$0x1] =	stream.strided.gather @!p2 [hbm4b:s17+s30], $0x2000, s31, s30, $0x38;
	[tilespmem:$0x18A80] =	vst v63  }
0x25b: {  	s21 =	spop (v2sf);
	p0 =	seq.s32 s0, s1;
	s7 =	simm.s32 $0x1  }
0x25c: {  	s17 =	ssub.s32 s10, s8;
	s6 =	sadd.s32 s6, s20;
	s8 =	sshll.u32 @!p3 s25, $0xF  }
0x25d: {  	s7 =	simm.s32 @!p4 $0x0;
	s10 =	simm.s32 @!p3 $0x7A1400;
	p4 =	sne.s32 s22, s18  }
0x25e: {  	s20 =	sadd.s32 @!p0 s2, s0;
	s30 =	sshrl.u32 s6, $0x1F;
	s6 =	sshrl.u32 s6, $0x1  }
0x25f: {  	s8 =	sshra.s32 @!p3 s8, $0x2;
	s5 =	sadd.s32 s7, s5;
	s7 =	sadd.s32 @!p3 s2, s1  }
0x260: {  	s1 =	simm.s32 @!p0 $0x0;
	s3 =	sadd.s32 s30, s6;
	s6 =	sor.u32 @!p3 $0x200, s8  }
0x261: {  	s8 =	simm.s32 @!p3 $0x400;
	s1 =	simm.s32 @p0 $0x1;
	s30 =	simm.s32 @!p0 $0x400  }
0x262: {  	[tilespmem:s6], [sflag:$0x1] =	stream.strided.gather @!p3 [hbm4b:s7+s8], $0x2000, s10, s8, $0x38;
	[tilespmem:$0x18A80] =	vst v63  }
0x263: {  	s3 =	smul.u32 $0xC, s3;
	s6 =	sadd.s32 $0xFFFFFFFF, s5;
	[smem:$0x7F8] =	sst s1  }
0x264: {  	s8 =	sshll.u32 @!p0 s19, $0xF;
	s1 =	smulhi.u32 $0x2AAAAAAB, s6;
	s31 =	sshra.s32 s6, $0x1F  }
0x265: {  	(v2sf) =	vpush v52, $0xA;
	s10 =	simm.s32 $0x1;
	s8 =	sshra.s32 @!p0 s8, $0x2;
	s7 =	smul.u32 $0x2AAAAAAB, s31  }
0x266: {  	s10 =	simm.s32 @!p4 $0x0;
	s8 =	sor.u32 @!p0 $0x200, s8;
	s31 =	simm.s32 @!p0 $0x7A1400  }
0x267: {  	[tilespmem:s8], [sflag:$0x2] =	stream.strided.gather @!p0 [hbm4b:s20+s30], $0x2000, s31, s30, $0x38;
	[tilespmem:$0x18A80] =	vst v63  }
0x268: {  	p4 =	sne.s32 s21, s22;
	s8 =	simm.s32 $0x1;
	p0 =	seq.s32 s24, s0  }
0x269: {  	s20 =	ssub.s32 s16, s3;
	s3 =	sadd.s32 s10, s5;
	s0 =	simm.s32 @!p0 $0x0  }
0x26a: {  	s8 =	simm.s32 @!p4 $0x0;
	s1 =	sadd.s32 s7, s1;
	s0 =	simm.s32 @p0 $0x1  }
0x26b: {  	s7 =	sadd.s32 $0xFFFFFFFF, s3;
	[smem:$0x7F9] =	sst s0;
	s0 =	sshll.u32 @!p0 s17, $0xF  }
0x26c: {  	s10 =	sadd.s32 @!p0 s2, s24;
	s16 =	simm.s32 @!p0 $0x400;
	s0 =	sshra.s32 @!p0 s0, $0x2  }
0x26d: {  	s30 =	simm.s32 @!p0 $0x7A1400;
	s5 =	sshrl.u32 s1, $0x1F;
	s0 =	sor.u32 @!p0 $0x200, s0  }
0x26e: {  	[tilespmem:s0], [sflag:$0x2] =	stream.strided.gather @!p0 [hbm4b:s10+s16], $0x2000, s30, s16, $0x38;
	[tilespmem:$0x18A80] =	vst v63  }
0x26f: {  	s31 =	smulhi.u32 $0x2AAAAAAB, s7;
	s3 =	sadd.s32 s8, s3;
	s16 =	sshrl.u32 s1, $0x1  }
0x270: {  	s30 =	sshra.s32 s7, $0x1F;
	p0 =	seq.s32 s23, s24;
	s5 =	sadd.s32 s5, s16  }
0x271: {  	s10 =	smul.u32 $0x2AAAAAAB, s30;
	s0 =	simm.s32 @!p0 $0x0;
	s16 =	sshll.u32 @!p0 s20, $0xF  }
0x272: {  	(v2sf) =	vpush v52, $0xB;
	s24 =	sadd.s32 @!p0 s2, s23;
	s30 =	simm.s32 @!p0 $0x400;
	s0 =	simm.s32 @p0 $0x1  }
0x273: {  	s5 =	smul.u32 $0xC, s5;
	s8 =	sshra.s32 @!p0 s16, $0x2;
	s16 =	sadd.s32 $0xFFFFFFFF, s3  }
0x274: {  	[smem:$0x7FA] =	sst s0;
	s0 =	spop (v2sf);
	s1 =	sadd.s32 s10, s31  }
0x275: {  	s8 =	sor.u32 @!p0 $0x200, s8;
	s31 =	simm.s32 @!p0 $0x7A1400;
	s10 =	sshrl.u32 s1, $0x1F  }
0x276: {  	[tilespmem:s8], [sflag:$0x2] =	stream.strided.gather @!p0 [hbm4b:s24+s30], $0x2000, s31, s30, $0x38;
	[tilespmem:$0x18A80] =	vst v63  }
0x277: {  	s1 =	sshrl.u32 s1, $0x1;
	s8 =	smulhi.u32 $0x2AAAAAAB, s16;
	s31 =	sshra.s32 s16, $0x1F  }
0x278: {  	p4 =	sne.s32 s0, s21;
	s30 =	smul.u32 $0x2AAAAAAB, s31;
	s31 =	simm.s32 $0x1  }
0x279: {  	s24 =	ssub.s32 s6, s5;
	s1 =	sadd.s32 s10, s1;
	s31 =	simm.s32 @!p4 $0x0  }
0x27a: {  	s1 =	smul.u32 $0xC, s1;
	p4 =	seq.s32 s18, s23;
	s10 =	sadd.s32 s30, s8  }
0x27b: {  	s8 =	sshll.u32 @!p4 s24, $0xF;
	s3 =	sadd.s32 s31, s3;
	s23 =	simm.s32 @!p4 $0x400  }
0x27c: {  	s30 =	sshrl.u32 s10, $0x1F;
	s5 =	sshrl.u32 s10, $0x1;
	s6 =	sshra.s32 @!p4 s8, $0x2  }
0x27d: {  	s8 =	sadd.s32 $0xFFFFFFFF, s3;
	s10 =	sadd.s32 @!p4 s2, s18;
	s5 =	sadd.s32 s30, s5  }
0x27e: {  	s6 =	sor.u32 @!p4 $0x200, s6;
	s30 =	simm.s32 @!p4 $0x7A1400;
	s5 =	smul.u32 $0xC, s5  }
0x27f: {  	[tilespmem:s6], [sflag:$0x2] =	stream.strided.gather @!p4 [hbm4b:s10+s23], $0x2000, s30, s23, $0x38;
	[tilespmem:$0x18A80] =	vst v63  }
0x280: {  	p0 =	seq.s32 s22, s18;
	s31 =	sshra.s32 s8, $0x1F;
	s6 =	smulhi.u32 $0x2AAAAAAB, s8  }
0x281: {  	s30 =	spop (v2sf);
	s23 =	ssub.s32 s7, s1;
	s10 =	simm.s32 @!p0 $0x0  }
0x282: {  	s31 =	smul.u32 $0x2AAAAAAB, s31;
	s7 =	simm.s32 $0x1;
	s10 =	simm.s32 @p0 $0x1  }
0x283: {  	p6 =	sne.s32 s30, s0;
	[smem:$0x7FB] =	sst s10;
	s10 =	sshll.u32 @!p0 s23, $0xF  }
0x284: {  	s18 =	ssub.s32 s16, s5;
	s1 =	sadd.s32 s31, s6;
	s16 =	simm.s32 @!p0 $0x400  }
0x285: {  	s31 =	simm.s32 @!p0 $0x7A1400;
	s5 =	sshra.s32 @!p0 s10, $0x2;
	s6 =	sshrl.u32 s1, $0x1F  }
0x286: {  	s1 =	sshrl.u32 s1, $0x1;
	s10 =	sadd.s32 @!p0 s2, s22;
	s5 =	sor.u32 @!p0 $0x200, s5  }
0x287: {  	(v2sf) =	vpush v52, $0xC;
	[tilespmem:s5], [sflag:$0x3] =	stream.strided.gather @!p0 [hbm4b:s10+s16], $0x2000, s31, s16, $0x38;
	[tilespmem:$0x18A80] =	vst v63  }
0x288: {  	(v2sf) =	vpush v52, $0xD;
	s7 =	simm.s32 @!p6 $0x0;
	s1 =	sadd.s32 s6, s1;
	p0 =	seq.s32 s21, s22  }
0x289: {  	(v2sf) =	vpush v52, $0xE;
	s3 =	sadd.s32 s7, s3;
	s1 =	smul.u32 $0xC, s1;
	s5 =	simm.s32 @!p0 $0x0  }
0x28a: {  	(v2sf) =	vpush v52, $0xF;
	s6 =	sshll.u32 @!p0 s18, $0xF;
	s22 =	simm.s32 @!p0 $0x400;
	s5 =	simm.s32 @p0 $0x1  }
0x28b: {  	s6 =	sshra.s32 @!p0 s6, $0x2;
	[smem:$0x7FC] =	sst s5;
	s5 =	sadd.s32 $0xFFFFFFFF, s3  }
0x28c: {  	s6 =	sor.u32 @!p0 $0x200, s6;
	s7 =	smulhi.u32 $0x2AAAAAAB, s5;
	s31 =	sshra.s32 s5, $0x1F  }
0x28d: {  	s16 =	sadd.s32 @!p0 s2, s21;
	s10 =	smul.u32 $0x2AAAAAAB, s31;
	s31 =	simm.s32 @!p0 $0x7A1400  }
0x28e: {  	[tilespmem:s6], [sflag:$0x3] =	stream.strided.gather @!p0 [hbm4b:s16+s22], $0x2000, s31, s22, $0x38;
	[tilespmem:$0x18A80] =	vst v63  }
0x28f: {  	p6 =	seq.s32 s30, s0;
	s22 =	ssub.s32 s8, s1;
	p0 =	seq.s32 s0, s21  }
0x290: {  	s16 =	sadd.s32 s10, s7;
	s6 =	simm.s32 @!p0 $0x0;
	s7 =	sshll.u32 @!p0 s22, $0xF  }
0x291: {  	s8 =	simm.s32 @!p0 $0x400;
	s10 =	simm.s32 @!p0 $0x7A1400;
	s6 =	simm.s32 @p0 $0x1  }
0x292: {  	s21 =	sshrl.u32 s16, $0x1F;
	s1 =	sshrl.u32 s16, $0x1;
	[smem:$0x7FD] =	sst s6  }
0x293: {  	s1 =	sadd.s32 s21, s1;
	s6 =	sshra.s32 @!p0 s7, $0x2;
	s7 =	simm.s32 @!p6 $0x400  }
0x294: {  	s31 =	smul.u32 $0xC, s1;
	s1 =	sor.u32 @!p0 $0x200, s6;
	s6 =	sadd.s32 @!p0 s2, s0  }
0x295: {  	[tilespmem:s1], [sflag:$0x3] =	stream.strided.gather @!p0 [hbm4b:s6+s8], $0x2000, s10, s8, $0x38;
	[tilespmem:$0x18A80] =	vst v63  }
0x296: {  	s1 =	spop (v2sf);
	s10 =	sld [smem:$0x7F7];
	s21 =	ssub.s32 s5, s31  }
0x297: {  	s6 =	sadd.s32 @!p6 s2, s30;
	s0 =	spop (v2sf);
	s5 =	sshll.u32 @!p6 s21, $0xF  }
0x298: {  	s8 =	simm.s32 @!p6 $0x7A1400;
	s31 =	spop (v2sf);
	s5 =	sshra.s32 @!p6 s5, $0x2  }
0x299: {  	s16 =	spop (v2sf);
	p0 =	seq.s32 s10, $0x1;
	s5 =	sor.u32 @!p6 $0x200, s5  }
0x29a: {  	[tilespmem:s5], [sflag:$0x3] =	stream.strided.gather @!p6 [hbm4b:s6+s7], $0x2000, s8, s7, $0x38;
	[tilespmem:$0x18A80] =	vst v63  }
0x29b: {  	_ =	swait.ge @!p0 [sflag:s15], $0x400  }
0x29c: {  	[sflag:s15] =	ssyncset.done @!p0 $0x0  }
0x29d: {  	s5 =	simm.s32 @!p5 $0x1;
	[sflag:s15] =	ssyncadd.s32 @!p0 $0xFFFFFC00  }
0x29e: {  	_ =	swait.ge @!p5 [sflag:s5], $0x2000  }
0x29f: {  	[sflag:s5] =	ssyncset.done @!p5 $0x0  }
0x2a0: {  	[sflag:s5] =	ssyncadd.s32 @!p5 $0xFFFFE000;
	s5 =	simm.s32 @!p1 $0x1  }
0x2a1: {  	v8 =	vand.u32 $0x7F, v8;
	s29 =	sshll.u32 s29, $0xD;
	_ =	swait.ge @!p1 [sflag:s5], $0x2000  }
0x2a2: {  	v53 =	vor.u32 s29, v8;
	[sflag:s5] =	ssyncset.done @!p1 $0x0  }
0x2a3: {  	v9 =	vbroadcast v53, $0x0;
	[sflag:s5] =	ssyncadd.s32 @!p1 $0xFFFFE000;
	s5 =	simm.s32 @!p2 $0x1  }
0x2a4: {  	_ =	swait.ge @!p2 [sflag:s5], $0x2000  }
0x2a5: {  	v54 =	vor.u32 v0, v9;
	[sflag:s5] =	ssyncset.done @!p2 $0x0  }
0x2a6: {  	[sflag:s5] =	ssyncadd.s32 @!p2 $0xFFFFE000;
	s5 =	simm.s32 @!p3 $0x1  }
0x2a7: {  	_ =	swait.ge @!p3 [sflag:s5], $0x2000  }
0x2a8: {  	[sflag:s5] =	ssyncset.done @!p3 $0x0  }
0x2a9: {  	[sflag:s5] =	ssyncadd.s32 @!p3 $0xFFFFE000  }
0x2aa: {  	v10 =	vld.idx.msk [tilespmem:v54+s9+$0x0], $0xffff;
	_ =	sdelay $0x2  }
0x2ab: {  	v55 =	vor.u32 v1, v9;
	_ =	sdelay $0x1  }
0x2ac: {  	v10 =	vadd.f32 v10, v4;
	_ =	sdelay $0x1  }
0x2ad: {  	[tilespmem:$0x18280] =	vst v10  }
0x2ae: {  	v10 =	vld.idx.msk [tilespmem:v55+s9+$0x0], $0xffff;
	_ =	sdelay $0x2  }
0x2af: {  	v56 =	vor.u32 v2, v9;
	_ =	sdelay $0x1  }
0x2b0: {  	v10 =	vadd.f32 v10, v5;
	_ =	sdelay $0x1  }
0x2b1: {  	[tilespmem:$0x18290] =	vst v10  }
0x2b2: {  	v10 =	vld.idx.msk [tilespmem:v56+s9+$0x0], $0xffff;
	_ =	sdelay $0x2  }
0x2b3: {  	v9 =	vor.u32 v3, v9;
	_ =	sdelay $0x1  }
0x2b4: {  	v10 =	vadd.f32 v10, v6;
	_ =	sdelay $0x1  }
0x2b5: {  	[tilespmem:$0x182A0] =	vst v10  }
0x2b6: {  	v57 =	vbroadcast v8, $0x1;
	v9 =	vld.idx.msk [tilespmem:v9+s9+$0x0], $0xffff  }
0x2b7: {  	s6 =	sshll.u32 s28, $0xD  }
0x2b8: {  	v10 =	vor.u32 s6, v57  }
0x2b9: {  	v58 =	vor.u32 v0, v10;
	_ =	sdelay $0x1  }
0x2ba: {  	v9 =	vadd.f32 v9, v7;
	_ =	sdelay $0x1  }
0x2bb: {  	[tilespmem:$0x182B0] =	vst v9  }
0x2bc: {  	v9 =	vld.idx.msk [tilespmem:v58+s9+$0x0], $0xffff;
	_ =	sdelay $0x2  }
0x2bd: {  	v59 =	vor.u32 v1, v10;
	_ =	sdelay $0x1  }
0x2be: {  	v9 =	vadd.f32 v9, v4;
	_ =	sdelay $0x1  }
0x2bf: {  	[tilespmem:$0x182C0] =	vst v9  }
0x2c0: {  	v9 =	vld.idx.msk [tilespmem:v59+s9+$0x0], $0xffff;
	_ =	sdelay $0x2  }
0x2c1: {  	v60 =	vor.u32 v2, v10;
	_ =	sdelay $0x1  }
0x2c2: {  	v9 =	vadd.f32 v9, v5;
	_ =	sdelay $0x1  }
0x2c3: {  	[tilespmem:$0x182D0] =	vst v9  }
0x2c4: {  	v9 =	vld.idx.msk [tilespmem:v60+s9+$0x0], $0xffff;
	_ =	sdelay $0x2  }
0x2c5: {  	v10 =	vor.u32 v3, v10;
	_ =	sdelay $0x1  }
0x2c6: {  	v9 =	vadd.f32 v9, v6;
	_ =	sdelay $0x1  }
0x2c7: {  	[tilespmem:$0x182E0] =	vst v9  }
0x2c8: {  	v61 =	vbroadcast v8, $0x2;
	v9 =	vld.idx.msk [tilespmem:v10+s9+$0x0], $0xffff  }
0x2c9: {  	s7 =	sshll.u32 s26, $0xD  }
0x2ca: {  	v10 =	vor.u32 s7, v61  }
0x2cb: {  	v62 =	vor.u32 v0, v10;
	_ =	sdelay $0x1  }
0x2cc: {  	v9 =	vadd.f32 v9, v7;
	_ =	sdelay $0x1  }
0x2cd: {  	[tilespmem:$0x182F0] =	vst v9  }
0x2ce: {  	v9 =	vld.idx.msk [tilespmem:v62+s9+$0x0], $0xffff;
	_ =	sdelay $0x2  }
0x2cf: {  	v63 =	vor.u32 v1, v10;
	_ =	sdelay $0x1  }
0x2d0: {  	v9 =	vadd.f32 v9, v4;
	_ =	sdelay $0x1  }
0x2d1: {  	[tilespmem:$0x18380] =	vst v9  }
0x2d2: {  	v9 =	vld.idx.msk [tilespmem:v63+s9+$0x0], $0xffff;
	_ =	sdelay $0x2  }
0x2d3: {  	v12 =	vor.u32 v2, v10;
	_ =	sdelay $0x1  }
0x2d4: {  	v9 =	vadd.f32 v9, v5;
	_ =	sdelay $0x1  }
0x2d5: {  	[tilespmem:$0x18390] =	vst v9  }
0x2d6: {  	v9 =	vld.idx.msk [tilespmem:v12+s9+$0x0], $0xffff;
	_ =	sdelay $0x2  }
0x2d7: {  	v10 =	vor.u32 v3, v10;
	_ =	sdelay $0x1  }
0x2d8: {  	v9 =	vadd.f32 v9, v6;
	_ =	sdelay $0x1  }
0x2d9: {  	[tilespmem:$0x183A0] =	vst v9  }
0x2da: {  	v13 =	vbroadcast v8, $0x3;
	v9 =	vld.idx.msk [tilespmem:v10+s9+$0x0], $0xffff  }
0x2db: {  	s8 =	sshll.u32 s25, $0xD  }
0x2dc: {  	v10 =	vor.u32 s8, v13  }
0x2dd: {  	v14 =	vor.u32 v0, v10;
	_ =	sdelay $0x1  }
0x2de: {  	v9 =	vadd.f32 v9, v7;
	_ =	sdelay $0x1  }
0x2df: {  	[tilespmem:$0x183B0] =	vst v9  }
0x2e0: {  	v9 =	vld.idx.msk [tilespmem:v14+s9+$0x0], $0xffff;
	_ =	sdelay $0x2  }
0x2e1: {  	v15 =	vor.u32 v1, v10;
	_ =	sdelay $0x1  }
0x2e2: {  	v9 =	vadd.f32 v9, v4;
	_ =	sdelay $0x1  }
0x2e3: {  	[tilespmem:$0x183C0] =	vst v9  }
0x2e4: {  	v9 =	vld.idx.msk [tilespmem:v15+s9+$0x0], $0xffff;
	_ =	sdelay $0x2  }
0x2e5: {  	v16 =	vor.u32 v2, v10;
	_ =	sdelay $0x1  }
0x2e6: {  	p0 =	sne.s32 s1, s30;
	s5 =	simm.s32 $0x1;
	v9 =	vadd.f32 v9, v5  }
0x2e7: {  	s5 =	simm.s32 @!p0 $0x0  }
0x2e8: {  	p0 =	sne.s32 s0, s1;
	s3 =	sadd.s32 s5, s3;
	s5 =	simm.s32 $0x1;
	[tilespmem:$0x183D0] =	vst v9  }
0x2e9: {  	s5 =	simm.s32 @!p0 $0x0;
	s6 =	sadd.s32 $0xFFFFFFFF, s3;
	v9 =	vld.idx.msk [tilespmem:v16+s9+$0x0], $0xffff  }
0x2ea: {  	s3 =	sadd.s32 s5, s3;
	s10 =	smulhi.u32 $0x2AAAAAAB, s6;
	s25 =	sshra.s32 s6, $0x1F  }
0x2eb: {  	s26 =	smul.u32 $0x2AAAAAAB, s25;
	s8 =	sadd.s32 $0xFFFFFFFF, s3  }
0x2ec: {  	p1 =	seq.s32 s31, s0;
	s28 =	smulhi.u32 $0x2AAAAAAB, s8;
	s29 =	sshra.s32 s8, $0x1F;
	v10 =	vor.u32 v3, v10  }
0x2ed: {  	p0 =	sne.s32 s31, s0;
	s25 =	simm.s32 $0x1;
	s15 =	smul.u32 $0x2AAAAAAB, s29  }
0x2ee: {  	p2 =	seq.s32 s0, s1;
	s25 =	simm.s32 @!p0 $0x0;
	s5 =	sadd.s32 s26, s10;
	v9 =	vadd.f32 v9, v6  }
0x2ef: {  	s7 =	sshrl.u32 s5, $0x1F;
	s5 =	sshrl.u32 s5, $0x1;
	s10 =	sadd.s32 s15, s28  }
0x2f0: {  	s5 =	sadd.s32 s7, s5;
	s15 =	sshrl.u32 s10, $0x1F;
	s10 =	sshrl.u32 s10, $0x1;
	[tilespmem:$0x183E0] =	vst v9  }
0x2f1: {  	s5 =	smul.u32 $0xC, s5;
	s3 =	sadd.s32 s25, s3;
	s7 =	sadd.s32 s15, s10;
	v9 =	vld.idx.msk [tilespmem:v10+s9+$0x0], $0xffff  }
0x2f2: {  	p3 =	seq.s32 s1, s30;
	s10 =	sadd.s32 $0xFFFFFFFF, s3;
	s7 =	smul.u32 $0xC, s7  }
0x2f3: {  	p0 =	sne.s32 s16, s31;
	s15 =	smulhi.u32 $0x2AAAAAAB, s10;
	s26 =	sshra.s32 s10, $0x1F  }
0x2f4: {  	s29 =	ssub.s32 s6, s5;
	s6 =	simm.s32 $0x1;
	s28 =	smul.u32 $0x2AAAAAAB, s26  }
0x2f5: {  	s6 =	simm.s32 @!p0 $0x0;
	s26 =	sshll.u32 @!p3 s29, $0xF;
	s25 =	ssub.s32 s8, s7  }
0x2f6: {  	s7 =	sshra.s32 @!p3 s26, $0x2;
	s26 =	simm.s32 @!p3 $0x400;
	s5 =	sadd.s32 s28, s15;
	v9 =	vadd.f32 v9, v7  }
0x2f7: {  	s7 =	sor.u32 @!p3 $0x200, s7;
	s30 =	sshrl.u32 s5, $0x1F;
	s5 =	sshrl.u32 s5, $0x1  }
0x2f8: {  	s15 =	sadd.s32 @!p3 s2, s1;
	s28 =	simm.s32 @!p3 $0x7A1400;
	s5 =	sadd.s32 s30, s5;
	[tilespmem:$0x183F0] =	vst v9  }
0x2f9: {  	[tilespmem:s7], [sflag:$0x1] =	stream.strided.gather @!p3 [hbm4b:s15+s26], $0x2000, s28, s26, $0x38;
	[tilespmem:$0x18A80] =	vst v63  }
0x2fa: {  	s15 =	sadd.s32 s6, s3;
	s6 =	smul.u32 $0xC, s5;
	s5 =	sshll.u32 @!p2 s25, $0xF  }
0x2fb: {  	s26 =	simm.s32 @!p2 $0x400;
	s28 =	simm.s32 @!p2 $0x7A1400;
	s3 =	sadd.s32 $0xFFFFFFFF, s15  }
0x2fc: {  	s5 =	sshra.s32 @!p2 s5, $0x2;
	s30 =	smulhi.u32 $0x2AAAAAAB, s3;
	s8 =	sshra.s32 s3, $0x1F  }
0x2fd: {  	s5 =	sor.u32 @!p2 $0x200, s5;
	s7 =	smul.u32 $0x2AAAAAAB, s8;
	s8 =	sadd.s32 @!p2 s2, s0  }
0x2fe: {  	[tilespmem:s5], [sflag:$0x1] =	stream.strided.gather @!p2 [hbm4b:s8+s26], $0x2000, s28, s26, $0x38;
	[tilespmem:$0x18A80] =	vst v63  }
0x2ff: {  	s28 =	ssub.s32 s10, s6;
	s6 =	simm.s32 @!p1 $0x400;
	s26 =	sadd.s32 s7, s30  }
0x300: {  	s5 =	sshll.u32 @!p1 s28, $0xF;
	s30 =	sshrl.u32 s26, $0x1F;
	s1 =	sshrl.u32 s26, $0x1  }
0x301: {  	s7 =	simm.s32 @!p1 $0x7A1400;
	s0 =	sadd.s32 s30, s1;
	s1 =	sshra.s32 @!p1 s5, $0x2  }
0x302: {  	s5 =	sadd.s32 @!p1 s2, s31;
	s0 =	smul.u32 $0xC, s0;
	s1 =	sor.u32 @!p1 $0x200, s1  }
0x303: {  	[tilespmem:s1], [sflag:$0x1] =	stream.strided.gather @!p1 [hbm4b:s5+s6], $0x2000, s7, s6, $0x38;
	[tilespmem:$0x18A80] =	vst v63  }
0x304: {  	p0 =	seq.s32 s16, s31;
	s26 =	ssub.s32 s3, s0  }
0x305: {  	s0 =	sshll.u32 @!p0 s26, $0xF  }
0x306: {  	s1 =	sadd.s32 @!p0 s2, s16;
	s0 =	sshra.s32 @!p0 s0, $0x2  }
0x307: {  	s5 =	simm.s32 @!p0 $0x7A1400;
	s3 =	simm.s32 @!p0 $0x400;
	s0 =	sor.u32 @!p0 $0x200, s0  }
0x308: {  	[tilespmem:s0], [sflag:$0x1] =	stream.strided.gather @!p0 [hbm4b:s1+s3], $0x2000, s5, s3, $0x38;
	[tilespmem:$0x18A80] =	vst v63  }
0x309: {  	s1 =	sld [smem:$0x7F8];
	_ =	sdelay $0x2  }
0x30a: {  	p5 =	seq.s32 s1, $0x1  }
0x30b: {  	s0 =	simm.s32 @!p5 $0x2  }
0x30c: {  	_ =	swait.ge @!p5 [sflag:s0], $0x2000  }
0x30d: {  	s3 =	sld [smem:$0x7F9];
	_ =	sdelay $0x1  }
0x30e: {  	[sflag:s0] =	ssyncset.done @!p5 $0x0  }
0x30f: {  	[sflag:s0] =	ssyncadd.s32 @!p5 $0xFFFFE000;
	p5 =	seq.s32 s3, $0x1  }
0x310: {  	s0 =	simm.s32 @!p5 $0x2  }
0x311: {  	_ =	swait.ge @!p5 [sflag:s0], $0x2000  }
0x312: {  	s5 =	sld [smem:$0x7FA];
	_ =	sdelay $0x1  }
0x313: {  	[sflag:s0] =	ssyncset.done @!p5 $0x0  }
0x314: {  	v17 =	vbroadcast v8, $0x4;
	[sflag:s0] =	ssyncadd.s32 @!p5 $0xFFFFE000;
	p5 =	seq.s32 s5, $0x1  }
0x315: {  	s6 =	sshll.u32 s19, $0xD;
	s0 =	simm.s32 @!p5 $0x2  }
0x316: {  	v9 =	vor.u32 s6, v17;
	_ =	swait.ge @!p5 [sflag:s0], $0x2000  }
0x317: {  	v18 =	vor.u32 v0, v9;
	[sflag:s0] =	ssyncset.done @!p5 $0x0  }
0x318: {  	[sflag:s0] =	ssyncadd.s32 @!p5 $0xFFFFE000;
	s0 =	simm.s32 @!p4 $0x2  }
0x319: {  	_ =	swait.ge @!p4 [sflag:s0], $0x2000  }
0x31a: {  	[sflag:s0] =	ssyncset.done @!p4 $0x0  }
0x31b: {  	[sflag:s0] =	ssyncadd.s32 @!p4 $0xFFFFE000  }
0x31c: {  	v10 =	vld.idx.msk [tilespmem:v18+s9+$0x0], $0xffff;
	_ =	sdelay $0x2  }
0x31d: {  	v19 =	vor.u32 v1, v9;
	_ =	sdelay $0x1  }
0x31e: {  	v10 =	vadd.f32 v10, v4;
	_ =	sdelay $0x1  }
0x31f: {  	[tilespmem:$0x18480] =	vst v10  }
0x320: {  	v10 =	vld.idx.msk [tilespmem:v19+s9+$0x0], $0xffff;
	_ =	sdelay $0x2  }
0x321: {  	v20 =	vor.u32 v2, v9;
	_ =	sdelay $0x1  }
0x322: {  	v10 =	vadd.f32 v10, v5;
	_ =	sdelay $0x1  }
0x323: {  	[tilespmem:$0x18490] =	vst v10  }
0x324: {  	v10 =	vld.idx.msk [tilespmem:v20+s9+$0x0], $0xffff;
	_ =	sdelay $0x2  }
0x325: {  	v9 =	vor.u32 v3, v9;
	_ =	sdelay $0x1  }
0x326: {  	v10 =	vadd.f32 v10, v6;
	_ =	sdelay $0x1  }
0x327: {  	[tilespmem:$0x184A0] =	vst v10  }
0x328: {  	v21 =	vbroadcast v8, $0x5;
	v9 =	vld.idx.msk [tilespmem:v9+s9+$0x0], $0xffff  }
0x329: {  	s7 =	sshll.u32 s17, $0xD  }
0x32a: {  	v10 =	vor.u32 s7, v21  }
0x32b: {  	v22 =	vor.u32 v0, v10;
	_ =	sdelay $0x1  }
0x32c: {  	v9 =	vadd.f32 v9, v7;
	_ =	sdelay $0x1  }
0x32d: {  	[tilespmem:$0x184B0] =	vst v9  }
0x32e: {  	v9 =	vld.idx.msk [tilespmem:v22+s9+$0x0], $0xffff;
	_ =	sdelay $0x2  }
0x32f: {  	v23 =	vor.u32 v1, v10;
	_ =	sdelay $0x1  }
0x330: {  	v9 =	vadd.f32 v9, v4;
	_ =	sdelay $0x1  }
0x331: {  	[tilespmem:$0x184C0] =	vst v9  }
0x332: {  	v9 =	vld.idx.msk [tilespmem:v23+s9+$0x0], $0xffff;
	_ =	sdelay $0x2  }
0x333: {  	v24 =	vor.u32 v2, v10;
	_ =	sdelay $0x1  }
0x334: {  	v9 =	vadd.f32 v9, v5;
	_ =	sdelay $0x1  }
0x335: {  	[tilespmem:$0x184D0] =	vst v9  }
0x336: {  	v9 =	vld.idx.msk [tilespmem:v24+s9+$0x0], $0xffff;
	_ =	sdelay $0x2  }
0x337: {  	v10 =	vor.u32 v3, v10;
	_ =	sdelay $0x1  }
0x338: {  	v9 =	vadd.f32 v9, v6;
	_ =	sdelay $0x1  }
0x339: {  	[tilespmem:$0x184E0] =	vst v9  }
0x33a: {  	v25 =	vbroadcast v8, $0x6;
	v9 =	vld.idx.msk [tilespmem:v10+s9+$0x0], $0xffff  }
0x33b: {  	s8 =	sshll.u32 s20, $0xD  }
0x33c: {  	v10 =	vor.u32 s8, v25  }
0x33d: {  	v26 =	vor.u32 v0, v10;
	_ =	sdelay $0x1  }
0x33e: {  	v9 =	vadd.f32 v9, v7;
	_ =	sdelay $0x1  }
0x33f: {  	[tilespmem:$0x184F0] =	vst v9  }
0x340: {  	v9 =	vld.idx.msk [tilespmem:v26+s9+$0x0], $0xffff;
	_ =	sdelay $0x2  }
0x341: {  	v27 =	vor.u32 v1, v10;
	_ =	sdelay $0x1  }
0x342: {  	v9 =	vadd.f32 v9, v4;
	_ =	sdelay $0x1  }
0x343: {  	[tilespmem:$0x18580] =	vst v9  }
0x344: {  	v9 =	vld.idx.msk [tilespmem:v27+s9+$0x0], $0xffff;
	_ =	sdelay $0x2  }
0x345: {  	v28 =	vor.u32 v2, v10;
	_ =	sdelay $0x1  }
0x346: {  	v9 =	vadd.f32 v9, v5;
	_ =	sdelay $0x1  }
0x347: {  	[tilespmem:$0x18590] =	vst v9  }
0x348: {  	v9 =	vld.idx.msk [tilespmem:v28+s9+$0x0], $0xffff;
	_ =	sdelay $0x2  }
0x349: {  	v10 =	vor.u32 v3, v10;
	_ =	sdelay $0x1  }
0x34a: {  	v9 =	vadd.f32 v9, v6;
	_ =	sdelay $0x1  }
0x34b: {  	[tilespmem:$0x185A0] =	vst v9  }
0x34c: {  	v29 =	vbroadcast v8, $0x7;
	v9 =	vld.idx.msk [tilespmem:v10+s9+$0x0], $0xffff  }
0x34d: {  	s10 =	sshll.u32 s24, $0xD  }
0x34e: {  	v10 =	vor.u32 s10, v29  }
0x34f: {  	v30 =	vor.u32 v0, v10;
	_ =	sdelay $0x1  }
0x350: {  	v9 =	vadd.f32 v9, v7;
	_ =	sdelay $0x1  }
0x351: {  	[tilespmem:$0x185B0] =	vst v9  }
0x352: {  	v9 =	vld.idx.msk [tilespmem:v30+s9+$0x0], $0xffff;
	_ =	sdelay $0x2  }
0x353: {  	v31 =	vor.u32 v1, v10;
	_ =	sdelay $0x1  }
0x354: {  	v9 =	vadd.f32 v9, v4;
	_ =	sdelay $0x1  }
0x355: {  	[tilespmem:$0x185C0] =	vst v9  }
0x356: {  	v9 =	vld.idx.msk [tilespmem:v31+s9+$0x0], $0xffff;
	_ =	sdelay $0x2  }
0x357: {  	v32 =	vor.u32 v2, v10;
	_ =	sdelay $0x1  }
0x358: {  	v9 =	vadd.f32 v9, v5;
	_ =	sdelay $0x1  }
0x359: {  	[tilespmem:$0x185D0] =	vst v9  }
0x35a: {  	v9 =	vld.idx.msk [tilespmem:v32+s9+$0x0], $0xffff;
	_ =	sdelay $0x2  }
0x35b: {  	v10 =	vor.u32 v3, v10;
	_ =	sdelay $0x1  }
0x35c: {  	v9 =	vadd.f32 v9, v6;
	_ =	sdelay $0x1  }
0x35d: {  	[tilespmem:$0x185E0] =	vst v9  }
0x35e: {  	v9 =	vld.idx.msk [tilespmem:v10+s9+$0x0], $0xffff;
	_ =	sdelay $0x2  }
0x35f: {  	s17 =	sld [smem:$0x7FB];
	_ =	sdelay $0x1  }
0x360: {  	v9 =	vadd.f32 v9, v7  }
0x361: {  	p4 =	seq.s32 s17, $0x1  }
0x362: {  	s0 =	simm.s32 @!p4 $0x3;
	[tilespmem:$0x185F0] =	vst v9  }
0x363: {  	_ =	swait.ge @!p4 [sflag:s0], $0x2000  }
0x364: {  	s19 =	sld [smem:$0x7FC];
	_ =	sdelay $0x1  }
0x365: {  	[sflag:s0] =	ssyncset.done @!p4 $0x0  }
0x366: {  	[sflag:s0] =	ssyncadd.s32 @!p4 $0xFFFFE000;
	p4 =	seq.s32 s19, $0x1  }
0x367: {  	s0 =	simm.s32 @!p4 $0x3  }
0x368: {  	_ =	swait.ge @!p4 [sflag:s0], $0x2000  }
0x369: {  	s20 =	sld [smem:$0x7FD];
	_ =	sdelay $0x1  }
0x36a: {  	[sflag:s0] =	ssyncset.done @!p4 $0x0  }
0x36b: {  	v33 =	vbroadcast v8, $0x8;
	[sflag:s0] =	ssyncadd.s32 @!p4 $0xFFFFE000;
	p4 =	seq.s32 s20, $0x1  }
0x36c: {  	s24 =	sshll.u32 s23, $0xD;
	s0 =	simm.s32 @!p4 $0x3  }
0x36d: {  	v9 =	vor.u32 s24, v33;
	_ =	swait.ge @!p4 [sflag:s0], $0x2000  }
0x36e: {  	v34 =	vor.u32 v0, v9;
	[sflag:s0] =	ssyncset.done @!p4 $0x0  }
0x36f: {  	[sflag:s0] =	ssyncadd.s32 @!p4 $0xFFFFE000;
	s0 =	simm.s32 @!p6 $0x3  }
0x370: {  	_ =	swait.ge @!p6 [sflag:s0], $0x2000  }
0x371: {  	[sflag:s0] =	ssyncset.done @!p6 $0x0  }
0x372: {  	[sflag:s0] =	ssyncadd.s32 @!p6 $0xFFFFE000  }
0x373: {  	v10 =	vld.idx.msk [tilespmem:v34+s9+$0x0], $0xffff;
	_ =	sdelay $0x2  }
0x374: {  	v35 =	vor.u32 v1, v9;
	_ =	sdelay $0x1  }
0x375: {  	v10 =	vadd.f32 v10, v4;
	_ =	sdelay $0x1  }
0x376: {  	[tilespmem:$0x18680] =	vst v10  }
0x377: {  	v10 =	vld.idx.msk [tilespmem:v35+s9+$0x0], $0xffff;
	_ =	sdelay $0x2  }
0x378: {  	v36 =	vor.u32 v2, v9;
	_ =	sdelay $0x1  }
0x379: {  	v10 =	vadd.f32 v10, v5;
	_ =	sdelay $0x1  }
0x37a: {  	[tilespmem:$0x18690] =	vst v10  }
0x37b: {  	v10 =	vld.idx.msk [tilespmem:v36+s9+$0x0], $0xffff;
	_ =	sdelay $0x2  }
0x37c: {  	v9 =	vor.u32 v3, v9;
	_ =	sdelay $0x1  }
0x37d: {  	v10 =	vadd.f32 v10, v6;
	_ =	sdelay $0x1  }
0x37e: {  	[tilespmem:$0x186A0] =	vst v10  }
0x37f: {  	v37 =	vbroadcast v8, $0x9;
	v9 =	vld.idx.msk [tilespmem:v9+s9+$0x0], $0xffff  }
0x380: {  	s30 =	sshll.u32 s18, $0xD  }
0x381: {  	v10 =	vor.u32 s30, v37  }
0x382: {  	v38 =	vor.u32 v0, v10;
	_ =	sdelay $0x1  }
0x383: {  	v9 =	vadd.f32 v9, v7;
	_ =	sdelay $0x1  }
0x384: {  	[tilespmem:$0x186B0] =	vst v9  }
0x385: {  	v9 =	vld.idx.msk [tilespmem:v38+s9+$0x0], $0xffff;
	_ =	sdelay $0x2  }
0x386: {  	v39 =	vor.u32 v1, v10;
	_ =	sdelay $0x1  }
0x387: {  	v9 =	vadd.f32 v9, v4;
	_ =	sdelay $0x1  }
0x388: {  	[tilespmem:$0x186C0] =	vst v9  }
0x389: {  	v9 =	vld.idx.msk [tilespmem:v39+s9+$0x0], $0xffff;
	_ =	sdelay $0x2  }
0x38a: {  	v40 =	vor.u32 v2, v10;
	_ =	sdelay $0x1  }
0x38b: {  	v9 =	vadd.f32 v9, v5;
	_ =	sdelay $0x1  }
0x38c: {  	[tilespmem:$0x186D0] =	vst v9  }
0x38d: {  	v9 =	vld.idx.msk [tilespmem:v40+s9+$0x0], $0xffff;
	_ =	sdelay $0x2  }
0x38e: {  	v10 =	vor.u32 v3, v10;
	_ =	sdelay $0x1  }
0x38f: {  	v9 =	vadd.f32 v9, v6;
	_ =	sdelay $0x1  }
0x390: {  	[tilespmem:$0x186E0] =	vst v9  }
0x391: {  	v41 =	vbroadcast v8, $0xA;
	v9 =	vld.idx.msk [tilespmem:v10+s9+$0x0], $0xffff  }
0x392: {  	s31 =	sshll.u32 s22, $0xD  }
0x393: {  	v10 =	vor.u32 s31, v41  }
0x394: {  	v42 =	vor.u32 v0, v10;
	_ =	sdelay $0x1  }
0x395: {  	v9 =	vadd.f32 v9, v7;
	_ =	sdelay $0x1  }
0x396: {  	[tilespmem:$0x186F0] =	vst v9  }
0x397: {  	v9 =	vld.idx.msk [tilespmem:v42+s9+$0x0], $0xffff;
	_ =	sdelay $0x2  }
0x398: {  	v43 =	vor.u32 v1, v10;
	_ =	sdelay $0x1  }
0x399: {  	v9 =	vadd.f32 v9, v4;
	_ =	sdelay $0x1  }
0x39a: {  	[tilespmem:$0x18780] =	vst v9  }
0x39b: {  	v9 =	vld.idx.msk [tilespmem:v43+s9+$0x0], $0xffff;
	_ =	sdelay $0x2  }
0x39c: {  	v44 =	vor.u32 v2, v10;
	_ =	sdelay $0x1  }
0x39d: {  	v9 =	vadd.f32 v9, v5;
	_ =	sdelay $0x1  }
0x39e: {  	[tilespmem:$0x18790] =	vst v9  }
0x39f: {  	v9 =	vld.idx.msk [tilespmem:v44+s9+$0x0], $0xffff;
	_ =	sdelay $0x2  }
0x3a0: {  	v10 =	vor.u32 v3, v10;
	_ =	sdelay $0x1  }
0x3a1: {  	v9 =	vadd.f32 v9, v6;
	_ =	sdelay $0x1  }
0x3a2: {  	[tilespmem:$0x187A0] =	vst v9  }
0x3a3: {  	v45 =	vbroadcast v8, $0xB;
	v9 =	vld.idx.msk [tilespmem:v10+s9+$0x0], $0xffff  }
0x3a4: {  	s1 =	sshll.u32 s21, $0xD  }
0x3a5: {  	v10 =	vor.u32 s1, v45  }
0x3a6: {  	v46 =	vor.u32 v0, v10;
	_ =	sdelay $0x1  }
0x3a7: {  	v9 =	vadd.f32 v9, v7;
	_ =	sdelay $0x1  }
0x3a8: {  	[tilespmem:$0x187B0] =	vst v9  }
0x3a9: {  	v9 =	vld.idx.msk [tilespmem:v46+s9+$0x0], $0xffff;
	_ =	sdelay $0x2  }
0x3aa: {  	v47 =	vor.u32 v1, v10;
	_ =	sdelay $0x1  }
0x3ab: {  	v9 =	vadd.f32 v9, v4;
	_ =	sdelay $0x1  }
0x3ac: {  	[tilespmem:$0x187C0] =	vst v9  }
0x3ad: {  	v9 =	vld.idx.msk [tilespmem:v47+s9+$0x0], $0xffff;
	_ =	sdelay $0x2  }
0x3ae: {  	v48 =	vor.u32 v2, v10;
	_ =	sdelay $0x1  }
0x3af: {  	v9 =	vadd.f32 v9, v5;
	_ =	sdelay $0x1  }
0x3b0: {  	[tilespmem:$0x187D0] =	vst v9  }
0x3b1: {  	v9 =	vld.idx.msk [tilespmem:v48+s9+$0x0], $0xffff;
	_ =	sdelay $0x2  }
0x3b2: {  	v10 =	vor.u32 v3, v10;
	_ =	sdelay $0x1  }
0x3b3: {  	v9 =	vadd.f32 v9, v6;
	_ =	sdelay $0x1  }
0x3b4: {  	[tilespmem:$0x187E0] =	vst v9  }
0x3b5: {  	v9 =	vld.idx.msk [tilespmem:v10+s9+$0x0], $0xffff;
	_ =	sdelay $0x4  }
0x3b6: {  	v9 =	vadd.f32 v9, v7;
	_ =	sdelay $0x1  }
0x3b7: {  	s0 =	simm.s32 @!p3 $0x1;
	[tilespmem:$0x187F0] =	vst v9  }
0x3b8: {  	_ =	swait.ge @!p3 [sflag:s0], $0x2000  }
0x3b9: {  	[sflag:s0] =	ssyncset.done @!p3 $0x0  }
0x3ba: {  	[sflag:s0] =	ssyncadd.s32 @!p3 $0xFFFFE000;
	s0 =	simm.s32 @!p2 $0x1  }
0x3bb: {  	_ =	swait.ge @!p2 [sflag:s0], $0x2000  }
0x3bc: {  	v49 =	vbroadcast v8, $0xC;
	[sflag:s0] =	ssyncset.done @!p2 $0x0  }
0x3bd: {  	s3 =	sshll.u32 s29, $0xD;
	[sflag:s0] =	ssyncadd.s32 @!p2 $0xFFFFE000;
	s0 =	simm.s32 @!p1 $0x1  }
0x3be: {  	v9 =	vor.u32 s3, v49;
	_ =	swait.ge @!p1 [sflag:s0], $0x2000  }
0x3bf: {  	v50 =	vor.u32 v0, v9;
	[sflag:s0] =	ssyncset.done @!p1 $0x0  }
0x3c0: {  	[sflag:s0] =	ssyncadd.s32 @!p1 $0xFFFFE000;
	s0 =	simm.s32 @!p0 $0x1  }
0x3c1: {  	_ =	swait.ge @!p0 [sflag:s0], $0x2000  }
0x3c2: {  	[sflag:s0] =	ssyncset.done @!p0 $0x0  }
0x3c3: {  	[sflag:s0] =	ssyncadd.s32 @!p0 $0xFFFFE000  }
0x3c4: {  	v10 =	vld.idx.msk [tilespmem:v50+s9+$0x0], $0xffff;
	_ =	sdelay $0x2  }
0x3c5: {  	v51 =	vor.u32 v1, v9;
	_ =	sdelay $0x1  }
0x3c6: {  	v10 =	vadd.f32 v10, v4;
	_ =	sdelay $0x1  }
0x3c7: {  	[tilespmem:$0x18880] =	vst v10  }
0x3c8: {  	v10 =	vld.idx.msk [tilespmem:v51+s9+$0x0], $0xffff;
	_ =	sdelay $0x2  }
0x3c9: {  	v52 =	vor.u32 v2, v9;
	_ =	sdelay $0x1  }
0x3ca: {  	v10 =	vadd.f32 v10, v5;
	_ =	sdelay $0x1  }
0x3cb: {  	[tilespmem:$0x18890] =	vst v10  }
0x3cc: {  	v10 =	vld.idx.msk [tilespmem:v52+s9+$0x0], $0xffff;
	_ =	sdelay $0x2  }
0x3cd: {  	v9 =	vor.u32 v3, v9;
	_ =	sdelay $0x1  }
0x3ce: {  	v10 =	vadd.f32 v10, v6;
	_ =	sdelay $0x1  }
0x3cf: {  	[tilespmem:$0x188A0] =	vst v10  }
0x3d0: {  	v53 =	vbroadcast v8, $0xD;
	v9 =	vld.idx.msk [tilespmem:v9+s9+$0x0], $0xffff  }
0x3d1: {  	s5 =	sshll.u32 s25, $0xD  }
0x3d2: {  	v10 =	vor.u32 s5, v53  }
0x3d3: {  	v54 =	vor.u32 v0, v10;
	_ =	sdelay $0x1  }
0x3d4: {  	v9 =	vadd.f32 v9, v7;
	_ =	sdelay $0x1  }
0x3d5: {  	[tilespmem:$0x188B0] =	vst v9  }
0x3d6: {  	v9 =	vld.idx.msk [tilespmem:v54+s9+$0x0], $0xffff;
	_ =	sdelay $0x2  }
0x3d7: {  	v55 =	vor.u32 v1, v10;
	_ =	sdelay $0x1  }
0x3d8: {  	v9 =	vadd.f32 v9, v4;
	_ =	sdelay $0x1  }
0x3d9: {  	[tilespmem:$0x188C0] =	vst v9  }
0x3da: {  	v9 =	vld.idx.msk [tilespmem:v55+s9+$0x0], $0xffff;
	_ =	sdelay $0x2  }
0x3db: {  	v56 =	vor.u32 v2, v10;
	_ =	sdelay $0x1  }
0x3dc: {  	v9 =	vadd.f32 v9, v5;
	_ =	sdelay $0x1  }
0x3dd: {  	[tilespmem:$0x188D0] =	vst v9  }
0x3de: {  	v9 =	vld.idx.msk [tilespmem:v56+s9+$0x0], $0xffff;
	_ =	sdelay $0x2  }
0x3df: {  	v10 =	vor.u32 v3, v10;
	_ =	sdelay $0x1  }
0x3e0: {  	v9 =	vadd.f32 v9, v6;
	_ =	sdelay $0x1  }
0x3e1: {  	[tilespmem:$0x188E0] =	vst v9  }
0x3e2: {  	v57 =	vbroadcast v8, $0xE;
	v9 =	vld.idx.msk [tilespmem:v10+s9+$0x0], $0xffff  }
0x3e3: {  	s6 =	sshll.u32 s28, $0xD  }
0x3e4: {  	v10 =	vor.u32 s6, v57  }
0x3e5: {  	v58 =	vor.u32 v0, v10;
	_ =	sdelay $0x1  }
0x3e6: {  	v9 =	vadd.f32 v9, v7;
	_ =	sdelay $0x1  }
0x3e7: {  	[tilespmem:$0x188F0] =	vst v9  }
0x3e8: {  	v9 =	vld.idx.msk [tilespmem:v58+s9+$0x0], $0xffff;
	_ =	sdelay $0x2  }
0x3e9: {  	v59 =	vor.u32 v1, v10;
	_ =	sdelay $0x1  }
0x3ea: {  	v9 =	vadd.f32 v9, v4;
	_ =	sdelay $0x1  }
0x3eb: {  	[tilespmem:$0x18980] =	vst v9  }
0x3ec: {  	v9 =	vld.idx.msk [tilespmem:v59+s9+$0x0], $0xffff;
	_ =	sdelay $0x2  }
0x3ed: {  	v60 =	vor.u32 v2, v10;
	_ =	sdelay $0x1  }
0x3ee: {  	v9 =	vadd.f32 v9, v5;
	_ =	sdelay $0x1  }
0x3ef: {  	[tilespmem:$0x18990] =	vst v9  }
0x3f0: {  	v9 =	vld.idx.msk [tilespmem:v60+s9+$0x0], $0xffff;
	_ =	sdelay $0x2  }
0x3f1: {  	v10 =	vor.u32 v3, v10;
	_ =	sdelay $0x1  }
0x3f2: {  	v9 =	vadd.f32 v9, v6;
	_ =	sdelay $0x1  }
0x3f3: {  	[tilespmem:$0x189A0] =	vst v9  }
0x3f4: {  	v8 =	vbroadcast v8, $0xF;
	v9 =	vld.idx.msk [tilespmem:v10+s9+$0x0], $0xffff  }
0x3f5: {  	s7 =	sshll.u32 s26, $0xD  }
0x3f6: {  	v8 =	vor.u32 s7, v8  }
0x3f7: {  	v61 =	vor.u32 v0, v8;
	_ =	sdelay $0x1  }
0x3f8: {  	v9 =	vadd.f32 v9, v7;
	_ =	sdelay $0x1  }
0x3f9: {  	[tilespmem:$0x189B0] =	vst v9  }
0x3fa: {  	v9 =	vld.idx.msk [tilespmem:v61+s9+$0x0], $0xffff;
	_ =	sdelay $0x2  }
0x3fb: {  	v62 =	vor.u32 v1, v8;
	_ =	sdelay $0x1  }
0x3fc: {  	v9 =	vadd.f32 v9, v4;
	_ =	sdelay $0x1  }
0x3fd: {  	[tilespmem:$0x189C0] =	vst v9  }
0x3fe: {  	v9 =	vld.idx.msk [tilespmem:v62+s9+$0x0], $0xffff;
	_ =	sdelay $0x2  }
0x3ff: {  	v63 =	vor.u32 v2, v8;
	_ =	sdelay $0x1  }
0x400: {  	v9 =	vadd.f32 v9, v5;
	_ =	sdelay $0x1  }
0x401: {  	[tilespmem:$0x189D0] =	vst v9  }
0x402: {  	v9 =	vld.idx.msk [tilespmem:v63+s9+$0x0], $0xffff;
	_ =	sdelay $0x2  }
0x403: {  	v8 =	vor.u32 v3, v8;
	_ =	sdelay $0x1  }
0x404: {  	v9 =	vadd.f32 v9, v6;
	_ =	sdelay $0x1  }
0x405: {  	[tilespmem:$0x189E0] =	vst v9  }
0x406: {  	v8 =	vld.idx.msk [tilespmem:v8+s9+$0x0], $0xffff;
	_ =	sdelay $0x4  }
0x407: {  	v8 =	vadd.f32 v8, v7;
	_ =	sdelay $0x1  }
0x408: {  	s10 =	sadd.s32 $0x80, s14;
	s8 =	rddreg [dreg:$0xe];
	[tilespmem:$0x189F0] =	vst v8  }
0x409: {  	[hbm4b:s10+s4] =	stream.linear.scatter [tilespmem:s8], [sflag:$0x4], $0x80, $0x38;
	[tilespmem:$0x18A80] =	vst v63  }
0x40a: {  	s18 =	sadd.s32 $0x90, s14;
	s17 =	rddreg [dreg:$0xf]  }
0x40b: {  	[hbm4b:s18+s4] =	stream.linear.scatter [tilespmem:s17], [sflag:$0x4], $0x80, $0x38;
	[tilespmem:$0x18A80] =	vst v63  }
0x40c: {  	s20 =	sadd.s32 $0xA0, s14;
	s19 =	rddreg [dreg:$0x10]  }
0x40d: {  	[hbm4b:s20+s4] =	stream.linear.scatter [tilespmem:s19], [sflag:$0x4], $0x80, $0x38;
	[tilespmem:$0x18A80] =	vst v63  }
0x40e: {  	s22 =	sadd.s32 $0xB0, s14;
	s21 =	rddreg [dreg:$0x11]  }
0x40f: {  	[hbm4b:s22+s4] =	stream.linear.scatter [tilespmem:s21], [sflag:$0x4], $0x80, $0x38;
	[tilespmem:$0x18A80] =	vst v63  }
0x410: {  	s13 =	sadd.s32 $0x100, s13;
	s24 =	sadd.s32 $0xC0, s14;
	s23 =	rddreg [dreg:$0x12]  }
0x411: {  	[hbm4b:s24+s4] =	stream.linear.scatter [tilespmem:s23], [sflag:$0x4], $0x80, $0x38;
	[tilespmem:$0x18A80] =	vst v63  }
0x412: {  	s26 =	sadd.s32 $0xD0, s14;
	s25 =	rddreg [dreg:$0x13];
	p0 =	sne.s32 s13, $0x1000  }
0x413: {  	[hbm4b:s26+s4] =	stream.linear.scatter [tilespmem:s25], [sflag:$0x4], $0x80, $0x38;
	[tilespmem:$0x18A80] =	vst v63  }
.Ltmp0:
0x414: {  	_ = 	snop;
	(pc) =	sbr.rel @p0 .LBB2_2-.Ltmp0, $4  }
0x415: {  	s29 =	sadd.s32 $0xE0, s14;
	s28 =	rddreg [dreg:$0x14]  }
0x416: {  	[hbm4b:s29+s4] =	stream.linear.scatter [tilespmem:s28], [sflag:$0x4], $0x80, $0x38;
	[tilespmem:$0x18A80] =	vst v63  }
0x417: {  	s12 =	sadd.s32 $0x20, s12;
	s31 =	sadd.s32 $0xF0, s14;
	s30 =	rddreg [dreg:$0x15]  }
0x418: {  	[hbm4b:s31+s4] =	stream.linear.scatter [tilespmem:s30], [sflag:$0x4], $0x80, $0x38;
	[tilespmem:$0x18A80] =	vst v63  }
0x419: {  	s1 =	simm.s32 $0x4  }
0x41a: {  	_ =	swait.ge [sflag:s1], $0x400  }
0x41b: {  	[sflag:s1] =	ssyncset.done $0x0  }
0x41c: {  	[sflag:s1] =	ssyncadd.s32 $0xFFFFFC00  }
0x41d: {  	_ =	swait.ge [sflag:s1], $0x400  }
0x41e: {  	s11 =	sadd.s32 $0x1, s11;
	s0 =	rddreg [dreg:$0x17]  }
0x41f: {  	p0 =	sne.s32 s11, s0  }
.Ltmp1:
0x420: {  	_ = 	snop;
	(pc) =	sbr.rel @p0 .LBB2_1-.Ltmp1, $3  }
0x421: {  	_ =	sdelay $0x1  }
0x422: {  	[sflag:s1] =	ssyncset.done $0x0  }
0x423: {  	[sflag:s1] =	ssyncadd.s32 $0xFFFFFC00  }
0x424: {  	_ =	sfence.sel $0x180000  }
0x425: {  	[bflag:$0x0] =	sbarrier.arrive $0xFFFF  }
0x426: {  	_ =	strace $0x90000047  }
0x427: {  	s0 =	stileid.u32;
	[bflag:$0x2] =	sbarrier.arrive $0xFFFF  }
0x428: {  	p0 =	sne.s32 s0, $0x0;
	s0 =	rddreg [dreg:$0x4]  }
0x429: {  	s0 =	sadd.s32 @!p0 $0x100000, s0  }
0x42a: {  	[sflag:s0] =	ssyncadd.tile.s32 @!p0 $0x1;
	_ =	shalt  }
.Lfunc_end2:
_tile_overlayer_lowered:
.L_overlay_start_2:
0x42b: {  	(tag) =	ssettag $0x2  }
0x42c: {  	s0 =	rddreg [dreg:$0x0];
	s2 =	stileid.u32  }
0x42d: {  	s1 =	rddreg [dreg:$0x1];
	p0 =	sne.s32 s2, $0x0  }
0x42e: {  	s3 =	rddreg [dreg:$0x2];
	[bflag:$0x3] =	sbarrier.arrive $0xFFFF;
	s2 =	simm.s32 @!p0 $0x1C05  }
0x42f: {  	[timem:s3], [sflag:s2] =	dma.local @!p0 [hbm:s0], s1  }
0x430: {  	s0 =	simm.s32 @!p0 $0x5  }
0x431: {  	_ =	swait.ge @!p0 [sflag:s0], s1  }
0x432: {  	s1 =	ssub.s32 @!p0 $0x0, s1;
	[sflag:s0] =	ssyncset.done @!p0 $0x0  }
0x433: {  	[sflag:s0] =	ssyncadd.s32 @!p0 s1  }
0x434: {  	[bflag:$0x3] =	sbarrier.arrive $0xFFFF  }
0x435: {  	_ =	shalt  }

// kernel: _run.7.cloned.1.call-start
scs
__scs_entry_jumppad:
0x0: {  	(pc) =	sbr.rel $0x88, $3  }
0x1: {  	(tag) =	ssettag $0x0;
	lr =	simm.s32 $0x1  }
0x2: {  	[smem:$0x3F9E] =	sst lr;
	_ =	strace $0xD0000000  }
0x3: {  	_ = 	snop  }
0x4: {  	_ = 	snop  }
0x5: {  	_ = 	snop  }
0x6: {  	_ = 	snop  }
0x7: {  	_ = 	snop  }
__scs_overlays_trampoline_lowered:
0x8: {  	[smem:$0x3FAD] =	sst s0  }
0x9: {  	[smem:$0x3FAE] =	sst s1  }
0xa: {  	[smem:$0x3FAF] =	sst s2  }
0xb: {  	[smem:$0x3FB0] =	sst s3  }
0xc: {  	[smem:$0x3FB1] =	sst s4  }
0xd: {  	[smem:$0x3FB2] =	sst s5  }
0xe: {  	[smem:$0x3FB3] =	sst s6  }
0xf: {  	[smem:$0x3FB4] =	sst s7  }
0x10: {  	[smem:$0x3FB5] =	sst s8  }
0x11: {  	[smem:$0x3FB6] =	sst s9;
	s0 =	simm.s32 @!p0 $0x0  }
0x12: {  	s1 =	sld [smem:$0x3F9C];
	s0 =	simm.s32 @p0 $0x1  }
0x13: {  	[smem:$0x3FB7] =	sst s0;
	s0 =	simm.s32 @!p1 $0x0  }
0x14: {  	s2 =	sld [smem:$0x3F9B];
	s0 =	simm.s32 @p1 $0x1  }
0x15: {  	[smem:$0x3FB8] =	sst s0;
	s0 =	simm.s32 @!p2 $0x0  }
0x16: {  	s3 =	sld [smem:$0x3FDB];
	s0 =	simm.s32 @p2 $0x1  }
0x17: {  	s4 =	simm.s32 $0x1BF5;
	[smem:$0x3FBA] =	sst s0  }
0x18: {  	s0 =	sld [smem:$0x3F9D];
	_ =	swait.ge [sflag:s4], $0x0  }
0x19: {  	s7 =	sld [smem:$0x3F9E]  }
0x1a: {  	s8 =	sadd.s32 $0xFFFFE003, lr  }
0x1b: {  	s9 =	sadd.s32 $0xFFFFFEF7, lr;
	s5 =	simm.s32 $0xFFFFFFFF;
	p2 =	slt.u32 s8, $0xFFFFF086  }
0x1c: {  	p1 =	slt.u32 s9, $0xF7A;
	s5 =	simm.s32 @!p2 $0x0  }
0x1d: {  	s5 =	simm.s32 @p1 $0x1;
	p0 =	seq.s32 s7, s2  }
0x1e: {  	s7 =	smul.u32 @!p0 $0xF7A, s2;
	p2 =	seq.s32 @!p0 s5, $0x0  }
0x1f: {  	s9 =	smul.u32 $0xF7A, s1;
	s8 =	simm.s32 @!p0 $0x1BF5;
	p2 =	por !p2, p0  }
0x20: {  	[sflag:s8] =	ssyncset.s32 @!p0 $0xFFFFF086;
	s6 =	sadd.s32 @!p0 s3, s7;
	s7 =	simm.s32 @!p0 $0x108  }
0x21: {  	s3 =	sadd.s32 s3, s9;
	s6 =	sadd.s32 @!p0 $0x88, s6;
	s7 =	simm.s32 @p2 $0x1082  }
0x22: {  	[simem:s7], [sflag:s8] =	dma.local @!p0 [hbm:s6], $0xF7A  }
0x23: {  	s9 =	sor.u32 $0xD0000000, s2;
	s6 =	simm.s32 $0x108;
	_ =	swait.ge @!p0 [sflag:s8], $0x0  }
0x24: {  	s3 =	sadd.s32 $0x88, s3;
	s6 =	simm.s32 @!p1 $0x1082;
	[sflag:s4] =	ssyncset.s32 $0xFFFFF086  }
0x25: {  	[simem:s6], [sflag:s4] =	dma.local [hbm:s3], $0xF7A  }
0x26: {  	[smem:$0x3F9E] =	sst s1;
	(tag) =	ssettag s2;
	_ =	strace s9  }
0x27: {  	s1 =	sld [smem:$0x3FAE]  }
0x28: {  	s2 =	sld [smem:$0x3FAF]  }
0x29: {  	s4 =	sld [smem:$0x3FB1]  }
0x2a: {  	p0 =	seq.s32 s5, $0x0;
	s5 =	sld [smem:$0x3FB2]  }
0x2b: {  	s6 =	sld [smem:$0x3FB3]  }
0x2c: {  	s7 =	sld [smem:$0x3FB4]  }
0x2d: {  	s3 =	simm.s32 $0x108;
	s8 =	sld [smem:$0x3FB5]  }
0x2e: {  	s3 =	simm.s32 @!p0 $0x1082;
	s9 =	sld [smem:$0x3FB6]  }
0x2f: {  	lr =	sadd.s32 s0, s3;
	s0 =	sld [smem:$0x3FAD]  }
0x30: {  	s3 =	sld [smem:$0x3FB0]  }
0x31: {  	[smem:$0x3FB9] =	sst s10  }
0x32: {  	s10 =	sld [smem:$0x3FB7];
	_ =	sdelay $0x3  }
0x33: {  	p0 =	seq.s32 s10, $0x1;
	s10 =	sld [smem:$0x3FB9];
	_ =	sdelay $0x3  }
0x34: {  	[smem:$0x3FB9] =	sst s10  }
0x35: {  	s10 =	sld [smem:$0x3FB8];
	_ =	sdelay $0x3  }
0x36: {  	p1 =	seq.s32 s10, $0x1;
	s10 =	sld [smem:$0x3FB9];
	_ =	sdelay $0x3  }
0x37: {  	[smem:$0x3FB9] =	sst s10  }
0x38: {  	s10 =	sld [smem:$0x3FBA]  }
0x39: {  	_ = 	snop;
	(pc) =	sbr.ind lr, $3  }
0x3a: {  	_ = 	snop  }
0x3b: {  	_ = 	snop  }
0x3c: {  	p2 =	seq.s32 s10, $0x1;
	s10 =	sld [smem:$0x3FB9]  }
0x3d: {  	_ =	shalt  }
0x3e: {  	_ =	shalt  }
0x3f: {  	_ =	shalt  }
0x40: {  	_ =	shalt  }
0x41: {  	_ =	shalt  }
0x42: {  	_ =	shalt  }
0x43: {  	_ =	shalt  }
0x44: {  	_ =	shalt  }
0x45: {  	_ =	shalt  }
0x46: {  	_ =	shalt  }
0x47: {  	_ =	shalt  }
0x48: {  	_ =	shalt  }
0x49: {  	_ =	shalt  }
0x4a: {  	_ =	shalt  }
0x4b: {  	_ =	shalt  }
0x4c: {  	_ =	shalt  }
0x4d: {  	_ =	shalt  }
0x4e: {  	_ =	shalt  }
0x4f: {  	_ =	shalt  }
0x50: {  	_ =	shalt  }
0x51: {  	_ =	shalt  }
0x52: {  	_ =	shalt  }
0x53: {  	_ =	shalt  }
0x54: {  	_ =	shalt  }
0x55: {  	_ =	shalt  }
0x56: {  	_ =	shalt  }
0x57: {  	_ =	shalt  }
0x58: {  	_ =	shalt  }
0x59: {  	_ =	shalt  }
0x5a: {  	_ =	shalt  }
0x5b: {  	_ =	shalt  }
0x5c: {  	_ =	shalt  }
0x5d: {  	_ =	shalt  }
0x5e: {  	_ =	shalt  }
0x5f: {  	_ =	shalt  }
0x60: {  	_ =	shalt  }
0x61: {  	_ =	shalt  }
0x62: {  	_ =	shalt  }
0x63: {  	_ =	shalt  }
0x64: {  	_ =	shalt  }
0x65: {  	_ =	shalt  }
0x66: {  	_ =	shalt  }
0x67: {  	_ =	shalt  }
0x68: {  	_ =	shalt  }
0x69: {  	_ =	shalt  }
0x6a: {  	_ =	shalt  }
0x6b: {  	_ =	shalt  }
0x6c: {  	_ =	shalt  }
0x6d: {  	_ =	shalt  }
0x6e: {  	_ =	shalt  }
0x6f: {  	_ =	shalt  }
0x70: {  	_ =	shalt  }
0x71: {  	_ =	shalt  }
0x72: {  	_ =	shalt  }
0x73: {  	_ =	shalt  }
0x74: {  	_ =	shalt  }
0x75: {  	_ =	shalt  }
0x76: {  	_ =	shalt  }
0x77: {  	_ =	shalt  }
0x78: {  	_ =	shalt  }
0x79: {  	_ =	shalt  }
0x7a: {  	_ =	shalt  }
0x7b: {  	_ =	shalt  }
0x7c: {  	_ =	shalt  }
0x7d: {  	_ =	shalt  }
0x7e: {  	_ =	shalt  }
0x7f: {  	_ =	shalt  }
0x80: {  	_ =	shalt  }
0x81: {  	_ =	shalt  }
0x82: {  	_ =	shalt  }
0x83: {  	_ =	shalt  }
0x84: {  	_ =	shalt  }
0x85: {  	_ =	shalt  }
0x86: {  	_ =	shalt  }
0x87: {  	_ =	shalt  }
.Lfunc_end0:
.L_simem_size_0:
called_computation.1_lowered:
.L_overlay_start_0:
0x88: {  	s2 =	sld [smem:$0x3FD9]  }
0x89: {  	s3 =	sld [smem:$0x3FFE];
	_ =	sdelay $0x1  }
0x8a: {  	s1 =	srdreg.scid  }
0x8b: {  	s0 =	sand.u32 $0x1, s1  }
0x8c: {  	s17 =	sshll.u32 s0, $0xA;
	s2 =	sadd.s32 s3, s2  }
0x8d: {  	s2 =	sadd.s32 s2, s17  }
0x8e: {  	[smem:$0x3FC5] =	sst s2  }
0x8f: {  	_ = 	snop  }
0x90: {  	s2 =	sld [smem:$0x3FD0];
	(tm) =	ssettm $0x1  }
0x91: {  	s18 =	sld [smem:$0x3FFB];
	_ =	sdelay $0x3  }
0x92: {  	_ =	strace s18  }
0x93: {  	s3 =	sld [smem:$0x3FFC];
	_ =	sdelay $0x3  }
0x94: {  	_ =	strace s3  }
0x95: {  	s3 =	sld [smem:$0x3FFD];
	_ =	sdelay $0x3  }
0x96: {  	_ =	strace s3  }
0x97: {  	_ =	strace $0x8FFFFFFF  }
0x98: {  	s19 =	sld [smem:$0x3FDB];
	_ =	sdelay $0x1  }
0x99: {  	s4 =	simm.s32 $_scs_section_size  }
0x9a: {  	s5 =	simm.s32 $_size__tile_overlayer_lowered;
	s6 =	simm.s32 $_tile_overlayer_lowered  }
0x9b: {  	s22 =	simm.s32 $0x1BFF;
	s21 =	sshll.u32 s6, $0x1;
	s3 =	sadd.s32 s4, s19  }
0x9c: {  	s7 =	simm.s32 $0x0;
	s20 =	sshll.u32 s5, $0x1;
	s5 =	sadd.s32 s21, s3  }
0x9d: {  	[timem:s7], [sflag:s22] =	dma.local [hbm:s5], s20  }
0x9e: {  	_ =	swait.ge [sflag:s22], s20  }
0x9f: {  	s4 =	ssub.s32 $0x0, s20;
	[sflag:s22] =	ssyncset.done $0x0  }
0xa0: {  	[sflag:s22] =	ssyncadd.s32 s4;
	_ =	sdelay $0x1  }
0xa1: {  	s23 =	simm.s32 $0x1B8B  }
0xa2: {  	_ =	swait.ge [sflag:s23], $0x1  }
0xa3: {  	[sflag:s23] =	ssyncset.done $0x0  }
0xa4: {  	s25 =	simm.s32 $0x1B8E;
	s24 =	sld [smem:$0x3FFE];
	[sflag:s23] =	ssyncadd.s32 $0xFFFFFFFF  }
0xa5: {  	s26 =	simm.s32 $execute0_lowered;
	[smem:$0x3FD2] =	sst s25  }
0xa6: {  	s5 =	sshll.u32 s26, $0x1;
	_ =	strace $0x80000049;
	[dreg:$0x1] =	wrdreg $0xFFFFFFFF  }
0xa7: {  	s28 =	simm.s32 $_size_execute0_lowered;
	s3 =	sadd.s32 s3, s5;
	[dreg:$0x0] =	wrdreg $0x0  }
0xa8: {  	s5 =	sshll.u32 s28, $0x1;
	[dreg:$0x2] =	wrdreg s3  }
0xa9: {  	[dreg:$0x3] =	wrdreg s5  }
0xaa: {  	[dreg:$0x4] =	wrdreg $0xC0  }
0xab: {  	_ =	task [dreg:s7], $0x5FFFF  }
0xac: {  	[dreg:$0x1] =	wrdreg $0xFFFFFFFF  }
0xad: {  	[dreg:$0x0] =	wrdreg $0x60  }
0xae: {  	[dreg:$0x2] =	wrdreg s24  }
0xaf: {  	[dreg:$0x3] =	wrdreg s2  }
0xb0: {  	[dreg:$0x4] =	wrdreg $0x9  }
0xb1: {  	_ =	task.clear_ibuf [dreg:s7], $0x5FFFF;
	_ =	strace $0x90000049  }
0xb2: {  	s29 =	simm.s32 $0x9;
	_ =	strace $0x8000004B  }
0xb3: {  	_ =	swait.ge [sflag:s29], $0x1  }
0xb4: {  	[sflag:s29] =	ssyncadd.s32 $0xFFFFFFFF  }
0xb5: {  	_ =	strace $0x9000004B  }
0xb6: {  	_ =	sfence  }
0xb7: {  	s30 =	sld [smem:$0x0];
	_ =	sdelay $0x2  }
0xb8: {  	s31 =	sshll.u32 s1, $0xD;
	s1 =	sshrl.u32 s1, $0x2  }
0xb9: {  	s3 =	sand.u32 $0x4000, s31;
	s1 =	sadd.s32 s1, s30  }
0xba: {  	s0 =	sor.u32 s3, s0;
	s1 =	sshll.u32 s1, $0x11  }
0xbb: {  	s0 =	sor.u32 s1, s0  }
0xbc: {  	s0 =	sadd.s32 $0x8F2B, s0  }
0xbd: {  	[sflag:s0] =	ssyncadd.remote.s32 $0x1  }
0xbe: {  	_ =	sfence.sel $0xFFFF  }
0xbf: {  	[dreg:$0x0] =	wrdreg $0xFFFFFFFF;
	(pc) =	sbr.abs _section_cstart, $3  }
0xc0: {  	[dreg:$0x1] =	wrdreg $0xFFFFFFFF  }
0xc1: {  	_ =	task.clear_ibuf [dreg:s7], $0x2FFFF;
	_ =	strace $0x9FFFFFFF  }
0xc2: {  	(tm) =	ssettm $0x7FFFFFFF  }
0xc3: {  	_ =	shalt  }
tec
execute0_lowered:
.L_overlay_start_1:
0x0: {  	(tag) =	ssettag $0x1  }
0x1: {  	s1 =	srdreg.scid  }
0x2: {  	s6 =	rddreg [dreg:$0x0];
	s0 =	stileid.u32;
	s15 =	sand.u32 $0x1, s1  }
0x3: {  	s2 =	rddreg [dreg:$0x1];
	s4 =	sshll.u32 s0, $0xA;
	s5 =	sshll.u32 s15, $0x9  }
0x4: {  	s3 =	simm.s32 $0x0;
	s1 =	rddreg [dreg:$0x2];
	s7 =	sor.u32 s5, s4  }
0x5: {  	[smem:$0x7FF] =	sst s3;
	s4 =	sshrl.u32 s7, $0x3  }
0x6: {  	_ =	strace $0x8000004A;
	s5 =	simm.s32 $0x2;
	s4 =	sadd.s32 s6, s4  }
0x7: {  	[tilespmem:s3], [sflag:$0x2] =	stream.linear.gather [hbm4b:s4+s3], $0x200, $0x38;
	[tilespmem:$0x8200] =	vst v63  }
0x8: {  	s7 =	sshll.u32 s7, $0x3;
	_ =	swait.ge [sflag:s5], $0x200  }
0x9: {  	s6 =	sadd.s32 s7, s6;
	[sflag:s5] =	ssyncset.done $0x0  }
0xa: {  	s7 =	simm.s32 $0x200;
	s6 =	sadd.s32 $0x800, s6;
	[sflag:s5] =	ssyncadd.s32 $0xFFFFFE00  }
0xb: {  	[tilespmem:s7], [sflag:$0x2] =	stream.linear.gather [hbm4b:s6+s3], $0x8000, $0x38;
	[tilespmem:$0x8200] =	vst v63  }
0xc: {  	_ =	swait.ge [sflag:s5], $0x8000  }
0xd: {  	[sflag:s5] =	ssyncset.done $0x0  }
0xe: {  	s8 =	simm.s32 $0x80;
	[sflag:s5] =	ssyncadd.s32 $0xFFFF8000  }
0xf: {  	[hbm4b:s2+s8] =	stream.indirect.scatter [tilespmem:s7], [sflag:$0x1], $0x40, s3, s8, $0xb8;
	[tilespmem:$0x8200] =	vst v63  }
0x10: {  	s9 =	simm.s32 $0x2200  }
0x11: {  	[hbm4b:s2+s8] =	stream.indirect.scatter [tilespmem:s9], [sflag:$0x1], $0x40, s8, s8, $0xb8;
	[tilespmem:$0x8200] =	vst v63  }
0x12: {  	s10 =	simm.s32 $0x100;
	s11 =	simm.s32 $0x4200  }
0x13: {  	[hbm4b:s2+s8] =	stream.indirect.scatter [tilespmem:s11], [sflag:$0x1], $0x40, s10, s8, $0xb8;
	[tilespmem:$0x8200] =	vst v63  }
0x14: {  	s12 =	simm.s32 $0x180;
	s14 =	simm.s32 $0x6200;
	s13 =	simm.s32 $0x1  }
0x15: {  	[hbm4b:s2+s8] =	stream.indirect.scatter [tilespmem:s14], [sflag:$0x1], $0x40, s12, s8, $0xb8;
	[tilespmem:$0x8200] =	vst v63  }
0x16: {  	_ =	swait.ge [sflag:s13], $0x2000  }
0x17: {  	s15 =	ssub.s32 $0x2, s15;
	[sflag:s13] =	ssyncset.done $0x0  }
0x18: {  	s16 =	sshrl.u32 s15, $0x1;
	[sflag:s13] =	ssyncadd.s32 $0xFFFFE000  }
0x19: {  	s15 =	ssub.s32 s15, s16;
	_ =	swait.ge [sflag:s13], $0x2000  }
0x1a: {  	s15 =	smax.u32 s15, $0x1;
	[sflag:s13] =	ssyncset.done $0x0  }
0x1b: {  	p0 =	sne.s32 s15, $0x1;
	[sflag:s13] =	ssyncadd.s32 $0xFFFFE000  }
.Ltmp0:
0x1c: {  	_ =	swait.ge [sflag:s13], $0x2000;
	(pc) =	sbr.rel @!p0 .LBB2_2-.Ltmp0, $4  }
0x1d: {  	[sflag:s13] =	ssyncset.done $0x0  }
0x1e: {  	[sflag:s13] =	ssyncadd.s32 $0xFFFFE000  }
0x1f: {  	_ =	swait.ge [sflag:s13], $0x2000  }
0x20: {  	s15 =	sadd.s32 $0xFFFFFFFF, s15;
	[sflag:s13] =	ssyncset.done $0x0  }
.LBB2_1:
0x21: {  	p0 =	sne.s32 s15, $0x1;
	s15 =	sadd.s32 $0xFFFFFFFF, s15;
	[sflag:s13] =	ssyncadd.s32 $0xFFFFE000  }
0x22: {  	[tilespmem:s3], [sflag:$0x2] =	stream.linear.gather [hbm4b:s4+s3], $0x200, $0x38;
	[tilespmem:$0x8200] =	vst v63  }
0x23: {  	_ =	swait.ge [sflag:s5], $0x200  }
0x24: {  	[sflag:s5] =	ssyncset.done $0x0  }
0x25: {  	[sflag:s5] =	ssyncadd.s32 $0xFFFFFE00  }
0x26: {  	[tilespmem:s7], [sflag:$0x2] =	stream.linear.gather [hbm4b:s6+s3], $0x8000, $0x38;
	[tilespmem:$0x8200] =	vst v63  }
0x27: {  	_ =	swait.ge [sflag:s5], $0x8000  }
0x28: {  	[sflag:s5] =	ssyncset.done $0x0  }
0x29: {  	[sflag:s5] =	ssyncadd.s32 $0xFFFF8000  }
0x2a: {  	[hbm4b:s2+s8] =	stream.indirect.scatter [tilespmem:s7], [sflag:$0x1], $0x40, s3, s8, $0xb8;
	[tilespmem:$0x8200] =	vst v63  }
0x2b: {  	_ = 	snop  }
0x2c: {  	[hbm4b:s2+s8] =	stream.indirect.scatter [tilespmem:s9], [sflag:$0x1], $0x40, s8, s8, $0xb8;
	[tilespmem:$0x8200] =	vst v63  }
0x2d: {  	_ = 	snop  }
0x2e: {  	[hbm4b:s2+s8] =	stream.indirect.scatter [tilespmem:s11], [sflag:$0x1], $0x40, s10, s8, $0xb8;
	[tilespmem:$0x8200] =	vst v63  }
0x2f: {  	_ = 	snop  }
0x30: {  	[hbm4b:s2+s8] =	stream.indirect.scatter [tilespmem:s14], [sflag:$0x1], $0x40, s12, s8, $0xb8;
	[tilespmem:$0x8200] =	vst v63  }
0x31: {  	_ =	swait.ge [sflag:s13], $0x2000  }
0x32: {  	[sflag:s13] =	ssyncset.done $0x0  }
0x33: {  	[sflag:s13] =	ssyncadd.s32 $0xFFFFE000  }
0x34: {  	_ =	swait.ge [sflag:s13], $0x2000  }
0x35: {  	[sflag:s13] =	ssyncset.done $0x0  }
0x36: {  	[sflag:s13] =	ssyncadd.s32 $0xFFFFE000  }
.Ltmp1:
0x37: {  	_ =	swait.ge [sflag:s13], $0x2000;
	(pc) =	sbr.rel @p0 .LBB2_1-.Ltmp1, $4  }
0x38: {  	[sflag:s13] =	ssyncset.done $0x0  }
0x39: {  	[sflag:s13] =	ssyncadd.s32 $0xFFFFE000  }
0x3a: {  	_ =	swait.ge [sflag:s13], $0x2000  }
0x3b: {  	[sflag:s13] =	ssyncset.done $0x0  }
.LBB2_2:
0x3c: {  	[sflag:s13] =	ssyncadd.s32 $0xFFFFE000  }
0x3d: {  	_ =	sfence.sel $0x180000  }
0x3e: {  	[bflag:$0x0] =	sbarrier.arrive $0xFFFF  }
0x3f: {  	p0 =	sne.s32 s0, $0x0;
	_ =	strace $0x9000004A  }
0x40: {  	s0 =	sadd.s32 @!p0 $0x100000, s1;
	[bflag:$0x2] =	sbarrier.arrive $0xFFFF  }
0x41: {  	[sflag:s0] =	ssyncadd.tile.s32 @!p0 $0x1;
	_ =	shalt  }
.Lfunc_end2:
_tile_overlayer_lowered:
.L_overlay_start_2:
0x42: {  	(tag) =	ssettag $0x2  }
0x43: {  	s0 =	rddreg [dreg:$0x0];
	s2 =	stileid.u32  }
0x44: {  	s1 =	rddreg [dreg:$0x1];
	p0 =	sne.s32 s2, $0x0  }
0x45: {  	s3 =	rddreg [dreg:$0x2];
	[bflag:$0x3] =	sbarrier.arrive $0xFFFF;
	s2 =	simm.s32 @!p0 $0x1C02  }
0x46: {  	[timem:s3], [sflag:s2] =	dma.local @!p0 [hbm:s0], s1  }
0x47: {  	s0 =	simm.s32 @!p0 $0x2  }
0x48: {  	_ =	swait.ge @!p0 [sflag:s0], s1  }
0x49: {  	s1 =	ssub.s32 @!p0 $0x0, s1;
	[sflag:s0] =	ssyncset.done @!p0 $0x0  }
0x4a: {  	[sflag:s0] =	ssyncadd.s32 @!p0 s1  }
0x4b: {  	[bflag:$0x3] =	sbarrier.arrive $0xFFFF  }
0x4c: {  	_ =	shalt  }

</sc_bundles>
